<compile_context>
chip_gen: v7x
topology: tpu7x:2x2x1
jax: 0.10.2.dev20260603
libtpu: 0.0.44.dev20260713+nightly
codegen_flags: <defaults>
</compile_context>

<pallas_src>
import functools

import jax
import jax.numpy as jnp
from jax import lax
from jax.experimental import pallas as pl
from jax.experimental.pallas import tpu as pltpu
from jax.experimental.pallas import tpu_sc as plsc

B = 16384
K = 32
NC = 2
NS = 16
NW = NC * NS
BPW = B // NW
G = 16
NG = BPW // G


def _body(uidx_hbm, iidx_hbm, w_hbm, h_hbm, out_hbm,
          uidx_v, iidx_v, u0buf, u1buf, v0buf, v1buf, out_v,
          usem0, usem1, vsem0, vsem1):
    c = lax.axis_index("c")
    s = lax.axis_index("s")
    wid = s * NC + c
    base = wid * BPW

    pltpu.sync_copy(uidx_hbm.at[wid], uidx_v)
    pltpu.sync_copy(iidx_hbm.at[wid], iidx_v)

    lane = lax.iota(jnp.int32, 16)

    def fire(g, ubuf, vbuf, usem, vsem):
        i0 = g * G
        uvec = uidx_v[pl.ds(pl.multiple_of(i0, G), G)]
        ivec = iidx_v[pl.ds(pl.multiple_of(i0, G), G)]
        for di in range(G):
            pltpu.async_copy(w_hbm.at[uvec[di]], ubuf.at[di], usem)
            pltpu.async_copy(h_hbm.at[ivec[di]], vbuf.at[di], vsem)

    def drain_and_compute(g, ubuf, vbuf, usem, vsem):
        for di in range(G):
            pltpu.make_async_copy(w_hbm.at[0], ubuf.at[di], usem).wait()
            pltpu.make_async_copy(h_hbm.at[0], vbuf.at[di], vsem).wait()
        acc = jnp.zeros((16,), jnp.float32)
        for di in range(G):
            u0 = ubuf[di, pl.ds(0, 16)]
            u1 = ubuf[di, pl.ds(16, 16)]
            v0 = vbuf[di, pl.ds(0, 16)]
            v1 = vbuf[di, pl.ds(16, 16)]
            p = u0 * v0 + u1 * v1
            total = jnp.sum(p, axis=0)
            acc = jnp.where(lane == di, total, acc)
        out_v[pl.ds(pl.multiple_of(g * G, G), G)] = acc

    def pair(t, carry):
        ga = t * 2
        fire(ga, u0buf, v0buf, usem0, vsem0)

        @pl.when(t > 0)
        def _():
            drain_and_compute(ga - 1, u1buf, v1buf, usem1, vsem1)

        fire(ga + 1, u1buf, v1buf, usem1, vsem1)
        drain_and_compute(ga, u0buf, v0buf, usem0, vsem0)
        return carry

    lax.fori_loop(0, NG // 2, pair, 0)
    drain_and_compute(NG - 1, u1buf, v1buf, usem1, vsem1)

    pltpu.sync_copy(out_v, out_hbm.at[pl.ds(base, BPW)])


@functools.partial(jax.jit, donate_argnums=())
def kernel(x, W, H):
    xi = x.astype(jnp.int32)
    uidx = xi[:, 0].reshape(NW, BPW)
    iidx = xi[:, 1].reshape(NW, BPW)

    mesh = plsc.VectorSubcoreMesh(core_axis_name="c", subcore_axis_name="s")
    run = functools.partial(
        pl.kernel,
        mesh=mesh,
        compiler_params=pltpu.CompilerParams(needs_layout_passes=False),
        out_type=jax.ShapeDtypeStruct((B,), jnp.float32),
        scratch_types=[
            pltpu.VMEM((BPW,), jnp.int32),
            pltpu.VMEM((BPW,), jnp.int32),
            pltpu.VMEM((G, K), jnp.float32),
            pltpu.VMEM((G, K), jnp.float32),
            pltpu.VMEM((G, K), jnp.float32),
            pltpu.VMEM((G, K), jnp.float32),
            pltpu.VMEM((BPW,), jnp.float32),
            pltpu.SemaphoreType.DMA,
            pltpu.SemaphoreType.DMA,
            pltpu.SemaphoreType.DMA,
            pltpu.SemaphoreType.DMA,
        ],
    )(_body)
    return run(uidx, iidx, W, H)

# --- scband reference (transcript-rebuilt; emitter-appended) ---
"""Pipeline reference for scband-mf-dr-24343874634132 (READ-ONLY COPY).

The authoritative reference and input builder live on the scoring server;
editing this copy changes nothing except your own understanding.
"""

import jax, jax.numpy as jnp
import numpy as np

NUM_USERS = 1000000
NUM_ITEMS = 1000000
EMBED_K = 32
BATCH = 16384

def setup_inputs(seed: int = 0) -> dict:
    key = jax.random.key(seed)
    k1, k2, k3 = jax.random.split(key, 3)
    x = jax.random.randint(k1, (BATCH, 2), 0, NUM_USERS, dtype=jnp.int64) if jax.config.jax_enable_x64 else jax.random.randint(k1, (BATCH, 2), 0, NUM_USERS, dtype=jnp.int32)
    W = jax.random.normal(k2, (NUM_USERS, EMBED_K), dtype=jnp.float32)
    H = jax.random.normal(k3, (NUM_ITEMS, EMBED_K), dtype=jnp.float32)
    return {"x": x, "W": W, "H": H}

def reference(x, W, H):
    user_idx = x[:, 0]
    item_idx = x[:, 1]
    U_emb = jnp.take(W, user_idx, axis=0)
    V_emb = jnp.take(H, item_idx, axis=0)
    out = jnp.sum(U_emb * V_emb, axis=1)
    return out

if __name__ == "__main__":
    import jax
    _d = setup_inputs()
    print(jax.jit(kernel)(*tuple(_d.values())))

</pallas_src>

<mosaic_0001>
#map = affine_map<(d0, d1) -> (0, 0)>
#map1 = affine_map<(d0, d1) -> (0)>
module attributes {stable_mosaic.version = 14 : i64} {
  func.func @_body(%arg0: i32, %arg1: i32, %arg2: memref<32x512xi32, #tpu.memory_space<hbm>>, %arg3: memref<32x512xi32, #tpu.memory_space<hbm>>, %arg4: memref<1000000x32xf32, #tpu.memory_space<hbm>>, %arg5: memref<1000000x32xf32, #tpu.memory_space<hbm>>, %arg6: memref<16384xf32, #tpu.memory_space<hbm>>, %arg7: memref<512xi32, #tpu.memory_space<vmem>>, %arg8: memref<512xi32, #tpu.memory_space<vmem>>, %arg9: memref<16x32xf32, #tpu.memory_space<vmem>>, %arg10: memref<16x32xf32, #tpu.memory_space<vmem>>, %arg11: memref<16x32xf32, #tpu.memory_space<vmem>>, %arg12: memref<16x32xf32, #tpu.memory_space<vmem>>, %arg13: memref<512xf32, #tpu.memory_space<vmem>>, %arg14: memref<!tpu.dma_semaphore, #tpu.memory_space<semaphore_mem>>, %arg15: memref<!tpu.dma_semaphore, #tpu.memory_space<semaphore_mem>>, %arg16: memref<!tpu.dma_semaphore, #tpu.memory_space<semaphore_mem>>, %arg17: memref<!tpu.dma_semaphore, #tpu.memory_space<semaphore_mem>>) attributes {dimension_semantics = [#tpu.dimension_semantics<core_parallel>, #tpu.dimension_semantics<subcore_parallel>], iteration_bounds = array<i64: 2, 16>, scalar_prefetch = 0 : i64, scratch_operands = 11 : i64, tpu.core_type = #tpu.core_type<sc_vector_subcore>, window_params = [{transform_indices = #map}, {transform_indices = #map}, {transform_indices = #map}, {transform_indices = #map}, {transform_indices = #map1}]} {
    %mul3A = arith.constant 2 : i32
    %mul3A_0 = arith.muli %arg1, %mul3A : i32
    %add3A = arith.addi %mul3A_0, %arg0 : i32
    %mul3A_1 = arith.constant 512 : i32
    %mul3A_2 = arith.muli %add3A, %mul3A_1 : i32
    "tpu.region"() ({
      %run_scoped3A = tpu.sem_alloc : memref<!tpu.dma_semaphore, #tpu.memory_space<semaphore_mem>>
      %dma_start3A = arith.constant 0 : i32
      %dma_start3A_902 = tpu.memref_slice %arg2[%add3A, %dma_start3A] : memref<32x512xi32, #tpu.memory_space<hbm>> -> memref<1x512xi32, #tpu.memory_space<hbm>>
      %dma_start3A_903 = tpu.memref_squeeze %dma_start3A_902 : memref<1x512xi32, #tpu.memory_space<hbm>> -> memref<512xi32, #tpu.memory_space<hbm>>
      %dma_start3A_904 = arith.constant 0 : i32
      %dma_start3A_905 = tpu.memref_slice %arg2[%add3A, %dma_start3A_904] : memref<32x512xi32, #tpu.memory_space<hbm>> -> memref<1x512xi32, #tpu.memory_space<hbm>>
      %dma_start3A_906 = tpu.memref_squeeze %dma_start3A_905 : memref<1x512xi32, #tpu.memory_space<hbm>> -> memref<512xi32, #tpu.memory_space<hbm>>
      tpu.enqueue_dma source(%dma_start3A_906 : memref<512xi32, #tpu.memory_space<hbm>>) target(%arg7 : memref<512xi32, #tpu.memory_space<vmem>>) target_semaphore(%run_scoped3A : memref<!tpu.dma_semaphore, #tpu.memory_space<semaphore_mem>>)
      %dma_wait3A_907 = arith.constant 0 : i32
      %dma_wait3A_908 = tpu.memref_slice %arg2[%add3A, %dma_wait3A_907] : memref<32x512xi32, #tpu.memory_space<hbm>> -> memref<1x512xi32, #tpu.memory_space<hbm>>
      %dma_wait3A_909 = tpu.memref_squeeze %dma_wait3A_908 : memref<1x512xi32, #tpu.memory_space<hbm>> -> memref<512xi32, #tpu.memory_space<hbm>>
      %dma_wait3A_910 = arith.constant 0 : i32
      %dma_wait3A_911 = tpu.memref_slice %arg2[%add3A, %dma_wait3A_910] : memref<32x512xi32, #tpu.memory_space<hbm>> -> memref<1x512xi32, #tpu.memory_space<hbm>>
      %dma_wait3A_912 = tpu.memref_squeeze %dma_wait3A_911 : memref<1x512xi32, #tpu.memory_space<hbm>> -> memref<512xi32, #tpu.memory_space<hbm>>
      tpu.wait_dma2 semaphore(%run_scoped3A : memref<!tpu.dma_semaphore, #tpu.memory_space<semaphore_mem>>) src(%dma_wait3A_912 : memref<512xi32, #tpu.memory_space<hbm>>) dst(%arg7 : memref<512xi32, #tpu.memory_space<vmem>>)
      tpu.yield
    }) : () -> ()
    "tpu.region"() ({
      %run_scoped3A = tpu.sem_alloc : memref<!tpu.dma_semaphore, #tpu.memory_space<semaphore_mem>>
      %dma_start3A = arith.constant 0 : i32
      %dma_start3A_902 = tpu.memref_slice %arg3[%add3A, %dma_start3A] : memref<32x512xi32, #tpu.memory_space<hbm>> -> memref<1x512xi32, #tpu.memory_space<hbm>>
      %dma_start3A_903 = tpu.memref_squeeze %dma_start3A_902 : memref<1x512xi32, #tpu.memory_space<hbm>> -> memref<512xi32, #tpu.memory_space<hbm>>
      %dma_start3A_904 = arith.constant 0 : i32
      %dma_start3A_905 = tpu.memref_slice %arg3[%add3A, %dma_start3A_904] : memref<32x512xi32, #tpu.memory_space<hbm>> -> memref<1x512xi32, #tpu.memory_space<hbm>>
      %dma_start3A_906 = tpu.memref_squeeze %dma_start3A_905 : memref<1x512xi32, #tpu.memory_space<hbm>> -> memref<512xi32, #tpu.memory_space<hbm>>
      tpu.enqueue_dma source(%dma_start3A_906 : memref<512xi32, #tpu.memory_space<hbm>>) target(%arg8 : memref<512xi32, #tpu.memory_space<vmem>>) target_semaphore(%run_scoped3A : memref<!tpu.dma_semaphore, #tpu.memory_space<semaphore_mem>>)
      %dma_wait3A_907 = arith.constant 0 : i32
      %dma_wait3A_908 = tpu.memref_slice %arg3[%add3A, %dma_wait3A_907] : memref<32x512xi32, #tpu.memory_space<hbm>> -> memref<1x512xi32, #tpu.memory_space<hbm>>
      %dma_wait3A_909 = tpu.memref_squeeze %dma_wait3A_908 : memref<1x512xi32, #tpu.memory_space<hbm>> -> memref<512xi32, #tpu.memory_space<hbm>>
      %dma_wait3A_910 = arith.constant 0 : i32
      %dma_wait3A_911 = tpu.memref_slice %arg3[%add3A, %dma_wait3A_910] : memref<32x512xi32, #tpu.memory_space<hbm>> -> memref<1x512xi32, #tpu.memory_space<hbm>>
      %dma_wait3A_912 = tpu.memref_squeeze %dma_wait3A_911 : memref<1x512xi32, #tpu.memory_space<hbm>> -> memref<512xi32, #tpu.memory_space<hbm>>
      tpu.wait_dma2 semaphore(%run_scoped3A : memref<!tpu.dma_semaphore, #tpu.memory_space<semaphore_mem>>) src(%dma_wait3A_912 : memref<512xi32, #tpu.memory_space<hbm>>) dst(%arg8 : memref<512xi32, #tpu.memory_space<vmem>>)
      tpu.yield
    }) : () -> ()
    %iota3A = tpu.iota {dimensions = array<i32: 0>} : vector<16xi32>
    %scan3A = arith.constant 0 : i32
    %scan3A_3 = arith.constant 0 : i32
    %scan3A_4 = arith.constant 16 : i32
    %scan3A_5 = arith.addi %scan3A_3, %scan3A_4 : i32
    %scan3A_6 = arith.constant 1 : i32
    scf.for %scan3A_902 = %scan3A_3 to %scan3A_5 step %scan3A_6  : i32 {
      %mul3A_903 = arith.constant 2 : i32
      %mul3A_904 = arith.muli %scan3A_902, %mul3A_903 : i32
      %mul3A_905 = arith.constant 16 : i32
      %mul3A_906 = arith.muli %mul3A_904, %mul3A_905 : i32
      %multiple_of3A_907 = tpu.assume_multiple %mul3A_906, 16 : i32
      %get3A_908 = arith.index_cast %multiple_of3A_907 : i32 to index
      %get3A_909 = tpu.vector_load %arg7[%get3A_908] {strides = array<i32>} : memref<512xi32, #tpu.memory_space<vmem>>, vector<16xi32>,
      %multiple_of3A_910 = tpu.assume_multiple %mul3A_906, 16 : i32
      %get3A_911 = arith.index_cast %multiple_of3A_910 : i32 to index
      %get3A_912 = tpu.vector_load %arg8[%get3A_911] {strides = array<i32>} : memref<512xi32, #tpu.memory_space<vmem>>, vector<16xi32>,
      %slice3A = vector.extract_strided_slice %get3A_909 {offsets = [0], sizes = [1], strides = [1]} : vector<16xi32> to vector<1xi32>
      %squeeze3A = vector.extract %slice3A[0] : i32 from vector<1xi32>
      %dma_start3A = arith.constant 0 : i32
      %dma_start3A_913 = arith.constant 0 : i32
      %dma_start3A_914 = tpu.memref_slice %arg9[%dma_start3A, %dma_start3A_913] : memref<16x32xf32, #tpu.memory_space<vmem>> -> memref<1x32xf32, #tpu.memory_space<vmem>>
      %dma_start3A_915 = tpu.memref_squeeze %dma_start3A_914 : memref<1x32xf32, #tpu.memory_space<vmem>> -> memref<32xf32, #tpu.memory_space<vmem>>
      %dma_start3A_916 = arith.constant 0 : i32
      %dma_start3A_917 = tpu.memref_slice %arg4[%squeeze3A, %dma_start3A_916] : memref<1000000x32xf32, #tpu.memory_space<hbm>> -> memref<1x32xf32, #tpu.memory_space<hbm>>
      %dma_start3A_918 = tpu.memref_squeeze %dma_start3A_917 : memref<1x32xf32, #tpu.memory_space<hbm>> -> memref<32xf32, #tpu.memory_space<hbm>>
      %dma_start3A_919 = arith.constant 0 : i32
      %dma_start3A_920 = tpu.memref_slice %arg9[%dma_start3A, %dma_start3A_919] : memref<16x32xf32, #tpu.memory_space<vmem>> -> memref<1x32xf32, #tpu.memory_space<vmem>>
      %dma_start3A_921 = tpu.memref_squeeze %dma_start3A_920 : memref<1x32xf32, #tpu.memory_space<vmem>> -> memref<32xf32, #tpu.memory_space<vmem>>
      %dma_start3A_922 = arith.constant 0 : i32
      %dma_start3A_923 = tpu.memref_slice %arg4[%squeeze3A, %dma_start3A_922] : memref<1000000x32xf32, #tpu.memory_space<hbm>> -> memref<1x32xf32, #tpu.memory_space<hbm>>
      %dma_start3A_924 = tpu.memref_squeeze %dma_start3A_923 : memref<1x32xf32, #tpu.memory_space<hbm>> -> memref<32xf32, #tpu.memory_space<hbm>>
      tpu.enqueue_dma source(%dma_start3A_924 : memref<32xf32, #tpu.memory_space<hbm>>) target(%dma_start3A_921 : memref<32xf32, #tpu.memory_space<vmem>>) target_semaphore(%arg14 : memref<!tpu.dma_semaphore, #tpu.memory_space<semaphore_mem>>)
      %slice3A_925 = vector.extract_strided_slice %get3A_912 {offsets = [0], sizes = [1], strides = [1]} : vector<16xi32> to vector<1xi32>
      %squeeze3A_926 = vector.extract %slice3A_925[0] : i32 from vector<1xi32>
      %dma_start3A_927 = arith.constant 0 : i32
      %dma_start3A_928 = arith.constant 0 : i32
      %dma_start3A_929 = tpu.memref_slice %arg11[%dma_start3A_927, %dma_start3A_928] : memref<16x32xf32, #tpu.memory_space<vmem>> -> memref<1x32xf32, #tpu.memory_space<vmem>>
      %dma_start3A_930 = tpu.memref_squeeze %dma_start3A_929 : memref<1x32xf32, #tpu.memory_space<vmem>> -> memref<32xf32, #tpu.memory_space<vmem>>
      %dma_start3A_931 = arith.constant 0 : i32
      %dma_start3A_932 = tpu.memref_slice %arg5[%squeeze3A_926, %dma_start3A_931] : memref<1000000x32xf32, #tpu.memory_space<hbm>> -> memref<1x32xf32, #tpu.memory_space<hbm>>
      %dma_start3A_933 = tpu.memref_squeeze %dma_start3A_932 : memref<1x32xf32, #tpu.memory_space<hbm>> -> memref<32xf32, #tpu.memory_space<hbm>>
      %dma_start3A_934 = arith.constant 0 : i32
      %dma_start3A_935 = tpu.memref_slice %arg11[%dma_start3A_927, %dma_start3A_934] : memref<16x32xf32, #tpu.memory_space<vmem>> -> memref<1x32xf32, #tpu.memory_space<vmem>>
      %dma_start3A_936 = tpu.memref_squeeze %dma_start3A_935 : memref<1x32xf32, #tpu.memory_space<vmem>> -> memref<32xf32, #tpu.memory_space<vmem>>
      %dma_start3A_937 = arith.constant 0 : i32
      %dma_start3A_938 = tpu.memref_slice %arg5[%squeeze3A_926, %dma_start3A_937] : memref<1000000x32xf32, #tpu.memory_space<hbm>> -> memref<1x32xf32, #tpu.memory_space<hbm>>
      %dma_start3A_939 = tpu.memref_squeeze %dma_start3A_938 : memref<1x32xf32, #tpu.memory_space<hbm>> -> memref<32xf32, #tpu.memory_space<hbm>>
      tpu.enqueue_dma source(%dma_start3A_939 : memref<32xf32, #tpu.memory_space<hbm>>) target(%dma_start3A_936 : memref<32xf32, #tpu.memory_space<vmem>>) target_semaphore(%arg16 : memref<!tpu.dma_semaphore, #tpu.memory_space<semaphore_mem>>)
      %slice3A_940 = vector.extract_strided_slice %get3A_909 {offsets = [1], sizes = [1], strides = [1]} : vector<16xi32> to vector<1xi32>
      %squeeze3A_941 = vector.extract %slice3A_940[0] : i32 from vector<1xi32>
      %dma_start3A_942 = arith.constant 1 : i32
      %dma_start3A_943 = arith.constant 0 : i32
      %dma_start3A_944 = tpu.memref_slice %arg9[%dma_start3A_942, %dma_start3A_943] : memref<16x32xf32, #tpu.memory_space<vmem>> -> memref<1x32xf32, #tpu.memory_space<vmem>>
      %dma_start3A_945 = tpu.memref_squeeze %dma_start3A_944 : memref<1x32xf32, #tpu.memory_space<vmem>> -> memref<32xf32, #tpu.memory_space<vmem>>
      %dma_start3A_946 = arith.constant 0 : i32
      %dma_start3A_947 = tpu.memref_slice %arg4[%squeeze3A_941, %dma_start3A_946] : memref<1000000x32xf32, #tpu.memory_space<hbm>> -> memref<1x32xf32, #tpu.memory_space<hbm>>
      %dma_start3A_948 = tpu.memref_squeeze %dma_start3A_947 : memref<1x32xf32, #tpu.memory_space<hbm>> -> memref<32xf32, #tpu.memory_space<hbm>>
      %dma_start3A_949 = arith.constant 0 : i32
      %dma_start3A_950 = tpu.memref_slice %arg9[%dma_start3A_942, %dma_start3A_949] : memref<16x32xf32, #tpu.memory_space<vmem>> -> memref<1x32xf32, #tpu.memory_space<vmem>>
      %dma_start3A_951 = tpu.memref_squeeze %dma_start3A_950 : memref<1x32xf32, #tpu.memory_space<vmem>> -> memref<32xf32, #tpu.memory_space<vmem>>
      %dma_start3A_952 = arith.constant 0 : i32
      %dma_start3A_953 = tpu.memref_slice %arg4[%squeeze3A_941, %dma_start3A_952] : memref<1000000x32xf32, #tpu.memory_space<hbm>> -> memref<1x32xf32, #tpu.memory_space<hbm>>
      %dma_start3A_954 = tpu.memref_squeeze %dma_start3A_953 : memref<1x32xf32, #tpu.memory_space<hbm>> -> memref<32xf32, #tpu.memory_space<hbm>>
      tpu.enqueue_dma source(%dma_start3A_954 : memref<32xf32, #tpu.memory_space<hbm>>) target(%dma_start3A_951 : memref<32xf32, #tpu.memory_space<vmem>>) target_semaphore(%arg14 : memref<!tpu.dma_semaphore, #tpu.memory_space<semaphore_mem>>)
      %slice3A_955 = vector.extract_strided_slice %get3A_912 {offsets = [1], sizes = [1], strides = [1]} : vector<16xi32> to vector<1xi32>
      %squeeze3A_956 = vector.extract %slice3A_955[0] : i32 from vector<1xi32>
      %dma_start3A_957 = arith.constant 1 : i32
      %dma_start3A_958 = arith.constant 0 : i32
      %dma_start3A_959 = tpu.memref_slice %arg11[%dma_start3A_957, %dma_start3A_958] : memref<16x32xf32, #tpu.memory_space<vmem>> -> memref<1x32xf32, #tpu.memory_space<vmem>>
      %dma_start3A_960 = tpu.memref_squeeze %dma_start3A_959 : memref<1x32xf32, #tpu.memory_space<vmem>> -> memref<32xf32, #tpu.memory_space<vmem>>
      %dma_start3A_961 = arith.constant 0 : i32
      %dma_start3A_962 = tpu.memref_slice %arg5[%squeeze3A_956, %dma_start3A_961] : memref<1000000x32xf32, #tpu.memory_space<hbm>> -> memref<1x32xf32, #tpu.memory_space<hbm>>
      %dma_start3A_963 = tpu.memref_squeeze %dma_start3A_962 : memref<1x32xf32, #tpu.memory_space<hbm>> -> memref<32xf32, #tpu.memory_space<hbm>>
      %dma_start3A_964 = arith.constant 0 : i32
      %dma_start3A_965 = tpu.memref_slice %arg11[%dma_start3A_957, %dma_start3A_964] : memref<16x32xf32, #tpu.memory_space<vmem>> -> memref<1x32xf32, #tpu.memory_space<vmem>>
      %dma_start3A_966 = tpu.memref_squeeze %dma_start3A_965 : memref<1x32xf32, #tpu.memory_space<vmem>> -> memref<32xf32, #tpu.memory_space<vmem>>
      %dma_start3A_967 = arith.constant 0 : i32
      %dma_start3A_968 = tpu.memref_slice %arg5[%squeeze3A_956, %dma_start3A_967] : memref<1000000x32xf32, #tpu.memory_space<hbm>> -> memref<1x32xf32, #tpu.memory_space<hbm>>
      %dma_start3A_969 = tpu.memref_squeeze %dma_start3A_968 : memref<1x32xf32, #tpu.memory_space<hbm>> -> memref<32xf32, #tpu.memory_space<hbm>>
      tpu.enqueue_dma source(%dma_start3A_969 : memref<32xf32, #tpu.memory_space<hbm>>) target(%dma_start3A_966 : memref<32xf32, #tpu.memory_space<vmem>>) target_semaphore(%arg16 : memref<!tpu.dma_semaphore, #tpu.memory_space<semaphore_mem>>)
      %slice3A_970 = vector.extract_strided_slice %get3A_909 {offsets = [2], sizes = [1], strides = [1]} : vector<16xi32> to vector<1xi32>
      %squeeze3A_971 = vector.extract %slice3A_970[0] : i32 from vector<1xi32>
      %dma_start3A_972 = arith.constant 2 : i32
      %dma_start3A_973 = arith.constant 0 : i32
      %dma_start3A_974 = tpu.memref_slice %arg9[%dma_start3A_972, %dma_start3A_973] : memref<16x32xf32, #tpu.memory_space<vmem>> -> memref<1x32xf32, #tpu.memory_space<vmem>>
      %dma_start3A_975 = tpu.memref_squeeze %dma_start3A_974 : memref<1x32xf32, #tpu.memory_space<vmem>> -> memref<32xf32, #tpu.memory_space<vmem>>
      %dma_start3A_976 = arith.constant 0 : i32
      %dma_start3A_977 = tpu.memref_slice %arg4[%squeeze3A_971, %dma_start3A_976] : memref<1000000x32xf32, #tpu.memory_space<hbm>> -> memref<1x32xf32, #tpu.memory_space<hbm>>
      %dma_start3A_978 = tpu.memref_squeeze %dma_start3A_977 : memref<1x32xf32, #tpu.memory_space<hbm>> -> memref<32xf32, #tpu.memory_space<hbm>>
      %dma_start3A_979 = arith.constant 0 : i32
      %dma_start3A_980 = tpu.memref_slice %arg9[%dma_start3A_972, %dma_start3A_979] : memref<16x32xf32, #tpu.memory_space<vmem>> -> memref<1x32xf32, #tpu.memory_space<vmem>>
      %dma_start3A_981 = tpu.memref_squeeze %dma_start3A_980 : memref<1x32xf32, #tpu.memory_space<vmem>> -> memref<32xf32, #tpu.memory_space<vmem>>
      %dma_start3A_982 = arith.constant 0 : i32
      %dma_start3A_983 = tpu.memref_slice %arg4[%squeeze3A_971, %dma_start3A_982] : memref<1000000x32xf32, #tpu.memory_space<hbm>> -> memref<1x32xf32, #tpu.memory_space<hbm>>
      %dma_start3A_984 = tpu.memref_squeeze %dma_start3A_983 : memref<1x32xf32, #tpu.memory_space<hbm>> -> memref<32xf32, #tpu.memory_space<hbm>>
      tpu.enqueue_dma source(%dma_start3A_984 : memref<32xf32, #tpu.memory_space<hbm>>) target(%dma_start3A_981 : memref<32xf32, #tpu.memory_space<vmem>>) target_semaphore(%arg14 : memref<!tpu.dma_semaphore, #tpu.memory_space<semaphore_mem>>)
      %slice3A_985 = vector.extract_strided_slice %get3A_912 {offsets = [2], sizes = [1], strides = [1]} : vector<16xi32> to vector<1xi32>
      %squeeze3A_986 = vector.extract %slice3A_985[0] : i32 from vector<1xi32>
      %dma_start3A_987 = arith.constant 2 : i32
      %dma_start3A_988 = arith.constant 0 : i32
      %dma_start3A_989 = tpu.memref_slice %arg11[%dma_start3A_987, %dma_start3A_988] : memref<16x32xf32, #tpu.memory_space<vmem>> -> memref<1x32xf32, #tpu.memory_space<vmem>>
      %dma_start3A_990 = tpu.memref_squeeze %dma_start3A_989 : memref<1x32xf32, #tpu.memory_space<vmem>> -> memref<32xf32, #tpu.memory_space<vmem>>
      %dma_start3A_991 = arith.constant 0 : i32
      %dma_start3A_992 = tpu.memref_slice %arg5[%squeeze3A_986, %dma_start3A_991] : memref<1000000x32xf32, #tpu.memory_space<hbm>> -> memref<1x32xf32, #tpu.memory_space<hbm>>
      %dma_start3A_993 = tpu.memref_squeeze %dma_start3A_992 : memref<1x32xf32, #tpu.memory_space<hbm>> -> memref<32xf32, #tpu.memory_space<hbm>>
      %dma_start3A_994 = arith.constant 0 : i32
      %dma_start3A_995 = tpu.memref_slice %arg11[%dma_start3A_987, %dma_start3A_994] : memref<16x32xf32, #tpu.memory_space<vmem>> -> memref<1x32xf32, #tpu.memory_space<vmem>>
      %dma_start3A_996 = tpu.memref_squeeze %dma_start3A_995 : memref<1x32xf32, #tpu.memory_space<vmem>> -> memref<32xf32, #tpu.memory_space<vmem>>
      %dma_start3A_997 = arith.constant 0 : i32
      %dma_start3A_998 = tpu.memref_slice %arg5[%squeeze3A_986, %dma_start3A_997] : memref<1000000x32xf32, #tpu.memory_space<hbm>> -> memref<1x32xf32, #tpu.memory_space<hbm>>
      %dma_start3A_999 = tpu.memref_squeeze %dma_start3A_998 : memref<1x32xf32, #tpu.memory_space<hbm>> -> memref<32xf32, #tpu.memory_space<hbm>>
      tpu.enqueue_dma source(%dma_start3A_999 : memref<32xf32, #tpu.memory_space<hbm>>) target(%dma_start3A_996 : memref<32xf32, #tpu.memory_space<vmem>>) target_semaphore(%arg16 : memref<!tpu.dma_semaphore, #tpu.memory_space<semaphore_mem>>)
      %slice3A_1000 = vector.extract_strided_slice %get3A_909 {offsets = [3], sizes = [1], strides = [1]} : vector<16xi32> to vector<1xi32>
      %squeeze3A_1001 = vector.extract %slice3A_1000[0] : i32 from vector<1xi32>
      %dma_start3A_1002 = arith.constant 3 : i32
      %dma_start3A_1003 = arith.constant 0 : i32
      %dma_start3A_1004 = tpu.memref_slice %arg9[%dma_start3A_1002, %dma_start3A_1003] : memref<16x32xf32, #tpu.memory_space<vmem>> -> memref<1x32xf32, #tpu.memory_space<vmem>>
      %dma_start3A_1005 = tpu.memref_squeeze %dma_start3A_1004 : memref<1x32xf32, #tpu.memory_space<vmem>> -> memref<32xf32, #tpu.memory_space<vmem>>
      %dma_start3A_1006 = arith.constant 0 : i32
      %dma_start3A_1007 = tpu.memref_slice %arg4[%squeeze3A_1001, %dma_start3A_1006] : memref<1000000x32xf32, #tpu.memory_space<hbm>> -> memref<1x32xf32, #tpu.memory_space<hbm>>
      %dma_start3A_1008 = tpu.memref_squeeze %dma_start3A_1007 : memref<1x32xf32, #tpu.memory_space<hbm>> -> memref<32xf32, #tpu.memory_space<hbm>>
      %dma_start3A_1009 = arith.constant 0 : i32
      %dma_start3A_1010 = tpu.memref_slice %arg9[%dma_start3A_1002, %dma_start3A_1009] : memref<16x32xf32, #tpu.memory_space<vmem>> -> memref<1x32xf32, #tpu.memory_space<vmem>>
      %dma_start3A_1011 = tpu.memref_squeeze %dma_start3A_1010 : memref<1x32xf32, #tpu.memory_space<vmem>> -> memref<32xf32, #tpu.memory_space<vmem>>
      %dma_start3A_1012 = arith.constant 0 : i32
      %dma_start3A_1013 = tpu.memref_slice %arg4[%squeeze3A_1001, %dma_start3A_1012] : memref<1000000x32xf32, #tpu.memory_space<hbm>> -> memref<1x32xf32, #tpu.memory_space<hbm>>
      %dma_start3A_1014 = tpu.memref_squeeze %dma_start3A_1013 : memref<1x32xf32, #tpu.memory_space<hbm>> -> memref<32xf32, #tpu.memory_space<hbm>>
      tpu.enqueue_dma source(%dma_start3A_1014 : memref<32xf32, #tpu.memory_space<hbm>>) target(%dma_start3A_1011 : memref<32xf32, #tpu.memory_space<vmem>>) target_semaphore(%arg14 : memref<!tpu.dma_semaphore, #tpu.memory_space<semaphore_mem>>)
      %slice3A_1015 = vector.extract_strided_slice %get3A_912 {offsets = [3], sizes = [1], strides = [1]} : vector<16xi32> to vector<1xi32>
      %squeeze3A_1016 = vector.extract %slice3A_1015[0] : i32 from vector<1xi32>
      %dma_start3A_1017 = arith.constant 3 : i32
      %dma_start3A_1018 = arith.constant 0 : i32
      %dma_start3A_1019 = tpu.memref_slice %arg11[%dma_start3A_1017, %dma_start3A_1018] : memref<16x32xf32, #tpu.memory_space<vmem>> -> memref<1x32xf32, #tpu.memory_space<vmem>>
      %dma_start3A_1020 = tpu.memref_squeeze %dma_start3A_1019 : memref<1x32xf32, #tpu.memory_space<vmem>> -> memref<32xf32, #tpu.memory_space<vmem>>
      %dma_start3A_1021 = arith.constant 0 : i32
      %dma_start3A_1022 = tpu.memref_slice %arg5[%squeeze3A_1016, %dma_start3A_1021] : memref<1000000x32xf32, #tpu.memory_space<hbm>> -> memref<1x32xf32, #tpu.memory_space<hbm>>
      %dma_start3A_1023 = tpu.memref_squeeze %dma_start3A_1022 : memref<1x32xf32, #tpu.memory_space<hbm>> -> memref<32xf32, #tpu.memory_space<hbm>>
      %dma_start3A_1024 = arith.constant 0 : i32
      %dma_start3A_1025 = tpu.memref_slice %arg11[%dma_start3A_1017, %dma_start3A_1024] : memref<16x32xf32, #tpu.memory_space<vmem>> -> memref<1x32xf32, #tpu.memory_space<vmem>>
      %dma_start3A_1026 = tpu.memref_squeeze %dma_start3A_1025 : memref<1x32xf32, #tpu.memory_space<vmem>> -> memref<32xf32, #tpu.memory_space<vmem>>
      %dma_start3A_1027 = arith.constant 0 : i32
      %dma_start3A_1028 = tpu.memref_slice %arg5[%squeeze3A_1016, %dma_start3A_1027] : memref<1000000x32xf32, #tpu.memory_space<hbm>> -> memref<1x32xf32, #tpu.memory_space<hbm>>
      %dma_start3A_1029 = tpu.memref_squeeze %dma_start3A_1028 : memref<1x32xf32, #tpu.memory_space<hbm>> -> memref<32xf32, #tpu.memory_space<hbm>>
      tpu.enqueue_dma source(%dma_start3A_1029 : memref<32xf32, #tpu.memory_space<hbm>>) target(%dma_start3A_1026 : memref<32xf32, #tpu.memory_space<vmem>>) target_semaphore(%arg16 : memref<!tpu.dma_semaphore, #tpu.memory_space<semaphore_mem>>)
      %slice3A_1030 = vector.extract_strided_slice %get3A_909 {offsets = [4], sizes = [1], strides = [1]} : vector<16xi32> to vector<1xi32>
      %squeeze3A_1031 = vector.extract %slice3A_1030[0] : i32 from vector<1xi32>
      %dma_start3A_1032 = arith.constant 4 : i32
      %dma_start3A_1033 = arith.constant 0 : i32
      %dma_start3A_1034 = tpu.memref_slice %arg9[%dma_start3A_1032, %dma_start3A_1033] : memref<16x32xf32, #tpu.memory_space<vmem>> -> memref<1x32xf32, #tpu.memory_space<vmem>>
      %dma_start3A_1035 = tpu.memref_squeeze %dma_start3A_1034 : memref<1x32xf32, #tpu.memory_space<vmem>> -> memref<32xf32, #tpu.memory_space<vmem>>
      %dma_start3A_1036 = arith.constant 0 : i32
      %dma_start3A_1037 = tpu.memref_slice %arg4[%squeeze3A_1031, %dma_start3A_1036] : memref<1000000x32xf32, #tpu.memory_space<hbm>> -> memref<1x32xf32, #tpu.memory_space<hbm>>
      %dma_start3A_1038 = tpu.memref_squeeze %dma_start3A_1037 : memref<1x32xf32, #tpu.memory_space<hbm>> -> memref<32xf32, #tpu.memory_space<hbm>>
      %dma_start3A_1039 = arith.constant 0 : i32
      %dma_start3A_1040 = tpu.memref_slice %arg9[%dma_start3A_1032, %dma_start3A_1039] : memref<16x32xf32, #tpu.memory_space<vmem>> -> memref<1x32xf32, #tpu.memory_space<vmem>>
      %dma_start3A_1041 = tpu.memref_squeeze %dma_start3A_1040 : memref<1x32xf32, #tpu.memory_space<vmem>> -> memref<32xf32, #tpu.memory_space<vmem>>
      %dma_start3A_1042 = arith.constant 0 : i32
      %dma_start3A_1043 = tpu.memref_slice %arg4[%squeeze3A_1031, %dma_start3A_1042] : memref<1000000x32xf32, #tpu.memory_space<hbm>> -> memref<1x32xf32, #tpu.memory_space<hbm>>
      %dma_start3A_1044 = tpu.memref_squeeze %dma_start3A_1043 : memref<1x32xf32, #tpu.memory_space<hbm>> -> memref<32xf32, #tpu.memory_space<hbm>>
      tpu.enqueue_dma source(%dma_start3A_1044 : memref<32xf32, #tpu.memory_space<hbm>>) target(%dma_start3A_1041 : memref<32xf32, #tpu.memory_space<vmem>>) target_semaphore(%arg14 : memref<!tpu.dma_semaphore, #tpu.memory_space<semaphore_mem>>)
      %slice3A_1045 = vector.extract_strided_slice %get3A_912 {offsets = [4], sizes = [1], strides = [1]} : vector<16xi32> to vector<1xi32>
      %squeeze3A_1046 = vector.extract %slice3A_1045[0] : i32 from vector<1xi32>
      %dma_start3A_1047 = arith.constant 4 : i32
      %dma_start3A_1048 = arith.constant 0 : i32
      %dma_start3A_1049 = tpu.memref_slice %arg11[%dma_start3A_1047, %dma_start3A_1048] : memref<16x32xf32, #tpu.memory_space<vmem>> -> memref<1x32xf32, #tpu.memory_space<vmem>>
      %dma_start3A_1050 = tpu.memref_squeeze %dma_start3A_1049 : memref<1x32xf32, #tpu.memory_space<vmem>> -> memref<32xf32, #tpu.memory_space<vmem>>
      %dma_start3A_1051 = arith.constant 0 : i32
      %dma_start3A_1052 = tpu.memref_slice %arg5[%squeeze3A_1046, %dma_start3A_1051] : memref<1000000x32xf32, #tpu.memory_space<hbm>> -> memref<1x32xf32, #tpu.memory_space<hbm>>
      %dma_start3A_1053 = tpu.memref_squeeze %dma_start3A_1052 : memref<1x32xf32, #tpu.memory_space<hbm>> -> memref<32xf32, #tpu.memory_space<hbm>>
      %dma_start3A_1054 = arith.constant 0 : i32
      %dma_start3A_1055 = tpu.memref_slice %arg11[%dma_start3A_1047, %dma_start3A_1054] : memref<16x32xf32, #tpu.memory_space<vmem>> -> memref<1x32xf32, #tpu.memory_space<vmem>>
      %dma_start3A_1056 = tpu.memref_squeeze %dma_start3A_1055 : memref<1x32xf32, #tpu.memory_space<vmem>> -> memref<32xf32, #tpu.memory_space<vmem>>
      %dma_start3A_1057 = arith.constant 0 : i32
      %dma_start3A_1058 = tpu.memref_slice %arg5[%squeeze3A_1046, %dma_start3A_1057] : memref<1000000x32xf32, #tpu.memory_space<hbm>> -> memref<1x32xf32, #tpu.memory_space<hbm>>
      %dma_start3A_1059 = tpu.memref_squeeze %dma_start3A_1058 : memref<1x32xf32, #tpu.memory_space<hbm>> -> memref<32xf32, #tpu.memory_space<hbm>>
      tpu.enqueue_dma source(%dma_start3A_1059 : memref<32xf32, #tpu.memory_space<hbm>>) target(%dma_start3A_1056 : memref<32xf32, #tpu.memory_space<vmem>>) target_semaphore(%arg16 : memref<!tpu.dma_semaphore, #tpu.memory_space<semaphore_mem>>)
      %slice3A_1060 = vector.extract_strided_slice %get3A_909 {offsets = [5], sizes = [1], strides = [1]} : vector<16xi32> to vector<1xi32>
      %squeeze3A_1061 = vector.extract %slice3A_1060[0] : i32 from vector<1xi32>
      %dma_start3A_1062 = arith.constant 5 : i32
      %dma_start3A_1063 = arith.constant 0 : i32
      %dma_start3A_1064 = tpu.memref_slice %arg9[%dma_start3A_1062, %dma_start3A_1063] : memref<16x32xf32, #tpu.memory_space<vmem>> -> memref<1x32xf32, #tpu.memory_space<vmem>>
      %dma_start3A_1065 = tpu.memref_squeeze %dma_start3A_1064 : memref<1x32xf32, #tpu.memory_space<vmem>> -> memref<32xf32, #tpu.memory_space<vmem>>
      %dma_start3A_1066 = arith.constant 0 : i32
      %dma_start3A_1067 = tpu.memref_slice %arg4[%squeeze3A_1061, %dma_start3A_1066] : memref<1000000x32xf32, #tpu.memory_space<hbm>> -> memref<1x32xf32, #tpu.memory_space<hbm>>
      %dma_start3A_1068 = tpu.memref_squeeze %dma_start3A_1067 : memref<1x32xf32, #tpu.memory_space<hbm>> -> memref<32xf32, #tpu.memory_space<hbm>>
      %dma_start3A_1069 = arith.constant 0 : i32
      %dma_start3A_1070 = tpu.memref_slice %arg9[%dma_start3A_1062, %dma_start3A_1069] : memref<16x32xf32, #tpu.memory_space<vmem>> -> memref<1x32xf32, #tpu.memory_space<vmem>>
      %dma_start3A_1071 = tpu.memref_squeeze %dma_start3A_1070 : memref<1x32xf32, #tpu.memory_space<vmem>> -> memref<32xf32, #tpu.memory_space<vmem>>
      %dma_start3A_1072 = arith.constant 0 : i32
      %dma_start3A_1073 = tpu.memref_slice %arg4[%squeeze3A_1061, %dma_start3A_1072] : memref<1000000x32xf32, #tpu.memory_space<hbm>> -> memref<1x32xf32, #tpu.memory_space<hbm>>
      %dma_start3A_1074 = tpu.memref_squeeze %dma_start3A_1073 : memref<1x32xf32, #tpu.memory_space<hbm>> -> memref<32xf32, #tpu.memory_space<hbm>>
      tpu.enqueue_dma source(%dma_start3A_1074 : memref<32xf32, #tpu.memory_space<hbm>>) target(%dma_start3A_1071 : memref<32xf32, #tpu.memory_space<vmem>>) target_semaphore(%arg14 : memref<!tpu.dma_semaphore, #tpu.memory_space<semaphore_mem>>)
      %slice3A_1075 = vector.extract_strided_slice %get3A_912 {offsets = [5], sizes = [1], strides = [1]} : vector<16xi32> to vector<1xi32>
      %squeeze3A_1076 = vector.extract %slice3A_1075[0] : i32 from vector<1xi32>
      %dma_start3A_1077 = arith.constant 5 : i32
      %dma_start3A_1078 = arith.constant 0 : i32
      %dma_start3A_1079 = tpu.memref_slice %arg11[%dma_start3A_1077, %dma_start3A_1078] : memref<16x32xf32, #tpu.memory_space<vmem>> -> memref<1x32xf32, #tpu.memory_space<vmem>>
      %dma_start3A_1080 = tpu.memref_squeeze %dma_start3A_1079 : memref<1x32xf32, #tpu.memory_space<vmem>> -> memref<32xf32, #tpu.memory_space<vmem>>
      %dma_start3A_1081 = arith.constant 0 : i32
      %dma_start3A_1082 = tpu.memref_slice %arg5[%squeeze3A_1076, %dma_start3A_1081] : memref<1000000x32xf32, #tpu.memory_space<hbm>> -> memref<1x32xf32, #tpu.memory_space<hbm>>
      %dma_start3A_1083 = tpu.memref_squeeze %dma_start3A_1082 : memref<1x32xf32, #tpu.memory_space<hbm>> -> memref<32xf32, #tpu.memory_space<hbm>>
      %dma_start3A_1084 = arith.constant 0 : i32
      %dma_start3A_1085 = tpu.memref_slice %arg11[%dma_start3A_1077, %dma_start3A_1084] : memref<16x32xf32, #tpu.memory_space<vmem>> -> memref<1x32xf32, #tpu.memory_space<vmem>>
      %dma_start3A_1086 = tpu.memref_squeeze %dma_start3A_1085 : memref<1x32xf32, #tpu.memory_space<vmem>> -> memref<32xf32, #tpu.memory_space<vmem>>
      %dma_start3A_1087 = arith.constant 0 : i32
      %dma_start3A_1088 = tpu.memref_slice %arg5[%squeeze3A_1076, %dma_start3A_1087] : memref<1000000x32xf32, #tpu.memory_space<hbm>> -> memref<1x32xf32, #tpu.memory_space<hbm>>
      %dma_start3A_1089 = tpu.memref_squeeze %dma_start3A_1088 : memref<1x32xf32, #tpu.memory_space<hbm>> -> memref<32xf32, #tpu.memory_space<hbm>>
      tpu.enqueue_dma source(%dma_start3A_1089 : memref<32xf32, #tpu.memory_space<hbm>>) target(%dma_start3A_1086 : memref<32xf32, #tpu.memory_space<vmem>>) target_semaphore(%arg16 : memref<!tpu.dma_semaphore, #tpu.memory_space<semaphore_mem>>)
      %slice3A_1090 = vector.extract_strided_slice %get3A_909 {offsets = [6], sizes = [1], strides = [1]} : vector<16xi32> to vector<1xi32>
      %squeeze3A_1091 = vector.extract %slice3A_1090[0] : i32 from vector<1xi32>
      %dma_start3A_1092 = arith.constant 6 : i32
      %dma_start3A_1093 = arith.constant 0 : i32
      %dma_start3A_1094 = tpu.memref_slice %arg9[%dma_start3A_1092, %dma_start3A_1093] : memref<16x32xf32, #tpu.memory_space<vmem>> -> memref<1x32xf32, #tpu.memory_space<vmem>>
      %dma_start3A_1095 = tpu.memref_squeeze %dma_start3A_1094 : memref<1x32xf32, #tpu.memory_space<vmem>> -> memref<32xf32, #tpu.memory_space<vmem>>
      %dma_start3A_1096 = arith.constant 0 : i32
      %dma_start3A_1097 = tpu.memref_slice %arg4[%squeeze3A_1091, %dma_start3A_1096] : memref<1000000x32xf32, #tpu.memory_space<hbm>> -> memref<1x32xf32, #tpu.memory_space<hbm>>
      %dma_start3A_1098 = tpu.memref_squeeze %dma_start3A_1097 : memref<1x32xf32, #tpu.memory_space<hbm>> -> memref<32xf32, #tpu.memory_space<hbm>>
      %dma_start3A_1099 = arith.constant 0 : i32
      %dma_start3A_1100 = tpu.memref_slice %arg9[%dma_start3A_1092, %dma_start3A_1099] : memref<16x32xf32, #tpu.memory_space<vmem>> -> memref<1x32xf32, #tpu.memory_space<vmem>>
      %dma_start3A_1101 = tpu.memref_squeeze %dma_start3A_1100 : memref<1x32xf32, #tpu.memory_space<vmem>> -> memref<32xf32, #tpu.memory_space<vmem>>
      %dma_start3A_1102 = arith.constant 0 : i32
      %dma_start3A_1103 = tpu.memref_slice %arg4[%squeeze3A_1091, %dma_start3A_1102] : memref<1000000x32xf32, #tpu.memory_space<hbm>> -> memref<1x32xf32, #tpu.memory_space<hbm>>
      %dma_start3A_1104 = tpu.memref_squeeze %dma_start3A_1103 : memref<1x32xf32, #tpu.memory_space<hbm>> -> memref<32xf32, #tpu.memory_space<hbm>>
      tpu.enqueue_dma source(%dma_start3A_1104 : memref<32xf32, #tpu.memory_space<hbm>>) target(%dma_start3A_1101 : memref<32xf32, #tpu.memory_space<vmem>>) target_semaphore(%arg14 : memref<!tpu.dma_semaphore, #tpu.memory_space<semaphore_mem>>)
      %slice3A_1105 = vector.extract_strided_slice %get3A_912 {offsets = [6], sizes = [1], strides = [1]} : vector<16xi32> to vector<1xi32>
      %squeeze3A_1106 = vector.extract %slice3A_1105[0] : i32 from vector<1xi32>
      %dma_start3A_1107 = arith.constant 6 : i32
      %dma_start3A_1108 = arith.constant 0 : i32
      %dma_start3A_1109 = tpu.memref_slice %arg11[%dma_start3A_1107, %dma_start3A_1108] : memref<16x32xf32, #tpu.memory_space<vmem>> -> memref<1x32xf32, #tpu.memory_space<vmem>>
      %dma_start3A_1110 = tpu.memref_squeeze %dma_start3A_1109 : memref<1x32xf32, #tpu.memory_space<vmem>> -> memref<32xf32, #tpu.memory_space<vmem>>
      %dma_start3A_1111 = arith.constant 0 : i32
      %dma_start3A_1112 = tpu.memref_slice %arg5[%squeeze3A_1106, %dma_start3A_1111] : memref<1000000x32xf32, #tpu.memory_space<hbm>> -> memref<1x32xf32, #tpu.memory_space<hbm>>
      %dma_start3A_1113 = tpu.memref_squeeze %dma_start3A_1112 : memref<1x32xf32, #tpu.memory_space<hbm>> -> memref<32xf32, #tpu.memory_space<hbm>>
      %dma_start3A_1114 = arith.constant 0 : i32
      %dma_start3A_1115 = tpu.memref_slice %arg11[%dma_start3A_1107, %dma_start3A_1114] : memref<16x32xf32, #tpu.memory_space<vmem>> -> memref<1x32xf32, #tpu.memory_space<vmem>>
      %dma_start3A_1116 = tpu.memref_squeeze %dma_start3A_1115 : memref<1x32xf32, #tpu.memory_space<vmem>> -> memref<32xf32, #tpu.memory_space<vmem>>
      %dma_start3A_1117 = arith.constant 0 : i32
      %dma_start3A_1118 = tpu.memref_slice %arg5[%squeeze3A_1106, %dma_start3A_1117] : memref<1000000x32xf32, #tpu.memory_space<hbm>> -> memref<1x32xf32, #tpu.memory_space<hbm>>
      %dma_start3A_1119 = tpu.memref_squeeze %dma_start3A_1118 : memref<1x32xf32, #tpu.memory_space<hbm>> -> memref<32xf32, #tpu.memory_space<hbm>>
      tpu.enqueue_dma source(%dma_start3A_1119 : memref<32xf32, #tpu.memory_space<hbm>>) target(%dma_start3A_1116 : memref<32xf32, #tpu.memory_space<vmem>>) target_semaphore(%arg16 : memref<!tpu.dma_semaphore, #tpu.memory_space<semaphore_mem>>)
      %slice3A_1120 = vector.extract_strided_slice %get3A_909 {offsets = [7], sizes = [1], strides = [1]} : vector<16xi32> to vector<1xi32>
      %squeeze3A_1121 = vector.extract %slice3A_1120[0] : i32 from vector<1xi32>
      %dma_start3A_1122 = arith.constant 7 : i32
      %dma_start3A_1123 = arith.constant 0 : i32
      %dma_start3A_1124 = tpu.memref_slice %arg9[%dma_start3A_1122, %dma_start3A_1123] : memref<16x32xf32, #tpu.memory_space<vmem>> -> memref<1x32xf32, #tpu.memory_space<vmem>>
      %dma_start3A_1125 = tpu.memref_squeeze %dma_start3A_1124 : memref<1x32xf32, #tpu.memory_space<vmem>> -> memref<32xf32, #tpu.memory_space<vmem>>
      %dma_start3A_1126 = arith.constant 0 : i32
      %dma_start3A_1127 = tpu.memref_slice %arg4[%squeeze3A_1121, %dma_start3A_1126] : memref<1000000x32xf32, #tpu.memory_space<hbm>> -> memref<1x32xf32, #tpu.memory_space<hbm>>
      %dma_start3A_1128 = tpu.memref_squeeze %dma_start3A_1127 : memref<1x32xf32, #tpu.memory_space<hbm>> -> memref<32xf32, #tpu.memory_space<hbm>>
      %dma_start3A_1129 = arith.constant 0 : i32
      %dma_start3A_1130 = tpu.memref_slice %arg9[%dma_start3A_1122, %dma_start3A_1129] : memref<16x32xf32, #tpu.memory_space<vmem>> -> memref<1x32xf32, #tpu.memory_space<vmem>>
      %dma_start3A_1131 = tpu.memref_squeeze %dma_start3A_1130 : memref<1x32xf32, #tpu.memory_space<vmem>> -> memref<32xf32, #tpu.memory_space<vmem>>
      %dma_start3A_1132 = arith.constant 0 : i32
      %dma_start3A_1133 = tpu.memref_slice %arg4[%squeeze3A_1121, %dma_start3A_1132] : memref<1000000x32xf32, #tpu.memory_space<hbm>> -> memref<1x32xf32, #tpu.memory_space<hbm>>
      %dma_start3A_1134 = tpu.memref_squeeze %dma_start3A_1133 : memref<1x32xf32, #tpu.memory_space<hbm>> -> memref<32xf32, #tpu.memory_space<hbm>>
      tpu.enqueue_dma source(%dma_start3A_1134 : memref<32xf32, #tpu.memory_space<hbm>>) target(%dma_start3A_1131 : memref<32xf32, #tpu.memory_space<vmem>>) target_semaphore(%arg14 : memref<!tpu.dma_semaphore, #tpu.memory_space<semaphore_mem>>)
      %slice3A_1135 = vector.extract_strided_slice %get3A_912 {offsets = [7], sizes = [1], strides = [1]} : vector<16xi32> to vector<1xi32>
      %squeeze3A_1136 = vector.extract %slice3A_1135[0] : i32 from vector<1xi32>
      %dma_start3A_1137 = arith.constant 7 : i32
      %dma_start3A_1138 = arith.constant 0 : i32
      %dma_start3A_1139 = tpu.memref_slice %arg11[%dma_start3A_1137, %dma_start3A_1138] : memref<16x32xf32, #tpu.memory_space<vmem>> -> memref<1x32xf32, #tpu.memory_space<vmem>>
      %dma_start3A_1140 = tpu.memref_squeeze %dma_start3A_1139 : memref<1x32xf32, #tpu.memory_space<vmem>> -> memref<32xf32, #tpu.memory_space<vmem>>
      %dma_start3A_1141 = arith.constant 0 : i32
      %dma_start3A_1142 = tpu.memref_slice %arg5[%squeeze3A_1136, %dma_start3A_1141] : memref<1000000x32xf32, #tpu.memory_space<hbm>> -> memref<1x32xf32, #tpu.memory_space<hbm>>
      %dma_start3A_1143 = tpu.memref_squeeze %dma_start3A_1142 : memref<1x32xf32, #tpu.memory_space<hbm>> -> memref<32xf32, #tpu.memory_space<hbm>>
      %dma_start3A_1144 = arith.constant 0 : i32
      %dma_start3A_1145 = tpu.memref_slice %arg11[%dma_start3A_1137, %dma_start3A_1144] : memref<16x32xf32, #tpu.memory_space<vmem>> -> memref<1x32xf32, #tpu.memory_space<vmem>>
      %dma_start3A_1146 = tpu.memref_squeeze %dma_start3A_1145 : memref<1x32xf32, #tpu.memory_space<vmem>> -> memref<32xf32, #tpu.memory_space<vmem>>
      %dma_start3A_1147 = arith.constant 0 : i32
      %dma_start3A_1148 = tpu.memref_slice %arg5[%squeeze3A_1136, %dma_start3A_1147] : memref<1000000x32xf32, #tpu.memory_space<hbm>> -> memref<1x32xf32, #tpu.memory_space<hbm>>
      %dma_start3A_1149 = tpu.memref_squeeze %dma_start3A_1148 : memref<1x32xf32, #tpu.memory_space<hbm>> -> memref<32xf32, #tpu.memory_space<hbm>>
      tpu.enqueue_dma source(%dma_start3A_1149 : memref<32xf32, #tpu.memory_space<hbm>>) target(%dma_start3A_1146 : memref<32xf32, #tpu.memory_space<vmem>>) target_semaphore(%arg16 : memref<!tpu.dma_semaphore, #tpu.memory_space<semaphore_mem>>)
      %slice3A_1150 = vector.extract_strided_slice %get3A_909 {offsets = [8], sizes = [1], strides = [1]} : vector<16xi32> to vector<1xi32>
      %squeeze3A_1151 = vector.extract %slice3A_1150[0] : i32 from vector<1xi32>
      %dma_start3A_1152 = arith.constant 8 : i32
      %dma_start3A_1153 = arith.constant 0 : i32
      %dma_start3A_1154 = tpu.memref_slice %arg9[%dma_start3A_1152, %dma_start3A_1153] : memref<16x32xf32, #tpu.memory_space<vmem>> -> memref<1x32xf32, #tpu.memory_space<vmem>>
      %dma_start3A_1155 = tpu.memref_squeeze %dma_start3A_1154 : memref<1x32xf32, #tpu.memory_space<vmem>> -> memref<32xf32, #tpu.memory_space<vmem>>
      %dma_start3A_1156 = arith.constant 0 : i32
      %dma_start3A_1157 = tpu.memref_slice %arg4[%squeeze3A_1151, %dma_start3A_1156] : memref<1000000x32xf32, #tpu.memory_space<hbm>> -> memref<1x32xf32, #tpu.memory_space<hbm>>
      %dma_start3A_1158 = tpu.memref_squeeze %dma_start3A_1157 : memref<1x32xf32, #tpu.memory_space<hbm>> -> memref<32xf32, #tpu.memory_space<hbm>>
      %dma_start3A_1159 = arith.constant 0 : i32
      %dma_start3A_1160 = tpu.memref_slice %arg9[%dma_start3A_1152, %dma_start3A_1159] : memref<16x32xf32, #tpu.memory_space<vmem>> -> memref<1x32xf32, #tpu.memory_space<vmem>>
      %dma_start3A_1161 = tpu.memref_squeeze %dma_start3A_1160 : memref<1x32xf32, #tpu.memory_space<vmem>> -> memref<32xf32, #tpu.memory_space<vmem>>
      %dma_start3A_1162 = arith.constant 0 : i32
      %dma_start3A_1163 = tpu.memref_slice %arg4[%squeeze3A_1151, %dma_start3A_1162] : memref<1000000x32xf32, #tpu.memory_space<hbm>> -> memref<1x32xf32, #tpu.memory_space<hbm>>
      %dma_start3A_1164 = tpu.memref_squeeze %dma_start3A_1163 : memref<1x32xf32, #tpu.memory_space<hbm>> -> memref<32xf32, #tpu.memory_space<hbm>>
      tpu.enqueue_dma source(%dma_start3A_1164 : memref<32xf32, #tpu.memory_space<hbm>>) target(%dma_start3A_1161 : memref<32xf32, #tpu.memory_space<vmem>>) target_semaphore(%arg14 : memref<!tpu.dma_semaphore, #tpu.memory_space<semaphore_mem>>)
      %slice3A_1165 = vector.extract_strided_slice %get3A_912 {offsets = [8], sizes = [1], strides = [1]} : vector<16xi32> to vector<1xi32>
      %squeeze3A_1166 = vector.extract %slice3A_1165[0] : i32 from vector<1xi32>
      %dma_start3A_1167 = arith.constant 8 : i32
      %dma_start3A_1168 = arith.constant 0 : i32
      %dma_start3A_1169 = tpu.memref_slice %arg11[%dma_start3A_1167, %dma_start3A_1168] : memref<16x32xf32, #tpu.memory_space<vmem>> -> memref<1x32xf32, #tpu.memory_space<vmem>>
      %dma_start3A_1170 = tpu.memref_squeeze %dma_start3A_1169 : memref<1x32xf32, #tpu.memory_space<vmem>> -> memref<32xf32, #tpu.memory_space<vmem>>
      %dma_start3A_1171 = arith.constant 0 : i32
      %dma_start3A_1172 = tpu.memref_slice %arg5[%squeeze3A_1166, %dma_start3A_1171] : memref<1000000x32xf32, #tpu.memory_space<hbm>> -> memref<1x32xf32, #tpu.memory_space<hbm>>
      %dma_start3A_1173 = tpu.memref_squeeze %dma_start3A_1172 : memref<1x32xf32, #tpu.memory_space<hbm>> -> memref<32xf32, #tpu.memory_space<hbm>>
      %dma_start3A_1174 = arith.constant 0 : i32
      %dma_start3A_1175 = tpu.memref_slice %arg11[%dma_start3A_1167, %dma_start3A_1174] : memref<16x32xf32, #tpu.memory_space<vmem>> -> memref<1x32xf32, #tpu.memory_space<vmem>>
      %dma_start3A_1176 = tpu.memref_squeeze %dma_start3A_1175 : memref<1x32xf32, #tpu.memory_space<vmem>> -> memref<32xf32, #tpu.memory_space<vmem>>
      %dma_start3A_1177 = arith.constant 0 : i32
      %dma_start3A_1178 = tpu.memref_slice %arg5[%squeeze3A_1166, %dma_start3A_1177] : memref<1000000x32xf32, #tpu.memory_space<hbm>> -> memref<1x32xf32, #tpu.memory_space<hbm>>
      %dma_start3A_1179 = tpu.memref_squeeze %dma_start3A_1178 : memref<1x32xf32, #tpu.memory_space<hbm>> -> memref<32xf32, #tpu.memory_space<hbm>>
      tpu.enqueue_dma source(%dma_start3A_1179 : memref<32xf32, #tpu.memory_space<hbm>>) target(%dma_start3A_1176 : memref<32xf32, #tpu.memory_space<vmem>>) target_semaphore(%arg16 : memref<!tpu.dma_semaphore, #tpu.memory_space<semaphore_mem>>)
      %slice3A_1180 = vector.extract_strided_slice %get3A_909 {offsets = [9], sizes = [1], strides = [1]} : vector<16xi32> to vector<1xi32>
      %squeeze3A_1181 = vector.extract %slice3A_1180[0] : i32 from vector<1xi32>
      %dma_start3A_1182 = arith.constant 9 : i32
      %dma_start3A_1183 = arith.constant 0 : i32
      %dma_start3A_1184 = tpu.memref_slice %arg9[%dma_start3A_1182, %dma_start3A_1183] : memref<16x32xf32, #tpu.memory_space<vmem>> -> memref<1x32xf32, #tpu.memory_space<vmem>>
      %dma_start3A_1185 = tpu.memref_squeeze %dma_start3A_1184 : memref<1x32xf32, #tpu.memory_space<vmem>> -> memref<32xf32, #tpu.memory_space<vmem>>
      %dma_start3A_1186 = arith.constant 0 : i32
      %dma_start3A_1187 = tpu.memref_slice %arg4[%squeeze3A_1181, %dma_start3A_1186] : memref<1000000x32xf32, #tpu.memory_space<hbm>> -> memref<1x32xf32, #tpu.memory_space<hbm>>
      %dma_start3A_1188 = tpu.memref_squeeze %dma_start3A_1187 : memref<1x32xf32, #tpu.memory_space<hbm>> -> memref<32xf32, #tpu.memory_space<hbm>>
      %dma_start3A_1189 = arith.constant 0 : i32
      %dma_start3A_1190 = tpu.memref_slice %arg9[%dma_start3A_1182, %dma_start3A_1189] : memref<16x32xf32, #tpu.memory_space<vmem>> -> memref<1x32xf32, #tpu.memory_space<vmem>>
      %dma_start3A_1191 = tpu.memref_squeeze %dma_start3A_1190 : memref<1x32xf32, #tpu.memory_space<vmem>> -> memref<32xf32, #tpu.memory_space<vmem>>
      %dma_start3A_1192 = arith.constant 0 : i32
      %dma_start3A_1193 = tpu.memref_slice %arg4[%squeeze3A_1181, %dma_start3A_1192] : memref<1000000x32xf32, #tpu.memory_space<hbm>> -> memref<1x32xf32, #tpu.memory_space<hbm>>
      %dma_start3A_1194 = tpu.memref_squeeze %dma_start3A_1193 : memref<1x32xf32, #tpu.memory_space<hbm>> -> memref<32xf32, #tpu.memory_space<hbm>>
      tpu.enqueue_dma source(%dma_start3A_1194 : memref<32xf32, #tpu.memory_space<hbm>>) target(%dma_start3A_1191 : memref<32xf32, #tpu.memory_space<vmem>>) target_semaphore(%arg14 : memref<!tpu.dma_semaphore, #tpu.memory_space<semaphore_mem>>)
      %slice3A_1195 = vector.extract_strided_slice %get3A_912 {offsets = [9], sizes = [1], strides = [1]} : vector<16xi32> to vector<1xi32>
      %squeeze3A_1196 = vector.extract %slice3A_1195[0] : i32 from vector<1xi32>
      %dma_start3A_1197 = arith.constant 9 : i32
      %dma_start3A_1198 = arith.constant 0 : i32
      %dma_start3A_1199 = tpu.memref_slice %arg11[%dma_start3A_1197, %dma_start3A_1198] : memref<16x32xf32, #tpu.memory_space<vmem>> -> memref<1x32xf32, #tpu.memory_space<vmem>>
      %dma_start3A_1200 = tpu.memref_squeeze %dma_start3A_1199 : memref<1x32xf32, #tpu.memory_space<vmem>> -> memref<32xf32, #tpu.memory_space<vmem>>
      %dma_start3A_1201 = arith.constant 0 : i32
      %dma_start3A_1202 = tpu.memref_slice %arg5[%squeeze3A_1196, %dma_start3A_1201] : memref<1000000x32xf32, #tpu.memory_space<hbm>> -> memref<1x32xf32, #tpu.memory_space<hbm>>
      %dma_start3A_1203 = tpu.memref_squeeze %dma_start3A_1202 : memref<1x32xf32, #tpu.memory_space<hbm>> -> memref<32xf32, #tpu.memory_space<hbm>>
      %dma_start3A_1204 = arith.constant 0 : i32
      %dma_start3A_1205 = tpu.memref_slice %arg11[%dma_start3A_1197, %dma_start3A_1204] : memref<16x32xf32, #tpu.memory_space<vmem>> -> memref<1x32xf32, #tpu.memory_space<vmem>>
      %dma_start3A_1206 = tpu.memref_squeeze %dma_start3A_1205 : memref<1x32xf32, #tpu.memory_space<vmem>> -> memref<32xf32, #tpu.memory_space<vmem>>
      %dma_start3A_1207 = arith.constant 0 : i32
      %dma_start3A_1208 = tpu.memref_slice %arg5[%squeeze3A_1196, %dma_start3A_1207] : memref<1000000x32xf32, #tpu.memory_space<hbm>> -> memref<1x32xf32, #tpu.memory_space<hbm>>
      %dma_start3A_1209 = tpu.memref_squeeze %dma_start3A_1208 : memref<1x32xf32, #tpu.memory_space<hbm>> -> memref<32xf32, #tpu.memory_space<hbm>>
      tpu.enqueue_dma source(%dma_start3A_1209 : memref<32xf32, #tpu.memory_space<hbm>>) target(%dma_start3A_1206 : memref<32xf32, #tpu.memory_space<vmem>>) target_semaphore(%arg16 : memref<!tpu.dma_semaphore, #tpu.memory_space<semaphore_mem>>)
      %slice3A_1210 = vector.extract_strided_slice %get3A_909 {offsets = [10], sizes = [1], strides = [1]} : vector<16xi32> to vector<1xi32>
      %squeeze3A_1211 = vector.extract %slice3A_1210[0] : i32 from vector<1xi32>
      %dma_start3A_1212 = arith.constant 10 : i32
      %dma_start3A_1213 = arith.constant 0 : i32
      %dma_start3A_1214 = tpu.memref_slice %arg9[%dma_start3A_1212, %dma_start3A_1213] : memref<16x32xf32, #tpu.memory_space<vmem>> -> memref<1x32xf32, #tpu.memory_space<vmem>>
      %dma_start3A_1215 = tpu.memref_squeeze %dma_start3A_1214 : memref<1x32xf32, #tpu.memory_space<vmem>> -> memref<32xf32, #tpu.memory_space<vmem>>
      %dma_start3A_1216 = arith.constant 0 : i32
      %dma_start3A_1217 = tpu.memref_slice %arg4[%squeeze3A_1211, %dma_start3A_1216] : memref<1000000x32xf32, #tpu.memory_space<hbm>> -> memref<1x32xf32, #tpu.memory_space<hbm>>
      %dma_start3A_1218 = tpu.memref_squeeze %dma_start3A_1217 : memref<1x32xf32, #tpu.memory_space<hbm>> -> memref<32xf32, #tpu.memory_space<hbm>>
      %dma_start3A_1219 = arith.constant 0 : i32
      %dma_start3A_1220 = tpu.memref_slice %arg9[%dma_start3A_1212, %dma_start3A_1219] : memref<16x32xf32, #tpu.memory_space<vmem>> -> memref<1x32xf32, #tpu.memory_space<vmem>>
      %dma_start3A_1221 = tpu.memref_squeeze %dma_start3A_1220 : memref<1x32xf32, #tpu.memory_space<vmem>> -> memref<32xf32, #tpu.memory_space<vmem>>
      %dma_start3A_1222 = arith.constant 0 : i32
      %dma_start3A_1223 = tpu.memref_slice %arg4[%squeeze3A_1211, %dma_start3A_1222] : memref<1000000x32xf32, #tpu.memory_space<hbm>> -> memref<1x32xf32, #tpu.memory_space<hbm>>
      %dma_start3A_1224 = tpu.memref_squeeze %dma_start3A_1223 : memref<1x32xf32, #tpu.memory_space<hbm>> -> memref<32xf32, #tpu.memory_space<hbm>>
      tpu.enqueue_dma source(%dma_start3A_1224 : memref<32xf32, #tpu.memory_space<hbm>>) target(%dma_start3A_1221 : memref<32xf32, #tpu.memory_space<vmem>>) target_semaphore(%arg14 : memref<!tpu.dma_semaphore, #tpu.memory_space<semaphore_mem>>)
      %slice3A_1225 = vector.extract_strided_slice %get3A_912 {offsets = [10], sizes = [1], strides = [1]} : vector<16xi32> to vector<1xi32>
      %squeeze3A_1226 = vector.extract %slice3A_1225[0] : i32 from vector<1xi32>
      %dma_start3A_1227 = arith.constant 10 : i32
      %dma_start3A_1228 = arith.constant 0 : i32
      %dma_start3A_1229 = tpu.memref_slice %arg11[%dma_start3A_1227, %dma_start3A_1228] : memref<16x32xf32, #tpu.memory_space<vmem>> -> memref<1x32xf32, #tpu.memory_space<vmem>>
      %dma_start3A_1230 = tpu.memref_squeeze %dma_start3A_1229 : memref<1x32xf32, #tpu.memory_space<vmem>> -> memref<32xf32, #tpu.memory_space<vmem>>
      %dma_start3A_1231 = arith.constant 0 : i32
      %dma_start3A_1232 = tpu.memref_slice %arg5[%squeeze3A_1226, %dma_start3A_1231] : memref<1000000x32xf32, #tpu.memory_space<hbm>> -> memref<1x32xf32, #tpu.memory_space<hbm>>
      %dma_start3A_1233 = tpu.memref_squeeze %dma_start3A_1232 : memref<1x32xf32, #tpu.memory_space<hbm>> -> memref<32xf32, #tpu.memory_space<hbm>>
      %dma_start3A_1234 = arith.constant 0 : i32
      %dma_start3A_1235 = tpu.memref_slice %arg11[%dma_start3A_1227, %dma_start3A_1234] : memref<16x32xf32, #tpu.memory_space<vmem>> -> memref<1x32xf32, #tpu.memory_space<vmem>>
      %dma_start3A_1236 = tpu.memref_squeeze %dma_start3A_1235 : memref<1x32xf32, #tpu.memory_space<vmem>> -> memref<32xf32, #tpu.memory_space<vmem>>
      %dma_start3A_1237 = arith.constant 0 : i32
      %dma_start3A_1238 = tpu.memref_slice %arg5[%squeeze3A_1226, %dma_start3A_1237] : memref<1000000x32xf32, #tpu.memory_space<hbm>> -> memref<1x32xf32, #tpu.memory_space<hbm>>
      %dma_start3A_1239 = tpu.memref_squeeze %dma_start3A_1238 : memref<1x32xf32, #tpu.memory_space<hbm>> -> memref<32xf32, #tpu.memory_space<hbm>>
      tpu.enqueue_dma source(%dma_start3A_1239 : memref<32xf32, #tpu.memory_space<hbm>>) target(%dma_start3A_1236 : memref<32xf32, #tpu.memory_space<vmem>>) target_semaphore(%arg16 : memref<!tpu.dma_semaphore, #tpu.memory_space<semaphore_mem>>)
      %slice3A_1240 = vector.extract_strided_slice %get3A_909 {offsets = [11], sizes = [1], strides = [1]} : vector<16xi32> to vector<1xi32>
      %squeeze3A_1241 = vector.extract %slice3A_1240[0] : i32 from vector<1xi32>
      %dma_start3A_1242 = arith.constant 11 : i32
      %dma_start3A_1243 = arith.constant 0 : i32
      %dma_start3A_1244 = tpu.memref_slice %arg9[%dma_start3A_1242, %dma_start3A_1243] : memref<16x32xf32, #tpu.memory_space<vmem>> -> memref<1x32xf32, #tpu.memory_space<vmem>>
      %dma_start3A_1245 = tpu.memref_squeeze %dma_start3A_1244 : memref<1x32xf32, #tpu.memory_space<vmem>> -> memref<32xf32, #tpu.memory_space<vmem>>
      %dma_start3A_1246 = arith.constant 0 : i32
      %dma_start3A_1247 = tpu.memref_slice %arg4[%squeeze3A_1241, %dma_start3A_1246] : memref<1000000x32xf32, #tpu.memory_space<hbm>> -> memref<1x32xf32, #tpu.memory_space<hbm>>
      %dma_start3A_1248 = tpu.memref_squeeze %dma_start3A_1247 : memref<1x32xf32, #tpu.memory_space<hbm>> -> memref<32xf32, #tpu.memory_space<hbm>>
      %dma_start3A_1249 = arith.constant 0 : i32
      %dma_start3A_1250 = tpu.memref_slice %arg9[%dma_start3A_1242, %dma_start3A_1249] : memref<16x32xf32, #tpu.memory_space<vmem>> -> memref<1x32xf32, #tpu.memory_space<vmem>>
      %dma_start3A_1251 = tpu.memref_squeeze %dma_start3A_1250 : memref<1x32xf32, #tpu.memory_space<vmem>> -> memref<32xf32, #tpu.memory_space<vmem>>
      %dma_start3A_1252 = arith.constant 0 : i32
      %dma_start3A_1253 = tpu.memref_slice %arg4[%squeeze3A_1241, %dma_start3A_1252] : memref<1000000x32xf32, #tpu.memory_space<hbm>> -> memref<1x32xf32, #tpu.memory_space<hbm>>
      %dma_start3A_1254 = tpu.memref_squeeze %dma_start3A_1253 : memref<1x32xf32, #tpu.memory_space<hbm>> -> memref<32xf32, #tpu.memory_space<hbm>>
      tpu.enqueue_dma source(%dma_start3A_1254 : memref<32xf32, #tpu.memory_space<hbm>>) target(%dma_start3A_1251 : memref<32xf32, #tpu.memory_space<vmem>>) target_semaphore(%arg14 : memref<!tpu.dma_semaphore, #tpu.memory_space<semaphore_mem>>)
      %slice3A_1255 = vector.extract_strided_slice %get3A_912 {offsets = [11], sizes = [1], strides = [1]} : vector<16xi32> to vector<1xi32>
      %squeeze3A_1256 = vector.extract %slice3A_1255[0] : i32 from vector<1xi32>
      %dma_start3A_1257 = arith.constant 11 : i32
      %dma_start3A_1258 = arith.constant 0 : i32
      %dma_start3A_1259 = tpu.memref_slice %arg11[%dma_start3A_1257, %dma_start3A_1258] : memref<16x32xf32, #tpu.memory_space<vmem>> -> memref<1x32xf32, #tpu.memory_space<vmem>>
      %dma_start3A_1260 = tpu.memref_squeeze %dma_start3A_1259 : memref<1x32xf32, #tpu.memory_space<vmem>> -> memref<32xf32, #tpu.memory_space<vmem>>
      %dma_start3A_1261 = arith.constant 0 : i32
      %dma_start3A_1262 = tpu.memref_slice %arg5[%squeeze3A_1256, %dma_start3A_1261] : memref<1000000x32xf32, #tpu.memory_space<hbm>> -> memref<1x32xf32, #tpu.memory_space<hbm>>
      %dma_start3A_1263 = tpu.memref_squeeze %dma_start3A_1262 : memref<1x32xf32, #tpu.memory_space<hbm>> -> memref<32xf32, #tpu.memory_space<hbm>>
      %dma_start3A_1264 = arith.constant 0 : i32
      %dma_start3A_1265 = tpu.memref_slice %arg11[%dma_start3A_1257, %dma_start3A_1264] : memref<16x32xf32, #tpu.memory_space<vmem>> -> memref<1x32xf32, #tpu.memory_space<vmem>>
      %dma_start3A_1266 = tpu.memref_squeeze %dma_start3A_1265 : memref<1x32xf32, #tpu.memory_space<vmem>> -> memref<32xf32, #tpu.memory_space<vmem>>
      %dma_start3A_1267 = arith.constant 0 : i32
      %dma_start3A_1268 = tpu.memref_slice %arg5[%squeeze3A_1256, %dma_start3A_1267] : memref<1000000x32xf32, #tpu.memory_space<hbm>> -> memref<1x32xf32, #tpu.memory_space<hbm>>
      %dma_start3A_1269 = tpu.memref_squeeze %dma_start3A_1268 : memref<1x32xf32, #tpu.memory_space<hbm>> -> memref<32xf32, #tpu.memory_space<hbm>>
      tpu.enqueue_dma source(%dma_start3A_1269 : memref<32xf32, #tpu.memory_space<hbm>>) target(%dma_start3A_1266 : memref<32xf32, #tpu.memory_space<vmem>>) target_semaphore(%arg16 : memref<!tpu.dma_semaphore, #tpu.memory_space<semaphore_mem>>)
      %slice3A_1270 = vector.extract_strided_slice %get3A_909 {offsets = [12], sizes = [1], strides = [1]} : vector<16xi32> to vector<1xi32>
      %squeeze3A_1271 = vector.extract %slice3A_1270[0] : i32 from vector<1xi32>
      %dma_start3A_1272 = arith.constant 12 : i32
      %dma_start3A_1273 = arith.constant 0 : i32
      %dma_start3A_1274 = tpu.memref_slice %arg9[%dma_start3A_1272, %dma_start3A_1273] : memref<16x32xf32, #tpu.memory_space<vmem>> -> memref<1x32xf32, #tpu.memory_space<vmem>>
      %dma_start3A_1275 = tpu.memref_squeeze %dma_start3A_1274 : memref<1x32xf32, #tpu.memory_space<vmem>> -> memref<32xf32, #tpu.memory_space<vmem>>
      %dma_start3A_1276 = arith.constant 0 : i32
      %dma_start3A_1277 = tpu.memref_slice %arg4[%squeeze3A_1271, %dma_start3A_1276] : memref<1000000x32xf32, #tpu.memory_space<hbm>> -> memref<1x32xf32, #tpu.memory_space<hbm>>
      %dma_start3A_1278 = tpu.memref_squeeze %dma_start3A_1277 : memref<1x32xf32, #tpu.memory_space<hbm>> -> memref<32xf32, #tpu.memory_space<hbm>>
      %dma_start3A_1279 = arith.constant 0 : i32
      %dma_start3A_1280 = tpu.memref_slice %arg9[%dma_start3A_1272, %dma_start3A_1279] : memref<16x32xf32, #tpu.memory_space<vmem>> -> memref<1x32xf32, #tpu.memory_space<vmem>>
      %dma_start3A_1281 = tpu.memref_squeeze %dma_start3A_1280 : memref<1x32xf32, #tpu.memory_space<vmem>> -> memref<32xf32, #tpu.memory_space<vmem>>
      %dma_start3A_1282 = arith.constant 0 : i32
      %dma_start3A_1283 = tpu.memref_slice %arg4[%squeeze3A_1271, %dma_start3A_1282] : memref<1000000x32xf32, #tpu.memory_space<hbm>> -> memref<1x32xf32, #tpu.memory_space<hbm>>
      %dma_start3A_1284 = tpu.memref_squeeze %dma_start3A_1283 : memref<1x32xf32, #tpu.memory_space<hbm>> -> memref<32xf32, #tpu.memory_space<hbm>>
      tpu.enqueue_dma source(%dma_start3A_1284 : memref<32xf32, #tpu.memory_space<hbm>>) target(%dma_start3A_1281 : memref<32xf32, #tpu.memory_space<vmem>>) target_semaphore(%arg14 : memref<!tpu.dma_semaphore, #tpu.memory_space<semaphore_mem>>)
      %slice3A_1285 = vector.extract_strided_slice %get3A_912 {offsets = [12], sizes = [1], strides = [1]} : vector<16xi32> to vector<1xi32>
      %squeeze3A_1286 = vector.extract %slice3A_1285[0] : i32 from vector<1xi32>
      %dma_start3A_1287 = arith.constant 12 : i32
      %dma_start3A_1288 = arith.constant 0 : i32
      %dma_start3A_1289 = tpu.memref_slice %arg11[%dma_start3A_1287, %dma_start3A_1288] : memref<16x32xf32, #tpu.memory_space<vmem>> -> memref<1x32xf32, #tpu.memory_space<vmem>>
      %dma_start3A_1290 = tpu.memref_squeeze %dma_start3A_1289 : memref<1x32xf32, #tpu.memory_space<vmem>> -> memref<32xf32, #tpu.memory_space<vmem>>
      %dma_start3A_1291 = arith.constant 0 : i32
      %dma_start3A_1292 = tpu.memref_slice %arg5[%squeeze3A_1286, %dma_start3A_1291] : memref<1000000x32xf32, #tpu.memory_space<hbm>> -> memref<1x32xf32, #tpu.memory_space<hbm>>
      %dma_start3A_1293 = tpu.memref_squeeze %dma_start3A_1292 : memref<1x32xf32, #tpu.memory_space<hbm>> -> memref<32xf32, #tpu.memory_space<hbm>>
      %dma_start3A_1294 = arith.constant 0 : i32
      %dma_start3A_1295 = tpu.memref_slice %arg11[%dma_start3A_1287, %dma_start3A_1294] : memref<16x32xf32, #tpu.memory_space<vmem>> -> memref<1x32xf32, #tpu.memory_space<vmem>>
      %dma_start3A_1296 = tpu.memref_squeeze %dma_start3A_1295 : memref<1x32xf32, #tpu.memory_space<vmem>> -> memref<32xf32, #tpu.memory_space<vmem>>
      %dma_start3A_1297 = arith.constant 0 : i32
      %dma_start3A_1298 = tpu.memref_slice %arg5[%squeeze3A_1286, %dma_start3A_1297] : memref<1000000x32xf32, #tpu.memory_space<hbm>> -> memref<1x32xf32, #tpu.memory_space<hbm>>
      %dma_start3A_1299 = tpu.memref_squeeze %dma_start3A_1298 : memref<1x32xf32, #tpu.memory_space<hbm>> -> memref<32xf32, #tpu.memory_space<hbm>>
      tpu.enqueue_dma source(%dma_start3A_1299 : memref<32xf32, #tpu.memory_space<hbm>>) target(%dma_start3A_1296 : memref<32xf32, #tpu.memory_space<vmem>>) target_semaphore(%arg16 : memref<!tpu.dma_semaphore, #tpu.memory_space<semaphore_mem>>)
      %slice3A_1300 = vector.extract_strided_slice %get3A_909 {offsets = [13], sizes = [1], strides = [1]} : vector<16xi32> to vector<1xi32>
      %squeeze3A_1301 = vector.extract %slice3A_1300[0] : i32 from vector<1xi32>
      %dma_start3A_1302 = arith.constant 13 : i32
      %dma_start3A_1303 = arith.constant 0 : i32
      %dma_start3A_1304 = tpu.memref_slice %arg9[%dma_start3A_1302, %dma_start3A_1303] : memref<16x32xf32, #tpu.memory_space<vmem>> -> memref<1x32xf32, #tpu.memory_space<vmem>>
      %dma_start3A_1305 = tpu.memref_squeeze %dma_start3A_1304 : memref<1x32xf32, #tpu.memory_space<vmem>> -> memref<32xf32, #tpu.memory_space<vmem>>
      %dma_start3A_1306 = arith.constant 0 : i32
      %dma_start3A_1307 = tpu.memref_slice %arg4[%squeeze3A_1301, %dma_start3A_1306] : memref<1000000x32xf32, #tpu.memory_space<hbm>> -> memref<1x32xf32, #tpu.memory_space<hbm>>
      %dma_start3A_1308 = tpu.memref_squeeze %dma_start3A_1307 : memref<1x32xf32, #tpu.memory_space<hbm>> -> memref<32xf32, #tpu.memory_space<hbm>>
      %dma_start3A_1309 = arith.constant 0 : i32
      %dma_start3A_1310 = tpu.memref_slice %arg9[%dma_start3A_1302, %dma_start3A_1309] : memref<16x32xf32, #tpu.memory_space<vmem>> -> memref<1x32xf32, #tpu.memory_space<vmem>>
      %dma_start3A_1311 = tpu.memref_squeeze %dma_start3A_1310 : memref<1x32xf32, #tpu.memory_space<vmem>> -> memref<32xf32, #tpu.memory_space<vmem>>
      %dma_start3A_1312 = arith.constant 0 : i32
      %dma_start3A_1313 = tpu.memref_slice %arg4[%squeeze3A_1301, %dma_start3A_1312] : memref<1000000x32xf32, #tpu.memory_space<hbm>> -> memref<1x32xf32, #tpu.memory_space<hbm>>
      %dma_start3A_1314 = tpu.memref_squeeze %dma_start3A_1313 : memref<1x32xf32, #tpu.memory_space<hbm>> -> memref<32xf32, #tpu.memory_space<hbm>>
      tpu.enqueue_dma source(%dma_start3A_1314 : memref<32xf32, #tpu.memory_space<hbm>>) target(%dma_start3A_1311 : memref<32xf32, #tpu.memory_space<vmem>>) target_semaphore(%arg14 : memref<!tpu.dma_semaphore, #tpu.memory_space<semaphore_mem>>)
      %slice3A_1315 = vector.extract_strided_slice %get3A_912 {offsets = [13], sizes = [1], strides = [1]} : vector<16xi32> to vector<1xi32>
      %squeeze3A_1316 = vector.extract %slice3A_1315[0] : i32 from vector<1xi32>
      %dma_start3A_1317 = arith.constant 13 : i32
      %dma_start3A_1318 = arith.constant 0 : i32
      %dma_start3A_1319 = tpu.memref_slice %arg11[%dma_start3A_1317, %dma_start3A_1318] : memref<16x32xf32, #tpu.memory_space<vmem>> -> memref<1x32xf32, #tpu.memory_space<vmem>>
      %dma_start3A_1320 = tpu.memref_squeeze %dma_start3A_1319 : memref<1x32xf32, #tpu.memory_space<vmem>> -> memref<32xf32, #tpu.memory_space<vmem>>
      %dma_start3A_1321 = arith.constant 0 : i32
      %dma_start3A_1322 = tpu.memref_slice %arg5[%squeeze3A_1316, %dma_start3A_1321] : memref<1000000x32xf32, #tpu.memory_space<hbm>> -> memref<1x32xf32, #tpu.memory_space<hbm>>
      %dma_start3A_1323 = tpu.memref_squeeze %dma_start3A_1322 : memref<1x32xf32, #tpu.memory_space<hbm>> -> memref<32xf32, #tpu.memory_space<hbm>>
      %dma_start3A_1324 = arith.constant 0 : i32
      %dma_start3A_1325 = tpu.memref_slice %arg11[%dma_start3A_1317, %dma_start3A_1324] : memref<16x32xf32, #tpu.memory_space<vmem>> -> memref<1x32xf32, #tpu.memory_space<vmem>>
      %dma_start3A_1326 = tpu.memref_squeeze %dma_start3A_1325 : memref<1x32xf32, #tpu.memory_space<vmem>> -> memref<32xf32, #tpu.memory_space<vmem>>
      %dma_start3A_1327 = arith.constant 0 : i32
      %dma_start3A_1328 = tpu.memref_slice %arg5[%squeeze3A_1316, %dma_start3A_1327] : memref<1000000x32xf32, #tpu.memory_space<hbm>> -> memref<1x32xf32, #tpu.memory_space<hbm>>
      %dma_start3A_1329 = tpu.memref_squeeze %dma_start3A_1328 : memref<1x32xf32, #tpu.memory_space<hbm>> -> memref<32xf32, #tpu.memory_space<hbm>>
      tpu.enqueue_dma source(%dma_start3A_1329 : memref<32xf32, #tpu.memory_space<hbm>>) target(%dma_start3A_1326 : memref<32xf32, #tpu.memory_space<vmem>>) target_semaphore(%arg16 : memref<!tpu.dma_semaphore, #tpu.memory_space<semaphore_mem>>)
      %slice3A_1330 = vector.extract_strided_slice %get3A_909 {offsets = [14], sizes = [1], strides = [1]} : vector<16xi32> to vector<1xi32>
      %squeeze3A_1331 = vector.extract %slice3A_1330[0] : i32 from vector<1xi32>
      %dma_start3A_1332 = arith.constant 14 : i32
      %dma_start3A_1333 = arith.constant 0 : i32
      %dma_start3A_1334 = tpu.memref_slice %arg9[%dma_start3A_1332, %dma_start3A_1333] : memref<16x32xf32, #tpu.memory_space<vmem>> -> memref<1x32xf32, #tpu.memory_space<vmem>>
      %dma_start3A_1335 = tpu.memref_squeeze %dma_start3A_1334 : memref<1x32xf32, #tpu.memory_space<vmem>> -> memref<32xf32, #tpu.memory_space<vmem>>
      %dma_start3A_1336 = arith.constant 0 : i32
      %dma_start3A_1337 = tpu.memref_slice %arg4[%squeeze3A_1331, %dma_start3A_1336] : memref<1000000x32xf32, #tpu.memory_space<hbm>> -> memref<1x32xf32, #tpu.memory_space<hbm>>
      %dma_start3A_1338 = tpu.memref_squeeze %dma_start3A_1337 : memref<1x32xf32, #tpu.memory_space<hbm>> -> memref<32xf32, #tpu.memory_space<hbm>>
      %dma_start3A_1339 = arith.constant 0 : i32
      %dma_start3A_1340 = tpu.memref_slice %arg9[%dma_start3A_1332, %dma_start3A_1339] : memref<16x32xf32, #tpu.memory_space<vmem>> -> memref<1x32xf32, #tpu.memory_space<vmem>>
      %dma_start3A_1341 = tpu.memref_squeeze %dma_start3A_1340 : memref<1x32xf32, #tpu.memory_space<vmem>> -> memref<32xf32, #tpu.memory_space<vmem>>
      %dma_start3A_1342 = arith.constant 0 : i32
      %dma_start3A_1343 = tpu.memref_slice %arg4[%squeeze3A_1331, %dma_start3A_1342] : memref<1000000x32xf32, #tpu.memory_space<hbm>> -> memref<1x32xf32, #tpu.memory_space<hbm>>
      %dma_start3A_1344 = tpu.memref_squeeze %dma_start3A_1343 : memref<1x32xf32, #tpu.memory_space<hbm>> -> memref<32xf32, #tpu.memory_space<hbm>>
      tpu.enqueue_dma source(%dma_start3A_1344 : memref<32xf32, #tpu.memory_space<hbm>>) target(%dma_start3A_1341 : memref<32xf32, #tpu.memory_space<vmem>>) target_semaphore(%arg14 : memref<!tpu.dma_semaphore, #tpu.memory_space<semaphore_mem>>)
      %slice3A_1345 = vector.extract_strided_slice %get3A_912 {offsets = [14], sizes = [1], strides = [1]} : vector<16xi32> to vector<1xi32>
      %squeeze3A_1346 = vector.extract %slice3A_1345[0] : i32 from vector<1xi32>
      %dma_start3A_1347 = arith.constant 14 : i32
      %dma_start3A_1348 = arith.constant 0 : i32
      %dma_start3A_1349 = tpu.memref_slice %arg11[%dma_start3A_1347, %dma_start3A_1348] : memref<16x32xf32, #tpu.memory_space<vmem>> -> memref<1x32xf32, #tpu.memory_space<vmem>>
      %dma_start3A_1350 = tpu.memref_squeeze %dma_start3A_1349 : memref<1x32xf32, #tpu.memory_space<vmem>> -> memref<32xf32, #tpu.memory_space<vmem>>
      %dma_start3A_1351 = arith.constant 0 : i32
      %dma_start3A_1352 = tpu.memref_slice %arg5[%squeeze3A_1346, %dma_start3A_1351] : memref<1000000x32xf32, #tpu.memory_space<hbm>> -> memref<1x32xf32, #tpu.memory_space<hbm>>
      %dma_start3A_1353 = tpu.memref_squeeze %dma_start3A_1352 : memref<1x32xf32, #tpu.memory_space<hbm>> -> memref<32xf32, #tpu.memory_space<hbm>>
      %dma_start3A_1354 = arith.constant 0 : i32
      %dma_start3A_1355 = tpu.memref_slice %arg11[%dma_start3A_1347, %dma_start3A_1354] : memref<16x32xf32, #tpu.memory_space<vmem>> -> memref<1x32xf32, #tpu.memory_space<vmem>>
      %dma_start3A_1356 = tpu.memref_squeeze %dma_start3A_1355 : memref<1x32xf32, #tpu.memory_space<vmem>> -> memref<32xf32, #tpu.memory_space<vmem>>
      %dma_start3A_1357 = arith.constant 0 : i32
      %dma_start3A_1358 = tpu.memref_slice %arg5[%squeeze3A_1346, %dma_start3A_1357] : memref<1000000x32xf32, #tpu.memory_space<hbm>> -> memref<1x32xf32, #tpu.memory_space<hbm>>
      %dma_start3A_1359 = tpu.memref_squeeze %dma_start3A_1358 : memref<1x32xf32, #tpu.memory_space<hbm>> -> memref<32xf32, #tpu.memory_space<hbm>>
      tpu.enqueue_dma source(%dma_start3A_1359 : memref<32xf32, #tpu.memory_space<hbm>>) target(%dma_start3A_1356 : memref<32xf32, #tpu.memory_space<vmem>>) target_semaphore(%arg16 : memref<!tpu.dma_semaphore, #tpu.memory_space<semaphore_mem>>)
      %slice3A_1360 = vector.extract_strided_slice %get3A_909 {offsets = [15], sizes = [1], strides = [1]} : vector<16xi32> to vector<1xi32>
      %squeeze3A_1361 = vector.extract %slice3A_1360[0] : i32 from vector<1xi32>
      %dma_start3A_1362 = arith.constant 15 : i32
      %dma_start3A_1363 = arith.constant 0 : i32
      %dma_start3A_1364 = tpu.memref_slice %arg9[%dma_start3A_1362, %dma_start3A_1363] : memref<16x32xf32, #tpu.memory_space<vmem>> -> memref<1x32xf32, #tpu.memory_space<vmem>>
      %dma_start3A_1365 = tpu.memref_squeeze %dma_start3A_1364 : memref<1x32xf32, #tpu.memory_space<vmem>> -> memref<32xf32, #tpu.memory_space<vmem>>
      %dma_start3A_1366 = arith.constant 0 : i32
      %dma_start3A_1367 = tpu.memref_slice %arg4[%squeeze3A_1361, %dma_start3A_1366] : memref<1000000x32xf32, #tpu.memory_space<hbm>> -> memref<1x32xf32, #tpu.memory_space<hbm>>
      %dma_start3A_1368 = tpu.memref_squeeze %dma_start3A_1367 : memref<1x32xf32, #tpu.memory_space<hbm>> -> memref<32xf32, #tpu.memory_space<hbm>>
      %dma_start3A_1369 = arith.constant 0 : i32
      %dma_start3A_1370 = tpu.memref_slice %arg9[%dma_start3A_1362, %dma_start3A_1369] : memref<16x32xf32, #tpu.memory_space<vmem>> -> memref<1x32xf32, #tpu.memory_space<vmem>>
      %dma_start3A_1371 = tpu.memref_squeeze %dma_start3A_1370 : memref<1x32xf32, #tpu.memory_space<vmem>> -> memref<32xf32, #tpu.memory_space<vmem>>
      %dma_start3A_1372 = arith.constant 0 : i32
      %dma_start3A_1373 = tpu.memref_slice %arg4[%squeeze3A_1361, %dma_start3A_1372] : memref<1000000x32xf32, #tpu.memory_space<hbm>> -> memref<1x32xf32, #tpu.memory_space<hbm>>
      %dma_start3A_1374 = tpu.memref_squeeze %dma_start3A_1373 : memref<1x32xf32, #tpu.memory_space<hbm>> -> memref<32xf32, #tpu.memory_space<hbm>>
      tpu.enqueue_dma source(%dma_start3A_1374 : memref<32xf32, #tpu.memory_space<hbm>>) target(%dma_start3A_1371 : memref<32xf32, #tpu.memory_space<vmem>>) target_semaphore(%arg14 : memref<!tpu.dma_semaphore, #tpu.memory_space<semaphore_mem>>)
      %slice3A_1375 = vector.extract_strided_slice %get3A_912 {offsets = [15], sizes = [1], strides = [1]} : vector<16xi32> to vector<1xi32>
      %squeeze3A_1376 = vector.extract %slice3A_1375[0] : i32 from vector<1xi32>
      %dma_start3A_1377 = arith.constant 15 : i32
      %dma_start3A_1378 = arith.constant 0 : i32
      %dma_start3A_1379 = tpu.memref_slice %arg11[%dma_start3A_1377, %dma_start3A_1378] : memref<16x32xf32, #tpu.memory_space<vmem>> -> memref<1x32xf32, #tpu.memory_space<vmem>>
      %dma_start3A_1380 = tpu.memref_squeeze %dma_start3A_1379 : memref<1x32xf32, #tpu.memory_space<vmem>> -> memref<32xf32, #tpu.memory_space<vmem>>
      %dma_start3A_1381 = arith.constant 0 : i32
      %dma_start3A_1382 = tpu.memref_slice %arg5[%squeeze3A_1376, %dma_start3A_1381] : memref<1000000x32xf32, #tpu.memory_space<hbm>> -> memref<1x32xf32, #tpu.memory_space<hbm>>
      %dma_start3A_1383 = tpu.memref_squeeze %dma_start3A_1382 : memref<1x32xf32, #tpu.memory_space<hbm>> -> memref<32xf32, #tpu.memory_space<hbm>>
      %dma_start3A_1384 = arith.constant 0 : i32
      %dma_start3A_1385 = tpu.memref_slice %arg11[%dma_start3A_1377, %dma_start3A_1384] : memref<16x32xf32, #tpu.memory_space<vmem>> -> memref<1x32xf32, #tpu.memory_space<vmem>>
      %dma_start3A_1386 = tpu.memref_squeeze %dma_start3A_1385 : memref<1x32xf32, #tpu.memory_space<vmem>> -> memref<32xf32, #tpu.memory_space<vmem>>
      %dma_start3A_1387 = arith.constant 0 : i32
      %dma_start3A_1388 = tpu.memref_slice %arg5[%squeeze3A_1376, %dma_start3A_1387] : memref<1000000x32xf32, #tpu.memory_space<hbm>> -> memref<1x32xf32, #tpu.memory_space<hbm>>
      %dma_start3A_1389 = tpu.memref_squeeze %dma_start3A_1388 : memref<1x32xf32, #tpu.memory_space<hbm>> -> memref<32xf32, #tpu.memory_space<hbm>>
      tpu.enqueue_dma source(%dma_start3A_1389 : memref<32xf32, #tpu.memory_space<hbm>>) target(%dma_start3A_1386 : memref<32xf32, #tpu.memory_space<vmem>>) target_semaphore(%arg16 : memref<!tpu.dma_semaphore, #tpu.memory_space<semaphore_mem>>)
      %gt3A = arith.constant 0 : i32
      %gt3A_1390 = arith.cmpi sgt, %scan3A_902, %gt3A : i32
      %convert_element_type3A = arith.extui %gt3A_1390 : i1 to i32
      %cond3A = arith.constant 0 : i32
      %cond3A_1391 = arith.cmpi ne, %convert_element_type3A, %cond3A : i32
      scf.if %cond3A_1391 {
        %sub3A = arith.constant 1 : i32
        %sub3A_2785 = arith.subi %mul3A_904, %sub3A : i32
        %dma_wait3A_2786 = arith.constant 0 : i32
        %dma_wait3A_2787 = arith.constant 0 : i32
        %dma_wait3A_2788 = arith.constant 0 : i32
        %dma_wait3A_2789 = tpu.memref_slice %arg10[%dma_wait3A_2787, %dma_wait3A_2788] : memref<16x32xf32, #tpu.memory_space<vmem>> -> memref<1x32xf32, #tpu.memory_space<vmem>>
        %dma_wait3A_2790 = tpu.memref_squeeze %dma_wait3A_2789 : memref<1x32xf32, #tpu.memory_space<vmem>> -> memref<32xf32, #tpu.memory_space<vmem>>
        %dma_wait3A_2791 = arith.constant 0 : i32
        %dma_wait3A_2792 = tpu.memref_slice %arg4[%dma_wait3A_2786, %dma_wait3A_2791] : memref<1000000x32xf32, #tpu.memory_space<hbm>> -> memref<1x32xf32, #tpu.memory_space<hbm>>
        %dma_wait3A_2793 = tpu.memref_squeeze %dma_wait3A_2792 : memref<1x32xf32, #tpu.memory_space<hbm>> -> memref<32xf32, #tpu.memory_space<hbm>>
        %dma_wait3A_2794 = arith.constant 0 : i32
        %dma_wait3A_2795 = tpu.memref_slice %arg10[%dma_wait3A_2787, %dma_wait3A_2794] : memref<16x32xf32, #tpu.memory_space<vmem>> -> memref<1x32xf32, #tpu.memory_space<vmem>>
        %dma_wait3A_2796 = tpu.memref_squeeze %dma_wait3A_2795 : memref<1x32xf32, #tpu.memory_space<vmem>> -> memref<32xf32, #tpu.memory_space<vmem>>
        %dma_wait3A_2797 = arith.constant 0 : i32
        %dma_wait3A_2798 = tpu.memref_slice %arg4[%dma_wait3A_2786, %dma_wait3A_2797] : memref<1000000x32xf32, #tpu.memory_space<hbm>> -> memref<1x32xf32, #tpu.memory_space<hbm>>
        %dma_wait3A_2799 = tpu.memref_squeeze %dma_wait3A_2798 : memref<1x32xf32, #tpu.memory_space<hbm>> -> memref<32xf32, #tpu.memory_space<hbm>>
        tpu.wait_dma2 semaphore(%arg15 : memref<!tpu.dma_semaphore, #tpu.memory_space<semaphore_mem>>) src(%dma_wait3A_2799 : memref<32xf32, #tpu.memory_space<hbm>>) dst(%dma_wait3A_2796 : memref<32xf32, #tpu.memory_space<vmem>>)
        %dma_wait3A_2800 = arith.constant 0 : i32
        %dma_wait3A_2801 = arith.constant 0 : i32
        %dma_wait3A_2802 = arith.constant 0 : i32
        %dma_wait3A_2803 = tpu.memref_slice %arg12[%dma_wait3A_2801, %dma_wait3A_2802] : memref<16x32xf32, #tpu.memory_space<vmem>> -> memref<1x32xf32, #tpu.memory_space<vmem>>
        %dma_wait3A_2804 = tpu.memref_squeeze %dma_wait3A_2803 : memref<1x32xf32, #tpu.memory_space<vmem>> -> memref<32xf32, #tpu.memory_space<vmem>>
        %dma_wait3A_2805 = arith.constant 0 : i32
        %dma_wait3A_2806 = tpu.memref_slice %arg5[%dma_wait3A_2800, %dma_wait3A_2805] : memref<1000000x32xf32, #tpu.memory_space<hbm>> -> memref<1x32xf32, #tpu.memory_space<hbm>>
        %dma_wait3A_2807 = tpu.memref_squeeze %dma_wait3A_2806 : memref<1x32xf32, #tpu.memory_space<hbm>> -> memref<32xf32, #tpu.memory_space<hbm>>
        %dma_wait3A_2808 = arith.constant 0 : i32
        %dma_wait3A_2809 = tpu.memref_slice %arg12[%dma_wait3A_2801, %dma_wait3A_2808] : memref<16x32xf32, #tpu.memory_space<vmem>> -> memref<1x32xf32, #tpu.memory_space<vmem>>
        %dma_wait3A_2810 = tpu.memref_squeeze %dma_wait3A_2809 : memref<1x32xf32, #tpu.memory_space<vmem>> -> memref<32xf32, #tpu.memory_space<vmem>>
        %dma_wait3A_2811 = arith.constant 0 : i32
        %dma_wait3A_2812 = tpu.memref_slice %arg5[%dma_wait3A_2800, %dma_wait3A_2811] : memref<1000000x32xf32, #tpu.memory_space<hbm>> -> memref<1x32xf32, #tpu.memory_space<hbm>>
        %dma_wait3A_2813 = tpu.memref_squeeze %dma_wait3A_2812 : memref<1x32xf32, #tpu.memory_space<hbm>> -> memref<32xf32, #tpu.memory_space<hbm>>
        tpu.wait_dma2 semaphore(%arg17 : memref<!tpu.dma_semaphore, #tpu.memory_space<semaphore_mem>>) src(%dma_wait3A_2813 : memref<32xf32, #tpu.memory_space<hbm>>) dst(%dma_wait3A_2810 : memref<32xf32, #tpu.memory_space<vmem>>)
        %dma_wait3A_2814 = arith.constant 0 : i32
        %dma_wait3A_2815 = arith.constant 1 : i32
        %dma_wait3A_2816 = arith.constant 0 : i32
        %dma_wait3A_2817 = tpu.memref_slice %arg10[%dma_wait3A_2815, %dma_wait3A_2816] : memref<16x32xf32, #tpu.memory_space<vmem>> -> memref<1x32xf32, #tpu.memory_space<vmem>>
        %dma_wait3A_2818 = tpu.memref_squeeze %dma_wait3A_2817 : memref<1x32xf32, #tpu.memory_space<vmem>> -> memref<32xf32, #tpu.memory_space<vmem>>
        %dma_wait3A_2819 = arith.constant 0 : i32
        %dma_wait3A_2820 = tpu.memref_slice %arg4[%dma_wait3A_2814, %dma_wait3A_2819] : memref<1000000x32xf32, #tpu.memory_space<hbm>> -> memref<1x32xf32, #tpu.memory_space<hbm>>
        %dma_wait3A_2821 = tpu.memref_squeeze %dma_wait3A_2820 : memref<1x32xf32, #tpu.memory_space<hbm>> -> memref<32xf32, #tpu.memory_space<hbm>>
        %dma_wait3A_2822 = arith.constant 0 : i32
        %dma_wait3A_2823 = tpu.memref_slice %arg10[%dma_wait3A_2815, %dma_wait3A_2822] : memref<16x32xf32, #tpu.memory_space<vmem>> -> memref<1x32xf32, #tpu.memory_space<vmem>>
        %dma_wait3A_2824 = tpu.memref_squeeze %dma_wait3A_2823 : memref<1x32xf32, #tpu.memory_space<vmem>> -> memref<32xf32, #tpu.memory_space<vmem>>
        %dma_wait3A_2825 = arith.constant 0 : i32
        %dma_wait3A_2826 = tpu.memref_slice %arg4[%dma_wait3A_2814, %dma_wait3A_2825] : memref<1000000x32xf32, #tpu.memory_space<hbm>> -> memref<1x32xf32, #tpu.memory_space<hbm>>
        %dma_wait3A_2827 = tpu.memref_squeeze %dma_wait3A_2826 : memref<1x32xf32, #tpu.memory_space<hbm>> -> memref<32xf32, #tpu.memory_space<hbm>>
        tpu.wait_dma2 semaphore(%arg15 : memref<!tpu.dma_semaphore, #tpu.memory_space<semaphore_mem>>) src(%dma_wait3A_2827 : memref<32xf32, #tpu.memory_space<hbm>>) dst(%dma_wait3A_2824 : memref<32xf32, #tpu.memory_space<vmem>>)
        %dma_wait3A_2828 = arith.constant 0 : i32
        %dma_wait3A_2829 = arith.constant 1 : i32
        %dma_wait3A_2830 = arith.constant 0 : i32
        %dma_wait3A_2831 = tpu.memref_slice %arg12[%dma_wait3A_2829, %dma_wait3A_2830] : memref<16x32xf32, #tpu.memory_space<vmem>> -> memref<1x32xf32, #tpu.memory_space<vmem>>
        %dma_wait3A_2832 = tpu.memref_squeeze %dma_wait3A_2831 : memref<1x32xf32, #tpu.memory_space<vmem>> -> memref<32xf32, #tpu.memory_space<vmem>>
        %dma_wait3A_2833 = arith.constant 0 : i32
        %dma_wait3A_2834 = tpu.memref_slice %arg5[%dma_wait3A_2828, %dma_wait3A_2833] : memref<1000000x32xf32, #tpu.memory_space<hbm>> -> memref<1x32xf32, #tpu.memory_space<hbm>>
        %dma_wait3A_2835 = tpu.memref_squeeze %dma_wait3A_2834 : memref<1x32xf32, #tpu.memory_space<hbm>> -> memref<32xf32, #tpu.memory_space<hbm>>
        %dma_wait3A_2836 = arith.constant 0 : i32
        %dma_wait3A_2837 = tpu.memref_slice %arg12[%dma_wait3A_2829, %dma_wait3A_2836] : memref<16x32xf32, #tpu.memory_space<vmem>> -> memref<1x32xf32, #tpu.memory_space<vmem>>
        %dma_wait3A_2838 = tpu.memref_squeeze %dma_wait3A_2837 : memref<1x32xf32, #tpu.memory_space<vmem>> -> memref<32xf32, #tpu.memory_space<vmem>>
        %dma_wait3A_2839 = arith.constant 0 : i32
        %dma_wait3A_2840 = tpu.memref_slice %arg5[%dma_wait3A_2828, %dma_wait3A_2839] : memref<1000000x32xf32, #tpu.memory_space<hbm>> -> memref<1x32xf32, #tpu.memory_space<hbm>>
        %dma_wait3A_2841 = tpu.memref_squeeze %dma_wait3A_2840 : memref<1x32xf32, #tpu.memory_space<hbm>> -> memref<32xf32, #tpu.memory_space<hbm>>
        tpu.wait_dma2 semaphore(%arg17 : memref<!tpu.dma_semaphore, #tpu.memory_space<semaphore_mem>>) src(%dma_wait3A_2841 : memref<32xf32, #tpu.memory_space<hbm>>) dst(%dma_wait3A_2838 : memref<32xf32, #tpu.memory_space<vmem>>)
        %dma_wait3A_2842 = arith.constant 0 : i32
        %dma_wait3A_2843 = arith.constant 2 : i32
        %dma_wait3A_2844 = arith.constant 0 : i32
        %dma_wait3A_2845 = tpu.memref_slice %arg10[%dma_wait3A_2843, %dma_wait3A_2844] : memref<16x32xf32, #tpu.memory_space<vmem>> -> memref<1x32xf32, #tpu.memory_space<vmem>>
        %dma_wait3A_2846 = tpu.memref_squeeze %dma_wait3A_2845 : memref<1x32xf32, #tpu.memory_space<vmem>> -> memref<32xf32, #tpu.memory_space<vmem>>
        %dma_wait3A_2847 = arith.constant 0 : i32
        %dma_wait3A_2848 = tpu.memref_slice %arg4[%dma_wait3A_2842, %dma_wait3A_2847] : memref<1000000x32xf32, #tpu.memory_space<hbm>> -> memref<1x32xf32, #tpu.memory_space<hbm>>
        %dma_wait3A_2849 = tpu.memref_squeeze %dma_wait3A_2848 : memref<1x32xf32, #tpu.memory_space<hbm>> -> memref<32xf32, #tpu.memory_space<hbm>>
        %dma_wait3A_2850 = arith.constant 0 : i32
        %dma_wait3A_2851 = tpu.memref_slice %arg10[%dma_wait3A_2843, %dma_wait3A_2850] : memref<16x32xf32, #tpu.memory_space<vmem>> -> memref<1x32xf32, #tpu.memory_space<vmem>>
        %dma_wait3A_2852 = tpu.memref_squeeze %dma_wait3A_2851 : memref<1x32xf32, #tpu.memory_space<vmem>> -> memref<32xf32, #tpu.memory_space<vmem>>
        %dma_wait3A_2853 = arith.constant 0 : i32
        %dma_wait3A_2854 = tpu.memref_slice %arg4[%dma_wait3A_2842, %dma_wait3A_2853] : memref<1000000x32xf32, #tpu.memory_space<hbm>> -> memref<1x32xf32, #tpu.memory_space<hbm>>
        %dma_wait3A_2855 = tpu.memref_squeeze %dma_wait3A_2854 : memref<1x32xf32, #tpu.memory_space<hbm>> -> memref<32xf32, #tpu.memory_space<hbm>>
        tpu.wait_dma2 semaphore(%arg15 : memref<!tpu.dma_semaphore, #tpu.memory_space<semaphore_mem>>) src(%dma_wait3A_2855 : memref<32xf32, #tpu.memory_space<hbm>>) dst(%dma_wait3A_2852 : memref<32xf32, #tpu.memory_space<vmem>>)
        %dma_wait3A_2856 = arith.constant 0 : i32
        %dma_wait3A_2857 = arith.constant 2 : i32
        %dma_wait3A_2858 = arith.constant 0 : i32
        %dma_wait3A_2859 = tpu.memref_slice %arg12[%dma_wait3A_2857, %dma_wait3A_2858] : memref<16x32xf32, #tpu.memory_space<vmem>> -> memref<1x32xf32, #tpu.memory_space<vmem>>
        %dma_wait3A_2860 = tpu.memref_squeeze %dma_wait3A_2859 : memref<1x32xf32, #tpu.memory_space<vmem>> -> memref<32xf32, #tpu.memory_space<vmem>>
        %dma_wait3A_2861 = arith.constant 0 : i32
        %dma_wait3A_2862 = tpu.memref_slice %arg5[%dma_wait3A_2856, %dma_wait3A_2861] : memref<1000000x32xf32, #tpu.memory_space<hbm>> -> memref<1x32xf32, #tpu.memory_space<hbm>>
        %dma_wait3A_2863 = tpu.memref_squeeze %dma_wait3A_2862 : memref<1x32xf32, #tpu.memory_space<hbm>> -> memref<32xf32, #tpu.memory_space<hbm>>
        %dma_wait3A_2864 = arith.constant 0 : i32
        %dma_wait3A_2865 = tpu.memref_slice %arg12[%dma_wait3A_2857, %dma_wait3A_2864] : memref<16x32xf32, #tpu.memory_space<vmem>> -> memref<1x32xf32, #tpu.memory_space<vmem>>
        %dma_wait3A_2866 = tpu.memref_squeeze %dma_wait3A_2865 : memref<1x32xf32, #tpu.memory_space<vmem>> -> memref<32xf32, #tpu.memory_space<vmem>>
        %dma_wait3A_2867 = arith.constant 0 : i32
        %dma_wait3A_2868 = tpu.memref_slice %arg5[%dma_wait3A_2856, %dma_wait3A_2867] : memref<1000000x32xf32, #tpu.memory_space<hbm>> -> memref<1x32xf32, #tpu.memory_space<hbm>>
        %dma_wait3A_2869 = tpu.memref_squeeze %dma_wait3A_2868 : memref<1x32xf32, #tpu.memory_space<hbm>> -> memref<32xf32, #tpu.memory_space<hbm>>
        tpu.wait_dma2 semaphore(%arg17 : memref<!tpu.dma_semaphore, #tpu.memory_space<semaphore_mem>>) src(%dma_wait3A_2869 : memref<32xf32, #tpu.memory_space<hbm>>) dst(%dma_wait3A_2866 : memref<32xf32, #tpu.memory_space<vmem>>)
        %dma_wait3A_2870 = arith.constant 0 : i32
        %dma_wait3A_2871 = arith.constant 3 : i32
        %dma_wait3A_2872 = arith.constant 0 : i32
        %dma_wait3A_2873 = tpu.memref_slice %arg10[%dma_wait3A_2871, %dma_wait3A_2872] : memref<16x32xf32, #tpu.memory_space<vmem>> -> memref<1x32xf32, #tpu.memory_space<vmem>>
        %dma_wait3A_2874 = tpu.memref_squeeze %dma_wait3A_2873 : memref<1x32xf32, #tpu.memory_space<vmem>> -> memref<32xf32, #tpu.memory_space<vmem>>
        %dma_wait3A_2875 = arith.constant 0 : i32
        %dma_wait3A_2876 = tpu.memref_slice %arg4[%dma_wait3A_2870, %dma_wait3A_2875] : memref<1000000x32xf32, #tpu.memory_space<hbm>> -> memref<1x32xf32, #tpu.memory_space<hbm>>
        %dma_wait3A_2877 = tpu.memref_squeeze %dma_wait3A_2876 : memref<1x32xf32, #tpu.memory_space<hbm>> -> memref<32xf32, #tpu.memory_space<hbm>>
        %dma_wait3A_2878 = arith.constant 0 : i32
        %dma_wait3A_2879 = tpu.memref_slice %arg10[%dma_wait3A_2871, %dma_wait3A_2878] : memref<16x32xf32, #tpu.memory_space<vmem>> -> memref<1x32xf32, #tpu.memory_space<vmem>>
        %dma_wait3A_2880 = tpu.memref_squeeze %dma_wait3A_2879 : memref<1x32xf32, #tpu.memory_space<vmem>> -> memref<32xf32, #tpu.memory_space<vmem>>
        %dma_wait3A_2881 = arith.constant 0 : i32
        %dma_wait3A_2882 = tpu.memref_slice %arg4[%dma_wait3A_2870, %dma_wait3A_2881] : memref<1000000x32xf32, #tpu.memory_space<hbm>> -> memref<1x32xf32, #tpu.memory_space<hbm>>
        %dma_wait3A_2883 = tpu.memref_squeeze %dma_wait3A_2882 : memref<1x32xf32, #tpu.memory_space<hbm>> -> memref<32xf32, #tpu.memory_space<hbm>>
        tpu.wait_dma2 semaphore(%arg15 : memref<!tpu.dma_semaphore, #tpu.memory_space<semaphore_mem>>) src(%dma_wait3A_2883 : memref<32xf32, #tpu.memory_space<hbm>>) dst(%dma_wait3A_2880 : memref<32xf32, #tpu.memory_space<vmem>>)
        %dma_wait3A_2884 = arith.constant 0 : i32
        %dma_wait3A_2885 = arith.constant 3 : i32
        %dma_wait3A_2886 = arith.constant 0 : i32
        %dma_wait3A_2887 = tpu.memref_slice %arg12[%dma_wait3A_2885, %dma_wait3A_2886] : memref<16x32xf32, #tpu.memory_space<vmem>> -> memref<1x32xf32, #tpu.memory_space<vmem>>
        %dma_wait3A_2888 = tpu.memref_squeeze %dma_wait3A_2887 : memref<1x32xf32, #tpu.memory_space<vmem>> -> memref<32xf32, #tpu.memory_space<vmem>>
        %dma_wait3A_2889 = arith.constant 0 : i32
        %dma_wait3A_2890 = tpu.memref_slice %arg5[%dma_wait3A_2884, %dma_wait3A_2889] : memref<1000000x32xf32, #tpu.memory_space<hbm>> -> memref<1x32xf32, #tpu.memory_space<hbm>>
        %dma_wait3A_2891 = tpu.memref_squeeze %dma_wait3A_2890 : memref<1x32xf32, #tpu.memory_space<hbm>> -> memref<32xf32, #tpu.memory_space<hbm>>
        %dma_wait3A_2892 = arith.constant 0 : i32
        %dma_wait3A_2893 = tpu.memref_slice %arg12[%dma_wait3A_2885, %dma_wait3A_2892] : memref<16x32xf32, #tpu.memory_space<vmem>> -> memref<1x32xf32, #tpu.memory_space<vmem>>
        %dma_wait3A_2894 = tpu.memref_squeeze %dma_wait3A_2893 : memref<1x32xf32, #tpu.memory_space<vmem>> -> memref<32xf32, #tpu.memory_space<vmem>>
        %dma_wait3A_2895 = arith.constant 0 : i32
        %dma_wait3A_2896 = tpu.memref_slice %arg5[%dma_wait3A_2884, %dma_wait3A_2895] : memref<1000000x32xf32, #tpu.memory_space<hbm>> -> memref<1x32xf32, #tpu.memory_space<hbm>>
        %dma_wait3A_2897 = tpu.memref_squeeze %dma_wait3A_2896 : memref<1x32xf32, #tpu.memory_space<hbm>> -> memref<32xf32, #tpu.memory_space<hbm>>
        tpu.wait_dma2 semaphore(%arg17 : memref<!tpu.dma_semaphore, #tpu.memory_space<semaphore_mem>>) src(%dma_wait3A_2897 : memref<32xf32, #tpu.memory_space<hbm>>) dst(%dma_wait3A_2894 : memref<32xf32, #tpu.memory_space<vmem>>)
        %dma_wait3A_2898 = arith.constant 0 : i32
        %dma_wait3A_2899 = arith.constant 4 : i32
        %dma_wait3A_2900 = arith.constant 0 : i32
        %dma_wait3A_2901 = tpu.memref_slice %arg10[%dma_wait3A_2899, %dma_wait3A_2900] : memref<16x32xf32, #tpu.memory_space<vmem>> -> memref<1x32xf32, #tpu.memory_space<vmem>>
        %dma_wait3A_2902 = tpu.memref_squeeze %dma_wait3A_2901 : memref<1x32xf32, #tpu.memory_space<vmem>> -> memref<32xf32, #tpu.memory_space<vmem>>
        %dma_wait3A_2903 = arith.constant 0 : i32
        %dma_wait3A_2904 = tpu.memref_slice %arg4[%dma_wait3A_2898, %dma_wait3A_2903] : memref<1000000x32xf32, #tpu.memory_space<hbm>> -> memref<1x32xf32, #tpu.memory_space<hbm>>
        %dma_wait3A_2905 = tpu.memref_squeeze %dma_wait3A_2904 : memref<1x32xf32, #tpu.memory_space<hbm>> -> memref<32xf32, #tpu.memory_space<hbm>>
        %dma_wait3A_2906 = arith.constant 0 : i32
        %dma_wait3A_2907 = tpu.memref_slice %arg10[%dma_wait3A_2899, %dma_wait3A_2906] : memref<16x32xf32, #tpu.memory_space<vmem>> -> memref<1x32xf32, #tpu.memory_space<vmem>>
        %dma_wait3A_2908 = tpu.memref_squeeze %dma_wait3A_2907 : memref<1x32xf32, #tpu.memory_space<vmem>> -> memref<32xf32, #tpu.memory_space<vmem>>
        %dma_wait3A_2909 = arith.constant 0 : i32
        %dma_wait3A_2910 = tpu.memref_slice %arg4[%dma_wait3A_2898, %dma_wait3A_2909] : memref<1000000x32xf32, #tpu.memory_space<hbm>> -> memref<1x32xf32, #tpu.memory_space<hbm>>
        %dma_wait3A_2911 = tpu.memref_squeeze %dma_wait3A_2910 : memref<1x32xf32, #tpu.memory_space<hbm>> -> memref<32xf32, #tpu.memory_space<hbm>>
        tpu.wait_dma2 semaphore(%arg15 : memref<!tpu.dma_semaphore, #tpu.memory_space<semaphore_mem>>) src(%dma_wait3A_2911 : memref<32xf32, #tpu.memory_space<hbm>>) dst(%dma_wait3A_2908 : memref<32xf32, #tpu.memory_space<vmem>>)
        %dma_wait3A_2912 = arith.constant 0 : i32
        %dma_wait3A_2913 = arith.constant 4 : i32
        %dma_wait3A_2914 = arith.constant 0 : i32
        %dma_wait3A_2915 = tpu.memref_slice %arg12[%dma_wait3A_2913, %dma_wait3A_2914] : memref<16x32xf32, #tpu.memory_space<vmem>> -> memref<1x32xf32, #tpu.memory_space<vmem>>
        %dma_wait3A_2916 = tpu.memref_squeeze %dma_wait3A_2915 : memref<1x32xf32, #tpu.memory_space<vmem>> -> memref<32xf32, #tpu.memory_space<vmem>>
        %dma_wait3A_2917 = arith.constant 0 : i32
        %dma_wait3A_2918 = tpu.memref_slice %arg5[%dma_wait3A_2912, %dma_wait3A_2917] : memref<1000000x32xf32, #tpu.memory_space<hbm>> -> memref<1x32xf32, #tpu.memory_space<hbm>>
        %dma_wait3A_2919 = tpu.memref_squeeze %dma_wait3A_2918 : memref<1x32xf32, #tpu.memory_space<hbm>> -> memref<32xf32, #tpu.memory_space<hbm>>
        %dma_wait3A_2920 = arith.constant 0 : i32
        %dma_wait3A_2921 = tpu.memref_slice %arg12[%dma_wait3A_2913, %dma_wait3A_2920] : memref<16x32xf32, #tpu.memory_space<vmem>> -> memref<1x32xf32, #tpu.memory_space<vmem>>
        %dma_wait3A_2922 = tpu.memref_squeeze %dma_wait3A_2921 : memref<1x32xf32, #tpu.memory_space<vmem>> -> memref<32xf32, #tpu.memory_space<vmem>>
        %dma_wait3A_2923 = arith.constant 0 : i32
        %dma_wait3A_2924 = tpu.memref_slice %arg5[%dma_wait3A_2912, %dma_wait3A_2923] : memref<1000000x32xf32, #tpu.memory_space<hbm>> -> memref<1x32xf32, #tpu.memory_space<hbm>>
        %dma_wait3A_2925 = tpu.memref_squeeze %dma_wait3A_2924 : memref<1x32xf32, #tpu.memory_space<hbm>> -> memref<32xf32, #tpu.memory_space<hbm>>
        tpu.wait_dma2 semaphore(%arg17 : memref<!tpu.dma_semaphore, #tpu.memory_space<semaphore_mem>>) src(%dma_wait3A_2925 : memref<32xf32, #tpu.memory_space<hbm>>) dst(%dma_wait3A_2922 : memref<32xf32, #tpu.memory_space<vmem>>)
        %dma_wait3A_2926 = arith.constant 0 : i32
        %dma_wait3A_2927 = arith.constant 5 : i32
        %dma_wait3A_2928 = arith.constant 0 : i32
        %dma_wait3A_2929 = tpu.memref_slice %arg10[%dma_wait3A_2927, %dma_wait3A_2928] : memref<16x32xf32, #tpu.memory_space<vmem>> -> memref<1x32xf32, #tpu.memory_space<vmem>>
        %dma_wait3A_2930 = tpu.memref_squeeze %dma_wait3A_2929 : memref<1x32xf32, #tpu.memory_space<vmem>> -> memref<32xf32, #tpu.memory_space<vmem>>
        %dma_wait3A_2931 = arith.constant 0 : i32
        %dma_wait3A_2932 = tpu.memref_slice %arg4[%dma_wait3A_2926, %dma_wait3A_2931] : memref<1000000x32xf32, #tpu.memory_space<hbm>> -> memref<1x32xf32, #tpu.memory_space<hbm>>
        %dma_wait3A_2933 = tpu.memref_squeeze %dma_wait3A_2932 : memref<1x32xf32, #tpu.memory_space<hbm>> -> memref<32xf32, #tpu.memory_space<hbm>>
        %dma_wait3A_2934 = arith.constant 0 : i32
        %dma_wait3A_2935 = tpu.memref_slice %arg10[%dma_wait3A_2927, %dma_wait3A_2934] : memref<16x32xf32, #tpu.memory_space<vmem>> -> memref<1x32xf32, #tpu.memory_space<vmem>>
        %dma_wait3A_2936 = tpu.memref_squeeze %dma_wait3A_2935 : memref<1x32xf32, #tpu.memory_space<vmem>> -> memref<32xf32, #tpu.memory_space<vmem>>
        %dma_wait3A_2937 = arith.constant 0 : i32
        %dma_wait3A_2938 = tpu.memref_slice %arg4[%dma_wait3A_2926, %dma_wait3A_2937] : memref<1000000x32xf32, #tpu.memory_space<hbm>> -> memref<1x32xf32, #tpu.memory_space<hbm>>
        %dma_wait3A_2939 = tpu.memref_squeeze %dma_wait3A_2938 : memref<1x32xf32, #tpu.memory_space<hbm>> -> memref<32xf32, #tpu.memory_space<hbm>>
        tpu.wait_dma2 semaphore(%arg15 : memref<!tpu.dma_semaphore, #tpu.memory_space<semaphore_mem>>) src(%dma_wait3A_2939 : memref<32xf32, #tpu.memory_space<hbm>>) dst(%dma_wait3A_2936 : memref<32xf32, #tpu.memory_space<vmem>>)
        %dma_wait3A_2940 = arith.constant 0 : i32
        %dma_wait3A_2941 = arith.constant 5 : i32
        %dma_wait3A_2942 = arith.constant 0 : i32
        %dma_wait3A_2943 = tpu.memref_slice %arg12[%dma_wait3A_2941, %dma_wait3A_2942] : memref<16x32xf32, #tpu.memory_space<vmem>> -> memref<1x32xf32, #tpu.memory_space<vmem>>
        %dma_wait3A_2944 = tpu.memref_squeeze %dma_wait3A_2943 : memref<1x32xf32, #tpu.memory_space<vmem>> -> memref<32xf32, #tpu.memory_space<vmem>>
        %dma_wait3A_2945 = arith.constant 0 : i32
        %dma_wait3A_2946 = tpu.memref_slice %arg5[%dma_wait3A_2940, %dma_wait3A_2945] : memref<1000000x32xf32, #tpu.memory_space<hbm>> -> memref<1x32xf32, #tpu.memory_space<hbm>>
        %dma_wait3A_2947 = tpu.memref_squeeze %dma_wait3A_2946 : memref<1x32xf32, #tpu.memory_space<hbm>> -> memref<32xf32, #tpu.memory_space<hbm>>
        %dma_wait3A_2948 = arith.constant 0 : i32
        %dma_wait3A_2949 = tpu.memref_slice %arg12[%dma_wait3A_2941, %dma_wait3A_2948] : memref<16x32xf32, #tpu.memory_space<vmem>> -> memref<1x32xf32, #tpu.memory_space<vmem>>
        %dma_wait3A_2950 = tpu.memref_squeeze %dma_wait3A_2949 : memref<1x32xf32, #tpu.memory_space<vmem>> -> memref<32xf32, #tpu.memory_space<vmem>>
        %dma_wait3A_2951 = arith.constant 0 : i32
        %dma_wait3A_2952 = tpu.memref_slice %arg5[%dma_wait3A_2940, %dma_wait3A_2951] : memref<1000000x32xf32, #tpu.memory_space<hbm>> -> memref<1x32xf32, #tpu.memory_space<hbm>>
        %dma_wait3A_2953 = tpu.memref_squeeze %dma_wait3A_2952 : memref<1x32xf32, #tpu.memory_space<hbm>> -> memref<32xf32, #tpu.memory_space<hbm>>
        tpu.wait_dma2 semaphore(%arg17 : memref<!tpu.dma_semaphore, #tpu.memory_space<semaphore_mem>>) src(%dma_wait3A_2953 : memref<32xf32, #tpu.memory_space<hbm>>) dst(%dma_wait3A_2950 : memref<32xf32, #tpu.memory_space<vmem>>)
        %dma_wait3A_2954 = arith.constant 0 : i32
        %dma_wait3A_2955 = arith.constant 6 : i32
        %dma_wait3A_2956 = arith.constant 0 : i32
        %dma_wait3A_2957 = tpu.memref_slice %arg10[%dma_wait3A_2955, %dma_wait3A_2956] : memref<16x32xf32, #tpu.memory_space<vmem>> -> memref<1x32xf32, #tpu.memory_space<vmem>>
        %dma_wait3A_2958 = tpu.memref_squeeze %dma_wait3A_2957 : memref<1x32xf32, #tpu.memory_space<vmem>> -> memref<32xf32, #tpu.memory_space<vmem>>
        %dma_wait3A_2959 = arith.constant 0 : i32
        %dma_wait3A_2960 = tpu.memref_slice %arg4[%dma_wait3A_2954, %dma_wait3A_2959] : memref<1000000x32xf32, #tpu.memory_space<hbm>> -> memref<1x32xf32, #tpu.memory_space<hbm>>
        %dma_wait3A_2961 = tpu.memref_squeeze %dma_wait3A_2960 : memref<1x32xf32, #tpu.memory_space<hbm>> -> memref<32xf32, #tpu.memory_space<hbm>>
        %dma_wait3A_2962 = arith.constant 0 : i32
        %dma_wait3A_2963 = tpu.memref_slice %arg10[%dma_wait3A_2955, %dma_wait3A_2962] : memref<16x32xf32, #tpu.memory_space<vmem>> -> memref<1x32xf32, #tpu.memory_space<vmem>>
        %dma_wait3A_2964 = tpu.memref_squeeze %dma_wait3A_2963 : memref<1x32xf32, #tpu.memory_space<vmem>> -> memref<32xf32, #tpu.memory_space<vmem>>
        %dma_wait3A_2965 = arith.constant 0 : i32
        %dma_wait3A_2966 = tpu.memref_slice %arg4[%dma_wait3A_2954, %dma_wait3A_2965] : memref<1000000x32xf32, #tpu.memory_space<hbm>> -> memref<1x32xf32, #tpu.memory_space<hbm>>
        %dma_wait3A_2967 = tpu.memref_squeeze %dma_wait3A_2966 : memref<1x32xf32, #tpu.memory_space<hbm>> -> memref<32xf32, #tpu.memory_space<hbm>>
        tpu.wait_dma2 semaphore(%arg15 : memref<!tpu.dma_semaphore, #tpu.memory_space<semaphore_mem>>) src(%dma_wait3A_2967 : memref<32xf32, #tpu.memory_space<hbm>>) dst(%dma_wait3A_2964 : memref<32xf32, #tpu.memory_space<vmem>>)
        %dma_wait3A_2968 = arith.constant 0 : i32
        %dma_wait3A_2969 = arith.constant 6 : i32
        %dma_wait3A_2970 = arith.constant 0 : i32
        %dma_wait3A_2971 = tpu.memref_slice %arg12[%dma_wait3A_2969, %dma_wait3A_2970] : memref<16x32xf32, #tpu.memory_space<vmem>> -> memref<1x32xf32, #tpu.memory_space<vmem>>
        %dma_wait3A_2972 = tpu.memref_squeeze %dma_wait3A_2971 : memref<1x32xf32, #tpu.memory_space<vmem>> -> memref<32xf32, #tpu.memory_space<vmem>>
        %dma_wait3A_2973 = arith.constant 0 : i32
        %dma_wait3A_2974 = tpu.memref_slice %arg5[%dma_wait3A_2968, %dma_wait3A_2973] : memref<1000000x32xf32, #tpu.memory_space<hbm>> -> memref<1x32xf32, #tpu.memory_space<hbm>>
        %dma_wait3A_2975 = tpu.memref_squeeze %dma_wait3A_2974 : memref<1x32xf32, #tpu.memory_space<hbm>> -> memref<32xf32, #tpu.memory_space<hbm>>
        %dma_wait3A_2976 = arith.constant 0 : i32
        %dma_wait3A_2977 = tpu.memref_slice %arg12[%dma_wait3A_2969, %dma_wait3A_2976] : memref<16x32xf32, #tpu.memory_space<vmem>> -> memref<1x32xf32, #tpu.memory_space<vmem>>
        %dma_wait3A_2978 = tpu.memref_squeeze %dma_wait3A_2977 : memref<1x32xf32, #tpu.memory_space<vmem>> -> memref<32xf32, #tpu.memory_space<vmem>>
        %dma_wait3A_2979 = arith.constant 0 : i32
        %dma_wait3A_2980 = tpu.memref_slice %arg5[%dma_wait3A_2968, %dma_wait3A_2979] : memref<1000000x32xf32, #tpu.memory_space<hbm>> -> memref<1x32xf32, #tpu.memory_space<hbm>>
        %dma_wait3A_2981 = tpu.memref_squeeze %dma_wait3A_2980 : memref<1x32xf32, #tpu.memory_space<hbm>> -> memref<32xf32, #tpu.memory_space<hbm>>
        tpu.wait_dma2 semaphore(%arg17 : memref<!tpu.dma_semaphore, #tpu.memory_space<semaphore_mem>>) src(%dma_wait3A_2981 : memref<32xf32, #tpu.memory_space<hbm>>) dst(%dma_wait3A_2978 : memref<32xf32, #tpu.memory_space<vmem>>)
        %dma_wait3A_2982 = arith.constant 0 : i32
        %dma_wait3A_2983 = arith.constant 7 : i32
        %dma_wait3A_2984 = arith.constant 0 : i32
        %dma_wait3A_2985 = tpu.memref_slice %arg10[%dma_wait3A_2983, %dma_wait3A_2984] : memref<16x32xf32, #tpu.memory_space<vmem>> -> memref<1x32xf32, #tpu.memory_space<vmem>>
        %dma_wait3A_2986 = tpu.memref_squeeze %dma_wait3A_2985 : memref<1x32xf32, #tpu.memory_space<vmem>> -> memref<32xf32, #tpu.memory_space<vmem>>
        %dma_wait3A_2987 = arith.constant 0 : i32
        %dma_wait3A_2988 = tpu.memref_slice %arg4[%dma_wait3A_2982, %dma_wait3A_2987] : memref<1000000x32xf32, #tpu.memory_space<hbm>> -> memref<1x32xf32, #tpu.memory_space<hbm>>
        %dma_wait3A_2989 = tpu.memref_squeeze %dma_wait3A_2988 : memref<1x32xf32, #tpu.memory_space<hbm>> -> memref<32xf32, #tpu.memory_space<hbm>>
        %dma_wait3A_2990 = arith.constant 0 : i32
        %dma_wait3A_2991 = tpu.memref_slice %arg10[%dma_wait3A_2983, %dma_wait3A_2990] : memref<16x32xf32, #tpu.memory_space<vmem>> -> memref<1x32xf32, #tpu.memory_space<vmem>>
        %dma_wait3A_2992 = tpu.memref_squeeze %dma_wait3A_2991 : memref<1x32xf32, #tpu.memory_space<vmem>> -> memref<32xf32, #tpu.memory_space<vmem>>
        %dma_wait3A_2993 = arith.constant 0 : i32
        %dma_wait3A_2994 = tpu.memref_slice %arg4[%dma_wait3A_2982, %dma_wait3A_2993] : memref<1000000x32xf32, #tpu.memory_space<hbm>> -> memref<1x32xf32, #tpu.memory_space<hbm>>
        %dma_wait3A_2995 = tpu.memref_squeeze %dma_wait3A_2994 : memref<1x32xf32, #tpu.memory_space<hbm>> -> memref<32xf32, #tpu.memory_space<hbm>>
        tpu.wait_dma2 semaphore(%arg15 : memref<!tpu.dma_semaphore, #tpu.memory_space<semaphore_mem>>) src(%dma_wait3A_2995 : memref<32xf32, #tpu.memory_space<hbm>>) dst(%dma_wait3A_2992 : memref<32xf32, #tpu.memory_space<vmem>>)
        %dma_wait3A_2996 = arith.constant 0 : i32
        %dma_wait3A_2997 = arith.constant 7 : i32
        %dma_wait3A_2998 = arith.constant 0 : i32
        %dma_wait3A_2999 = tpu.memref_slice %arg12[%dma_wait3A_2997, %dma_wait3A_2998] : memref<16x32xf32, #tpu.memory_space<vmem>> -> memref<1x32xf32, #tpu.memory_space<vmem>>
        %dma_wait3A_3000 = tpu.memref_squeeze %dma_wait3A_2999 : memref<1x32xf32, #tpu.memory_space<vmem>> -> memref<32xf32, #tpu.memory_space<vmem>>
        %dma_wait3A_3001 = arith.constant 0 : i32
        %dma_wait3A_3002 = tpu.memref_slice %arg5[%dma_wait3A_2996, %dma_wait3A_3001] : memref<1000000x32xf32, #tpu.memory_space<hbm>> -> memref<1x32xf32, #tpu.memory_space<hbm>>
        %dma_wait3A_3003 = tpu.memref_squeeze %dma_wait3A_3002 : memref<1x32xf32, #tpu.memory_space<hbm>> -> memref<32xf32, #tpu.memory_space<hbm>>
        %dma_wait3A_3004 = arith.constant 0 : i32
        %dma_wait3A_3005 = tpu.memref_slice %arg12[%dma_wait3A_2997, %dma_wait3A_3004] : memref<16x32xf32, #tpu.memory_space<vmem>> -> memref<1x32xf32, #tpu.memory_space<vmem>>
        %dma_wait3A_3006 = tpu.memref_squeeze %dma_wait3A_3005 : memref<1x32xf32, #tpu.memory_space<vmem>> -> memref<32xf32, #tpu.memory_space<vmem>>
        %dma_wait3A_3007 = arith.constant 0 : i32
        %dma_wait3A_3008 = tpu.memref_slice %arg5[%dma_wait3A_2996, %dma_wait3A_3007] : memref<1000000x32xf32, #tpu.memory_space<hbm>> -> memref<1x32xf32, #tpu.memory_space<hbm>>
        %dma_wait3A_3009 = tpu.memref_squeeze %dma_wait3A_3008 : memref<1x32xf32, #tpu.memory_space<hbm>> -> memref<32xf32, #tpu.memory_space<hbm>>
        tpu.wait_dma2 semaphore(%arg17 : memref<!tpu.dma_semaphore, #tpu.memory_space<semaphore_mem>>) src(%dma_wait3A_3009 : memref<32xf32, #tpu.memory_space<hbm>>) dst(%dma_wait3A_3006 : memref<32xf32, #tpu.memory_space<vmem>>)
        %dma_wait3A_3010 = arith.constant 0 : i32
        %dma_wait3A_3011 = arith.constant 8 : i32
        %dma_wait3A_3012 = arith.constant 0 : i32
        %dma_wait3A_3013 = tpu.memref_slice %arg10[%dma_wait3A_3011, %dma_wait3A_3012] : memref<16x32xf32, #tpu.memory_space<vmem>> -> memref<1x32xf32, #tpu.memory_space<vmem>>
        %dma_wait3A_3014 = tpu.memref_squeeze %dma_wait3A_3013 : memref<1x32xf32, #tpu.memory_space<vmem>> -> memref<32xf32, #tpu.memory_space<vmem>>
        %dma_wait3A_3015 = arith.constant 0 : i32
        %dma_wait3A_3016 = tpu.memref_slice %arg4[%dma_wait3A_3010, %dma_wait3A_3015] : memref<1000000x32xf32, #tpu.memory_space<hbm>> -> memref<1x32xf32, #tpu.memory_space<hbm>>
        %dma_wait3A_3017 = tpu.memref_squeeze %dma_wait3A_3016 : memref<1x32xf32, #tpu.memory_space<hbm>> -> memref<32xf32, #tpu.memory_space<hbm>>
        %dma_wait3A_3018 = arith.constant 0 : i32
        %dma_wait3A_3019 = tpu.memref_slice %arg10[%dma_wait3A_3011, %dma_wait3A_3018] : memref<16x32xf32, #tpu.memory_space<vmem>> -> memref<1x32xf32, #tpu.memory_space<vmem>>
        %dma_wait3A_3020 = tpu.memref_squeeze %dma_wait3A_3019 : memref<1x32xf32, #tpu.memory_space<vmem>> -> memref<32xf32, #tpu.memory_space<vmem>>
        %dma_wait3A_3021 = arith.constant 0 : i32
        %dma_wait3A_3022 = tpu.memref_slice %arg4[%dma_wait3A_3010, %dma_wait3A_3021] : memref<1000000x32xf32, #tpu.memory_space<hbm>> -> memref<1x32xf32, #tpu.memory_space<hbm>>
        %dma_wait3A_3023 = tpu.memref_squeeze %dma_wait3A_3022 : memref<1x32xf32, #tpu.memory_space<hbm>> -> memref<32xf32, #tpu.memory_space<hbm>>
        tpu.wait_dma2 semaphore(%arg15 : memref<!tpu.dma_semaphore, #tpu.memory_space<semaphore_mem>>) src(%dma_wait3A_3023 : memref<32xf32, #tpu.memory_space<hbm>>) dst(%dma_wait3A_3020 : memref<32xf32, #tpu.memory_space<vmem>>)
        %dma_wait3A_3024 = arith.constant 0 : i32
        %dma_wait3A_3025 = arith.constant 8 : i32
        %dma_wait3A_3026 = arith.constant 0 : i32
        %dma_wait3A_3027 = tpu.memref_slice %arg12[%dma_wait3A_3025, %dma_wait3A_3026] : memref<16x32xf32, #tpu.memory_space<vmem>> -> memref<1x32xf32, #tpu.memory_space<vmem>>
        %dma_wait3A_3028 = tpu.memref_squeeze %dma_wait3A_3027 : memref<1x32xf32, #tpu.memory_space<vmem>> -> memref<32xf32, #tpu.memory_space<vmem>>
        %dma_wait3A_3029 = arith.constant 0 : i32
        %dma_wait3A_3030 = tpu.memref_slice %arg5[%dma_wait3A_3024, %dma_wait3A_3029] : memref<1000000x32xf32, #tpu.memory_space<hbm>> -> memref<1x32xf32, #tpu.memory_space<hbm>>
        %dma_wait3A_3031 = tpu.memref_squeeze %dma_wait3A_3030 : memref<1x32xf32, #tpu.memory_space<hbm>> -> memref<32xf32, #tpu.memory_space<hbm>>
        %dma_wait3A_3032 = arith.constant 0 : i32
        %dma_wait3A_3033 = tpu.memref_slice %arg12[%dma_wait3A_3025, %dma_wait3A_3032] : memref<16x32xf32, #tpu.memory_space<vmem>> -> memref<1x32xf32, #tpu.memory_space<vmem>>
        %dma_wait3A_3034 = tpu.memref_squeeze %dma_wait3A_3033 : memref<1x32xf32, #tpu.memory_space<vmem>> -> memref<32xf32, #tpu.memory_space<vmem>>
        %dma_wait3A_3035 = arith.constant 0 : i32
        %dma_wait3A_3036 = tpu.memref_slice %arg5[%dma_wait3A_3024, %dma_wait3A_3035] : memref<1000000x32xf32, #tpu.memory_space<hbm>> -> memref<1x32xf32, #tpu.memory_space<hbm>>
        %dma_wait3A_3037 = tpu.memref_squeeze %dma_wait3A_3036 : memref<1x32xf32, #tpu.memory_space<hbm>> -> memref<32xf32, #tpu.memory_space<hbm>>
        tpu.wait_dma2 semaphore(%arg17 : memref<!tpu.dma_semaphore, #tpu.memory_space<semaphore_mem>>) src(%dma_wait3A_3037 : memref<32xf32, #tpu.memory_space<hbm>>) dst(%dma_wait3A_3034 : memref<32xf32, #tpu.memory_space<vmem>>)
        %dma_wait3A_3038 = arith.constant 0 : i32
        %dma_wait3A_3039 = arith.constant 9 : i32
        %dma_wait3A_3040 = arith.constant 0 : i32
        %dma_wait3A_3041 = tpu.memref_slice %arg10[%dma_wait3A_3039, %dma_wait3A_3040] : memref<16x32xf32, #tpu.memory_space<vmem>> -> memref<1x32xf32, #tpu.memory_space<vmem>>
        %dma_wait3A_3042 = tpu.memref_squeeze %dma_wait3A_3041 : memref<1x32xf32, #tpu.memory_space<vmem>> -> memref<32xf32, #tpu.memory_space<vmem>>
        %dma_wait3A_3043 = arith.constant 0 : i32
        %dma_wait3A_3044 = tpu.memref_slice %arg4[%dma_wait3A_3038, %dma_wait3A_3043] : memref<1000000x32xf32, #tpu.memory_space<hbm>> -> memref<1x32xf32, #tpu.memory_space<hbm>>
        %dma_wait3A_3045 = tpu.memref_squeeze %dma_wait3A_3044 : memref<1x32xf32, #tpu.memory_space<hbm>> -> memref<32xf32, #tpu.memory_space<hbm>>
        %dma_wait3A_3046 = arith.constant 0 : i32
        %dma_wait3A_3047 = tpu.memref_slice %arg10[%dma_wait3A_3039, %dma_wait3A_3046] : memref<16x32xf32, #tpu.memory_space<vmem>> -> memref<1x32xf32, #tpu.memory_space<vmem>>
        %dma_wait3A_3048 = tpu.memref_squeeze %dma_wait3A_3047 : memref<1x32xf32, #tpu.memory_space<vmem>> -> memref<32xf32, #tpu.memory_space<vmem>>
        %dma_wait3A_3049 = arith.constant 0 : i32
        %dma_wait3A_3050 = tpu.memref_slice %arg4[%dma_wait3A_3038, %dma_wait3A_3049] : memref<1000000x32xf32, #tpu.memory_space<hbm>> -> memref<1x32xf32, #tpu.memory_space<hbm>>
        %dma_wait3A_3051 = tpu.memref_squeeze %dma_wait3A_3050 : memref<1x32xf32, #tpu.memory_space<hbm>> -> memref<32xf32, #tpu.memory_space<hbm>>
        tpu.wait_dma2 semaphore(%arg15 : memref<!tpu.dma_semaphore, #tpu.memory_space<semaphore_mem>>) src(%dma_wait3A_3051 : memref<32xf32, #tpu.memory_space<hbm>>) dst(%dma_wait3A_3048 : memref<32xf32, #tpu.memory_space<vmem>>)
        %dma_wait3A_3052 = arith.constant 0 : i32
        %dma_wait3A_3053 = arith.constant 9 : i32
        %dma_wait3A_3054 = arith.constant 0 : i32
        %dma_wait3A_3055 = tpu.memref_slice %arg12[%dma_wait3A_3053, %dma_wait3A_3054] : memref<16x32xf32, #tpu.memory_space<vmem>> -> memref<1x32xf32, #tpu.memory_space<vmem>>
        %dma_wait3A_3056 = tpu.memref_squeeze %dma_wait3A_3055 : memref<1x32xf32, #tpu.memory_space<vmem>> -> memref<32xf32, #tpu.memory_space<vmem>>
        %dma_wait3A_3057 = arith.constant 0 : i32
        %dma_wait3A_3058 = tpu.memref_slice %arg5[%dma_wait3A_3052, %dma_wait3A_3057] : memref<1000000x32xf32, #tpu.memory_space<hbm>> -> memref<1x32xf32, #tpu.memory_space<hbm>>
        %dma_wait3A_3059 = tpu.memref_squeeze %dma_wait3A_3058 : memref<1x32xf32, #tpu.memory_space<hbm>> -> memref<32xf32, #tpu.memory_space<hbm>>
        %dma_wait3A_3060 = arith.constant 0 : i32
        %dma_wait3A_3061 = tpu.memref_slice %arg12[%dma_wait3A_3053, %dma_wait3A_3060] : memref<16x32xf32, #tpu.memory_space<vmem>> -> memref<1x32xf32, #tpu.memory_space<vmem>>
        %dma_wait3A_3062 = tpu.memref_squeeze %dma_wait3A_3061 : memref<1x32xf32, #tpu.memory_space<vmem>> -> memref<32xf32, #tpu.memory_space<vmem>>
        %dma_wait3A_3063 = arith.constant 0 : i32
        %dma_wait3A_3064 = tpu.memref_slice %arg5[%dma_wait3A_3052, %dma_wait3A_3063] : memref<1000000x32xf32, #tpu.memory_space<hbm>> -> memref<1x32xf32, #tpu.memory_space<hbm>>
        %dma_wait3A_3065 = tpu.memref_squeeze %dma_wait3A_3064 : memref<1x32xf32, #tpu.memory_space<hbm>> -> memref<32xf32, #tpu.memory_space<hbm>>
        tpu.wait_dma2 semaphore(%arg17 : memref<!tpu.dma_semaphore, #tpu.memory_space<semaphore_mem>>) src(%dma_wait3A_3065 : memref<32xf32, #tpu.memory_space<hbm>>) dst(%dma_wait3A_3062 : memref<32xf32, #tpu.memory_space<vmem>>)
        %dma_wait3A_3066 = arith.constant 0 : i32
        %dma_wait3A_3067 = arith.constant 10 : i32
        %dma_wait3A_3068 = arith.constant 0 : i32
        %dma_wait3A_3069 = tpu.memref_slice %arg10[%dma_wait3A_3067, %dma_wait3A_3068] : memref<16x32xf32, #tpu.memory_space<vmem>> -> memref<1x32xf32, #tpu.memory_space<vmem>>
        %dma_wait3A_3070 = tpu.memref_squeeze %dma_wait3A_3069 : memref<1x32xf32, #tpu.memory_space<vmem>> -> memref<32xf32, #tpu.memory_space<vmem>>
        %dma_wait3A_3071 = arith.constant 0 : i32
        %dma_wait3A_3072 = tpu.memref_slice %arg4[%dma_wait3A_3066, %dma_wait3A_3071] : memref<1000000x32xf32, #tpu.memory_space<hbm>> -> memref<1x32xf32, #tpu.memory_space<hbm>>
        %dma_wait3A_3073 = tpu.memref_squeeze %dma_wait3A_3072 : memref<1x32xf32, #tpu.memory_space<hbm>> -> memref<32xf32, #tpu.memory_space<hbm>>
        %dma_wait3A_3074 = arith.constant 0 : i32
        %dma_wait3A_3075 = tpu.memref_slice %arg10[%dma_wait3A_3067, %dma_wait3A_3074] : memref<16x32xf32, #tpu.memory_space<vmem>> -> memref<1x32xf32, #tpu.memory_space<vmem>>
        %dma_wait3A_3076 = tpu.memref_squeeze %dma_wait3A_3075 : memref<1x32xf32, #tpu.memory_space<vmem>> -> memref<32xf32, #tpu.memory_space<vmem>>
        %dma_wait3A_3077 = arith.constant 0 : i32
        %dma_wait3A_3078 = tpu.memref_slice %arg4[%dma_wait3A_3066, %dma_wait3A_3077] : memref<1000000x32xf32, #tpu.memory_space<hbm>> -> memref<1x32xf32, #tpu.memory_space<hbm>>
        %dma_wait3A_3079 = tpu.memref_squeeze %dma_wait3A_3078 : memref<1x32xf32, #tpu.memory_space<hbm>> -> memref<32xf32, #tpu.memory_space<hbm>>
        tpu.wait_dma2 semaphore(%arg15 : memref<!tpu.dma_semaphore, #tpu.memory_space<semaphore_mem>>) src(%dma_wait3A_3079 : memref<32xf32, #tpu.memory_space<hbm>>) dst(%dma_wait3A_3076 : memref<32xf32, #tpu.memory_space<vmem>>)
        %dma_wait3A_3080 = arith.constant 0 : i32
        %dma_wait3A_3081 = arith.constant 10 : i32
        %dma_wait3A_3082 = arith.constant 0 : i32
        %dma_wait3A_3083 = tpu.memref_slice %arg12[%dma_wait3A_3081, %dma_wait3A_3082] : memref<16x32xf32, #tpu.memory_space<vmem>> -> memref<1x32xf32, #tpu.memory_space<vmem>>
        %dma_wait3A_3084 = tpu.memref_squeeze %dma_wait3A_3083 : memref<1x32xf32, #tpu.memory_space<vmem>> -> memref<32xf32, #tpu.memory_space<vmem>>
        %dma_wait3A_3085 = arith.constant 0 : i32
        %dma_wait3A_3086 = tpu.memref_slice %arg5[%dma_wait3A_3080, %dma_wait3A_3085] : memref<1000000x32xf32, #tpu.memory_space<hbm>> -> memref<1x32xf32, #tpu.memory_space<hbm>>
        %dma_wait3A_3087 = tpu.memref_squeeze %dma_wait3A_3086 : memref<1x32xf32, #tpu.memory_space<hbm>> -> memref<32xf32, #tpu.memory_space<hbm>>
        %dma_wait3A_3088 = arith.constant 0 : i32
        %dma_wait3A_3089 = tpu.memref_slice %arg12[%dma_wait3A_3081, %dma_wait3A_3088] : memref<16x32xf32, #tpu.memory_space<vmem>> -> memref<1x32xf32, #tpu.memory_space<vmem>>
        %dma_wait3A_3090 = tpu.memref_squeeze %dma_wait3A_3089 : memref<1x32xf32, #tpu.memory_space<vmem>> -> memref<32xf32, #tpu.memory_space<vmem>>
        %dma_wait3A_3091 = arith.constant 0 : i32
        %dma_wait3A_3092 = tpu.memref_slice %arg5[%dma_wait3A_3080, %dma_wait3A_3091] : memref<1000000x32xf32, #tpu.memory_space<hbm>> -> memref<1x32xf32, #tpu.memory_space<hbm>>
        %dma_wait3A_3093 = tpu.memref_squeeze %dma_wait3A_3092 : memref<1x32xf32, #tpu.memory_space<hbm>> -> memref<32xf32, #tpu.memory_space<hbm>>
        tpu.wait_dma2 semaphore(%arg17 : memref<!tpu.dma_semaphore, #tpu.memory_space<semaphore_mem>>) src(%dma_wait3A_3093 : memref<32xf32, #tpu.memory_space<hbm>>) dst(%dma_wait3A_3090 : memref<32xf32, #tpu.memory_space<vmem>>)
        %dma_wait3A_3094 = arith.constant 0 : i32
        %dma_wait3A_3095 = arith.constant 11 : i32
        %dma_wait3A_3096 = arith.constant 0 : i32
        %dma_wait3A_3097 = tpu.memref_slice %arg10[%dma_wait3A_3095, %dma_wait3A_3096] : memref<16x32xf32, #tpu.memory_space<vmem>> -> memref<1x32xf32, #tpu.memory_space<vmem>>
        %dma_wait3A_3098 = tpu.memref_squeeze %dma_wait3A_3097 : memref<1x32xf32, #tpu.memory_space<vmem>> -> memref<32xf32, #tpu.memory_space<vmem>>
        %dma_wait3A_3099 = arith.constant 0 : i32
        %dma_wait3A_3100 = tpu.memref_slice %arg4[%dma_wait3A_3094, %dma_wait3A_3099] : memref<1000000x32xf32, #tpu.memory_space<hbm>> -> memref<1x32xf32, #tpu.memory_space<hbm>>
        %dma_wait3A_3101 = tpu.memref_squeeze %dma_wait3A_3100 : memref<1x32xf32, #tpu.memory_space<hbm>> -> memref<32xf32, #tpu.memory_space<hbm>>
        %dma_wait3A_3102 = arith.constant 0 : i32
        %dma_wait3A_3103 = tpu.memref_slice %arg10[%dma_wait3A_3095, %dma_wait3A_3102] : memref<16x32xf32, #tpu.memory_space<vmem>> -> memref<1x32xf32, #tpu.memory_space<vmem>>
        %dma_wait3A_3104 = tpu.memref_squeeze %dma_wait3A_3103 : memref<1x32xf32, #tpu.memory_space<vmem>> -> memref<32xf32, #tpu.memory_space<vmem>>
        %dma_wait3A_3105 = arith.constant 0 : i32
        %dma_wait3A_3106 = tpu.memref_slice %arg4[%dma_wait3A_3094, %dma_wait3A_3105] : memref<1000000x32xf32, #tpu.memory_space<hbm>> -> memref<1x32xf32, #tpu.memory_space<hbm>>
        %dma_wait3A_3107 = tpu.memref_squeeze %dma_wait3A_3106 : memref<1x32xf32, #tpu.memory_space<hbm>> -> memref<32xf32, #tpu.memory_space<hbm>>
        tpu.wait_dma2 semaphore(%arg15 : memref<!tpu.dma_semaphore, #tpu.memory_space<semaphore_mem>>) src(%dma_wait3A_3107 : memref<32xf32, #tpu.memory_space<hbm>>) dst(%dma_wait3A_3104 : memref<32xf32, #tpu.memory_space<vmem>>)
        %dma_wait3A_3108 = arith.constant 0 : i32
        %dma_wait3A_3109 = arith.constant 11 : i32
        %dma_wait3A_3110 = arith.constant 0 : i32
        %dma_wait3A_3111 = tpu.memref_slice %arg12[%dma_wait3A_3109, %dma_wait3A_3110] : memref<16x32xf32, #tpu.memory_space<vmem>> -> memref<1x32xf32, #tpu.memory_space<vmem>>
        %dma_wait3A_3112 = tpu.memref_squeeze %dma_wait3A_3111 : memref<1x32xf32, #tpu.memory_space<vmem>> -> memref<32xf32, #tpu.memory_space<vmem>>
        %dma_wait3A_3113 = arith.constant 0 : i32
        %dma_wait3A_3114 = tpu.memref_slice %arg5[%dma_wait3A_3108, %dma_wait3A_3113] : memref<1000000x32xf32, #tpu.memory_space<hbm>> -> memref<1x32xf32, #tpu.memory_space<hbm>>
        %dma_wait3A_3115 = tpu.memref_squeeze %dma_wait3A_3114 : memref<1x32xf32, #tpu.memory_space<hbm>> -> memref<32xf32, #tpu.memory_space<hbm>>
        %dma_wait3A_3116 = arith.constant 0 : i32
        %dma_wait3A_3117 = tpu.memref_slice %arg12[%dma_wait3A_3109, %dma_wait3A_3116] : memref<16x32xf32, #tpu.memory_space<vmem>> -> memref<1x32xf32, #tpu.memory_space<vmem>>
        %dma_wait3A_3118 = tpu.memref_squeeze %dma_wait3A_3117 : memref<1x32xf32, #tpu.memory_space<vmem>> -> memref<32xf32, #tpu.memory_space<vmem>>
        %dma_wait3A_3119 = arith.constant 0 : i32
        %dma_wait3A_3120 = tpu.memref_slice %arg5[%dma_wait3A_3108, %dma_wait3A_3119] : memref<1000000x32xf32, #tpu.memory_space<hbm>> -> memref<1x32xf32, #tpu.memory_space<hbm>>
        %dma_wait3A_3121 = tpu.memref_squeeze %dma_wait3A_3120 : memref<1x32xf32, #tpu.memory_space<hbm>> -> memref<32xf32, #tpu.memory_space<hbm>>
        tpu.wait_dma2 semaphore(%arg17 : memref<!tpu.dma_semaphore, #tpu.memory_space<semaphore_mem>>) src(%dma_wait3A_3121 : memref<32xf32, #tpu.memory_space<hbm>>) dst(%dma_wait3A_3118 : memref<32xf32, #tpu.memory_space<vmem>>)
        %dma_wait3A_3122 = arith.constant 0 : i32
        %dma_wait3A_3123 = arith.constant 12 : i32
        %dma_wait3A_3124 = arith.constant 0 : i32
        %dma_wait3A_3125 = tpu.memref_slice %arg10[%dma_wait3A_3123, %dma_wait3A_3124] : memref<16x32xf32, #tpu.memory_space<vmem>> -> memref<1x32xf32, #tpu.memory_space<vmem>>
        %dma_wait3A_3126 = tpu.memref_squeeze %dma_wait3A_3125 : memref<1x32xf32, #tpu.memory_space<vmem>> -> memref<32xf32, #tpu.memory_space<vmem>>
        %dma_wait3A_3127 = arith.constant 0 : i32
        %dma_wait3A_3128 = tpu.memref_slice %arg4[%dma_wait3A_3122, %dma_wait3A_3127] : memref<1000000x32xf32, #tpu.memory_space<hbm>> -> memref<1x32xf32, #tpu.memory_space<hbm>>
        %dma_wait3A_3129 = tpu.memref_squeeze %dma_wait3A_3128 : memref<1x32xf32, #tpu.memory_space<hbm>> -> memref<32xf32, #tpu.memory_space<hbm>>
        %dma_wait3A_3130 = arith.constant 0 : i32
        %dma_wait3A_3131 = tpu.memref_slice %arg10[%dma_wait3A_3123, %dma_wait3A_3130] : memref<16x32xf32, #tpu.memory_space<vmem>> -> memref<1x32xf32, #tpu.memory_space<vmem>>
        %dma_wait3A_3132 = tpu.memref_squeeze %dma_wait3A_3131 : memref<1x32xf32, #tpu.memory_space<vmem>> -> memref<32xf32, #tpu.memory_space<vmem>>
        %dma_wait3A_3133 = arith.constant 0 : i32
        %dma_wait3A_3134 = tpu.memref_slice %arg4[%dma_wait3A_3122, %dma_wait3A_3133] : memref<1000000x32xf32, #tpu.memory_space<hbm>> -> memref<1x32xf32, #tpu.memory_space<hbm>>
        %dma_wait3A_3135 = tpu.memref_squeeze %dma_wait3A_3134 : memref<1x32xf32, #tpu.memory_space<hbm>> -> memref<32xf32, #tpu.memory_space<hbm>>
        tpu.wait_dma2 semaphore(%arg15 : memref<!tpu.dma_semaphore, #tpu.memory_space<semaphore_mem>>) src(%dma_wait3A_3135 : memref<32xf32, #tpu.memory_space<hbm>>) dst(%dma_wait3A_3132 : memref<32xf32, #tpu.memory_space<vmem>>)
        %dma_wait3A_3136 = arith.constant 0 : i32
        %dma_wait3A_3137 = arith.constant 12 : i32
        %dma_wait3A_3138 = arith.constant 0 : i32
        %dma_wait3A_3139 = tpu.memref_slice %arg12[%dma_wait3A_3137, %dma_wait3A_3138] : memref<16x32xf32, #tpu.memory_space<vmem>> -> memref<1x32xf32, #tpu.memory_space<vmem>>
        %dma_wait3A_3140 = tpu.memref_squeeze %dma_wait3A_3139 : memref<1x32xf32, #tpu.memory_space<vmem>> -> memref<32xf32, #tpu.memory_space<vmem>>
        %dma_wait3A_3141 = arith.constant 0 : i32
        %dma_wait3A_3142 = tpu.memref_slice %arg5[%dma_wait3A_3136, %dma_wait3A_3141] : memref<1000000x32xf32, #tpu.memory_space<hbm>> -> memref<1x32xf32, #tpu.memory_space<hbm>>
        %dma_wait3A_3143 = tpu.memref_squeeze %dma_wait3A_3142 : memref<1x32xf32, #tpu.memory_space<hbm>> -> memref<32xf32, #tpu.memory_space<hbm>>
        %dma_wait3A_3144 = arith.constant 0 : i32
        %dma_wait3A_3145 = tpu.memref_slice %arg12[%dma_wait3A_3137, %dma_wait3A_3144] : memref<16x32xf32, #tpu.memory_space<vmem>> -> memref<1x32xf32, #tpu.memory_space<vmem>>
        %dma_wait3A_3146 = tpu.memref_squeeze %dma_wait3A_3145 : memref<1x32xf32, #tpu.memory_space<vmem>> -> memref<32xf32, #tpu.memory_space<vmem>>
        %dma_wait3A_3147 = arith.constant 0 : i32
        %dma_wait3A_3148 = tpu.memref_slice %arg5[%dma_wait3A_3136, %dma_wait3A_3147] : memref<1000000x32xf32, #tpu.memory_space<hbm>> -> memref<1x32xf32, #tpu.memory_space<hbm>>
        %dma_wait3A_3149 = tpu.memref_squeeze %dma_wait3A_3148 : memref<1x32xf32, #tpu.memory_space<hbm>> -> memref<32xf32, #tpu.memory_space<hbm>>
        tpu.wait_dma2 semaphore(%arg17 : memref<!tpu.dma_semaphore, #tpu.memory_space<semaphore_mem>>) src(%dma_wait3A_3149 : memref<32xf32, #tpu.memory_space<hbm>>) dst(%dma_wait3A_3146 : memref<32xf32, #tpu.memory_space<vmem>>)
        %dma_wait3A_3150 = arith.constant 0 : i32
        %dma_wait3A_3151 = arith.constant 13 : i32
        %dma_wait3A_3152 = arith.constant 0 : i32
        %dma_wait3A_3153 = tpu.memref_slice %arg10[%dma_wait3A_3151, %dma_wait3A_3152] : memref<16x32xf32, #tpu.memory_space<vmem>> -> memref<1x32xf32, #tpu.memory_space<vmem>>
        %dma_wait3A_3154 = tpu.memref_squeeze %dma_wait3A_3153 : memref<1x32xf32, #tpu.memory_space<vmem>> -> memref<32xf32, #tpu.memory_space<vmem>>
        %dma_wait3A_3155 = arith.constant 0 : i32
        %dma_wait3A_3156 = tpu.memref_slice %arg4[%dma_wait3A_3150, %dma_wait3A_3155] : memref<1000000x32xf32, #tpu.memory_space<hbm>> -> memref<1x32xf32, #tpu.memory_space<hbm>>
        %dma_wait3A_3157 = tpu.memref_squeeze %dma_wait3A_3156 : memref<1x32xf32, #tpu.memory_space<hbm>> -> memref<32xf32, #tpu.memory_space<hbm>>
        %dma_wait3A_3158 = arith.constant 0 : i32
        %dma_wait3A_3159 = tpu.memref_slice %arg10[%dma_wait3A_3151, %dma_wait3A_3158] : memref<16x32xf32, #tpu.memory_space<vmem>> -> memref<1x32xf32, #tpu.memory_space<vmem>>
        %dma_wait3A_3160 = tpu.memref_squeeze %dma_wait3A_3159 : memref<1x32xf32, #tpu.memory_space<vmem>> -> memref<32xf32, #tpu.memory_space<vmem>>
        %dma_wait3A_3161 = arith.constant 0 : i32
        %dma_wait3A_3162 = tpu.memref_slice %arg4[%dma_wait3A_3150, %dma_wait3A_3161] : memref<1000000x32xf32, #tpu.memory_space<hbm>> -> memref<1x32xf32, #tpu.memory_space<hbm>>
        %dma_wait3A_3163 = tpu.memref_squeeze %dma_wait3A_3162 : memref<1x32xf32, #tpu.memory_space<hbm>> -> memref<32xf32, #tpu.memory_space<hbm>>
        tpu.wait_dma2 semaphore(%arg15 : memref<!tpu.dma_semaphore, #tpu.memory_space<semaphore_mem>>) src(%dma_wait3A_3163 : memref<32xf32, #tpu.memory_space<hbm>>) dst(%dma_wait3A_3160 : memref<32xf32, #tpu.memory_space<vmem>>)
        %dma_wait3A_3164 = arith.constant 0 : i32
        %dma_wait3A_3165 = arith.constant 13 : i32
        %dma_wait3A_3166 = arith.constant 0 : i32
        %dma_wait3A_3167 = tpu.memref_slice %arg12[%dma_wait3A_3165, %dma_wait3A_3166] : memref<16x32xf32, #tpu.memory_space<vmem>> -> memref<1x32xf32, #tpu.memory_space<vmem>>
        %dma_wait3A_3168 = tpu.memref_squeeze %dma_wait3A_3167 : memref<1x32xf32, #tpu.memory_space<vmem>> -> memref<32xf32, #tpu.memory_space<vmem>>
        %dma_wait3A_3169 = arith.constant 0 : i32
        %dma_wait3A_3170 = tpu.memref_slice %arg5[%dma_wait3A_3164, %dma_wait3A_3169] : memref<1000000x32xf32, #tpu.memory_space<hbm>> -> memref<1x32xf32, #tpu.memory_space<hbm>>
        %dma_wait3A_3171 = tpu.memref_squeeze %dma_wait3A_3170 : memref<1x32xf32, #tpu.memory_space<hbm>> -> memref<32xf32, #tpu.memory_space<hbm>>
        %dma_wait3A_3172 = arith.constant 0 : i32
        %dma_wait3A_3173 = tpu.memref_slice %arg12[%dma_wait3A_3165, %dma_wait3A_3172] : memref<16x32xf32, #tpu.memory_space<vmem>> -> memref<1x32xf32, #tpu.memory_space<vmem>>
        %dma_wait3A_3174 = tpu.memref_squeeze %dma_wait3A_3173 : memref<1x32xf32, #tpu.memory_space<vmem>> -> memref<32xf32, #tpu.memory_space<vmem>>
        %dma_wait3A_3175 = arith.constant 0 : i32
        %dma_wait3A_3176 = tpu.memref_slice %arg5[%dma_wait3A_3164, %dma_wait3A_3175] : memref<1000000x32xf32, #tpu.memory_space<hbm>> -> memref<1x32xf32, #tpu.memory_space<hbm>>
        %dma_wait3A_3177 = tpu.memref_squeeze %dma_wait3A_3176 : memref<1x32xf32, #tpu.memory_space<hbm>> -> memref<32xf32, #tpu.memory_space<hbm>>
        tpu.wait_dma2 semaphore(%arg17 : memref<!tpu.dma_semaphore, #tpu.memory_space<semaphore_mem>>) src(%dma_wait3A_3177 : memref<32xf32, #tpu.memory_space<hbm>>) dst(%dma_wait3A_3174 : memref<32xf32, #tpu.memory_space<vmem>>)
        %dma_wait3A_3178 = arith.constant 0 : i32
        %dma_wait3A_3179 = arith.constant 14 : i32
        %dma_wait3A_3180 = arith.constant 0 : i32
        %dma_wait3A_3181 = tpu.memref_slice %arg10[%dma_wait3A_3179, %dma_wait3A_3180] : memref<16x32xf32, #tpu.memory_space<vmem>> -> memref<1x32xf32, #tpu.memory_space<vmem>>
        %dma_wait3A_3182 = tpu.memref_squeeze %dma_wait3A_3181 : memref<1x32xf32, #tpu.memory_space<vmem>> -> memref<32xf32, #tpu.memory_space<vmem>>
        %dma_wait3A_3183 = arith.constant 0 : i32
        %dma_wait3A_3184 = tpu.memref_slice %arg4[%dma_wait3A_3178, %dma_wait3A_3183] : memref<1000000x32xf32, #tpu.memory_space<hbm>> -> memref<1x32xf32, #tpu.memory_space<hbm>>
        %dma_wait3A_3185 = tpu.memref_squeeze %dma_wait3A_3184 : memref<1x32xf32, #tpu.memory_space<hbm>> -> memref<32xf32, #tpu.memory_space<hbm>>
        %dma_wait3A_3186 = arith.constant 0 : i32
        %dma_wait3A_3187 = tpu.memref_slice %arg10[%dma_wait3A_3179, %dma_wait3A_3186] : memref<16x32xf32, #tpu.memory_space<vmem>> -> memref<1x32xf32, #tpu.memory_space<vmem>>
        %dma_wait3A_3188 = tpu.memref_squeeze %dma_wait3A_3187 : memref<1x32xf32, #tpu.memory_space<vmem>> -> memref<32xf32, #tpu.memory_space<vmem>>
        %dma_wait3A_3189 = arith.constant 0 : i32
        %dma_wait3A_3190 = tpu.memref_slice %arg4[%dma_wait3A_3178, %dma_wait3A_3189] : memref<1000000x32xf32, #tpu.memory_space<hbm>> -> memref<1x32xf32, #tpu.memory_space<hbm>>
        %dma_wait3A_3191 = tpu.memref_squeeze %dma_wait3A_3190 : memref<1x32xf32, #tpu.memory_space<hbm>> -> memref<32xf32, #tpu.memory_space<hbm>>
        tpu.wait_dma2 semaphore(%arg15 : memref<!tpu.dma_semaphore, #tpu.memory_space<semaphore_mem>>) src(%dma_wait3A_3191 : memref<32xf32, #tpu.memory_space<hbm>>) dst(%dma_wait3A_3188 : memref<32xf32, #tpu.memory_space<vmem>>)
        %dma_wait3A_3192 = arith.constant 0 : i32
        %dma_wait3A_3193 = arith.constant 14 : i32
        %dma_wait3A_3194 = arith.constant 0 : i32
        %dma_wait3A_3195 = tpu.memref_slice %arg12[%dma_wait3A_3193, %dma_wait3A_3194] : memref<16x32xf32, #tpu.memory_space<vmem>> -> memref<1x32xf32, #tpu.memory_space<vmem>>
        %dma_wait3A_3196 = tpu.memref_squeeze %dma_wait3A_3195 : memref<1x32xf32, #tpu.memory_space<vmem>> -> memref<32xf32, #tpu.memory_space<vmem>>
        %dma_wait3A_3197 = arith.constant 0 : i32
        %dma_wait3A_3198 = tpu.memref_slice %arg5[%dma_wait3A_3192, %dma_wait3A_3197] : memref<1000000x32xf32, #tpu.memory_space<hbm>> -> memref<1x32xf32, #tpu.memory_space<hbm>>
        %dma_wait3A_3199 = tpu.memref_squeeze %dma_wait3A_3198 : memref<1x32xf32, #tpu.memory_space<hbm>> -> memref<32xf32, #tpu.memory_space<hbm>>
        %dma_wait3A_3200 = arith.constant 0 : i32
        %dma_wait3A_3201 = tpu.memref_slice %arg12[%dma_wait3A_3193, %dma_wait3A_3200] : memref<16x32xf32, #tpu.memory_space<vmem>> -> memref<1x32xf32, #tpu.memory_space<vmem>>
        %dma_wait3A_3202 = tpu.memref_squeeze %dma_wait3A_3201 : memref<1x32xf32, #tpu.memory_space<vmem>> -> memref<32xf32, #tpu.memory_space<vmem>>
        %dma_wait3A_3203 = arith.constant 0 : i32
        %dma_wait3A_3204 = tpu.memref_slice %arg5[%dma_wait3A_3192, %dma_wait3A_3203] : memref<1000000x32xf32, #tpu.memory_space<hbm>> -> memref<1x32xf32, #tpu.memory_space<hbm>>
        %dma_wait3A_3205 = tpu.memref_squeeze %dma_wait3A_3204 : memref<1x32xf32, #tpu.memory_space<hbm>> -> memref<32xf32, #tpu.memory_space<hbm>>
        tpu.wait_dma2 semaphore(%arg17 : memref<!tpu.dma_semaphore, #tpu.memory_space<semaphore_mem>>) src(%dma_wait3A_3205 : memref<32xf32, #tpu.memory_space<hbm>>) dst(%dma_wait3A_3202 : memref<32xf32, #tpu.memory_space<vmem>>)
        %dma_wait3A_3206 = arith.constant 0 : i32
        %dma_wait3A_3207 = arith.constant 15 : i32
        %dma_wait3A_3208 = arith.constant 0 : i32
        %dma_wait3A_3209 = tpu.memref_slice %arg10[%dma_wait3A_3207, %dma_wait3A_3208] : memref<16x32xf32, #tpu.memory_space<vmem>> -> memref<1x32xf32, #tpu.memory_space<vmem>>
        %dma_wait3A_3210 = tpu.memref_squeeze %dma_wait3A_3209 : memref<1x32xf32, #tpu.memory_space<vmem>> -> memref<32xf32, #tpu.memory_space<vmem>>
        %dma_wait3A_3211 = arith.constant 0 : i32
        %dma_wait3A_3212 = tpu.memref_slice %arg4[%dma_wait3A_3206, %dma_wait3A_3211] : memref<1000000x32xf32, #tpu.memory_space<hbm>> -> memref<1x32xf32, #tpu.memory_space<hbm>>
        %dma_wait3A_3213 = tpu.memref_squeeze %dma_wait3A_3212 : memref<1x32xf32, #tpu.memory_space<hbm>> -> memref<32xf32, #tpu.memory_space<hbm>>
        %dma_wait3A_3214 = arith.constant 0 : i32
        %dma_wait3A_3215 = tpu.memref_slice %arg10[%dma_wait3A_3207, %dma_wait3A_3214] : memref<16x32xf32, #tpu.memory_space<vmem>> -> memref<1x32xf32, #tpu.memory_space<vmem>>
        %dma_wait3A_3216 = tpu.memref_squeeze %dma_wait3A_3215 : memref<1x32xf32, #tpu.memory_space<vmem>> -> memref<32xf32, #tpu.memory_space<vmem>>
        %dma_wait3A_3217 = arith.constant 0 : i32
        %dma_wait3A_3218 = tpu.memref_slice %arg4[%dma_wait3A_3206, %dma_wait3A_3217] : memref<1000000x32xf32, #tpu.memory_space<hbm>> -> memref<1x32xf32, #tpu.memory_space<hbm>>
        %dma_wait3A_3219 = tpu.memref_squeeze %dma_wait3A_3218 : memref<1x32xf32, #tpu.memory_space<hbm>> -> memref<32xf32, #tpu.memory_space<hbm>>
        tpu.wait_dma2 semaphore(%arg15 : memref<!tpu.dma_semaphore, #tpu.memory_space<semaphore_mem>>) src(%dma_wait3A_3219 : memref<32xf32, #tpu.memory_space<hbm>>) dst(%dma_wait3A_3216 : memref<32xf32, #tpu.memory_space<vmem>>)
        %dma_wait3A_3220 = arith.constant 0 : i32
        %dma_wait3A_3221 = arith.constant 15 : i32
        %dma_wait3A_3222 = arith.constant 0 : i32
        %dma_wait3A_3223 = tpu.memref_slice %arg12[%dma_wait3A_3221, %dma_wait3A_3222] : memref<16x32xf32, #tpu.memory_space<vmem>> -> memref<1x32xf32, #tpu.memory_space<vmem>>
        %dma_wait3A_3224 = tpu.memref_squeeze %dma_wait3A_3223 : memref<1x32xf32, #tpu.memory_space<vmem>> -> memref<32xf32, #tpu.memory_space<vmem>>
        %dma_wait3A_3225 = arith.constant 0 : i32
        %dma_wait3A_3226 = tpu.memref_slice %arg5[%dma_wait3A_3220, %dma_wait3A_3225] : memref<1000000x32xf32, #tpu.memory_space<hbm>> -> memref<1x32xf32, #tpu.memory_space<hbm>>
        %dma_wait3A_3227 = tpu.memref_squeeze %dma_wait3A_3226 : memref<1x32xf32, #tpu.memory_space<hbm>> -> memref<32xf32, #tpu.memory_space<hbm>>
        %dma_wait3A_3228 = arith.constant 0 : i32
        %dma_wait3A_3229 = tpu.memref_slice %arg12[%dma_wait3A_3221, %dma_wait3A_3228] : memref<16x32xf32, #tpu.memory_space<vmem>> -> memref<1x32xf32, #tpu.memory_space<vmem>>
        %dma_wait3A_3230 = tpu.memref_squeeze %dma_wait3A_3229 : memref<1x32xf32, #tpu.memory_space<vmem>> -> memref<32xf32, #tpu.memory_space<vmem>>
        %dma_wait3A_3231 = arith.constant 0 : i32
        %dma_wait3A_3232 = tpu.memref_slice %arg5[%dma_wait3A_3220, %dma_wait3A_3231] : memref<1000000x32xf32, #tpu.memory_space<hbm>> -> memref<1x32xf32, #tpu.memory_space<hbm>>
        %dma_wait3A_3233 = tpu.memref_squeeze %dma_wait3A_3232 : memref<1x32xf32, #tpu.memory_space<hbm>> -> memref<32xf32, #tpu.memory_space<hbm>>
        tpu.wait_dma2 semaphore(%arg17 : memref<!tpu.dma_semaphore, #tpu.memory_space<semaphore_mem>>) src(%dma_wait3A_3233 : memref<32xf32, #tpu.memory_space<hbm>>) dst(%dma_wait3A_3230 : memref<32xf32, #tpu.memory_space<vmem>>)
        %broadcast_in_dim3A_3234 = arith.constant 0.000000e+00 : f32
        %broadcast_in_dim3A_3235 = vector.broadcast %broadcast_in_dim3A_3234 : f32 to vector<16xf32>
        %get3A_3236 = arith.constant 0 : i32
        %get3A_3237 = arith.index_cast %get3A_3236 : i32 to index
        %get3A_3238 = arith.constant 0 : index
        %get3A_3239 = tpu.vector_load %arg10[%get3A_3237, %get3A_3238] {strides = array<i32>} : memref<16x32xf32, #tpu.memory_space<vmem>>, vector<16xf32>,
        %get3A_3240 = arith.constant 0 : i32
        %get3A_3241 = arith.index_cast %get3A_3240 : i32 to index
        %get3A_3242 = arith.constant 16 : index
        %get3A_3243 = tpu.vector_load %arg10[%get3A_3241, %get3A_3242] {strides = array<i32>} : memref<16x32xf32, #tpu.memory_space<vmem>>, vector<16xf32>,
        %get3A_3244 = arith.constant 0 : i32
        %get3A_3245 = arith.index_cast %get3A_3244 : i32 to index
        %get3A_3246 = arith.constant 0 : index
        %get3A_3247 = tpu.vector_load %arg12[%get3A_3245, %get3A_3246] {strides = array<i32>} : memref<16x32xf32, #tpu.memory_space<vmem>>, vector<16xf32>,
        %get3A_3248 = arith.constant 0 : i32
        %get3A_3249 = arith.index_cast %get3A_3248 : i32 to index
        %get3A_3250 = arith.constant 16 : index
        %get3A_3251 = tpu.vector_load %arg12[%get3A_3249, %get3A_3250] {strides = array<i32>} : memref<16x32xf32, #tpu.memory_space<vmem>>, vector<16xf32>,
        %mul3A_3252 = arith.mulf %get3A_3239, %get3A_3247 : vector<16xf32>
        %mul3A_3253 = arith.mulf %get3A_3243, %get3A_3251 : vector<16xf32>
        %add3A_3254 = arith.addf %mul3A_3252, %mul3A_3253 : vector<16xf32>
        %reduce_sum3A_3255 = arith.constant true
        %reduce_sum3A_3256 = vector.broadcast %reduce_sum3A_3255 : i1 to vector<16xi1>
        %reduce_sum3A_3257 = tpu.scan <sum>, %add3A_3254 masked %reduce_sum3A_3256 : vector<16xf32>, vector<16xi1> -> vector<16xf32>
        %reduce_sum3A_3258 = vector.extract %reduce_sum3A_3257[15] : f32 from vector<16xf32>
        %eq3A_3259 = arith.constant 0 : i32
        %eq3A_3260 = vector.broadcast %eq3A_3259 : i32 to vector<16xi32>
        %eq3A_3261 = arith.cmpi eq, %iota3A, %eq3A_3260 : vector<16xi32>
        %broadcast_in_dim3A_3262 = vector.broadcast %reduce_sum3A_3258 : f32 to vector<16xf32>
        %select_n3A_3263 = arith.select %eq3A_3261, %broadcast_in_dim3A_3262, %broadcast_in_dim3A_3235 : vector<16xi1>, vector<16xf32>
        %get3A_3264 = arith.constant 1 : i32
        %get3A_3265 = arith.index_cast %get3A_3264 : i32 to index
        %get3A_3266 = arith.constant 0 : index
        %get3A_3267 = tpu.vector_load %arg10[%get3A_3265, %get3A_3266] {strides = array<i32>} : memref<16x32xf32, #tpu.memory_space<vmem>>, vector<16xf32>,
        %get3A_3268 = arith.constant 1 : i32
        %get3A_3269 = arith.index_cast %get3A_3268 : i32 to index
        %get3A_3270 = arith.constant 16 : index
        %get3A_3271 = tpu.vector_load %arg10[%get3A_3269, %get3A_3270] {strides = array<i32>} : memref<16x32xf32, #tpu.memory_space<vmem>>, vector<16xf32>,
        %get3A_3272 = arith.constant 1 : i32
        %get3A_3273 = arith.index_cast %get3A_3272 : i32 to index
        %get3A_3274 = arith.constant 0 : index
        %get3A_3275 = tpu.vector_load %arg12[%get3A_3273, %get3A_3274] {strides = array<i32>} : memref<16x32xf32, #tpu.memory_space<vmem>>, vector<16xf32>,
        %get3A_3276 = arith.constant 1 : i32
        %get3A_3277 = arith.index_cast %get3A_3276 : i32 to index
        %get3A_3278 = arith.constant 16 : index
        %get3A_3279 = tpu.vector_load %arg12[%get3A_3277, %get3A_3278] {strides = array<i32>} : memref<16x32xf32, #tpu.memory_space<vmem>>, vector<16xf32>,
        %mul3A_3280 = arith.mulf %get3A_3267, %get3A_3275 : vector<16xf32>
        %mul3A_3281 = arith.mulf %get3A_3271, %get3A_3279 : vector<16xf32>
        %add3A_3282 = arith.addf %mul3A_3280, %mul3A_3281 : vector<16xf32>
        %reduce_sum3A_3283 = arith.constant true
        %reduce_sum3A_3284 = vector.broadcast %reduce_sum3A_3283 : i1 to vector<16xi1>
        %reduce_sum3A_3285 = tpu.scan <sum>, %add3A_3282 masked %reduce_sum3A_3284 : vector<16xf32>, vector<16xi1> -> vector<16xf32>
        %reduce_sum3A_3286 = vector.extract %reduce_sum3A_3285[15] : f32 from vector<16xf32>
        %eq3A_3287 = arith.constant 1 : i32
        %eq3A_3288 = vector.broadcast %eq3A_3287 : i32 to vector<16xi32>
        %eq3A_3289 = arith.cmpi eq, %iota3A, %eq3A_3288 : vector<16xi32>
        %broadcast_in_dim3A_3290 = vector.broadcast %reduce_sum3A_3286 : f32 to vector<16xf32>
        %select_n3A_3291 = arith.select %eq3A_3289, %broadcast_in_dim3A_3290, %select_n3A_3263 : vector<16xi1>, vector<16xf32>
        %get3A_3292 = arith.constant 2 : i32
        %get3A_3293 = arith.index_cast %get3A_3292 : i32 to index
        %get3A_3294 = arith.constant 0 : index
        %get3A_3295 = tpu.vector_load %arg10[%get3A_3293, %get3A_3294] {strides = array<i32>} : memref<16x32xf32, #tpu.memory_space<vmem>>, vector<16xf32>,
        %get3A_3296 = arith.constant 2 : i32
        %get3A_3297 = arith.index_cast %get3A_3296 : i32 to index
        %get3A_3298 = arith.constant 16 : index
        %get3A_3299 = tpu.vector_load %arg10[%get3A_3297, %get3A_3298] {strides = array<i32>} : memref<16x32xf32, #tpu.memory_space<vmem>>, vector<16xf32>,
        %get3A_3300 = arith.constant 2 : i32
        %get3A_3301 = arith.index_cast %get3A_3300 : i32 to index
        %get3A_3302 = arith.constant 0 : index
        %get3A_3303 = tpu.vector_load %arg12[%get3A_3301, %get3A_3302] {strides = array<i32>} : memref<16x32xf32, #tpu.memory_space<vmem>>, vector<16xf32>,
        %get3A_3304 = arith.constant 2 : i32
        %get3A_3305 = arith.index_cast %get3A_3304 : i32 to index
        %get3A_3306 = arith.constant 16 : index
        %get3A_3307 = tpu.vector_load %arg12[%get3A_3305, %get3A_3306] {strides = array<i32>} : memref<16x32xf32, #tpu.memory_space<vmem>>, vector<16xf32>,
        %mul3A_3308 = arith.mulf %get3A_3295, %get3A_3303 : vector<16xf32>
        %mul3A_3309 = arith.mulf %get3A_3299, %get3A_3307 : vector<16xf32>
        %add3A_3310 = arith.addf %mul3A_3308, %mul3A_3309 : vector<16xf32>
        %reduce_sum3A_3311 = arith.constant true
        %reduce_sum3A_3312 = vector.broadcast %reduce_sum3A_3311 : i1 to vector<16xi1>
        %reduce_sum3A_3313 = tpu.scan <sum>, %add3A_3310 masked %reduce_sum3A_3312 : vector<16xf32>, vector<16xi1> -> vector<16xf32>
        %reduce_sum3A_3314 = vector.extract %reduce_sum3A_3313[15] : f32 from vector<16xf32>
        %eq3A_3315 = arith.constant 2 : i32
        %eq3A_3316 = vector.broadcast %eq3A_3315 : i32 to vector<16xi32>
        %eq3A_3317 = arith.cmpi eq, %iota3A, %eq3A_3316 : vector<16xi32>
        %broadcast_in_dim3A_3318 = vector.broadcast %reduce_sum3A_3314 : f32 to vector<16xf32>
        %select_n3A_3319 = arith.select %eq3A_3317, %broadcast_in_dim3A_3318, %select_n3A_3291 : vector<16xi1>, vector<16xf32>
        %get3A_3320 = arith.constant 3 : i32
        %get3A_3321 = arith.index_cast %get3A_3320 : i32 to index
        %get3A_3322 = arith.constant 0 : index
        %get3A_3323 = tpu.vector_load %arg10[%get3A_3321, %get3A_3322] {strides = array<i32>} : memref<16x32xf32, #tpu.memory_space<vmem>>, vector<16xf32>,
        %get3A_3324 = arith.constant 3 : i32
        %get3A_3325 = arith.index_cast %get3A_3324 : i32 to index
        %get3A_3326 = arith.constant 16 : index
        %get3A_3327 = tpu.vector_load %arg10[%get3A_3325, %get3A_3326] {strides = array<i32>} : memref<16x32xf32, #tpu.memory_space<vmem>>, vector<16xf32>,
        %get3A_3328 = arith.constant 3 : i32
        %get3A_3329 = arith.index_cast %get3A_3328 : i32 to index
        %get3A_3330 = arith.constant 0 : index
        %get3A_3331 = tpu.vector_load %arg12[%get3A_3329, %get3A_3330] {strides = array<i32>} : memref<16x32xf32, #tpu.memory_space<vmem>>, vector<16xf32>,
        %get3A_3332 = arith.constant 3 : i32
        %get3A_3333 = arith.index_cast %get3A_3332 : i32 to index
        %get3A_3334 = arith.constant 16 : index
        %get3A_3335 = tpu.vector_load %arg12[%get3A_3333, %get3A_3334] {strides = array<i32>} : memref<16x32xf32, #tpu.memory_space<vmem>>, vector<16xf32>,
        %mul3A_3336 = arith.mulf %get3A_3323, %get3A_3331 : vector<16xf32>
        %mul3A_3337 = arith.mulf %get3A_3327, %get3A_3335 : vector<16xf32>
        %add3A_3338 = arith.addf %mul3A_3336, %mul3A_3337 : vector<16xf32>
        %reduce_sum3A_3339 = arith.constant true
        %reduce_sum3A_3340 = vector.broadcast %reduce_sum3A_3339 : i1 to vector<16xi1>
        %reduce_sum3A_3341 = tpu.scan <sum>, %add3A_3338 masked %reduce_sum3A_3340 : vector<16xf32>, vector<16xi1> -> vector<16xf32>
        %reduce_sum3A_3342 = vector.extract %reduce_sum3A_3341[15] : f32 from vector<16xf32>
        %eq3A_3343 = arith.constant 3 : i32
        %eq3A_3344 = vector.broadcast %eq3A_3343 : i32 to vector<16xi32>
        %eq3A_3345 = arith.cmpi eq, %iota3A, %eq3A_3344 : vector<16xi32>
        %broadcast_in_dim3A_3346 = vector.broadcast %reduce_sum3A_3342 : f32 to vector<16xf32>
        %select_n3A_3347 = arith.select %eq3A_3345, %broadcast_in_dim3A_3346, %select_n3A_3319 : vector<16xi1>, vector<16xf32>
        %get3A_3348 = arith.constant 4 : i32
        %get3A_3349 = arith.index_cast %get3A_3348 : i32 to index
        %get3A_3350 = arith.constant 0 : index
        %get3A_3351 = tpu.vector_load %arg10[%get3A_3349, %get3A_3350] {strides = array<i32>} : memref<16x32xf32, #tpu.memory_space<vmem>>, vector<16xf32>,
        %get3A_3352 = arith.constant 4 : i32
        %get3A_3353 = arith.index_cast %get3A_3352 : i32 to index
        %get3A_3354 = arith.constant 16 : index
        %get3A_3355 = tpu.vector_load %arg10[%get3A_3353, %get3A_3354] {strides = array<i32>} : memref<16x32xf32, #tpu.memory_space<vmem>>, vector<16xf32>,
        %get3A_3356 = arith.constant 4 : i32
        %get3A_3357 = arith.index_cast %get3A_3356 : i32 to index
        %get3A_3358 = arith.constant 0 : index
        %get3A_3359 = tpu.vector_load %arg12[%get3A_3357, %get3A_3358] {strides = array<i32>} : memref<16x32xf32, #tpu.memory_space<vmem>>, vector<16xf32>,
        %get3A_3360 = arith.constant 4 : i32
        %get3A_3361 = arith.index_cast %get3A_3360 : i32 to index
        %get3A_3362 = arith.constant 16 : index
        %get3A_3363 = tpu.vector_load %arg12[%get3A_3361, %get3A_3362] {strides = array<i32>} : memref<16x32xf32, #tpu.memory_space<vmem>>, vector<16xf32>,
        %mul3A_3364 = arith.mulf %get3A_3351, %get3A_3359 : vector<16xf32>
        %mul3A_3365 = arith.mulf %get3A_3355, %get3A_3363 : vector<16xf32>
        %add3A_3366 = arith.addf %mul3A_3364, %mul3A_3365 : vector<16xf32>
        %reduce_sum3A_3367 = arith.constant true
        %reduce_sum3A_3368 = vector.broadcast %reduce_sum3A_3367 : i1 to vector<16xi1>
        %reduce_sum3A_3369 = tpu.scan <sum>, %add3A_3366 masked %reduce_sum3A_3368 : vector<16xf32>, vector<16xi1> -> vector<16xf32>
        %reduce_sum3A_3370 = vector.extract %reduce_sum3A_3369[15] : f32 from vector<16xf32>
        %eq3A_3371 = arith.constant 4 : i32
        %eq3A_3372 = vector.broadcast %eq3A_3371 : i32 to vector<16xi32>
        %eq3A_3373 = arith.cmpi eq, %iota3A, %eq3A_3372 : vector<16xi32>
        %broadcast_in_dim3A_3374 = vector.broadcast %reduce_sum3A_3370 : f32 to vector<16xf32>
        %select_n3A_3375 = arith.select %eq3A_3373, %broadcast_in_dim3A_3374, %select_n3A_3347 : vector<16xi1>, vector<16xf32>
        %get3A_3376 = arith.constant 5 : i32
        %get3A_3377 = arith.index_cast %get3A_3376 : i32 to index
        %get3A_3378 = arith.constant 0 : index
        %get3A_3379 = tpu.vector_load %arg10[%get3A_3377, %get3A_3378] {strides = array<i32>} : memref<16x32xf32, #tpu.memory_space<vmem>>, vector<16xf32>,
        %get3A_3380 = arith.constant 5 : i32
        %get3A_3381 = arith.index_cast %get3A_3380 : i32 to index
        %get3A_3382 = arith.constant 16 : index
        %get3A_3383 = tpu.vector_load %arg10[%get3A_3381, %get3A_3382] {strides = array<i32>} : memref<16x32xf32, #tpu.memory_space<vmem>>, vector<16xf32>,
        %get3A_3384 = arith.constant 5 : i32
        %get3A_3385 = arith.index_cast %get3A_3384 : i32 to index
        %get3A_3386 = arith.constant 0 : index
        %get3A_3387 = tpu.vector_load %arg12[%get3A_3385, %get3A_3386] {strides = array<i32>} : memref<16x32xf32, #tpu.memory_space<vmem>>, vector<16xf32>,
        %get3A_3388 = arith.constant 5 : i32
        %get3A_3389 = arith.index_cast %get3A_3388 : i32 to index
        %get3A_3390 = arith.constant 16 : index
        %get3A_3391 = tpu.vector_load %arg12[%get3A_3389, %get3A_3390] {strides = array<i32>} : memref<16x32xf32, #tpu.memory_space<vmem>>, vector<16xf32>,
        %mul3A_3392 = arith.mulf %get3A_3379, %get3A_3387 : vector<16xf32>
        %mul3A_3393 = arith.mulf %get3A_3383, %get3A_3391 : vector<16xf32>
        %add3A_3394 = arith.addf %mul3A_3392, %mul3A_3393 : vector<16xf32>
        %reduce_sum3A_3395 = arith.constant true
        %reduce_sum3A_3396 = vector.broadcast %reduce_sum3A_3395 : i1 to vector<16xi1>
        %reduce_sum3A_3397 = tpu.scan <sum>, %add3A_3394 masked %reduce_sum3A_3396 : vector<16xf32>, vector<16xi1> -> vector<16xf32>
        %reduce_sum3A_3398 = vector.extract %reduce_sum3A_3397[15] : f32 from vector<16xf32>
        %eq3A_3399 = arith.constant 5 : i32
        %eq3A_3400 = vector.broadcast %eq3A_3399 : i32 to vector<16xi32>
        %eq3A_3401 = arith.cmpi eq, %iota3A, %eq3A_3400 : vector<16xi32>
        %broadcast_in_dim3A_3402 = vector.broadcast %reduce_sum3A_3398 : f32 to vector<16xf32>
        %select_n3A_3403 = arith.select %eq3A_3401, %broadcast_in_dim3A_3402, %select_n3A_3375 : vector<16xi1>, vector<16xf32>
        %get3A_3404 = arith.constant 6 : i32
        %get3A_3405 = arith.index_cast %get3A_3404 : i32 to index
        %get3A_3406 = arith.constant 0 : index
        %get3A_3407 = tpu.vector_load %arg10[%get3A_3405, %get3A_3406] {strides = array<i32>} : memref<16x32xf32, #tpu.memory_space<vmem>>, vector<16xf32>,
        %get3A_3408 = arith.constant 6 : i32
        %get3A_3409 = arith.index_cast %get3A_3408 : i32 to index
        %get3A_3410 = arith.constant 16 : index
        %get3A_3411 = tpu.vector_load %arg10[%get3A_3409, %get3A_3410] {strides = array<i32>} : memref<16x32xf32, #tpu.memory_space<vmem>>, vector<16xf32>,
        %get3A_3412 = arith.constant 6 : i32
        %get3A_3413 = arith.index_cast %get3A_3412 : i32 to index
        %get3A_3414 = arith.constant 0 : index
        %get3A_3415 = tpu.vector_load %arg12[%get3A_3413, %get3A_3414] {strides = array<i32>} : memref<16x32xf32, #tpu.memory_space<vmem>>, vector<16xf32>,
        %get3A_3416 = arith.constant 6 : i32
        %get3A_3417 = arith.index_cast %get3A_3416 : i32 to index
        %get3A_3418 = arith.constant 16 : index
        %get3A_3419 = tpu.vector_load %arg12[%get3A_3417, %get3A_3418] {strides = array<i32>} : memref<16x32xf32, #tpu.memory_space<vmem>>, vector<16xf32>,
        %mul3A_3420 = arith.mulf %get3A_3407, %get3A_3415 : vector<16xf32>
        %mul3A_3421 = arith.mulf %get3A_3411, %get3A_3419 : vector<16xf32>
        %add3A_3422 = arith.addf %mul3A_3420, %mul3A_3421 : vector<16xf32>
        %reduce_sum3A_3423 = arith.constant true
        %reduce_sum3A_3424 = vector.broadcast %reduce_sum3A_3423 : i1 to vector<16xi1>
        %reduce_sum3A_3425 = tpu.scan <sum>, %add3A_3422 masked %reduce_sum3A_3424 : vector<16xf32>, vector<16xi1> -> vector<16xf32>
        %reduce_sum3A_3426 = vector.extract %reduce_sum3A_3425[15] : f32 from vector<16xf32>
        %eq3A_3427 = arith.constant 6 : i32
        %eq3A_3428 = vector.broadcast %eq3A_3427 : i32 to vector<16xi32>
        %eq3A_3429 = arith.cmpi eq, %iota3A, %eq3A_3428 : vector<16xi32>
        %broadcast_in_dim3A_3430 = vector.broadcast %reduce_sum3A_3426 : f32 to vector<16xf32>
        %select_n3A_3431 = arith.select %eq3A_3429, %broadcast_in_dim3A_3430, %select_n3A_3403 : vector<16xi1>, vector<16xf32>
        %get3A_3432 = arith.constant 7 : i32
        %get3A_3433 = arith.index_cast %get3A_3432 : i32 to index
        %get3A_3434 = arith.constant 0 : index
        %get3A_3435 = tpu.vector_load %arg10[%get3A_3433, %get3A_3434] {strides = array<i32>} : memref<16x32xf32, #tpu.memory_space<vmem>>, vector<16xf32>,
        %get3A_3436 = arith.constant 7 : i32
        %get3A_3437 = arith.index_cast %get3A_3436 : i32 to index
        %get3A_3438 = arith.constant 16 : index
        %get3A_3439 = tpu.vector_load %arg10[%get3A_3437, %get3A_3438] {strides = array<i32>} : memref<16x32xf32, #tpu.memory_space<vmem>>, vector<16xf32>,
        %get3A_3440 = arith.constant 7 : i32
        %get3A_3441 = arith.index_cast %get3A_3440 : i32 to index
        %get3A_3442 = arith.constant 0 : index
        %get3A_3443 = tpu.vector_load %arg12[%get3A_3441, %get3A_3442] {strides = array<i32>} : memref<16x32xf32, #tpu.memory_space<vmem>>, vector<16xf32>,
        %get3A_3444 = arith.constant 7 : i32
        %get3A_3445 = arith.index_cast %get3A_3444 : i32 to index
        %get3A_3446 = arith.constant 16 : index
        %get3A_3447 = tpu.vector_load %arg12[%get3A_3445, %get3A_3446] {strides = array<i32>} : memref<16x32xf32, #tpu.memory_space<vmem>>, vector<16xf32>,
        %mul3A_3448 = arith.mulf %get3A_3435, %get3A_3443 : vector<16xf32>
        %mul3A_3449 = arith.mulf %get3A_3439, %get3A_3447 : vector<16xf32>
        %add3A_3450 = arith.addf %mul3A_3448, %mul3A_3449 : vector<16xf32>
        %reduce_sum3A_3451 = arith.constant true
        %reduce_sum3A_3452 = vector.broadcast %reduce_sum3A_3451 : i1 to vector<16xi1>
        %reduce_sum3A_3453 = tpu.scan <sum>, %add3A_3450 masked %reduce_sum3A_3452 : vector<16xf32>, vector<16xi1> -> vector<16xf32>
        %reduce_sum3A_3454 = vector.extract %reduce_sum3A_3453[15] : f32 from vector<16xf32>
        %eq3A_3455 = arith.constant 7 : i32
        %eq3A_3456 = vector.broadcast %eq3A_3455 : i32 to vector<16xi32>
        %eq3A_3457 = arith.cmpi eq, %iota3A, %eq3A_3456 : vector<16xi32>
        %broadcast_in_dim3A_3458 = vector.broadcast %reduce_sum3A_3454 : f32 to vector<16xf32>
        %select_n3A_3459 = arith.select %eq3A_3457, %broadcast_in_dim3A_3458, %select_n3A_3431 : vector<16xi1>, vector<16xf32>
        %get3A_3460 = arith.constant 8 : i32
        %get3A_3461 = arith.index_cast %get3A_3460 : i32 to index
        %get3A_3462 = arith.constant 0 : index
        %get3A_3463 = tpu.vector_load %arg10[%get3A_3461, %get3A_3462] {strides = array<i32>} : memref<16x32xf32, #tpu.memory_space<vmem>>, vector<16xf32>,
        %get3A_3464 = arith.constant 8 : i32
        %get3A_3465 = arith.index_cast %get3A_3464 : i32 to index
        %get3A_3466 = arith.constant 16 : index
        %get3A_3467 = tpu.vector_load %arg10[%get3A_3465, %get3A_3466] {strides = array<i32>} : memref<16x32xf32, #tpu.memory_space<vmem>>, vector<16xf32>,
        %get3A_3468 = arith.constant 8 : i32
        %get3A_3469 = arith.index_cast %get3A_3468 : i32 to index
        %get3A_3470 = arith.constant 0 : index
        %get3A_3471 = tpu.vector_load %arg12[%get3A_3469, %get3A_3470] {strides = array<i32>} : memref<16x32xf32, #tpu.memory_space<vmem>>, vector<16xf32>,
        %get3A_3472 = arith.constant 8 : i32
        %get3A_3473 = arith.index_cast %get3A_3472 : i32 to index
        %get3A_3474 = arith.constant 16 : index
        %get3A_3475 = tpu.vector_load %arg12[%get3A_3473, %get3A_3474] {strides = array<i32>} : memref<16x32xf32, #tpu.memory_space<vmem>>, vector<16xf32>,
        %mul3A_3476 = arith.mulf %get3A_3463, %get3A_3471 : vector<16xf32>
        %mul3A_3477 = arith.mulf %get3A_3467, %get3A_3475 : vector<16xf32>
        %add3A_3478 = arith.addf %mul3A_3476, %mul3A_3477 : vector<16xf32>
        %reduce_sum3A_3479 = arith.constant true
        %reduce_sum3A_3480 = vector.broadcast %reduce_sum3A_3479 : i1 to vector<16xi1>
        %reduce_sum3A_3481 = tpu.scan <sum>, %add3A_3478 masked %reduce_sum3A_3480 : vector<16xf32>, vector<16xi1> -> vector<16xf32>
        %reduce_sum3A_3482 = vector.extract %reduce_sum3A_3481[15] : f32 from vector<16xf32>
        %eq3A_3483 = arith.constant 8 : i32
        %eq3A_3484 = vector.broadcast %eq3A_3483 : i32 to vector<16xi32>
        %eq3A_3485 = arith.cmpi eq, %iota3A, %eq3A_3484 : vector<16xi32>
        %broadcast_in_dim3A_3486 = vector.broadcast %reduce_sum3A_3482 : f32 to vector<16xf32>
        %select_n3A_3487 = arith.select %eq3A_3485, %broadcast_in_dim3A_3486, %select_n3A_3459 : vector<16xi1>, vector<16xf32>
        %get3A_3488 = arith.constant 9 : i32
        %get3A_3489 = arith.index_cast %get3A_3488 : i32 to index
        %get3A_3490 = arith.constant 0 : index
        %get3A_3491 = tpu.vector_load %arg10[%get3A_3489, %get3A_3490] {strides = array<i32>} : memref<16x32xf32, #tpu.memory_space<vmem>>, vector<16xf32>,
        %get3A_3492 = arith.constant 9 : i32
        %get3A_3493 = arith.index_cast %get3A_3492 : i32 to index
        %get3A_3494 = arith.constant 16 : index
        %get3A_3495 = tpu.vector_load %arg10[%get3A_3493, %get3A_3494] {strides = array<i32>} : memref<16x32xf32, #tpu.memory_space<vmem>>, vector<16xf32>,
        %get3A_3496 = arith.constant 9 : i32
        %get3A_3497 = arith.index_cast %get3A_3496 : i32 to index
        %get3A_3498 = arith.constant 0 : index
        %get3A_3499 = tpu.vector_load %arg12[%get3A_3497, %get3A_3498] {strides = array<i32>} : memref<16x32xf32, #tpu.memory_space<vmem>>, vector<16xf32>,
        %get3A_3500 = arith.constant 9 : i32
        %get3A_3501 = arith.index_cast %get3A_3500 : i32 to index
        %get3A_3502 = arith.constant 16 : index
        %get3A_3503 = tpu.vector_load %arg12[%get3A_3501, %get3A_3502] {strides = array<i32>} : memref<16x32xf32, #tpu.memory_space<vmem>>, vector<16xf32>,
        %mul3A_3504 = arith.mulf %get3A_3491, %get3A_3499 : vector<16xf32>
        %mul3A_3505 = arith.mulf %get3A_3495, %get3A_3503 : vector<16xf32>
        %add3A_3506 = arith.addf %mul3A_3504, %mul3A_3505 : vector<16xf32>
        %reduce_sum3A_3507 = arith.constant true
        %reduce_sum3A_3508 = vector.broadcast %reduce_sum3A_3507 : i1 to vector<16xi1>
        %reduce_sum3A_3509 = tpu.scan <sum>, %add3A_3506 masked %reduce_sum3A_3508 : vector<16xf32>, vector<16xi1> -> vector<16xf32>
        %reduce_sum3A_3510 = vector.extract %reduce_sum3A_3509[15] : f32 from vector<16xf32>
        %eq3A_3511 = arith.constant 9 : i32
        %eq3A_3512 = vector.broadcast %eq3A_3511 : i32 to vector<16xi32>
        %eq3A_3513 = arith.cmpi eq, %iota3A, %eq3A_3512 : vector<16xi32>
        %broadcast_in_dim3A_3514 = vector.broadcast %reduce_sum3A_3510 : f32 to vector<16xf32>
        %select_n3A_3515 = arith.select %eq3A_3513, %broadcast_in_dim3A_3514, %select_n3A_3487 : vector<16xi1>, vector<16xf32>
        %get3A_3516 = arith.constant 10 : i32
        %get3A_3517 = arith.index_cast %get3A_3516 : i32 to index
        %get3A_3518 = arith.constant 0 : index
        %get3A_3519 = tpu.vector_load %arg10[%get3A_3517, %get3A_3518] {strides = array<i32>} : memref<16x32xf32, #tpu.memory_space<vmem>>, vector<16xf32>,
        %get3A_3520 = arith.constant 10 : i32
        %get3A_3521 = arith.index_cast %get3A_3520 : i32 to index
        %get3A_3522 = arith.constant 16 : index
        %get3A_3523 = tpu.vector_load %arg10[%get3A_3521, %get3A_3522] {strides = array<i32>} : memref<16x32xf32, #tpu.memory_space<vmem>>, vector<16xf32>,
        %get3A_3524 = arith.constant 10 : i32
        %get3A_3525 = arith.index_cast %get3A_3524 : i32 to index
        %get3A_3526 = arith.constant 0 : index
        %get3A_3527 = tpu.vector_load %arg12[%get3A_3525, %get3A_3526] {strides = array<i32>} : memref<16x32xf32, #tpu.memory_space<vmem>>, vector<16xf32>,
        %get3A_3528 = arith.constant 10 : i32
        %get3A_3529 = arith.index_cast %get3A_3528 : i32 to index
        %get3A_3530 = arith.constant 16 : index
        %get3A_3531 = tpu.vector_load %arg12[%get3A_3529, %get3A_3530] {strides = array<i32>} : memref<16x32xf32, #tpu.memory_space<vmem>>, vector<16xf32>,
        %mul3A_3532 = arith.mulf %get3A_3519, %get3A_3527 : vector<16xf32>
        %mul3A_3533 = arith.mulf %get3A_3523, %get3A_3531 : vector<16xf32>
        %add3A_3534 = arith.addf %mul3A_3532, %mul3A_3533 : vector<16xf32>
        %reduce_sum3A_3535 = arith.constant true
        %reduce_sum3A_3536 = vector.broadcast %reduce_sum3A_3535 : i1 to vector<16xi1>
        %reduce_sum3A_3537 = tpu.scan <sum>, %add3A_3534 masked %reduce_sum3A_3536 : vector<16xf32>, vector<16xi1> -> vector<16xf32>
        %reduce_sum3A_3538 = vector.extract %reduce_sum3A_3537[15] : f32 from vector<16xf32>
        %eq3A_3539 = arith.constant 10 : i32
        %eq3A_3540 = vector.broadcast %eq3A_3539 : i32 to vector<16xi32>
        %eq3A_3541 = arith.cmpi eq, %iota3A, %eq3A_3540 : vector<16xi32>
        %broadcast_in_dim3A_3542 = vector.broadcast %reduce_sum3A_3538 : f32 to vector<16xf32>
        %select_n3A_3543 = arith.select %eq3A_3541, %broadcast_in_dim3A_3542, %select_n3A_3515 : vector<16xi1>, vector<16xf32>
        %get3A_3544 = arith.constant 11 : i32
        %get3A_3545 = arith.index_cast %get3A_3544 : i32 to index
        %get3A_3546 = arith.constant 0 : index
        %get3A_3547 = tpu.vector_load %arg10[%get3A_3545, %get3A_3546] {strides = array<i32>} : memref<16x32xf32, #tpu.memory_space<vmem>>, vector<16xf32>,
        %get3A_3548 = arith.constant 11 : i32
        %get3A_3549 = arith.index_cast %get3A_3548 : i32 to index
        %get3A_3550 = arith.constant 16 : index
        %get3A_3551 = tpu.vector_load %arg10[%get3A_3549, %get3A_3550] {strides = array<i32>} : memref<16x32xf32, #tpu.memory_space<vmem>>, vector<16xf32>,
        %get3A_3552 = arith.constant 11 : i32
        %get3A_3553 = arith.index_cast %get3A_3552 : i32 to index
        %get3A_3554 = arith.constant 0 : index
        %get3A_3555 = tpu.vector_load %arg12[%get3A_3553, %get3A_3554] {strides = array<i32>} : memref<16x32xf32, #tpu.memory_space<vmem>>, vector<16xf32>,
        %get3A_3556 = arith.constant 11 : i32
        %get3A_3557 = arith.index_cast %get3A_3556 : i32 to index
        %get3A_3558 = arith.constant 16 : index
        %get3A_3559 = tpu.vector_load %arg12[%get3A_3557, %get3A_3558] {strides = array<i32>} : memref<16x32xf32, #tpu.memory_space<vmem>>, vector<16xf32>,
        %mul3A_3560 = arith.mulf %get3A_3547, %get3A_3555 : vector<16xf32>
        %mul3A_3561 = arith.mulf %get3A_3551, %get3A_3559 : vector<16xf32>
        %add3A_3562 = arith.addf %mul3A_3560, %mul3A_3561 : vector<16xf32>
        %reduce_sum3A_3563 = arith.constant true
        %reduce_sum3A_3564 = vector.broadcast %reduce_sum3A_3563 : i1 to vector<16xi1>
        %reduce_sum3A_3565 = tpu.scan <sum>, %add3A_3562 masked %reduce_sum3A_3564 : vector<16xf32>, vector<16xi1> -> vector<16xf32>
        %reduce_sum3A_3566 = vector.extract %reduce_sum3A_3565[15] : f32 from vector<16xf32>
        %eq3A_3567 = arith.constant 11 : i32
        %eq3A_3568 = vector.broadcast %eq3A_3567 : i32 to vector<16xi32>
        %eq3A_3569 = arith.cmpi eq, %iota3A, %eq3A_3568 : vector<16xi32>
        %broadcast_in_dim3A_3570 = vector.broadcast %reduce_sum3A_3566 : f32 to vector<16xf32>
        %select_n3A_3571 = arith.select %eq3A_3569, %broadcast_in_dim3A_3570, %select_n3A_3543 : vector<16xi1>, vector<16xf32>
        %get3A_3572 = arith.constant 12 : i32
        %get3A_3573 = arith.index_cast %get3A_3572 : i32 to index
        %get3A_3574 = arith.constant 0 : index
        %get3A_3575 = tpu.vector_load %arg10[%get3A_3573, %get3A_3574] {strides = array<i32>} : memref<16x32xf32, #tpu.memory_space<vmem>>, vector<16xf32>,
        %get3A_3576 = arith.constant 12 : i32
        %get3A_3577 = arith.index_cast %get3A_3576 : i32 to index
        %get3A_3578 = arith.constant 16 : index
        %get3A_3579 = tpu.vector_load %arg10[%get3A_3577, %get3A_3578] {strides = array<i32>} : memref<16x32xf32, #tpu.memory_space<vmem>>, vector<16xf32>,
        %get3A_3580 = arith.constant 12 : i32
        %get3A_3581 = arith.index_cast %get3A_3580 : i32 to index
        %get3A_3582 = arith.constant 0 : index
        %get3A_3583 = tpu.vector_load %arg12[%get3A_3581, %get3A_3582] {strides = array<i32>} : memref<16x32xf32, #tpu.memory_space<vmem>>, vector<16xf32>,
        %get3A_3584 = arith.constant 12 : i32
        %get3A_3585 = arith.index_cast %get3A_3584 : i32 to index
        %get3A_3586 = arith.constant 16 : index
        %get3A_3587 = tpu.vector_load %arg12[%get3A_3585, %get3A_3586] {strides = array<i32>} : memref<16x32xf32, #tpu.memory_space<vmem>>, vector<16xf32>,
        %mul3A_3588 = arith.mulf %get3A_3575, %get3A_3583 : vector<16xf32>
        %mul3A_3589 = arith.mulf %get3A_3579, %get3A_3587 : vector<16xf32>
        %add3A_3590 = arith.addf %mul3A_3588, %mul3A_3589 : vector<16xf32>
        %reduce_sum3A_3591 = arith.constant true
        %reduce_sum3A_3592 = vector.broadcast %reduce_sum3A_3591 : i1 to vector<16xi1>
        %reduce_sum3A_3593 = tpu.scan <sum>, %add3A_3590 masked %reduce_sum3A_3592 : vector<16xf32>, vector<16xi1> -> vector<16xf32>
        %reduce_sum3A_3594 = vector.extract %reduce_sum3A_3593[15] : f32 from vector<16xf32>
        %eq3A_3595 = arith.constant 12 : i32
        %eq3A_3596 = vector.broadcast %eq3A_3595 : i32 to vector<16xi32>
        %eq3A_3597 = arith.cmpi eq, %iota3A, %eq3A_3596 : vector<16xi32>
        %broadcast_in_dim3A_3598 = vector.broadcast %reduce_sum3A_3594 : f32 to vector<16xf32>
        %select_n3A_3599 = arith.select %eq3A_3597, %broadcast_in_dim3A_3598, %select_n3A_3571 : vector<16xi1>, vector<16xf32>
        %get3A_3600 = arith.constant 13 : i32
        %get3A_3601 = arith.index_cast %get3A_3600 : i32 to index
        %get3A_3602 = arith.constant 0 : index
        %get3A_3603 = tpu.vector_load %arg10[%get3A_3601, %get3A_3602] {strides = array<i32>} : memref<16x32xf32, #tpu.memory_space<vmem>>, vector<16xf32>,
        %get3A_3604 = arith.constant 13 : i32
        %get3A_3605 = arith.index_cast %get3A_3604 : i32 to index
        %get3A_3606 = arith.constant 16 : index
        %get3A_3607 = tpu.vector_load %arg10[%get3A_3605, %get3A_3606] {strides = array<i32>} : memref<16x32xf32, #tpu.memory_space<vmem>>, vector<16xf32>,
        %get3A_3608 = arith.constant 13 : i32
        %get3A_3609 = arith.index_cast %get3A_3608 : i32 to index
        %get3A_3610 = arith.constant 0 : index
        %get3A_3611 = tpu.vector_load %arg12[%get3A_3609, %get3A_3610] {strides = array<i32>} : memref<16x32xf32, #tpu.memory_space<vmem>>, vector<16xf32>,
        %get3A_3612 = arith.constant 13 : i32
        %get3A_3613 = arith.index_cast %get3A_3612 : i32 to index
        %get3A_3614 = arith.constant 16 : index
        %get3A_3615 = tpu.vector_load %arg12[%get3A_3613, %get3A_3614] {strides = array<i32>} : memref<16x32xf32, #tpu.memory_space<vmem>>, vector<16xf32>,
        %mul3A_3616 = arith.mulf %get3A_3603, %get3A_3611 : vector<16xf32>
        %mul3A_3617 = arith.mulf %get3A_3607, %get3A_3615 : vector<16xf32>
        %add3A_3618 = arith.addf %mul3A_3616, %mul3A_3617 : vector<16xf32>
        %reduce_sum3A_3619 = arith.constant true
        %reduce_sum3A_3620 = vector.broadcast %reduce_sum3A_3619 : i1 to vector<16xi1>
        %reduce_sum3A_3621 = tpu.scan <sum>, %add3A_3618 masked %reduce_sum3A_3620 : vector<16xf32>, vector<16xi1> -> vector<16xf32>
        %reduce_sum3A_3622 = vector.extract %reduce_sum3A_3621[15] : f32 from vector<16xf32>
        %eq3A_3623 = arith.constant 13 : i32
        %eq3A_3624 = vector.broadcast %eq3A_3623 : i32 to vector<16xi32>
        %eq3A_3625 = arith.cmpi eq, %iota3A, %eq3A_3624 : vector<16xi32>
        %broadcast_in_dim3A_3626 = vector.broadcast %reduce_sum3A_3622 : f32 to vector<16xf32>
        %select_n3A_3627 = arith.select %eq3A_3625, %broadcast_in_dim3A_3626, %select_n3A_3599 : vector<16xi1>, vector<16xf32>
        %get3A_3628 = arith.constant 14 : i32
        %get3A_3629 = arith.index_cast %get3A_3628 : i32 to index
        %get3A_3630 = arith.constant 0 : index
        %get3A_3631 = tpu.vector_load %arg10[%get3A_3629, %get3A_3630] {strides = array<i32>} : memref<16x32xf32, #tpu.memory_space<vmem>>, vector<16xf32>,
        %get3A_3632 = arith.constant 14 : i32
        %get3A_3633 = arith.index_cast %get3A_3632 : i32 to index
        %get3A_3634 = arith.constant 16 : index
        %get3A_3635 = tpu.vector_load %arg10[%get3A_3633, %get3A_3634] {strides = array<i32>} : memref<16x32xf32, #tpu.memory_space<vmem>>, vector<16xf32>,
        %get3A_3636 = arith.constant 14 : i32
        %get3A_3637 = arith.index_cast %get3A_3636 : i32 to index
        %get3A_3638 = arith.constant 0 : index
        %get3A_3639 = tpu.vector_load %arg12[%get3A_3637, %get3A_3638] {strides = array<i32>} : memref<16x32xf32, #tpu.memory_space<vmem>>, vector<16xf32>,
        %get3A_3640 = arith.constant 14 : i32
        %get3A_3641 = arith.index_cast %get3A_3640 : i32 to index
        %get3A_3642 = arith.constant 16 : index
        %get3A_3643 = tpu.vector_load %arg12[%get3A_3641, %get3A_3642] {strides = array<i32>} : memref<16x32xf32, #tpu.memory_space<vmem>>, vector<16xf32>,
        %mul3A_3644 = arith.mulf %get3A_3631, %get3A_3639 : vector<16xf32>
        %mul3A_3645 = arith.mulf %get3A_3635, %get3A_3643 : vector<16xf32>
        %add3A_3646 = arith.addf %mul3A_3644, %mul3A_3645 : vector<16xf32>
        %reduce_sum3A_3647 = arith.constant true
        %reduce_sum3A_3648 = vector.broadcast %reduce_sum3A_3647 : i1 to vector<16xi1>
        %reduce_sum3A_3649 = tpu.scan <sum>, %add3A_3646 masked %reduce_sum3A_3648 : vector<16xf32>, vector<16xi1> -> vector<16xf32>
        %reduce_sum3A_3650 = vector.extract %reduce_sum3A_3649[15] : f32 from vector<16xf32>
        %eq3A_3651 = arith.constant 14 : i32
        %eq3A_3652 = vector.broadcast %eq3A_3651 : i32 to vector<16xi32>
        %eq3A_3653 = arith.cmpi eq, %iota3A, %eq3A_3652 : vector<16xi32>
        %broadcast_in_dim3A_3654 = vector.broadcast %reduce_sum3A_3650 : f32 to vector<16xf32>
        %select_n3A_3655 = arith.select %eq3A_3653, %broadcast_in_dim3A_3654, %select_n3A_3627 : vector<16xi1>, vector<16xf32>
        %get3A_3656 = arith.constant 15 : i32
        %get3A_3657 = arith.index_cast %get3A_3656 : i32 to index
        %get3A_3658 = arith.constant 0 : index
        %get3A_3659 = tpu.vector_load %arg10[%get3A_3657, %get3A_3658] {strides = array<i32>} : memref<16x32xf32, #tpu.memory_space<vmem>>, vector<16xf32>,
        %get3A_3660 = arith.constant 15 : i32
        %get3A_3661 = arith.index_cast %get3A_3660 : i32 to index
        %get3A_3662 = arith.constant 16 : index
        %get3A_3663 = tpu.vector_load %arg10[%get3A_3661, %get3A_3662] {strides = array<i32>} : memref<16x32xf32, #tpu.memory_space<vmem>>, vector<16xf32>,
        %get3A_3664 = arith.constant 15 : i32
        %get3A_3665 = arith.index_cast %get3A_3664 : i32 to index
        %get3A_3666 = arith.constant 0 : index
        %get3A_3667 = tpu.vector_load %arg12[%get3A_3665, %get3A_3666] {strides = array<i32>} : memref<16x32xf32, #tpu.memory_space<vmem>>, vector<16xf32>,
        %get3A_3668 = arith.constant 15 : i32
        %get3A_3669 = arith.index_cast %get3A_3668 : i32 to index
        %get3A_3670 = arith.constant 16 : index
        %get3A_3671 = tpu.vector_load %arg12[%get3A_3669, %get3A_3670] {strides = array<i32>} : memref<16x32xf32, #tpu.memory_space<vmem>>, vector<16xf32>,
        %mul3A_3672 = arith.mulf %get3A_3659, %get3A_3667 : vector<16xf32>
        %mul3A_3673 = arith.mulf %get3A_3663, %get3A_3671 : vector<16xf32>
        %add3A_3674 = arith.addf %mul3A_3672, %mul3A_3673 : vector<16xf32>
        %reduce_sum3A_3675 = arith.constant true
        %reduce_sum3A_3676 = vector.broadcast %reduce_sum3A_3675 : i1 to vector<16xi1>
        %reduce_sum3A_3677 = tpu.scan <sum>, %add3A_3674 masked %reduce_sum3A_3676 : vector<16xf32>, vector<16xi1> -> vector<16xf32>
        %reduce_sum3A_3678 = vector.extract %reduce_sum3A_3677[15] : f32 from vector<16xf32>
        %eq3A_3679 = arith.constant 15 : i32
        %eq3A_3680 = vector.broadcast %eq3A_3679 : i32 to vector<16xi32>
        %eq3A_3681 = arith.cmpi eq, %iota3A, %eq3A_3680 : vector<16xi32>
        %broadcast_in_dim3A_3682 = vector.broadcast %reduce_sum3A_3678 : f32 to vector<16xf32>
        %select_n3A_3683 = arith.select %eq3A_3681, %broadcast_in_dim3A_3682, %select_n3A_3655 : vector<16xi1>, vector<16xf32>
        %mul3A_3684 = arith.constant 16 : i32
        %mul3A_3685 = arith.muli %sub3A_2785, %mul3A_3684 : i32
        %multiple_of3A_3686 = tpu.assume_multiple %mul3A_3685, 16 : i32
        %swap3A_3687 = arith.index_cast %multiple_of3A_3686 : i32 to index
        %swap3A_3688 = tpu.vector_load %arg13[%swap3A_3687] {strides = array<i32>} : memref<512xf32, #tpu.memory_space<vmem>>, vector<16xf32>,
        tpu.vector_store %arg13[%swap3A_3687], %select_n3A_3683 {strides = array<i32>} : memref<512xf32, #tpu.memory_space<vmem>>, vector<16xf32>,
      } else {
      }
      %add3A_1392 = arith.constant 1 : i32
      %add3A_1393 = arith.addi %mul3A_904, %add3A_1392 : i32
      %mul3A_1394 = arith.constant 16 : i32
      %mul3A_1395 = arith.muli %add3A_1393, %mul3A_1394 : i32
      %multiple_of3A_1396 = tpu.assume_multiple %mul3A_1395, 16 : i32
      %get3A_1397 = arith.index_cast %multiple_of3A_1396 : i32 to index
      %get3A_1398 = tpu.vector_load %arg7[%get3A_1397] {strides = array<i32>} : memref<512xi32, #tpu.memory_space<vmem>>, vector<16xi32>,
      %multiple_of3A_1399 = tpu.assume_multiple %mul3A_1395, 16 : i32
      %get3A_1400 = arith.index_cast %multiple_of3A_1399 : i32 to index
      %get3A_1401 = tpu.vector_load %arg8[%get3A_1400] {strides = array<i32>} : memref<512xi32, #tpu.memory_space<vmem>>, vector<16xi32>,
      %slice3A_1402 = vector.extract_strided_slice %get3A_1398 {offsets = [0], sizes = [1], strides = [1]} : vector<16xi32> to vector<1xi32>
      %squeeze3A_1403 = vector.extract %slice3A_1402[0] : i32 from vector<1xi32>
      %dma_start3A_1404 = arith.constant 0 : i32
      %dma_start3A_1405 = arith.constant 0 : i32
      %dma_start3A_1406 = tpu.memref_slice %arg10[%dma_start3A_1404, %dma_start3A_1405] : memref<16x32xf32, #tpu.memory_space<vmem>> -> memref<1x32xf32, #tpu.memory_space<vmem>>
      %dma_start3A_1407 = tpu.memref_squeeze %dma_start3A_1406 : memref<1x32xf32, #tpu.memory_space<vmem>> -> memref<32xf32, #tpu.memory_space<vmem>>
      %dma_start3A_1408 = arith.constant 0 : i32
      %dma_start3A_1409 = tpu.memref_slice %arg4[%squeeze3A_1403, %dma_start3A_1408] : memref<1000000x32xf32, #tpu.memory_space<hbm>> -> memref<1x32xf32, #tpu.memory_space<hbm>>
      %dma_start3A_1410 = tpu.memref_squeeze %dma_start3A_1409 : memref<1x32xf32, #tpu.memory_space<hbm>> -> memref<32xf32, #tpu.memory_space<hbm>>
      %dma_start3A_1411 = arith.constant 0 : i32
      %dma_start3A_1412 = tpu.memref_slice %arg10[%dma_start3A_1404, %dma_start3A_1411] : memref<16x32xf32, #tpu.memory_space<vmem>> -> memref<1x32xf32, #tpu.memory_space<vmem>>
      %dma_start3A_1413 = tpu.memref_squeeze %dma_start3A_1412 : memref<1x32xf32, #tpu.memory_space<vmem>> -> memref<32xf32, #tpu.memory_space<vmem>>
      %dma_start3A_1414 = arith.constant 0 : i32
      %dma_start3A_1415 = tpu.memref_slice %arg4[%squeeze3A_1403, %dma_start3A_1414] : memref<1000000x32xf32, #tpu.memory_space<hbm>> -> memref<1x32xf32, #tpu.memory_space<hbm>>
      %dma_start3A_1416 = tpu.memref_squeeze %dma_start3A_1415 : memref<1x32xf32, #tpu.memory_space<hbm>> -> memref<32xf32, #tpu.memory_space<hbm>>
      tpu.enqueue_dma source(%dma_start3A_1416 : memref<32xf32, #tpu.memory_space<hbm>>) target(%dma_start3A_1413 : memref<32xf32, #tpu.memory_space<vmem>>) target_semaphore(%arg15 : memref<!tpu.dma_semaphore, #tpu.memory_space<semaphore_mem>>)
      %slice3A_1417 = vector.extract_strided_slice %get3A_1401 {offsets = [0], sizes = [1], strides = [1]} : vector<16xi32> to vector<1xi32>
      %squeeze3A_1418 = vector.extract %slice3A_1417[0] : i32 from vector<1xi32>
      %dma_start3A_1419 = arith.constant 0 : i32
      %dma_start3A_1420 = arith.constant 0 : i32
      %dma_start3A_1421 = tpu.memref_slice %arg12[%dma_start3A_1419, %dma_start3A_1420] : memref<16x32xf32, #tpu.memory_space<vmem>> -> memref<1x32xf32, #tpu.memory_space<vmem>>
      %dma_start3A_1422 = tpu.memref_squeeze %dma_start3A_1421 : memref<1x32xf32, #tpu.memory_space<vmem>> -> memref<32xf32, #tpu.memory_space<vmem>>
      %dma_start3A_1423 = arith.constant 0 : i32
      %dma_start3A_1424 = tpu.memref_slice %arg5[%squeeze3A_1418, %dma_start3A_1423] : memref<1000000x32xf32, #tpu.memory_space<hbm>> -> memref<1x32xf32, #tpu.memory_space<hbm>>
      %dma_start3A_1425 = tpu.memref_squeeze %dma_start3A_1424 : memref<1x32xf32, #tpu.memory_space<hbm>> -> memref<32xf32, #tpu.memory_space<hbm>>
      %dma_start3A_1426 = arith.constant 0 : i32
      %dma_start3A_1427 = tpu.memref_slice %arg12[%dma_start3A_1419, %dma_start3A_1426] : memref<16x32xf32, #tpu.memory_space<vmem>> -> memref<1x32xf32, #tpu.memory_space<vmem>>
      %dma_start3A_1428 = tpu.memref_squeeze %dma_start3A_1427 : memref<1x32xf32, #tpu.memory_space<vmem>> -> memref<32xf32, #tpu.memory_space<vmem>>
      %dma_start3A_1429 = arith.constant 0 : i32
      %dma_start3A_1430 = tpu.memref_slice %arg5[%squeeze3A_1418, %dma_start3A_1429] : memref<1000000x32xf32, #tpu.memory_space<hbm>> -> memref<1x32xf32, #tpu.memory_space<hbm>>
      %dma_start3A_1431 = tpu.memref_squeeze %dma_start3A_1430 : memref<1x32xf32, #tpu.memory_space<hbm>> -> memref<32xf32, #tpu.memory_space<hbm>>
      tpu.enqueue_dma source(%dma_start3A_1431 : memref<32xf32, #tpu.memory_space<hbm>>) target(%dma_start3A_1428 : memref<32xf32, #tpu.memory_space<vmem>>) target_semaphore(%arg17 : memref<!tpu.dma_semaphore, #tpu.memory_space<semaphore_mem>>)
      %slice3A_1432 = vector.extract_strided_slice %get3A_1398 {offsets = [1], sizes = [1], strides = [1]} : vector<16xi32> to vector<1xi32>
      %squeeze3A_1433 = vector.extract %slice3A_1432[0] : i32 from vector<1xi32>
      %dma_start3A_1434 = arith.constant 1 : i32
      %dma_start3A_1435 = arith.constant 0 : i32
      %dma_start3A_1436 = tpu.memref_slice %arg10[%dma_start3A_1434, %dma_start3A_1435] : memref<16x32xf32, #tpu.memory_space<vmem>> -> memref<1x32xf32, #tpu.memory_space<vmem>>
      %dma_start3A_1437 = tpu.memref_squeeze %dma_start3A_1436 : memref<1x32xf32, #tpu.memory_space<vmem>> -> memref<32xf32, #tpu.memory_space<vmem>>
      %dma_start3A_1438 = arith.constant 0 : i32
      %dma_start3A_1439 = tpu.memref_slice %arg4[%squeeze3A_1433, %dma_start3A_1438] : memref<1000000x32xf32, #tpu.memory_space<hbm>> -> memref<1x32xf32, #tpu.memory_space<hbm>>
      %dma_start3A_1440 = tpu.memref_squeeze %dma_start3A_1439 : memref<1x32xf32, #tpu.memory_space<hbm>> -> memref<32xf32, #tpu.memory_space<hbm>>
      %dma_start3A_1441 = arith.constant 0 : i32
      %dma_start3A_1442 = tpu.memref_slice %arg10[%dma_start3A_1434, %dma_start3A_1441] : memref<16x32xf32, #tpu.memory_space<vmem>> -> memref<1x32xf32, #tpu.memory_space<vmem>>
      %dma_start3A_1443 = tpu.memref_squeeze %dma_start3A_1442 : memref<1x32xf32, #tpu.memory_space<vmem>> -> memref<32xf32, #tpu.memory_space<vmem>>
      %dma_start3A_1444 = arith.constant 0 : i32
      %dma_start3A_1445 = tpu.memref_slice %arg4[%squeeze3A_1433, %dma_start3A_1444] : memref<1000000x32xf32, #tpu.memory_space<hbm>> -> memref<1x32xf32, #tpu.memory_space<hbm>>
      %dma_start3A_1446 = tpu.memref_squeeze %dma_start3A_1445 : memref<1x32xf32, #tpu.memory_space<hbm>> -> memref<32xf32, #tpu.memory_space<hbm>>
      tpu.enqueue_dma source(%dma_start3A_1446 : memref<32xf32, #tpu.memory_space<hbm>>) target(%dma_start3A_1443 : memref<32xf32, #tpu.memory_space<vmem>>) target_semaphore(%arg15 : memref<!tpu.dma_semaphore, #tpu.memory_space<semaphore_mem>>)
      %slice3A_1447 = vector.extract_strided_slice %get3A_1401 {offsets = [1], sizes = [1], strides = [1]} : vector<16xi32> to vector<1xi32>
      %squeeze3A_1448 = vector.extract %slice3A_1447[0] : i32 from vector<1xi32>
      %dma_start3A_1449 = arith.constant 1 : i32
      %dma_start3A_1450 = arith.constant 0 : i32
      %dma_start3A_1451 = tpu.memref_slice %arg12[%dma_start3A_1449, %dma_start3A_1450] : memref<16x32xf32, #tpu.memory_space<vmem>> -> memref<1x32xf32, #tpu.memory_space<vmem>>
      %dma_start3A_1452 = tpu.memref_squeeze %dma_start3A_1451 : memref<1x32xf32, #tpu.memory_space<vmem>> -> memref<32xf32, #tpu.memory_space<vmem>>
      %dma_start3A_1453 = arith.constant 0 : i32
      %dma_start3A_1454 = tpu.memref_slice %arg5[%squeeze3A_1448, %dma_start3A_1453] : memref<1000000x32xf32, #tpu.memory_space<hbm>> -> memref<1x32xf32, #tpu.memory_space<hbm>>
      %dma_start3A_1455 = tpu.memref_squeeze %dma_start3A_1454 : memref<1x32xf32, #tpu.memory_space<hbm>> -> memref<32xf32, #tpu.memory_space<hbm>>
      %dma_start3A_1456 = arith.constant 0 : i32
      %dma_start3A_1457 = tpu.memref_slice %arg12[%dma_start3A_1449, %dma_start3A_1456] : memref<16x32xf32, #tpu.memory_space<vmem>> -> memref<1x32xf32, #tpu.memory_space<vmem>>
      %dma_start3A_1458 = tpu.memref_squeeze %dma_start3A_1457 : memref<1x32xf32, #tpu.memory_space<vmem>> -> memref<32xf32, #tpu.memory_space<vmem>>
      %dma_start3A_1459 = arith.constant 0 : i32
      %dma_start3A_1460 = tpu.memref_slice %arg5[%squeeze3A_1448, %dma_start3A_1459] : memref<1000000x32xf32, #tpu.memory_space<hbm>> -> memref<1x32xf32, #tpu.memory_space<hbm>>
      %dma_start3A_1461 = tpu.memref_squeeze %dma_start3A_1460 : memref<1x32xf32, #tpu.memory_space<hbm>> -> memref<32xf32, #tpu.memory_space<hbm>>
      tpu.enqueue_dma source(%dma_start3A_1461 : memref<32xf32, #tpu.memory_space<hbm>>) target(%dma_start3A_1458 : memref<32xf32, #tpu.memory_space<vmem>>) target_semaphore(%arg17 : memref<!tpu.dma_semaphore, #tpu.memory_space<semaphore_mem>>)
      %slice3A_1462 = vector.extract_strided_slice %get3A_1398 {offsets = [2], sizes = [1], strides = [1]} : vector<16xi32> to vector<1xi32>
      %squeeze3A_1463 = vector.extract %slice3A_1462[0] : i32 from vector<1xi32>
      %dma_start3A_1464 = arith.constant 2 : i32
      %dma_start3A_1465 = arith.constant 0 : i32
      %dma_start3A_1466 = tpu.memref_slice %arg10[%dma_start3A_1464, %dma_start3A_1465] : memref<16x32xf32, #tpu.memory_space<vmem>> -> memref<1x32xf32, #tpu.memory_space<vmem>>
      %dma_start3A_1467 = tpu.memref_squeeze %dma_start3A_1466 : memref<1x32xf32, #tpu.memory_space<vmem>> -> memref<32xf32, #tpu.memory_space<vmem>>
      %dma_start3A_1468 = arith.constant 0 : i32
      %dma_start3A_1469 = tpu.memref_slice %arg4[%squeeze3A_1463, %dma_start3A_1468] : memref<1000000x32xf32, #tpu.memory_space<hbm>> -> memref<1x32xf32, #tpu.memory_space<hbm>>
      %dma_start3A_1470 = tpu.memref_squeeze %dma_start3A_1469 : memref<1x32xf32, #tpu.memory_space<hbm>> -> memref<32xf32, #tpu.memory_space<hbm>>
      %dma_start3A_1471 = arith.constant 0 : i32
      %dma_start3A_1472 = tpu.memref_slice %arg10[%dma_start3A_1464, %dma_start3A_1471] : memref<16x32xf32, #tpu.memory_space<vmem>> -> memref<1x32xf32, #tpu.memory_space<vmem>>
      %dma_start3A_1473 = tpu.memref_squeeze %dma_start3A_1472 : memref<1x32xf32, #tpu.memory_space<vmem>> -> memref<32xf32, #tpu.memory_space<vmem>>
      %dma_start3A_1474 = arith.constant 0 : i32
      %dma_start3A_1475 = tpu.memref_slice %arg4[%squeeze3A_1463, %dma_start3A_1474] : memref<1000000x32xf32, #tpu.memory_space<hbm>> -> memref<1x32xf32, #tpu.memory_space<hbm>>
      %dma_start3A_1476 = tpu.memref_squeeze %dma_start3A_1475 : memref<1x32xf32, #tpu.memory_space<hbm>> -> memref<32xf32, #tpu.memory_space<hbm>>
      tpu.enqueue_dma source(%dma_start3A_1476 : memref<32xf32, #tpu.memory_space<hbm>>) target(%dma_start3A_1473 : memref<32xf32, #tpu.memory_space<vmem>>) target_semaphore(%arg15 : memref<!tpu.dma_semaphore, #tpu.memory_space<semaphore_mem>>)
      %slice3A_1477 = vector.extract_strided_slice %get3A_1401 {offsets = [2], sizes = [1], strides = [1]} : vector<16xi32> to vector<1xi32>
      %squeeze3A_1478 = vector.extract %slice3A_1477[0] : i32 from vector<1xi32>
      %dma_start3A_1479 = arith.constant 2 : i32
      %dma_start3A_1480 = arith.constant 0 : i32
      %dma_start3A_1481 = tpu.memref_slice %arg12[%dma_start3A_1479, %dma_start3A_1480] : memref<16x32xf32, #tpu.memory_space<vmem>> -> memref<1x32xf32, #tpu.memory_space<vmem>>
      %dma_start3A_1482 = tpu.memref_squeeze %dma_start3A_1481 : memref<1x32xf32, #tpu.memory_space<vmem>> -> memref<32xf32, #tpu.memory_space<vmem>>
      %dma_start3A_1483 = arith.constant 0 : i32
      %dma_start3A_1484 = tpu.memref_slice %arg5[%squeeze3A_1478, %dma_start3A_1483] : memref<1000000x32xf32, #tpu.memory_space<hbm>> -> memref<1x32xf32, #tpu.memory_space<hbm>>
      %dma_start3A_1485 = tpu.memref_squeeze %dma_start3A_1484 : memref<1x32xf32, #tpu.memory_space<hbm>> -> memref<32xf32, #tpu.memory_space<hbm>>
      %dma_start3A_1486 = arith.constant 0 : i32
      %dma_start3A_1487 = tpu.memref_slice %arg12[%dma_start3A_1479, %dma_start3A_1486] : memref<16x32xf32, #tpu.memory_space<vmem>> -> memref<1x32xf32, #tpu.memory_space<vmem>>
      %dma_start3A_1488 = tpu.memref_squeeze %dma_start3A_1487 : memref<1x32xf32, #tpu.memory_space<vmem>> -> memref<32xf32, #tpu.memory_space<vmem>>
      %dma_start3A_1489 = arith.constant 0 : i32
      %dma_start3A_1490 = tpu.memref_slice %arg5[%squeeze3A_1478, %dma_start3A_1489] : memref<1000000x32xf32, #tpu.memory_space<hbm>> -> memref<1x32xf32, #tpu.memory_space<hbm>>
      %dma_start3A_1491 = tpu.memref_squeeze %dma_start3A_1490 : memref<1x32xf32, #tpu.memory_space<hbm>> -> memref<32xf32, #tpu.memory_space<hbm>>
      tpu.enqueue_dma source(%dma_start3A_1491 : memref<32xf32, #tpu.memory_space<hbm>>) target(%dma_start3A_1488 : memref<32xf32, #tpu.memory_space<vmem>>) target_semaphore(%arg17 : memref<!tpu.dma_semaphore, #tpu.memory_space<semaphore_mem>>)
      %slice3A_1492 = vector.extract_strided_slice %get3A_1398 {offsets = [3], sizes = [1], strides = [1]} : vector<16xi32> to vector<1xi32>
      %squeeze3A_1493 = vector.extract %slice3A_1492[0] : i32 from vector<1xi32>
      %dma_start3A_1494 = arith.constant 3 : i32
      %dma_start3A_1495 = arith.constant 0 : i32
      %dma_start3A_1496 = tpu.memref_slice %arg10[%dma_start3A_1494, %dma_start3A_1495] : memref<16x32xf32, #tpu.memory_space<vmem>> -> memref<1x32xf32, #tpu.memory_space<vmem>>
      %dma_start3A_1497 = tpu.memref_squeeze %dma_start3A_1496 : memref<1x32xf32, #tpu.memory_space<vmem>> -> memref<32xf32, #tpu.memory_space<vmem>>
      %dma_start3A_1498 = arith.constant 0 : i32
      %dma_start3A_1499 = tpu.memref_slice %arg4[%squeeze3A_1493, %dma_start3A_1498] : memref<1000000x32xf32, #tpu.memory_space<hbm>> -> memref<1x32xf32, #tpu.memory_space<hbm>>
      %dma_start3A_1500 = tpu.memref_squeeze %dma_start3A_1499 : memref<1x32xf32, #tpu.memory_space<hbm>> -> memref<32xf32, #tpu.memory_space<hbm>>
      %dma_start3A_1501 = arith.constant 0 : i32
      %dma_start3A_1502 = tpu.memref_slice %arg10[%dma_start3A_1494, %dma_start3A_1501] : memref<16x32xf32, #tpu.memory_space<vmem>> -> memref<1x32xf32, #tpu.memory_space<vmem>>
      %dma_start3A_1503 = tpu.memref_squeeze %dma_start3A_1502 : memref<1x32xf32, #tpu.memory_space<vmem>> -> memref<32xf32, #tpu.memory_space<vmem>>
      %dma_start3A_1504 = arith.constant 0 : i32
      %dma_start3A_1505 = tpu.memref_slice %arg4[%squeeze3A_1493, %dma_start3A_1504] : memref<1000000x32xf32, #tpu.memory_space<hbm>> -> memref<1x32xf32, #tpu.memory_space<hbm>>
      %dma_start3A_1506 = tpu.memref_squeeze %dma_start3A_1505 : memref<1x32xf32, #tpu.memory_space<hbm>> -> memref<32xf32, #tpu.memory_space<hbm>>
      tpu.enqueue_dma source(%dma_start3A_1506 : memref<32xf32, #tpu.memory_space<hbm>>) target(%dma_start3A_1503 : memref<32xf32, #tpu.memory_space<vmem>>) target_semaphore(%arg15 : memref<!tpu.dma_semaphore, #tpu.memory_space<semaphore_mem>>)
      %slice3A_1507 = vector.extract_strided_slice %get3A_1401 {offsets = [3], sizes = [1], strides = [1]} : vector<16xi32> to vector<1xi32>
      %squeeze3A_1508 = vector.extract %slice3A_1507[0] : i32 from vector<1xi32>
      %dma_start3A_1509 = arith.constant 3 : i32
      %dma_start3A_1510 = arith.constant 0 : i32
      %dma_start3A_1511 = tpu.memref_slice %arg12[%dma_start3A_1509, %dma_start3A_1510] : memref<16x32xf32, #tpu.memory_space<vmem>> -> memref<1x32xf32, #tpu.memory_space<vmem>>
      %dma_start3A_1512 = tpu.memref_squeeze %dma_start3A_1511 : memref<1x32xf32, #tpu.memory_space<vmem>> -> memref<32xf32, #tpu.memory_space<vmem>>
      %dma_start3A_1513 = arith.constant 0 : i32
      %dma_start3A_1514 = tpu.memref_slice %arg5[%squeeze3A_1508, %dma_start3A_1513] : memref<1000000x32xf32, #tpu.memory_space<hbm>> -> memref<1x32xf32, #tpu.memory_space<hbm>>
      %dma_start3A_1515 = tpu.memref_squeeze %dma_start3A_1514 : memref<1x32xf32, #tpu.memory_space<hbm>> -> memref<32xf32, #tpu.memory_space<hbm>>
      %dma_start3A_1516 = arith.constant 0 : i32
      %dma_start3A_1517 = tpu.memref_slice %arg12[%dma_start3A_1509, %dma_start3A_1516] : memref<16x32xf32, #tpu.memory_space<vmem>> -> memref<1x32xf32, #tpu.memory_space<vmem>>
      %dma_start3A_1518 = tpu.memref_squeeze %dma_start3A_1517 : memref<1x32xf32, #tpu.memory_space<vmem>> -> memref<32xf32, #tpu.memory_space<vmem>>
      %dma_start3A_1519 = arith.constant 0 : i32
      %dma_start3A_1520 = tpu.memref_slice %arg5[%squeeze3A_1508, %dma_start3A_1519] : memref<1000000x32xf32, #tpu.memory_space<hbm>> -> memref<1x32xf32, #tpu.memory_space<hbm>>
      %dma_start3A_1521 = tpu.memref_squeeze %dma_start3A_1520 : memref<1x32xf32, #tpu.memory_space<hbm>> -> memref<32xf32, #tpu.memory_space<hbm>>
      tpu.enqueue_dma source(%dma_start3A_1521 : memref<32xf32, #tpu.memory_space<hbm>>) target(%dma_start3A_1518 : memref<32xf32, #tpu.memory_space<vmem>>) target_semaphore(%arg17 : memref<!tpu.dma_semaphore, #tpu.memory_space<semaphore_mem>>)
      %slice3A_1522 = vector.extract_strided_slice %get3A_1398 {offsets = [4], sizes = [1], strides = [1]} : vector<16xi32> to vector<1xi32>
      %squeeze3A_1523 = vector.extract %slice3A_1522[0] : i32 from vector<1xi32>
      %dma_start3A_1524 = arith.constant 4 : i32
      %dma_start3A_1525 = arith.constant 0 : i32
      %dma_start3A_1526 = tpu.memref_slice %arg10[%dma_start3A_1524, %dma_start3A_1525] : memref<16x32xf32, #tpu.memory_space<vmem>> -> memref<1x32xf32, #tpu.memory_space<vmem>>
      %dma_start3A_1527 = tpu.memref_squeeze %dma_start3A_1526 : memref<1x32xf32, #tpu.memory_space<vmem>> -> memref<32xf32, #tpu.memory_space<vmem>>
      %dma_start3A_1528 = arith.constant 0 : i32
      %dma_start3A_1529 = tpu.memref_slice %arg4[%squeeze3A_1523, %dma_start3A_1528] : memref<1000000x32xf32, #tpu.memory_space<hbm>> -> memref<1x32xf32, #tpu.memory_space<hbm>>
      %dma_start3A_1530 = tpu.memref_squeeze %dma_start3A_1529 : memref<1x32xf32, #tpu.memory_space<hbm>> -> memref<32xf32, #tpu.memory_space<hbm>>
      %dma_start3A_1531 = arith.constant 0 : i32
      %dma_start3A_1532 = tpu.memref_slice %arg10[%dma_start3A_1524, %dma_start3A_1531] : memref<16x32xf32, #tpu.memory_space<vmem>> -> memref<1x32xf32, #tpu.memory_space<vmem>>
      %dma_start3A_1533 = tpu.memref_squeeze %dma_start3A_1532 : memref<1x32xf32, #tpu.memory_space<vmem>> -> memref<32xf32, #tpu.memory_space<vmem>>
      %dma_start3A_1534 = arith.constant 0 : i32
      %dma_start3A_1535 = tpu.memref_slice %arg4[%squeeze3A_1523, %dma_start3A_1534] : memref<1000000x32xf32, #tpu.memory_space<hbm>> -> memref<1x32xf32, #tpu.memory_space<hbm>>
      %dma_start3A_1536 = tpu.memref_squeeze %dma_start3A_1535 : memref<1x32xf32, #tpu.memory_space<hbm>> -> memref<32xf32, #tpu.memory_space<hbm>>
      tpu.enqueue_dma source(%dma_start3A_1536 : memref<32xf32, #tpu.memory_space<hbm>>) target(%dma_start3A_1533 : memref<32xf32, #tpu.memory_space<vmem>>) target_semaphore(%arg15 : memref<!tpu.dma_semaphore, #tpu.memory_space<semaphore_mem>>)
      %slice3A_1537 = vector.extract_strided_slice %get3A_1401 {offsets = [4], sizes = [1], strides = [1]} : vector<16xi32> to vector<1xi32>
      %squeeze3A_1538 = vector.extract %slice3A_1537[0] : i32 from vector<1xi32>
      %dma_start3A_1539 = arith.constant 4 : i32
      %dma_start3A_1540 = arith.constant 0 : i32
      %dma_start3A_1541 = tpu.memref_slice %arg12[%dma_start3A_1539, %dma_start3A_1540] : memref<16x32xf32, #tpu.memory_space<vmem>> -> memref<1x32xf32, #tpu.memory_space<vmem>>
      %dma_start3A_1542 = tpu.memref_squeeze %dma_start3A_1541 : memref<1x32xf32, #tpu.memory_space<vmem>> -> memref<32xf32, #tpu.memory_space<vmem>>
      %dma_start3A_1543 = arith.constant 0 : i32
      %dma_start3A_1544 = tpu.memref_slice %arg5[%squeeze3A_1538, %dma_start3A_1543] : memref<1000000x32xf32, #tpu.memory_space<hbm>> -> memref<1x32xf32, #tpu.memory_space<hbm>>
      %dma_start3A_1545 = tpu.memref_squeeze %dma_start3A_1544 : memref<1x32xf32, #tpu.memory_space<hbm>> -> memref<32xf32, #tpu.memory_space<hbm>>
      %dma_start3A_1546 = arith.constant 0 : i32
      %dma_start3A_1547 = tpu.memref_slice %arg12[%dma_start3A_1539, %dma_start3A_1546] : memref<16x32xf32, #tpu.memory_space<vmem>> -> memref<1x32xf32, #tpu.memory_space<vmem>>
      %dma_start3A_1548 = tpu.memref_squeeze %dma_start3A_1547 : memref<1x32xf32, #tpu.memory_space<vmem>> -> memref<32xf32, #tpu.memory_space<vmem>>
      %dma_start3A_1549 = arith.constant 0 : i32
      %dma_start3A_1550 = tpu.memref_slice %arg5[%squeeze3A_1538, %dma_start3A_1549] : memref<1000000x32xf32, #tpu.memory_space<hbm>> -> memref<1x32xf32, #tpu.memory_space<hbm>>
      %dma_start3A_1551 = tpu.memref_squeeze %dma_start3A_1550 : memref<1x32xf32, #tpu.memory_space<hbm>> -> memref<32xf32, #tpu.memory_space<hbm>>
      tpu.enqueue_dma source(%dma_start3A_1551 : memref<32xf32, #tpu.memory_space<hbm>>) target(%dma_start3A_1548 : memref<32xf32, #tpu.memory_space<vmem>>) target_semaphore(%arg17 : memref<!tpu.dma_semaphore, #tpu.memory_space<semaphore_mem>>)
      %slice3A_1552 = vector.extract_strided_slice %get3A_1398 {offsets = [5], sizes = [1], strides = [1]} : vector<16xi32> to vector<1xi32>
      %squeeze3A_1553 = vector.extract %slice3A_1552[0] : i32 from vector<1xi32>
      %dma_start3A_1554 = arith.constant 5 : i32
      %dma_start3A_1555 = arith.constant 0 : i32
      %dma_start3A_1556 = tpu.memref_slice %arg10[%dma_start3A_1554, %dma_start3A_1555] : memref<16x32xf32, #tpu.memory_space<vmem>> -> memref<1x32xf32, #tpu.memory_space<vmem>>
      %dma_start3A_1557 = tpu.memref_squeeze %dma_start3A_1556 : memref<1x32xf32, #tpu.memory_space<vmem>> -> memref<32xf32, #tpu.memory_space<vmem>>
      %dma_start3A_1558 = arith.constant 0 : i32
      %dma_start3A_1559 = tpu.memref_slice %arg4[%squeeze3A_1553, %dma_start3A_1558] : memref<1000000x32xf32, #tpu.memory_space<hbm>> -> memref<1x32xf32, #tpu.memory_space<hbm>>
      %dma_start3A_1560 = tpu.memref_squeeze %dma_start3A_1559 : memref<1x32xf32, #tpu.memory_space<hbm>> -> memref<32xf32, #tpu.memory_space<hbm>>
      %dma_start3A_1561 = arith.constant 0 : i32
      %dma_start3A_1562 = tpu.memref_slice %arg10[%dma_start3A_1554, %dma_start3A_1561] : memref<16x32xf32, #tpu.memory_space<vmem>> -> memref<1x32xf32, #tpu.memory_space<vmem>>
      %dma_start3A_1563 = tpu.memref_squeeze %dma_start3A_1562 : memref<1x32xf32, #tpu.memory_space<vmem>> -> memref<32xf32, #tpu.memory_space<vmem>>
      %dma_start3A_1564 = arith.constant 0 : i32
      %dma_start3A_1565 = tpu.memref_slice %arg4[%squeeze3A_1553, %dma_start3A_1564] : memref<1000000x32xf32, #tpu.memory_space<hbm>> -> memref<1x32xf32, #tpu.memory_space<hbm>>
      %dma_start3A_1566 = tpu.memref_squeeze %dma_start3A_1565 : memref<1x32xf32, #tpu.memory_space<hbm>> -> memref<32xf32, #tpu.memory_space<hbm>>
      tpu.enqueue_dma source(%dma_start3A_1566 : memref<32xf32, #tpu.memory_space<hbm>>) target(%dma_start3A_1563 : memref<32xf32, #tpu.memory_space<vmem>>) target_semaphore(%arg15 : memref<!tpu.dma_semaphore, #tpu.memory_space<semaphore_mem>>)
      %slice3A_1567 = vector.extract_strided_slice %get3A_1401 {offsets = [5], sizes = [1], strides = [1]} : vector<16xi32> to vector<1xi32>
      %squeeze3A_1568 = vector.extract %slice3A_1567[0] : i32 from vector<1xi32>
      %dma_start3A_1569 = arith.constant 5 : i32
      %dma_start3A_1570 = arith.constant 0 : i32
      %dma_start3A_1571 = tpu.memref_slice %arg12[%dma_start3A_1569, %dma_start3A_1570] : memref<16x32xf32, #tpu.memory_space<vmem>> -> memref<1x32xf32, #tpu.memory_space<vmem>>
      %dma_start3A_1572 = tpu.memref_squeeze %dma_start3A_1571 : memref<1x32xf32, #tpu.memory_space<vmem>> -> memref<32xf32, #tpu.memory_space<vmem>>
      %dma_start3A_1573 = arith.constant 0 : i32
      %dma_start3A_1574 = tpu.memref_slice %arg5[%squeeze3A_1568, %dma_start3A_1573] : memref<1000000x32xf32, #tpu.memory_space<hbm>> -> memref<1x32xf32, #tpu.memory_space<hbm>>
      %dma_start3A_1575 = tpu.memref_squeeze %dma_start3A_1574 : memref<1x32xf32, #tpu.memory_space<hbm>> -> memref<32xf32, #tpu.memory_space<hbm>>
      %dma_start3A_1576 = arith.constant 0 : i32
      %dma_start3A_1577 = tpu.memref_slice %arg12[%dma_start3A_1569, %dma_start3A_1576] : memref<16x32xf32, #tpu.memory_space<vmem>> -> memref<1x32xf32, #tpu.memory_space<vmem>>
      %dma_start3A_1578 = tpu.memref_squeeze %dma_start3A_1577 : memref<1x32xf32, #tpu.memory_space<vmem>> -> memref<32xf32, #tpu.memory_space<vmem>>
      %dma_start3A_1579 = arith.constant 0 : i32
      %dma_start3A_1580 = tpu.memref_slice %arg5[%squeeze3A_1568, %dma_start3A_1579] : memref<1000000x32xf32, #tpu.memory_space<hbm>> -> memref<1x32xf32, #tpu.memory_space<hbm>>
      %dma_start3A_1581 = tpu.memref_squeeze %dma_start3A_1580 : memref<1x32xf32, #tpu.memory_space<hbm>> -> memref<32xf32, #tpu.memory_space<hbm>>
      tpu.enqueue_dma source(%dma_start3A_1581 : memref<32xf32, #tpu.memory_space<hbm>>) target(%dma_start3A_1578 : memref<32xf32, #tpu.memory_space<vmem>>) target_semaphore(%arg17 : memref<!tpu.dma_semaphore, #tpu.memory_space<semaphore_mem>>)
      %slice3A_1582 = vector.extract_strided_slice %get3A_1398 {offsets = [6], sizes = [1], strides = [1]} : vector<16xi32> to vector<1xi32>
      %squeeze3A_1583 = vector.extract %slice3A_1582[0] : i32 from vector<1xi32>
      %dma_start3A_1584 = arith.constant 6 : i32
      %dma_start3A_1585 = arith.constant 0 : i32
      %dma_start3A_1586 = tpu.memref_slice %arg10[%dma_start3A_1584, %dma_start3A_1585] : memref<16x32xf32, #tpu.memory_space<vmem>> -> memref<1x32xf32, #tpu.memory_space<vmem>>
      %dma_start3A_1587 = tpu.memref_squeeze %dma_start3A_1586 : memref<1x32xf32, #tpu.memory_space<vmem>> -> memref<32xf32, #tpu.memory_space<vmem>>
      %dma_start3A_1588 = arith.constant 0 : i32
      %dma_start3A_1589 = tpu.memref_slice %arg4[%squeeze3A_1583, %dma_start3A_1588] : memref<1000000x32xf32, #tpu.memory_space<hbm>> -> memref<1x32xf32, #tpu.memory_space<hbm>>
      %dma_start3A_1590 = tpu.memref_squeeze %dma_start3A_1589 : memref<1x32xf32, #tpu.memory_space<hbm>> -> memref<32xf32, #tpu.memory_space<hbm>>
      %dma_start3A_1591 = arith.constant 0 : i32
      %dma_start3A_1592 = tpu.memref_slice %arg10[%dma_start3A_1584, %dma_start3A_1591] : memref<16x32xf32, #tpu.memory_space<vmem>> -> memref<1x32xf32, #tpu.memory_space<vmem>>
      %dma_start3A_1593 = tpu.memref_squeeze %dma_start3A_1592 : memref<1x32xf32, #tpu.memory_space<vmem>> -> memref<32xf32, #tpu.memory_space<vmem>>
      %dma_start3A_1594 = arith.constant 0 : i32
      %dma_start3A_1595 = tpu.memref_slice %arg4[%squeeze3A_1583, %dma_start3A_1594] : memref<1000000x32xf32, #tpu.memory_space<hbm>> -> memref<1x32xf32, #tpu.memory_space<hbm>>
      %dma_start3A_1596 = tpu.memref_squeeze %dma_start3A_1595 : memref<1x32xf32, #tpu.memory_space<hbm>> -> memref<32xf32, #tpu.memory_space<hbm>>
      tpu.enqueue_dma source(%dma_start3A_1596 : memref<32xf32, #tpu.memory_space<hbm>>) target(%dma_start3A_1593 : memref<32xf32, #tpu.memory_space<vmem>>) target_semaphore(%arg15 : memref<!tpu.dma_semaphore, #tpu.memory_space<semaphore_mem>>)
      %slice3A_1597 = vector.extract_strided_slice %get3A_1401 {offsets = [6], sizes = [1], strides = [1]} : vector<16xi32> to vector<1xi32>
      %squeeze3A_1598 = vector.extract %slice3A_1597[0] : i32 from vector<1xi32>
      %dma_start3A_1599 = arith.constant 6 : i32
      %dma_start3A_1600 = arith.constant 0 : i32
      %dma_start3A_1601 = tpu.memref_slice %arg12[%dma_start3A_1599, %dma_start3A_1600] : memref<16x32xf32, #tpu.memory_space<vmem>> -> memref<1x32xf32, #tpu.memory_space<vmem>>
      %dma_start3A_1602 = tpu.memref_squeeze %dma_start3A_1601 : memref<1x32xf32, #tpu.memory_space<vmem>> -> memref<32xf32, #tpu.memory_space<vmem>>
      %dma_start3A_1603 = arith.constant 0 : i32
      %dma_start3A_1604 = tpu.memref_slice %arg5[%squeeze3A_1598, %dma_start3A_1603] : memref<1000000x32xf32, #tpu.memory_space<hbm>> -> memref<1x32xf32, #tpu.memory_space<hbm>>
      %dma_start3A_1605 = tpu.memref_squeeze %dma_start3A_1604 : memref<1x32xf32, #tpu.memory_space<hbm>> -> memref<32xf32, #tpu.memory_space<hbm>>
      %dma_start3A_1606 = arith.constant 0 : i32
      %dma_start3A_1607 = tpu.memref_slice %arg12[%dma_start3A_1599, %dma_start3A_1606] : memref<16x32xf32, #tpu.memory_space<vmem>> -> memref<1x32xf32, #tpu.memory_space<vmem>>
      %dma_start3A_1608 = tpu.memref_squeeze %dma_start3A_1607 : memref<1x32xf32, #tpu.memory_space<vmem>> -> memref<32xf32, #tpu.memory_space<vmem>>
      %dma_start3A_1609 = arith.constant 0 : i32
      %dma_start3A_1610 = tpu.memref_slice %arg5[%squeeze3A_1598, %dma_start3A_1609] : memref<1000000x32xf32, #tpu.memory_space<hbm>> -> memref<1x32xf32, #tpu.memory_space<hbm>>
      %dma_start3A_1611 = tpu.memref_squeeze %dma_start3A_1610 : memref<1x32xf32, #tpu.memory_space<hbm>> -> memref<32xf32, #tpu.memory_space<hbm>>
      tpu.enqueue_dma source(%dma_start3A_1611 : memref<32xf32, #tpu.memory_space<hbm>>) target(%dma_start3A_1608 : memref<32xf32, #tpu.memory_space<vmem>>) target_semaphore(%arg17 : memref<!tpu.dma_semaphore, #tpu.memory_space<semaphore_mem>>)
      %slice3A_1612 = vector.extract_strided_slice %get3A_1398 {offsets = [7], sizes = [1], strides = [1]} : vector<16xi32> to vector<1xi32>
      %squeeze3A_1613 = vector.extract %slice3A_1612[0] : i32 from vector<1xi32>
      %dma_start3A_1614 = arith.constant 7 : i32
      %dma_start3A_1615 = arith.constant 0 : i32
      %dma_start3A_1616 = tpu.memref_slice %arg10[%dma_start3A_1614, %dma_start3A_1615] : memref<16x32xf32, #tpu.memory_space<vmem>> -> memref<1x32xf32, #tpu.memory_space<vmem>>
      %dma_start3A_1617 = tpu.memref_squeeze %dma_start3A_1616 : memref<1x32xf32, #tpu.memory_space<vmem>> -> memref<32xf32, #tpu.memory_space<vmem>>
      %dma_start3A_1618 = arith.constant 0 : i32
      %dma_start3A_1619 = tpu.memref_slice %arg4[%squeeze3A_1613, %dma_start3A_1618] : memref<1000000x32xf32, #tpu.memory_space<hbm>> -> memref<1x32xf32, #tpu.memory_space<hbm>>
      %dma_start3A_1620 = tpu.memref_squeeze %dma_start3A_1619 : memref<1x32xf32, #tpu.memory_space<hbm>> -> memref<32xf32, #tpu.memory_space<hbm>>
      %dma_start3A_1621 = arith.constant 0 : i32
      %dma_start3A_1622 = tpu.memref_slice %arg10[%dma_start3A_1614, %dma_start3A_1621] : memref<16x32xf32, #tpu.memory_space<vmem>> -> memref<1x32xf32, #tpu.memory_space<vmem>>
      %dma_start3A_1623 = tpu.memref_squeeze %dma_start3A_1622 : memref<1x32xf32, #tpu.memory_space<vmem>> -> memref<32xf32, #tpu.memory_space<vmem>>
      %dma_start3A_1624 = arith.constant 0 : i32
      %dma_start3A_1625 = tpu.memref_slice %arg4[%squeeze3A_1613, %dma_start3A_1624] : memref<1000000x32xf32, #tpu.memory_space<hbm>> -> memref<1x32xf32, #tpu.memory_space<hbm>>
      %dma_start3A_1626 = tpu.memref_squeeze %dma_start3A_1625 : memref<1x32xf32, #tpu.memory_space<hbm>> -> memref<32xf32, #tpu.memory_space<hbm>>
      tpu.enqueue_dma source(%dma_start3A_1626 : memref<32xf32, #tpu.memory_space<hbm>>) target(%dma_start3A_1623 : memref<32xf32, #tpu.memory_space<vmem>>) target_semaphore(%arg15 : memref<!tpu.dma_semaphore, #tpu.memory_space<semaphore_mem>>)
      %slice3A_1627 = vector.extract_strided_slice %get3A_1401 {offsets = [7], sizes = [1], strides = [1]} : vector<16xi32> to vector<1xi32>
      %squeeze3A_1628 = vector.extract %slice3A_1627[0] : i32 from vector<1xi32>
      %dma_start3A_1629 = arith.constant 7 : i32
      %dma_start3A_1630 = arith.constant 0 : i32
      %dma_start3A_1631 = tpu.memref_slice %arg12[%dma_start3A_1629, %dma_start3A_1630] : memref<16x32xf32, #tpu.memory_space<vmem>> -> memref<1x32xf32, #tpu.memory_space<vmem>>
      %dma_start3A_1632 = tpu.memref_squeeze %dma_start3A_1631 : memref<1x32xf32, #tpu.memory_space<vmem>> -> memref<32xf32, #tpu.memory_space<vmem>>
      %dma_start3A_1633 = arith.constant 0 : i32
      %dma_start3A_1634 = tpu.memref_slice %arg5[%squeeze3A_1628, %dma_start3A_1633] : memref<1000000x32xf32, #tpu.memory_space<hbm>> -> memref<1x32xf32, #tpu.memory_space<hbm>>
      %dma_start3A_1635 = tpu.memref_squeeze %dma_start3A_1634 : memref<1x32xf32, #tpu.memory_space<hbm>> -> memref<32xf32, #tpu.memory_space<hbm>>
      %dma_start3A_1636 = arith.constant 0 : i32
      %dma_start3A_1637 = tpu.memref_slice %arg12[%dma_start3A_1629, %dma_start3A_1636] : memref<16x32xf32, #tpu.memory_space<vmem>> -> memref<1x32xf32, #tpu.memory_space<vmem>>
      %dma_start3A_1638 = tpu.memref_squeeze %dma_start3A_1637 : memref<1x32xf32, #tpu.memory_space<vmem>> -> memref<32xf32, #tpu.memory_space<vmem>>
      %dma_start3A_1639 = arith.constant 0 : i32
      %dma_start3A_1640 = tpu.memref_slice %arg5[%squeeze3A_1628, %dma_start3A_1639] : memref<1000000x32xf32, #tpu.memory_space<hbm>> -> memref<1x32xf32, #tpu.memory_space<hbm>>
      %dma_start3A_1641 = tpu.memref_squeeze %dma_start3A_1640 : memref<1x32xf32, #tpu.memory_space<hbm>> -> memref<32xf32, #tpu.memory_space<hbm>>
      tpu.enqueue_dma source(%dma_start3A_1641 : memref<32xf32, #tpu.memory_space<hbm>>) target(%dma_start3A_1638 : memref<32xf32, #tpu.memory_space<vmem>>) target_semaphore(%arg17 : memref<!tpu.dma_semaphore, #tpu.memory_space<semaphore_mem>>)
      %slice3A_1642 = vector.extract_strided_slice %get3A_1398 {offsets = [8], sizes = [1], strides = [1]} : vector<16xi32> to vector<1xi32>
      %squeeze3A_1643 = vector.extract %slice3A_1642[0] : i32 from vector<1xi32>
      %dma_start3A_1644 = arith.constant 8 : i32
      %dma_start3A_1645 = arith.constant 0 : i32
      %dma_start3A_1646 = tpu.memref_slice %arg10[%dma_start3A_1644, %dma_start3A_1645] : memref<16x32xf32, #tpu.memory_space<vmem>> -> memref<1x32xf32, #tpu.memory_space<vmem>>
      %dma_start3A_1647 = tpu.memref_squeeze %dma_start3A_1646 : memref<1x32xf32, #tpu.memory_space<vmem>> -> memref<32xf32, #tpu.memory_space<vmem>>
      %dma_start3A_1648 = arith.constant 0 : i32
      %dma_start3A_1649 = tpu.memref_slice %arg4[%squeeze3A_1643, %dma_start3A_1648] : memref<1000000x32xf32, #tpu.memory_space<hbm>> -> memref<1x32xf32, #tpu.memory_space<hbm>>
      %dma_start3A_1650 = tpu.memref_squeeze %dma_start3A_1649 : memref<1x32xf32, #tpu.memory_space<hbm>> -> memref<32xf32, #tpu.memory_space<hbm>>
      %dma_start3A_1651 = arith.constant 0 : i32
      %dma_start3A_1652 = tpu.memref_slice %arg10[%dma_start3A_1644, %dma_start3A_1651] : memref<16x32xf32, #tpu.memory_space<vmem>> -> memref<1x32xf32, #tpu.memory_space<vmem>>
      %dma_start3A_1653 = tpu.memref_squeeze %dma_start3A_1652 : memref<1x32xf32, #tpu.memory_space<vmem>> -> memref<32xf32, #tpu.memory_space<vmem>>
      %dma_start3A_1654 = arith.constant 0 : i32
      %dma_start3A_1655 = tpu.memref_slice %arg4[%squeeze3A_1643, %dma_start3A_1654] : memref<1000000x32xf32, #tpu.memory_space<hbm>> -> memref<1x32xf32, #tpu.memory_space<hbm>>
      %dma_start3A_1656 = tpu.memref_squeeze %dma_start3A_1655 : memref<1x32xf32, #tpu.memory_space<hbm>> -> memref<32xf32, #tpu.memory_space<hbm>>
      tpu.enqueue_dma source(%dma_start3A_1656 : memref<32xf32, #tpu.memory_space<hbm>>) target(%dma_start3A_1653 : memref<32xf32, #tpu.memory_space<vmem>>) target_semaphore(%arg15 : memref<!tpu.dma_semaphore, #tpu.memory_space<semaphore_mem>>)
      %slice3A_1657 = vector.extract_strided_slice %get3A_1401 {offsets = [8], sizes = [1], strides = [1]} : vector<16xi32> to vector<1xi32>
      %squeeze3A_1658 = vector.extract %slice3A_1657[0] : i32 from vector<1xi32>
      %dma_start3A_1659 = arith.constant 8 : i32
      %dma_start3A_1660 = arith.constant 0 : i32
      %dma_start3A_1661 = tpu.memref_slice %arg12[%dma_start3A_1659, %dma_start3A_1660] : memref<16x32xf32, #tpu.memory_space<vmem>> -> memref<1x32xf32, #tpu.memory_space<vmem>>
      %dma_start3A_1662 = tpu.memref_squeeze %dma_start3A_1661 : memref<1x32xf32, #tpu.memory_space<vmem>> -> memref<32xf32, #tpu.memory_space<vmem>>
      %dma_start3A_1663 = arith.constant 0 : i32
      %dma_start3A_1664 = tpu.memref_slice %arg5[%squeeze3A_1658, %dma_start3A_1663] : memref<1000000x32xf32, #tpu.memory_space<hbm>> -> memref<1x32xf32, #tpu.memory_space<hbm>>
      %dma_start3A_1665 = tpu.memref_squeeze %dma_start3A_1664 : memref<1x32xf32, #tpu.memory_space<hbm>> -> memref<32xf32, #tpu.memory_space<hbm>>
      %dma_start3A_1666 = arith.constant 0 : i32
      %dma_start3A_1667 = tpu.memref_slice %arg12[%dma_start3A_1659, %dma_start3A_1666] : memref<16x32xf32, #tpu.memory_space<vmem>> -> memref<1x32xf32, #tpu.memory_space<vmem>>
      %dma_start3A_1668 = tpu.memref_squeeze %dma_start3A_1667 : memref<1x32xf32, #tpu.memory_space<vmem>> -> memref<32xf32, #tpu.memory_space<vmem>>
      %dma_start3A_1669 = arith.constant 0 : i32
      %dma_start3A_1670 = tpu.memref_slice %arg5[%squeeze3A_1658, %dma_start3A_1669] : memref<1000000x32xf32, #tpu.memory_space<hbm>> -> memref<1x32xf32, #tpu.memory_space<hbm>>
      %dma_start3A_1671 = tpu.memref_squeeze %dma_start3A_1670 : memref<1x32xf32, #tpu.memory_space<hbm>> -> memref<32xf32, #tpu.memory_space<hbm>>
      tpu.enqueue_dma source(%dma_start3A_1671 : memref<32xf32, #tpu.memory_space<hbm>>) target(%dma_start3A_1668 : memref<32xf32, #tpu.memory_space<vmem>>) target_semaphore(%arg17 : memref<!tpu.dma_semaphore, #tpu.memory_space<semaphore_mem>>)
      %slice3A_1672 = vector.extract_strided_slice %get3A_1398 {offsets = [9], sizes = [1], strides = [1]} : vector<16xi32> to vector<1xi32>
      %squeeze3A_1673 = vector.extract %slice3A_1672[0] : i32 from vector<1xi32>
      %dma_start3A_1674 = arith.constant 9 : i32
      %dma_start3A_1675 = arith.constant 0 : i32
      %dma_start3A_1676 = tpu.memref_slice %arg10[%dma_start3A_1674, %dma_start3A_1675] : memref<16x32xf32, #tpu.memory_space<vmem>> -> memref<1x32xf32, #tpu.memory_space<vmem>>
      %dma_start3A_1677 = tpu.memref_squeeze %dma_start3A_1676 : memref<1x32xf32, #tpu.memory_space<vmem>> -> memref<32xf32, #tpu.memory_space<vmem>>
      %dma_start3A_1678 = arith.constant 0 : i32
      %dma_start3A_1679 = tpu.memref_slice %arg4[%squeeze3A_1673, %dma_start3A_1678] : memref<1000000x32xf32, #tpu.memory_space<hbm>> -> memref<1x32xf32, #tpu.memory_space<hbm>>
      %dma_start3A_1680 = tpu.memref_squeeze %dma_start3A_1679 : memref<1x32xf32, #tpu.memory_space<hbm>> -> memref<32xf32, #tpu.memory_space<hbm>>
      %dma_start3A_1681 = arith.constant 0 : i32
      %dma_start3A_1682 = tpu.memref_slice %arg10[%dma_start3A_1674, %dma_start3A_1681] : memref<16x32xf32, #tpu.memory_space<vmem>> -> memref<1x32xf32, #tpu.memory_space<vmem>>
      %dma_start3A_1683 = tpu.memref_squeeze %dma_start3A_1682 : memref<1x32xf32, #tpu.memory_space<vmem>> -> memref<32xf32, #tpu.memory_space<vmem>>
      %dma_start3A_1684 = arith.constant 0 : i32
      %dma_start3A_1685 = tpu.memref_slice %arg4[%squeeze3A_1673, %dma_start3A_1684] : memref<1000000x32xf32, #tpu.memory_space<hbm>> -> memref<1x32xf32, #tpu.memory_space<hbm>>
      %dma_start3A_1686 = tpu.memref_squeeze %dma_start3A_1685 : memref<1x32xf32, #tpu.memory_space<hbm>> -> memref<32xf32, #tpu.memory_space<hbm>>
      tpu.enqueue_dma source(%dma_start3A_1686 : memref<32xf32, #tpu.memory_space<hbm>>) target(%dma_start3A_1683 : memref<32xf32, #tpu.memory_space<vmem>>) target_semaphore(%arg15 : memref<!tpu.dma_semaphore, #tpu.memory_space<semaphore_mem>>)
      %slice3A_1687 = vector.extract_strided_slice %get3A_1401 {offsets = [9], sizes = [1], strides = [1]} : vector<16xi32> to vector<1xi32>
      %squeeze3A_1688 = vector.extract %slice3A_1687[0] : i32 from vector<1xi32>
      %dma_start3A_1689 = arith.constant 9 : i32
      %dma_start3A_1690 = arith.constant 0 : i32
      %dma_start3A_1691 = tpu.memref_slice %arg12[%dma_start3A_1689, %dma_start3A_1690] : memref<16x32xf32, #tpu.memory_space<vmem>> -> memref<1x32xf32, #tpu.memory_space<vmem>>
      %dma_start3A_1692 = tpu.memref_squeeze %dma_start3A_1691 : memref<1x32xf32, #tpu.memory_space<vmem>> -> memref<32xf32, #tpu.memory_space<vmem>>
      %dma_start3A_1693 = arith.constant 0 : i32
      %dma_start3A_1694 = tpu.memref_slice %arg5[%squeeze3A_1688, %dma_start3A_1693] : memref<1000000x32xf32, #tpu.memory_space<hbm>> -> memref<1x32xf32, #tpu.memory_space<hbm>>
      %dma_start3A_1695 = tpu.memref_squeeze %dma_start3A_1694 : memref<1x32xf32, #tpu.memory_space<hbm>> -> memref<32xf32, #tpu.memory_space<hbm>>
      %dma_start3A_1696 = arith.constant 0 : i32
      %dma_start3A_1697 = tpu.memref_slice %arg12[%dma_start3A_1689, %dma_start3A_1696] : memref<16x32xf32, #tpu.memory_space<vmem>> -> memref<1x32xf32, #tpu.memory_space<vmem>>
      %dma_start3A_1698 = tpu.memref_squeeze %dma_start3A_1697 : memref<1x32xf32, #tpu.memory_space<vmem>> -> memref<32xf32, #tpu.memory_space<vmem>>
      %dma_start3A_1699 = arith.constant 0 : i32
      %dma_start3A_1700 = tpu.memref_slice %arg5[%squeeze3A_1688, %dma_start3A_1699] : memref<1000000x32xf32, #tpu.memory_space<hbm>> -> memref<1x32xf32, #tpu.memory_space<hbm>>
      %dma_start3A_1701 = tpu.memref_squeeze %dma_start3A_1700 : memref<1x32xf32, #tpu.memory_space<hbm>> -> memref<32xf32, #tpu.memory_space<hbm>>
      tpu.enqueue_dma source(%dma_start3A_1701 : memref<32xf32, #tpu.memory_space<hbm>>) target(%dma_start3A_1698 : memref<32xf32, #tpu.memory_space<vmem>>) target_semaphore(%arg17 : memref<!tpu.dma_semaphore, #tpu.memory_space<semaphore_mem>>)
      %slice3A_1702 = vector.extract_strided_slice %get3A_1398 {offsets = [10], sizes = [1], strides = [1]} : vector<16xi32> to vector<1xi32>
      %squeeze3A_1703 = vector.extract %slice3A_1702[0] : i32 from vector<1xi32>
      %dma_start3A_1704 = arith.constant 10 : i32
      %dma_start3A_1705 = arith.constant 0 : i32
      %dma_start3A_1706 = tpu.memref_slice %arg10[%dma_start3A_1704, %dma_start3A_1705] : memref<16x32xf32, #tpu.memory_space<vmem>> -> memref<1x32xf32, #tpu.memory_space<vmem>>
      %dma_start3A_1707 = tpu.memref_squeeze %dma_start3A_1706 : memref<1x32xf32, #tpu.memory_space<vmem>> -> memref<32xf32, #tpu.memory_space<vmem>>
      %dma_start3A_1708 = arith.constant 0 : i32
      %dma_start3A_1709 = tpu.memref_slice %arg4[%squeeze3A_1703, %dma_start3A_1708] : memref<1000000x32xf32, #tpu.memory_space<hbm>> -> memref<1x32xf32, #tpu.memory_space<hbm>>
      %dma_start3A_1710 = tpu.memref_squeeze %dma_start3A_1709 : memref<1x32xf32, #tpu.memory_space<hbm>> -> memref<32xf32, #tpu.memory_space<hbm>>
      %dma_start3A_1711 = arith.constant 0 : i32
      %dma_start3A_1712 = tpu.memref_slice %arg10[%dma_start3A_1704, %dma_start3A_1711] : memref<16x32xf32, #tpu.memory_space<vmem>> -> memref<1x32xf32, #tpu.memory_space<vmem>>
      %dma_start3A_1713 = tpu.memref_squeeze %dma_start3A_1712 : memref<1x32xf32, #tpu.memory_space<vmem>> -> memref<32xf32, #tpu.memory_space<vmem>>
      %dma_start3A_1714 = arith.constant 0 : i32
      %dma_start3A_1715 = tpu.memref_slice %arg4[%squeeze3A_1703, %dma_start3A_1714] : memref<1000000x32xf32, #tpu.memory_space<hbm>> -> memref<1x32xf32, #tpu.memory_space<hbm>>
      %dma_start3A_1716 = tpu.memref_squeeze %dma_start3A_1715 : memref<1x32xf32, #tpu.memory_space<hbm>> -> memref<32xf32, #tpu.memory_space<hbm>>
      tpu.enqueue_dma source(%dma_start3A_1716 : memref<32xf32, #tpu.memory_space<hbm>>) target(%dma_start3A_1713 : memref<32xf32, #tpu.memory_space<vmem>>) target_semaphore(%arg15 : memref<!tpu.dma_semaphore, #tpu.memory_space<semaphore_mem>>)
      %slice3A_1717 = vector.extract_strided_slice %get3A_1401 {offsets = [10], sizes = [1], strides = [1]} : vector<16xi32> to vector<1xi32>
      %squeeze3A_1718 = vector.extract %slice3A_1717[0] : i32 from vector<1xi32>
      %dma_start3A_1719 = arith.constant 10 : i32
      %dma_start3A_1720 = arith.constant 0 : i32
      %dma_start3A_1721 = tpu.memref_slice %arg12[%dma_start3A_1719, %dma_start3A_1720] : memref<16x32xf32, #tpu.memory_space<vmem>> -> memref<1x32xf32, #tpu.memory_space<vmem>>
      %dma_start3A_1722 = tpu.memref_squeeze %dma_start3A_1721 : memref<1x32xf32, #tpu.memory_space<vmem>> -> memref<32xf32, #tpu.memory_space<vmem>>
      %dma_start3A_1723 = arith.constant 0 : i32
      %dma_start3A_1724 = tpu.memref_slice %arg5[%squeeze3A_1718, %dma_start3A_1723] : memref<1000000x32xf32, #tpu.memory_space<hbm>> -> memref<1x32xf32, #tpu.memory_space<hbm>>
      %dma_start3A_1725 = tpu.memref_squeeze %dma_start3A_1724 : memref<1x32xf32, #tpu.memory_space<hbm>> -> memref<32xf32, #tpu.memory_space<hbm>>
      %dma_start3A_1726 = arith.constant 0 : i32
      %dma_start3A_1727 = tpu.memref_slice %arg12[%dma_start3A_1719, %dma_start3A_1726] : memref<16x32xf32, #tpu.memory_space<vmem>> -> memref<1x32xf32, #tpu.memory_space<vmem>>
      %dma_start3A_1728 = tpu.memref_squeeze %dma_start3A_1727 : memref<1x32xf32, #tpu.memory_space<vmem>> -> memref<32xf32, #tpu.memory_space<vmem>>
      %dma_start3A_1729 = arith.constant 0 : i32
      %dma_start3A_1730 = tpu.memref_slice %arg5[%squeeze3A_1718, %dma_start3A_1729] : memref<1000000x32xf32, #tpu.memory_space<hbm>> -> memref<1x32xf32, #tpu.memory_space<hbm>>
      %dma_start3A_1731 = tpu.memref_squeeze %dma_start3A_1730 : memref<1x32xf32, #tpu.memory_space<hbm>> -> memref<32xf32, #tpu.memory_space<hbm>>
      tpu.enqueue_dma source(%dma_start3A_1731 : memref<32xf32, #tpu.memory_space<hbm>>) target(%dma_start3A_1728 : memref<32xf32, #tpu.memory_space<vmem>>) target_semaphore(%arg17 : memref<!tpu.dma_semaphore, #tpu.memory_space<semaphore_mem>>)
      %slice3A_1732 = vector.extract_strided_slice %get3A_1398 {offsets = [11], sizes = [1], strides = [1]} : vector<16xi32> to vector<1xi32>
      %squeeze3A_1733 = vector.extract %slice3A_1732[0] : i32 from vector<1xi32>
      %dma_start3A_1734 = arith.constant 11 : i32
      %dma_start3A_1735 = arith.constant 0 : i32
      %dma_start3A_1736 = tpu.memref_slice %arg10[%dma_start3A_1734, %dma_start3A_1735] : memref<16x32xf32, #tpu.memory_space<vmem>> -> memref<1x32xf32, #tpu.memory_space<vmem>>
      %dma_start3A_1737 = tpu.memref_squeeze %dma_start3A_1736 : memref<1x32xf32, #tpu.memory_space<vmem>> -> memref<32xf32, #tpu.memory_space<vmem>>
      %dma_start3A_1738 = arith.constant 0 : i32
      %dma_start3A_1739 = tpu.memref_slice %arg4[%squeeze3A_1733, %dma_start3A_1738] : memref<1000000x32xf32, #tpu.memory_space<hbm>> -> memref<1x32xf32, #tpu.memory_space<hbm>>
      %dma_start3A_1740 = tpu.memref_squeeze %dma_start3A_1739 : memref<1x32xf32, #tpu.memory_space<hbm>> -> memref<32xf32, #tpu.memory_space<hbm>>
      %dma_start3A_1741 = arith.constant 0 : i32
      %dma_start3A_1742 = tpu.memref_slice %arg10[%dma_start3A_1734, %dma_start3A_1741] : memref<16x32xf32, #tpu.memory_space<vmem>> -> memref<1x32xf32, #tpu.memory_space<vmem>>
      %dma_start3A_1743 = tpu.memref_squeeze %dma_start3A_1742 : memref<1x32xf32, #tpu.memory_space<vmem>> -> memref<32xf32, #tpu.memory_space<vmem>>
      %dma_start3A_1744 = arith.constant 0 : i32
      %dma_start3A_1745 = tpu.memref_slice %arg4[%squeeze3A_1733, %dma_start3A_1744] : memref<1000000x32xf32, #tpu.memory_space<hbm>> -> memref<1x32xf32, #tpu.memory_space<hbm>>
      %dma_start3A_1746 = tpu.memref_squeeze %dma_start3A_1745 : memref<1x32xf32, #tpu.memory_space<hbm>> -> memref<32xf32, #tpu.memory_space<hbm>>
      tpu.enqueue_dma source(%dma_start3A_1746 : memref<32xf32, #tpu.memory_space<hbm>>) target(%dma_start3A_1743 : memref<32xf32, #tpu.memory_space<vmem>>) target_semaphore(%arg15 : memref<!tpu.dma_semaphore, #tpu.memory_space<semaphore_mem>>)
      %slice3A_1747 = vector.extract_strided_slice %get3A_1401 {offsets = [11], sizes = [1], strides = [1]} : vector<16xi32> to vector<1xi32>
      %squeeze3A_1748 = vector.extract %slice3A_1747[0] : i32 from vector<1xi32>
      %dma_start3A_1749 = arith.constant 11 : i32
      %dma_start3A_1750 = arith.constant 0 : i32
      %dma_start3A_1751 = tpu.memref_slice %arg12[%dma_start3A_1749, %dma_start3A_1750] : memref<16x32xf32, #tpu.memory_space<vmem>> -> memref<1x32xf32, #tpu.memory_space<vmem>>
      %dma_start3A_1752 = tpu.memref_squeeze %dma_start3A_1751 : memref<1x32xf32, #tpu.memory_space<vmem>> -> memref<32xf32, #tpu.memory_space<vmem>>
      %dma_start3A_1753 = arith.constant 0 : i32
      %dma_start3A_1754 = tpu.memref_slice %arg5[%squeeze3A_1748, %dma_start3A_1753] : memref<1000000x32xf32, #tpu.memory_space<hbm>> -> memref<1x32xf32, #tpu.memory_space<hbm>>
      %dma_start3A_1755 = tpu.memref_squeeze %dma_start3A_1754 : memref<1x32xf32, #tpu.memory_space<hbm>> -> memref<32xf32, #tpu.memory_space<hbm>>
      %dma_start3A_1756 = arith.constant 0 : i32
      %dma_start3A_1757 = tpu.memref_slice %arg12[%dma_start3A_1749, %dma_start3A_1756] : memref<16x32xf32, #tpu.memory_space<vmem>> -> memref<1x32xf32, #tpu.memory_space<vmem>>
      %dma_start3A_1758 = tpu.memref_squeeze %dma_start3A_1757 : memref<1x32xf32, #tpu.memory_space<vmem>> -> memref<32xf32, #tpu.memory_space<vmem>>
      %dma_start3A_1759 = arith.constant 0 : i32
      %dma_start3A_1760 = tpu.memref_slice %arg5[%squeeze3A_1748, %dma_start3A_1759] : memref<1000000x32xf32, #tpu.memory_space<hbm>> -> memref<1x32xf32, #tpu.memory_space<hbm>>
      %dma_start3A_1761 = tpu.memref_squeeze %dma_start3A_1760 : memref<1x32xf32, #tpu.memory_space<hbm>> -> memref<32xf32, #tpu.memory_space<hbm>>
      tpu.enqueue_dma source(%dma_start3A_1761 : memref<32xf32, #tpu.memory_space<hbm>>) target(%dma_start3A_1758 : memref<32xf32, #tpu.memory_space<vmem>>) target_semaphore(%arg17 : memref<!tpu.dma_semaphore, #tpu.memory_space<semaphore_mem>>)
      %slice3A_1762 = vector.extract_strided_slice %get3A_1398 {offsets = [12], sizes = [1], strides = [1]} : vector<16xi32> to vector<1xi32>
      %squeeze3A_1763 = vector.extract %slice3A_1762[0] : i32 from vector<1xi32>
      %dma_start3A_1764 = arith.constant 12 : i32
      %dma_start3A_1765 = arith.constant 0 : i32
      %dma_start3A_1766 = tpu.memref_slice %arg10[%dma_start3A_1764, %dma_start3A_1765] : memref<16x32xf32, #tpu.memory_space<vmem>> -> memref<1x32xf32, #tpu.memory_space<vmem>>
      %dma_start3A_1767 = tpu.memref_squeeze %dma_start3A_1766 : memref<1x32xf32, #tpu.memory_space<vmem>> -> memref<32xf32, #tpu.memory_space<vmem>>
      %dma_start3A_1768 = arith.constant 0 : i32
      %dma_start3A_1769 = tpu.memref_slice %arg4[%squeeze3A_1763, %dma_start3A_1768] : memref<1000000x32xf32, #tpu.memory_space<hbm>> -> memref<1x32xf32, #tpu.memory_space<hbm>>
      %dma_start3A_1770 = tpu.memref_squeeze %dma_start3A_1769 : memref<1x32xf32, #tpu.memory_space<hbm>> -> memref<32xf32, #tpu.memory_space<hbm>>
      %dma_start3A_1771 = arith.constant 0 : i32
      %dma_start3A_1772 = tpu.memref_slice %arg10[%dma_start3A_1764, %dma_start3A_1771] : memref<16x32xf32, #tpu.memory_space<vmem>> -> memref<1x32xf32, #tpu.memory_space<vmem>>
      %dma_start3A_1773 = tpu.memref_squeeze %dma_start3A_1772 : memref<1x32xf32, #tpu.memory_space<vmem>> -> memref<32xf32, #tpu.memory_space<vmem>>
      %dma_start3A_1774 = arith.constant 0 : i32
      %dma_start3A_1775 = tpu.memref_slice %arg4[%squeeze3A_1763, %dma_start3A_1774] : memref<1000000x32xf32, #tpu.memory_space<hbm>> -> memref<1x32xf32, #tpu.memory_space<hbm>>
      %dma_start3A_1776 = tpu.memref_squeeze %dma_start3A_1775 : memref<1x32xf32, #tpu.memory_space<hbm>> -> memref<32xf32, #tpu.memory_space<hbm>>
      tpu.enqueue_dma source(%dma_start3A_1776 : memref<32xf32, #tpu.memory_space<hbm>>) target(%dma_start3A_1773 : memref<32xf32, #tpu.memory_space<vmem>>) target_semaphore(%arg15 : memref<!tpu.dma_semaphore, #tpu.memory_space<semaphore_mem>>)
      %slice3A_1777 = vector.extract_strided_slice %get3A_1401 {offsets = [12], sizes = [1], strides = [1]} : vector<16xi32> to vector<1xi32>
      %squeeze3A_1778 = vector.extract %slice3A_1777[0] : i32 from vector<1xi32>
      %dma_start3A_1779 = arith.constant 12 : i32
      %dma_start3A_1780 = arith.constant 0 : i32
      %dma_start3A_1781 = tpu.memref_slice %arg12[%dma_start3A_1779, %dma_start3A_1780] : memref<16x32xf32, #tpu.memory_space<vmem>> -> memref<1x32xf32, #tpu.memory_space<vmem>>
      %dma_start3A_1782 = tpu.memref_squeeze %dma_start3A_1781 : memref<1x32xf32, #tpu.memory_space<vmem>> -> memref<32xf32, #tpu.memory_space<vmem>>
      %dma_start3A_1783 = arith.constant 0 : i32
      %dma_start3A_1784 = tpu.memref_slice %arg5[%squeeze3A_1778, %dma_start3A_1783] : memref<1000000x32xf32, #tpu.memory_space<hbm>> -> memref<1x32xf32, #tpu.memory_space<hbm>>
      %dma_start3A_1785 = tpu.memref_squeeze %dma_start3A_1784 : memref<1x32xf32, #tpu.memory_space<hbm>> -> memref<32xf32, #tpu.memory_space<hbm>>
      %dma_start3A_1786 = arith.constant 0 : i32
      %dma_start3A_1787 = tpu.memref_slice %arg12[%dma_start3A_1779, %dma_start3A_1786] : memref<16x32xf32, #tpu.memory_space<vmem>> -> memref<1x32xf32, #tpu.memory_space<vmem>>
      %dma_start3A_1788 = tpu.memref_squeeze %dma_start3A_1787 : memref<1x32xf32, #tpu.memory_space<vmem>> -> memref<32xf32, #tpu.memory_space<vmem>>
      %dma_start3A_1789 = arith.constant 0 : i32
      %dma_start3A_1790 = tpu.memref_slice %arg5[%squeeze3A_1778, %dma_start3A_1789] : memref<1000000x32xf32, #tpu.memory_space<hbm>> -> memref<1x32xf32, #tpu.memory_space<hbm>>
      %dma_start3A_1791 = tpu.memref_squeeze %dma_start3A_1790 : memref<1x32xf32, #tpu.memory_space<hbm>> -> memref<32xf32, #tpu.memory_space<hbm>>
      tpu.enqueue_dma source(%dma_start3A_1791 : memref<32xf32, #tpu.memory_space<hbm>>) target(%dma_start3A_1788 : memref<32xf32, #tpu.memory_space<vmem>>) target_semaphore(%arg17 : memref<!tpu.dma_semaphore, #tpu.memory_space<semaphore_mem>>)
      %slice3A_1792 = vector.extract_strided_slice %get3A_1398 {offsets = [13], sizes = [1], strides = [1]} : vector<16xi32> to vector<1xi32>
      %squeeze3A_1793 = vector.extract %slice3A_1792[0] : i32 from vector<1xi32>
      %dma_start3A_1794 = arith.constant 13 : i32
      %dma_start3A_1795 = arith.constant 0 : i32
      %dma_start3A_1796 = tpu.memref_slice %arg10[%dma_start3A_1794, %dma_start3A_1795] : memref<16x32xf32, #tpu.memory_space<vmem>> -> memref<1x32xf32, #tpu.memory_space<vmem>>
      %dma_start3A_1797 = tpu.memref_squeeze %dma_start3A_1796 : memref<1x32xf32, #tpu.memory_space<vmem>> -> memref<32xf32, #tpu.memory_space<vmem>>
      %dma_start3A_1798 = arith.constant 0 : i32
      %dma_start3A_1799 = tpu.memref_slice %arg4[%squeeze3A_1793, %dma_start3A_1798] : memref<1000000x32xf32, #tpu.memory_space<hbm>> -> memref<1x32xf32, #tpu.memory_space<hbm>>
      %dma_start3A_1800 = tpu.memref_squeeze %dma_start3A_1799 : memref<1x32xf32, #tpu.memory_space<hbm>> -> memref<32xf32, #tpu.memory_space<hbm>>
      %dma_start3A_1801 = arith.constant 0 : i32
      %dma_start3A_1802 = tpu.memref_slice %arg10[%dma_start3A_1794, %dma_start3A_1801] : memref<16x32xf32, #tpu.memory_space<vmem>> -> memref<1x32xf32, #tpu.memory_space<vmem>>
      %dma_start3A_1803 = tpu.memref_squeeze %dma_start3A_1802 : memref<1x32xf32, #tpu.memory_space<vmem>> -> memref<32xf32, #tpu.memory_space<vmem>>
      %dma_start3A_1804 = arith.constant 0 : i32
      %dma_start3A_1805 = tpu.memref_slice %arg4[%squeeze3A_1793, %dma_start3A_1804] : memref<1000000x32xf32, #tpu.memory_space<hbm>> -> memref<1x32xf32, #tpu.memory_space<hbm>>
      %dma_start3A_1806 = tpu.memref_squeeze %dma_start3A_1805 : memref<1x32xf32, #tpu.memory_space<hbm>> -> memref<32xf32, #tpu.memory_space<hbm>>
      tpu.enqueue_dma source(%dma_start3A_1806 : memref<32xf32, #tpu.memory_space<hbm>>) target(%dma_start3A_1803 : memref<32xf32, #tpu.memory_space<vmem>>) target_semaphore(%arg15 : memref<!tpu.dma_semaphore, #tpu.memory_space<semaphore_mem>>)
      %slice3A_1807 = vector.extract_strided_slice %get3A_1401 {offsets = [13], sizes = [1], strides = [1]} : vector<16xi32> to vector<1xi32>
      %squeeze3A_1808 = vector.extract %slice3A_1807[0] : i32 from vector<1xi32>
      %dma_start3A_1809 = arith.constant 13 : i32
      %dma_start3A_1810 = arith.constant 0 : i32
      %dma_start3A_1811 = tpu.memref_slice %arg12[%dma_start3A_1809, %dma_start3A_1810] : memref<16x32xf32, #tpu.memory_space<vmem>> -> memref<1x32xf32, #tpu.memory_space<vmem>>
      %dma_start3A_1812 = tpu.memref_squeeze %dma_start3A_1811 : memref<1x32xf32, #tpu.memory_space<vmem>> -> memref<32xf32, #tpu.memory_space<vmem>>
      %dma_start3A_1813 = arith.constant 0 : i32
      %dma_start3A_1814 = tpu.memref_slice %arg5[%squeeze3A_1808, %dma_start3A_1813] : memref<1000000x32xf32, #tpu.memory_space<hbm>> -> memref<1x32xf32, #tpu.memory_space<hbm>>
      %dma_start3A_1815 = tpu.memref_squeeze %dma_start3A_1814 : memref<1x32xf32, #tpu.memory_space<hbm>> -> memref<32xf32, #tpu.memory_space<hbm>>
      %dma_start3A_1816 = arith.constant 0 : i32
      %dma_start3A_1817 = tpu.memref_slice %arg12[%dma_start3A_1809, %dma_start3A_1816] : memref<16x32xf32, #tpu.memory_space<vmem>> -> memref<1x32xf32, #tpu.memory_space<vmem>>
      %dma_start3A_1818 = tpu.memref_squeeze %dma_start3A_1817 : memref<1x32xf32, #tpu.memory_space<vmem>> -> memref<32xf32, #tpu.memory_space<vmem>>
      %dma_start3A_1819 = arith.constant 0 : i32
      %dma_start3A_1820 = tpu.memref_slice %arg5[%squeeze3A_1808, %dma_start3A_1819] : memref<1000000x32xf32, #tpu.memory_space<hbm>> -> memref<1x32xf32, #tpu.memory_space<hbm>>
      %dma_start3A_1821 = tpu.memref_squeeze %dma_start3A_1820 : memref<1x32xf32, #tpu.memory_space<hbm>> -> memref<32xf32, #tpu.memory_space<hbm>>
      tpu.enqueue_dma source(%dma_start3A_1821 : memref<32xf32, #tpu.memory_space<hbm>>) target(%dma_start3A_1818 : memref<32xf32, #tpu.memory_space<vmem>>) target_semaphore(%arg17 : memref<!tpu.dma_semaphore, #tpu.memory_space<semaphore_mem>>)
      %slice3A_1822 = vector.extract_strided_slice %get3A_1398 {offsets = [14], sizes = [1], strides = [1]} : vector<16xi32> to vector<1xi32>
      %squeeze3A_1823 = vector.extract %slice3A_1822[0] : i32 from vector<1xi32>
      %dma_start3A_1824 = arith.constant 14 : i32
      %dma_start3A_1825 = arith.constant 0 : i32
      %dma_start3A_1826 = tpu.memref_slice %arg10[%dma_start3A_1824, %dma_start3A_1825] : memref<16x32xf32, #tpu.memory_space<vmem>> -> memref<1x32xf32, #tpu.memory_space<vmem>>
      %dma_start3A_1827 = tpu.memref_squeeze %dma_start3A_1826 : memref<1x32xf32, #tpu.memory_space<vmem>> -> memref<32xf32, #tpu.memory_space<vmem>>
      %dma_start3A_1828 = arith.constant 0 : i32
      %dma_start3A_1829 = tpu.memref_slice %arg4[%squeeze3A_1823, %dma_start3A_1828] : memref<1000000x32xf32, #tpu.memory_space<hbm>> -> memref<1x32xf32, #tpu.memory_space<hbm>>
      %dma_start3A_1830 = tpu.memref_squeeze %dma_start3A_1829 : memref<1x32xf32, #tpu.memory_space<hbm>> -> memref<32xf32, #tpu.memory_space<hbm>>
      %dma_start3A_1831 = arith.constant 0 : i32
      %dma_start3A_1832 = tpu.memref_slice %arg10[%dma_start3A_1824, %dma_start3A_1831] : memref<16x32xf32, #tpu.memory_space<vmem>> -> memref<1x32xf32, #tpu.memory_space<vmem>>
      %dma_start3A_1833 = tpu.memref_squeeze %dma_start3A_1832 : memref<1x32xf32, #tpu.memory_space<vmem>> -> memref<32xf32, #tpu.memory_space<vmem>>
      %dma_start3A_1834 = arith.constant 0 : i32
      %dma_start3A_1835 = tpu.memref_slice %arg4[%squeeze3A_1823, %dma_start3A_1834] : memref<1000000x32xf32, #tpu.memory_space<hbm>> -> memref<1x32xf32, #tpu.memory_space<hbm>>
      %dma_start3A_1836 = tpu.memref_squeeze %dma_start3A_1835 : memref<1x32xf32, #tpu.memory_space<hbm>> -> memref<32xf32, #tpu.memory_space<hbm>>
      tpu.enqueue_dma source(%dma_start3A_1836 : memref<32xf32, #tpu.memory_space<hbm>>) target(%dma_start3A_1833 : memref<32xf32, #tpu.memory_space<vmem>>) target_semaphore(%arg15 : memref<!tpu.dma_semaphore, #tpu.memory_space<semaphore_mem>>)
      %slice3A_1837 = vector.extract_strided_slice %get3A_1401 {offsets = [14], sizes = [1], strides = [1]} : vector<16xi32> to vector<1xi32>
      %squeeze3A_1838 = vector.extract %slice3A_1837[0] : i32 from vector<1xi32>
      %dma_start3A_1839 = arith.constant 14 : i32
      %dma_start3A_1840 = arith.constant 0 : i32
      %dma_start3A_1841 = tpu.memref_slice %arg12[%dma_start3A_1839, %dma_start3A_1840] : memref<16x32xf32, #tpu.memory_space<vmem>> -> memref<1x32xf32, #tpu.memory_space<vmem>>
      %dma_start3A_1842 = tpu.memref_squeeze %dma_start3A_1841 : memref<1x32xf32, #tpu.memory_space<vmem>> -> memref<32xf32, #tpu.memory_space<vmem>>
      %dma_start3A_1843 = arith.constant 0 : i32
      %dma_start3A_1844 = tpu.memref_slice %arg5[%squeeze3A_1838, %dma_start3A_1843] : memref<1000000x32xf32, #tpu.memory_space<hbm>> -> memref<1x32xf32, #tpu.memory_space<hbm>>
      %dma_start3A_1845 = tpu.memref_squeeze %dma_start3A_1844 : memref<1x32xf32, #tpu.memory_space<hbm>> -> memref<32xf32, #tpu.memory_space<hbm>>
      %dma_start3A_1846 = arith.constant 0 : i32
      %dma_start3A_1847 = tpu.memref_slice %arg12[%dma_start3A_1839, %dma_start3A_1846] : memref<16x32xf32, #tpu.memory_space<vmem>> -> memref<1x32xf32, #tpu.memory_space<vmem>>
      %dma_start3A_1848 = tpu.memref_squeeze %dma_start3A_1847 : memref<1x32xf32, #tpu.memory_space<vmem>> -> memref<32xf32, #tpu.memory_space<vmem>>
      %dma_start3A_1849 = arith.constant 0 : i32
      %dma_start3A_1850 = tpu.memref_slice %arg5[%squeeze3A_1838, %dma_start3A_1849] : memref<1000000x32xf32, #tpu.memory_space<hbm>> -> memref<1x32xf32, #tpu.memory_space<hbm>>
      %dma_start3A_1851 = tpu.memref_squeeze %dma_start3A_1850 : memref<1x32xf32, #tpu.memory_space<hbm>> -> memref<32xf32, #tpu.memory_space<hbm>>
      tpu.enqueue_dma source(%dma_start3A_1851 : memref<32xf32, #tpu.memory_space<hbm>>) target(%dma_start3A_1848 : memref<32xf32, #tpu.memory_space<vmem>>) target_semaphore(%arg17 : memref<!tpu.dma_semaphore, #tpu.memory_space<semaphore_mem>>)
      %slice3A_1852 = vector.extract_strided_slice %get3A_1398 {offsets = [15], sizes = [1], strides = [1]} : vector<16xi32> to vector<1xi32>
      %squeeze3A_1853 = vector.extract %slice3A_1852[0] : i32 from vector<1xi32>
      %dma_start3A_1854 = arith.constant 15 : i32
      %dma_start3A_1855 = arith.constant 0 : i32
      %dma_start3A_1856 = tpu.memref_slice %arg10[%dma_start3A_1854, %dma_start3A_1855] : memref<16x32xf32, #tpu.memory_space<vmem>> -> memref<1x32xf32, #tpu.memory_space<vmem>>
      %dma_start3A_1857 = tpu.memref_squeeze %dma_start3A_1856 : memref<1x32xf32, #tpu.memory_space<vmem>> -> memref<32xf32, #tpu.memory_space<vmem>>
      %dma_start3A_1858 = arith.constant 0 : i32
      %dma_start3A_1859 = tpu.memref_slice %arg4[%squeeze3A_1853, %dma_start3A_1858] : memref<1000000x32xf32, #tpu.memory_space<hbm>> -> memref<1x32xf32, #tpu.memory_space<hbm>>
      %dma_start3A_1860 = tpu.memref_squeeze %dma_start3A_1859 : memref<1x32xf32, #tpu.memory_space<hbm>> -> memref<32xf32, #tpu.memory_space<hbm>>
      %dma_start3A_1861 = arith.constant 0 : i32
      %dma_start3A_1862 = tpu.memref_slice %arg10[%dma_start3A_1854, %dma_start3A_1861] : memref<16x32xf32, #tpu.memory_space<vmem>> -> memref<1x32xf32, #tpu.memory_space<vmem>>
      %dma_start3A_1863 = tpu.memref_squeeze %dma_start3A_1862 : memref<1x32xf32, #tpu.memory_space<vmem>> -> memref<32xf32, #tpu.memory_space<vmem>>
      %dma_start3A_1864 = arith.constant 0 : i32
      %dma_start3A_1865 = tpu.memref_slice %arg4[%squeeze3A_1853, %dma_start3A_1864] : memref<1000000x32xf32, #tpu.memory_space<hbm>> -> memref<1x32xf32, #tpu.memory_space<hbm>>
      %dma_start3A_1866 = tpu.memref_squeeze %dma_start3A_1865 : memref<1x32xf32, #tpu.memory_space<hbm>> -> memref<32xf32, #tpu.memory_space<hbm>>
      tpu.enqueue_dma source(%dma_start3A_1866 : memref<32xf32, #tpu.memory_space<hbm>>) target(%dma_start3A_1863 : memref<32xf32, #tpu.memory_space<vmem>>) target_semaphore(%arg15 : memref<!tpu.dma_semaphore, #tpu.memory_space<semaphore_mem>>)
      %slice3A_1867 = vector.extract_strided_slice %get3A_1401 {offsets = [15], sizes = [1], strides = [1]} : vector<16xi32> to vector<1xi32>
      %squeeze3A_1868 = vector.extract %slice3A_1867[0] : i32 from vector<1xi32>
      %dma_start3A_1869 = arith.constant 15 : i32
      %dma_start3A_1870 = arith.constant 0 : i32
      %dma_start3A_1871 = tpu.memref_slice %arg12[%dma_start3A_1869, %dma_start3A_1870] : memref<16x32xf32, #tpu.memory_space<vmem>> -> memref<1x32xf32, #tpu.memory_space<vmem>>
      %dma_start3A_1872 = tpu.memref_squeeze %dma_start3A_1871 : memref<1x32xf32, #tpu.memory_space<vmem>> -> memref<32xf32, #tpu.memory_space<vmem>>
      %dma_start3A_1873 = arith.constant 0 : i32
      %dma_start3A_1874 = tpu.memref_slice %arg5[%squeeze3A_1868, %dma_start3A_1873] : memref<1000000x32xf32, #tpu.memory_space<hbm>> -> memref<1x32xf32, #tpu.memory_space<hbm>>
      %dma_start3A_1875 = tpu.memref_squeeze %dma_start3A_1874 : memref<1x32xf32, #tpu.memory_space<hbm>> -> memref<32xf32, #tpu.memory_space<hbm>>
      %dma_start3A_1876 = arith.constant 0 : i32
      %dma_start3A_1877 = tpu.memref_slice %arg12[%dma_start3A_1869, %dma_start3A_1876] : memref<16x32xf32, #tpu.memory_space<vmem>> -> memref<1x32xf32, #tpu.memory_space<vmem>>
      %dma_start3A_1878 = tpu.memref_squeeze %dma_start3A_1877 : memref<1x32xf32, #tpu.memory_space<vmem>> -> memref<32xf32, #tpu.memory_space<vmem>>
      %dma_start3A_1879 = arith.constant 0 : i32
      %dma_start3A_1880 = tpu.memref_slice %arg5[%squeeze3A_1868, %dma_start3A_1879] : memref<1000000x32xf32, #tpu.memory_space<hbm>> -> memref<1x32xf32, #tpu.memory_space<hbm>>
      %dma_start3A_1881 = tpu.memref_squeeze %dma_start3A_1880 : memref<1x32xf32, #tpu.memory_space<hbm>> -> memref<32xf32, #tpu.memory_space<hbm>>
      tpu.enqueue_dma source(%dma_start3A_1881 : memref<32xf32, #tpu.memory_space<hbm>>) target(%dma_start3A_1878 : memref<32xf32, #tpu.memory_space<vmem>>) target_semaphore(%arg17 : memref<!tpu.dma_semaphore, #tpu.memory_space<semaphore_mem>>)
      %dma_wait3A_1882 = arith.constant 0 : i32
      %dma_wait3A_1883 = arith.constant 0 : i32
      %dma_wait3A_1884 = arith.constant 0 : i32
      %dma_wait3A_1885 = tpu.memref_slice %arg9[%dma_wait3A_1883, %dma_wait3A_1884] : memref<16x32xf32, #tpu.memory_space<vmem>> -> memref<1x32xf32, #tpu.memory_space<vmem>>
      %dma_wait3A_1886 = tpu.memref_squeeze %dma_wait3A_1885 : memref<1x32xf32, #tpu.memory_space<vmem>> -> memref<32xf32, #tpu.memory_space<vmem>>
      %dma_wait3A_1887 = arith.constant 0 : i32
      %dma_wait3A_1888 = tpu.memref_slice %arg4[%dma_wait3A_1882, %dma_wait3A_1887] : memref<1000000x32xf32, #tpu.memory_space<hbm>> -> memref<1x32xf32, #tpu.memory_space<hbm>>
      %dma_wait3A_1889 = tpu.memref_squeeze %dma_wait3A_1888 : memref<1x32xf32, #tpu.memory_space<hbm>> -> memref<32xf32, #tpu.memory_space<hbm>>
      %dma_wait3A_1890 = arith.constant 0 : i32
      %dma_wait3A_1891 = tpu.memref_slice %arg9[%dma_wait3A_1883, %dma_wait3A_1890] : memref<16x32xf32, #tpu.memory_space<vmem>> -> memref<1x32xf32, #tpu.memory_space<vmem>>
      %dma_wait3A_1892 = tpu.memref_squeeze %dma_wait3A_1891 : memref<1x32xf32, #tpu.memory_space<vmem>> -> memref<32xf32, #tpu.memory_space<vmem>>
      %dma_wait3A_1893 = arith.constant 0 : i32
      %dma_wait3A_1894 = tpu.memref_slice %arg4[%dma_wait3A_1882, %dma_wait3A_1893] : memref<1000000x32xf32, #tpu.memory_space<hbm>> -> memref<1x32xf32, #tpu.memory_space<hbm>>
      %dma_wait3A_1895 = tpu.memref_squeeze %dma_wait3A_1894 : memref<1x32xf32, #tpu.memory_space<hbm>> -> memref<32xf32, #tpu.memory_space<hbm>>
      tpu.wait_dma2 semaphore(%arg14 : memref<!tpu.dma_semaphore, #tpu.memory_space<semaphore_mem>>) src(%dma_wait3A_1895 : memref<32xf32, #tpu.memory_space<hbm>>) dst(%dma_wait3A_1892 : memref<32xf32, #tpu.memory_space<vmem>>)
      %dma_wait3A_1896 = arith.constant 0 : i32
      %dma_wait3A_1897 = arith.constant 0 : i32
      %dma_wait3A_1898 = arith.constant 0 : i32
      %dma_wait3A_1899 = tpu.memref_slice %arg11[%dma_wait3A_1897, %dma_wait3A_1898] : memref<16x32xf32, #tpu.memory_space<vmem>> -> memref<1x32xf32, #tpu.memory_space<vmem>>
      %dma_wait3A_1900 = tpu.memref_squeeze %dma_wait3A_1899 : memref<1x32xf32, #tpu.memory_space<vmem>> -> memref<32xf32, #tpu.memory_space<vmem>>
      %dma_wait3A_1901 = arith.constant 0 : i32
      %dma_wait3A_1902 = tpu.memref_slice %arg5[%dma_wait3A_1896, %dma_wait3A_1901] : memref<1000000x32xf32, #tpu.memory_space<hbm>> -> memref<1x32xf32, #tpu.memory_space<hbm>>
      %dma_wait3A_1903 = tpu.memref_squeeze %dma_wait3A_1902 : memref<1x32xf32, #tpu.memory_space<hbm>> -> memref<32xf32, #tpu.memory_space<hbm>>
      %dma_wait3A_1904 = arith.constant 0 : i32
      %dma_wait3A_1905 = tpu.memref_slice %arg11[%dma_wait3A_1897, %dma_wait3A_1904] : memref<16x32xf32, #tpu.memory_space<vmem>> -> memref<1x32xf32, #tpu.memory_space<vmem>>
      %dma_wait3A_1906 = tpu.memref_squeeze %dma_wait3A_1905 : memref<1x32xf32, #tpu.memory_space<vmem>> -> memref<32xf32, #tpu.memory_space<vmem>>
      %dma_wait3A_1907 = arith.constant 0 : i32
      %dma_wait3A_1908 = tpu.memref_slice %arg5[%dma_wait3A_1896, %dma_wait3A_1907] : memref<1000000x32xf32, #tpu.memory_space<hbm>> -> memref<1x32xf32, #tpu.memory_space<hbm>>
      %dma_wait3A_1909 = tpu.memref_squeeze %dma_wait3A_1908 : memref<1x32xf32, #tpu.memory_space<hbm>> -> memref<32xf32, #tpu.memory_space<hbm>>
      tpu.wait_dma2 semaphore(%arg16 : memref<!tpu.dma_semaphore, #tpu.memory_space<semaphore_mem>>) src(%dma_wait3A_1909 : memref<32xf32, #tpu.memory_space<hbm>>) dst(%dma_wait3A_1906 : memref<32xf32, #tpu.memory_space<vmem>>)
      %dma_wait3A_1910 = arith.constant 0 : i32
      %dma_wait3A_1911 = arith.constant 1 : i32
      %dma_wait3A_1912 = arith.constant 0 : i32
      %dma_wait3A_1913 = tpu.memref_slice %arg9[%dma_wait3A_1911, %dma_wait3A_1912] : memref<16x32xf32, #tpu.memory_space<vmem>> -> memref<1x32xf32, #tpu.memory_space<vmem>>
      %dma_wait3A_1914 = tpu.memref_squeeze %dma_wait3A_1913 : memref<1x32xf32, #tpu.memory_space<vmem>> -> memref<32xf32, #tpu.memory_space<vmem>>
      %dma_wait3A_1915 = arith.constant 0 : i32
      %dma_wait3A_1916 = tpu.memref_slice %arg4[%dma_wait3A_1910, %dma_wait3A_1915] : memref<1000000x32xf32, #tpu.memory_space<hbm>> -> memref<1x32xf32, #tpu.memory_space<hbm>>
      %dma_wait3A_1917 = tpu.memref_squeeze %dma_wait3A_1916 : memref<1x32xf32, #tpu.memory_space<hbm>> -> memref<32xf32, #tpu.memory_space<hbm>>
      %dma_wait3A_1918 = arith.constant 0 : i32
      %dma_wait3A_1919 = tpu.memref_slice %arg9[%dma_wait3A_1911, %dma_wait3A_1918] : memref<16x32xf32, #tpu.memory_space<vmem>> -> memref<1x32xf32, #tpu.memory_space<vmem>>
      %dma_wait3A_1920 = tpu.memref_squeeze %dma_wait3A_1919 : memref<1x32xf32, #tpu.memory_space<vmem>> -> memref<32xf32, #tpu.memory_space<vmem>>
      %dma_wait3A_1921 = arith.constant 0 : i32
      %dma_wait3A_1922 = tpu.memref_slice %arg4[%dma_wait3A_1910, %dma_wait3A_1921] : memref<1000000x32xf32, #tpu.memory_space<hbm>> -> memref<1x32xf32, #tpu.memory_space<hbm>>
      %dma_wait3A_1923 = tpu.memref_squeeze %dma_wait3A_1922 : memref<1x32xf32, #tpu.memory_space<hbm>> -> memref<32xf32, #tpu.memory_space<hbm>>
      tpu.wait_dma2 semaphore(%arg14 : memref<!tpu.dma_semaphore, #tpu.memory_space<semaphore_mem>>) src(%dma_wait3A_1923 : memref<32xf32, #tpu.memory_space<hbm>>) dst(%dma_wait3A_1920 : memref<32xf32, #tpu.memory_space<vmem>>)
      %dma_wait3A_1924 = arith.constant 0 : i32
      %dma_wait3A_1925 = arith.constant 1 : i32
      %dma_wait3A_1926 = arith.constant 0 : i32
      %dma_wait3A_1927 = tpu.memref_slice %arg11[%dma_wait3A_1925, %dma_wait3A_1926] : memref<16x32xf32, #tpu.memory_space<vmem>> -> memref<1x32xf32, #tpu.memory_space<vmem>>
      %dma_wait3A_1928 = tpu.memref_squeeze %dma_wait3A_1927 : memref<1x32xf32, #tpu.memory_space<vmem>> -> memref<32xf32, #tpu.memory_space<vmem>>
      %dma_wait3A_1929 = arith.constant 0 : i32
      %dma_wait3A_1930 = tpu.memref_slice %arg5[%dma_wait3A_1924, %dma_wait3A_1929] : memref<1000000x32xf32, #tpu.memory_space<hbm>> -> memref<1x32xf32, #tpu.memory_space<hbm>>
      %dma_wait3A_1931 = tpu.memref_squeeze %dma_wait3A_1930 : memref<1x32xf32, #tpu.memory_space<hbm>> -> memref<32xf32, #tpu.memory_space<hbm>>
      %dma_wait3A_1932 = arith.constant 0 : i32
      %dma_wait3A_1933 = tpu.memref_slice %arg11[%dma_wait3A_1925, %dma_wait3A_1932] : memref<16x32xf32, #tpu.memory_space<vmem>> -> memref<1x32xf32, #tpu.memory_space<vmem>>
      %dma_wait3A_1934 = tpu.memref_squeeze %dma_wait3A_1933 : memref<1x32xf32, #tpu.memory_space<vmem>> -> memref<32xf32, #tpu.memory_space<vmem>>
      %dma_wait3A_1935 = arith.constant 0 : i32
      %dma_wait3A_1936 = tpu.memref_slice %arg5[%dma_wait3A_1924, %dma_wait3A_1935] : memref<1000000x32xf32, #tpu.memory_space<hbm>> -> memref<1x32xf32, #tpu.memory_space<hbm>>
      %dma_wait3A_1937 = tpu.memref_squeeze %dma_wait3A_1936 : memref<1x32xf32, #tpu.memory_space<hbm>> -> memref<32xf32, #tpu.memory_space<hbm>>
      tpu.wait_dma2 semaphore(%arg16 : memref<!tpu.dma_semaphore, #tpu.memory_space<semaphore_mem>>) src(%dma_wait3A_1937 : memref<32xf32, #tpu.memory_space<hbm>>) dst(%dma_wait3A_1934 : memref<32xf32, #tpu.memory_space<vmem>>)
      %dma_wait3A_1938 = arith.constant 0 : i32
      %dma_wait3A_1939 = arith.constant 2 : i32
      %dma_wait3A_1940 = arith.constant 0 : i32
      %dma_wait3A_1941 = tpu.memref_slice %arg9[%dma_wait3A_1939, %dma_wait3A_1940] : memref<16x32xf32, #tpu.memory_space<vmem>> -> memref<1x32xf32, #tpu.memory_space<vmem>>
      %dma_wait3A_1942 = tpu.memref_squeeze %dma_wait3A_1941 : memref<1x32xf32, #tpu.memory_space<vmem>> -> memref<32xf32, #tpu.memory_space<vmem>>
      %dma_wait3A_1943 = arith.constant 0 : i32
      %dma_wait3A_1944 = tpu.memref_slice %arg4[%dma_wait3A_1938, %dma_wait3A_1943] : memref<1000000x32xf32, #tpu.memory_space<hbm>> -> memref<1x32xf32, #tpu.memory_space<hbm>>
      %dma_wait3A_1945 = tpu.memref_squeeze %dma_wait3A_1944 : memref<1x32xf32, #tpu.memory_space<hbm>> -> memref<32xf32, #tpu.memory_space<hbm>>
      %dma_wait3A_1946 = arith.constant 0 : i32
      %dma_wait3A_1947 = tpu.memref_slice %arg9[%dma_wait3A_1939, %dma_wait3A_1946] : memref<16x32xf32, #tpu.memory_space<vmem>> -> memref<1x32xf32, #tpu.memory_space<vmem>>
      %dma_wait3A_1948 = tpu.memref_squeeze %dma_wait3A_1947 : memref<1x32xf32, #tpu.memory_space<vmem>> -> memref<32xf32, #tpu.memory_space<vmem>>
      %dma_wait3A_1949 = arith.constant 0 : i32
      %dma_wait3A_1950 = tpu.memref_slice %arg4[%dma_wait3A_1938, %dma_wait3A_1949] : memref<1000000x32xf32, #tpu.memory_space<hbm>> -> memref<1x32xf32, #tpu.memory_space<hbm>>
      %dma_wait3A_1951 = tpu.memref_squeeze %dma_wait3A_1950 : memref<1x32xf32, #tpu.memory_space<hbm>> -> memref<32xf32, #tpu.memory_space<hbm>>
      tpu.wait_dma2 semaphore(%arg14 : memref<!tpu.dma_semaphore, #tpu.memory_space<semaphore_mem>>) src(%dma_wait3A_1951 : memref<32xf32, #tpu.memory_space<hbm>>) dst(%dma_wait3A_1948 : memref<32xf32, #tpu.memory_space<vmem>>)
      %dma_wait3A_1952 = arith.constant 0 : i32
      %dma_wait3A_1953 = arith.constant 2 : i32
      %dma_wait3A_1954 = arith.constant 0 : i32
      %dma_wait3A_1955 = tpu.memref_slice %arg11[%dma_wait3A_1953, %dma_wait3A_1954] : memref<16x32xf32, #tpu.memory_space<vmem>> -> memref<1x32xf32, #tpu.memory_space<vmem>>
      %dma_wait3A_1956 = tpu.memref_squeeze %dma_wait3A_1955 : memref<1x32xf32, #tpu.memory_space<vmem>> -> memref<32xf32, #tpu.memory_space<vmem>>
      %dma_wait3A_1957 = arith.constant 0 : i32
      %dma_wait3A_1958 = tpu.memref_slice %arg5[%dma_wait3A_1952, %dma_wait3A_1957] : memref<1000000x32xf32, #tpu.memory_space<hbm>> -> memref<1x32xf32, #tpu.memory_space<hbm>>
      %dma_wait3A_1959 = tpu.memref_squeeze %dma_wait3A_1958 : memref<1x32xf32, #tpu.memory_space<hbm>> -> memref<32xf32, #tpu.memory_space<hbm>>
      %dma_wait3A_1960 = arith.constant 0 : i32
      %dma_wait3A_1961 = tpu.memref_slice %arg11[%dma_wait3A_1953, %dma_wait3A_1960] : memref<16x32xf32, #tpu.memory_space<vmem>> -> memref<1x32xf32, #tpu.memory_space<vmem>>
      %dma_wait3A_1962 = tpu.memref_squeeze %dma_wait3A_1961 : memref<1x32xf32, #tpu.memory_space<vmem>> -> memref<32xf32, #tpu.memory_space<vmem>>
      %dma_wait3A_1963 = arith.constant 0 : i32
      %dma_wait3A_1964 = tpu.memref_slice %arg5[%dma_wait3A_1952, %dma_wait3A_1963] : memref<1000000x32xf32, #tpu.memory_space<hbm>> -> memref<1x32xf32, #tpu.memory_space<hbm>>
      %dma_wait3A_1965 = tpu.memref_squeeze %dma_wait3A_1964 : memref<1x32xf32, #tpu.memory_space<hbm>> -> memref<32xf32, #tpu.memory_space<hbm>>
      tpu.wait_dma2 semaphore(%arg16 : memref<!tpu.dma_semaphore, #tpu.memory_space<semaphore_mem>>) src(%dma_wait3A_1965 : memref<32xf32, #tpu.memory_space<hbm>>) dst(%dma_wait3A_1962 : memref<32xf32, #tpu.memory_space<vmem>>)
      %dma_wait3A_1966 = arith.constant 0 : i32
      %dma_wait3A_1967 = arith.constant 3 : i32
      %dma_wait3A_1968 = arith.constant 0 : i32
      %dma_wait3A_1969 = tpu.memref_slice %arg9[%dma_wait3A_1967, %dma_wait3A_1968] : memref<16x32xf32, #tpu.memory_space<vmem>> -> memref<1x32xf32, #tpu.memory_space<vmem>>
      %dma_wait3A_1970 = tpu.memref_squeeze %dma_wait3A_1969 : memref<1x32xf32, #tpu.memory_space<vmem>> -> memref<32xf32, #tpu.memory_space<vmem>>
      %dma_wait3A_1971 = arith.constant 0 : i32
      %dma_wait3A_1972 = tpu.memref_slice %arg4[%dma_wait3A_1966, %dma_wait3A_1971] : memref<1000000x32xf32, #tpu.memory_space<hbm>> -> memref<1x32xf32, #tpu.memory_space<hbm>>
      %dma_wait3A_1973 = tpu.memref_squeeze %dma_wait3A_1972 : memref<1x32xf32, #tpu.memory_space<hbm>> -> memref<32xf32, #tpu.memory_space<hbm>>
      %dma_wait3A_1974 = arith.constant 0 : i32
      %dma_wait3A_1975 = tpu.memref_slice %arg9[%dma_wait3A_1967, %dma_wait3A_1974] : memref<16x32xf32, #tpu.memory_space<vmem>> -> memref<1x32xf32, #tpu.memory_space<vmem>>
      %dma_wait3A_1976 = tpu.memref_squeeze %dma_wait3A_1975 : memref<1x32xf32, #tpu.memory_space<vmem>> -> memref<32xf32, #tpu.memory_space<vmem>>
      %dma_wait3A_1977 = arith.constant 0 : i32
      %dma_wait3A_1978 = tpu.memref_slice %arg4[%dma_wait3A_1966, %dma_wait3A_1977] : memref<1000000x32xf32, #tpu.memory_space<hbm>> -> memref<1x32xf32, #tpu.memory_space<hbm>>
      %dma_wait3A_1979 = tpu.memref_squeeze %dma_wait3A_1978 : memref<1x32xf32, #tpu.memory_space<hbm>> -> memref<32xf32, #tpu.memory_space<hbm>>
      tpu.wait_dma2 semaphore(%arg14 : memref<!tpu.dma_semaphore, #tpu.memory_space<semaphore_mem>>) src(%dma_wait3A_1979 : memref<32xf32, #tpu.memory_space<hbm>>) dst(%dma_wait3A_1976 : memref<32xf32, #tpu.memory_space<vmem>>)
      %dma_wait3A_1980 = arith.constant 0 : i32
      %dma_wait3A_1981 = arith.constant 3 : i32
      %dma_wait3A_1982 = arith.constant 0 : i32
      %dma_wait3A_1983 = tpu.memref_slice %arg11[%dma_wait3A_1981, %dma_wait3A_1982] : memref<16x32xf32, #tpu.memory_space<vmem>> -> memref<1x32xf32, #tpu.memory_space<vmem>>
      %dma_wait3A_1984 = tpu.memref_squeeze %dma_wait3A_1983 : memref<1x32xf32, #tpu.memory_space<vmem>> -> memref<32xf32, #tpu.memory_space<vmem>>
      %dma_wait3A_1985 = arith.constant 0 : i32
      %dma_wait3A_1986 = tpu.memref_slice %arg5[%dma_wait3A_1980, %dma_wait3A_1985] : memref<1000000x32xf32, #tpu.memory_space<hbm>> -> memref<1x32xf32, #tpu.memory_space<hbm>>
      %dma_wait3A_1987 = tpu.memref_squeeze %dma_wait3A_1986 : memref<1x32xf32, #tpu.memory_space<hbm>> -> memref<32xf32, #tpu.memory_space<hbm>>
      %dma_wait3A_1988 = arith.constant 0 : i32
      %dma_wait3A_1989 = tpu.memref_slice %arg11[%dma_wait3A_1981, %dma_wait3A_1988] : memref<16x32xf32, #tpu.memory_space<vmem>> -> memref<1x32xf32, #tpu.memory_space<vmem>>
      %dma_wait3A_1990 = tpu.memref_squeeze %dma_wait3A_1989 : memref<1x32xf32, #tpu.memory_space<vmem>> -> memref<32xf32, #tpu.memory_space<vmem>>
      %dma_wait3A_1991 = arith.constant 0 : i32
      %dma_wait3A_1992 = tpu.memref_slice %arg5[%dma_wait3A_1980, %dma_wait3A_1991] : memref<1000000x32xf32, #tpu.memory_space<hbm>> -> memref<1x32xf32, #tpu.memory_space<hbm>>
      %dma_wait3A_1993 = tpu.memref_squeeze %dma_wait3A_1992 : memref<1x32xf32, #tpu.memory_space<hbm>> -> memref<32xf32, #tpu.memory_space<hbm>>
      tpu.wait_dma2 semaphore(%arg16 : memref<!tpu.dma_semaphore, #tpu.memory_space<semaphore_mem>>) src(%dma_wait3A_1993 : memref<32xf32, #tpu.memory_space<hbm>>) dst(%dma_wait3A_1990 : memref<32xf32, #tpu.memory_space<vmem>>)
      %dma_wait3A_1994 = arith.constant 0 : i32
      %dma_wait3A_1995 = arith.constant 4 : i32
      %dma_wait3A_1996 = arith.constant 0 : i32
      %dma_wait3A_1997 = tpu.memref_slice %arg9[%dma_wait3A_1995, %dma_wait3A_1996] : memref<16x32xf32, #tpu.memory_space<vmem>> -> memref<1x32xf32, #tpu.memory_space<vmem>>
      %dma_wait3A_1998 = tpu.memref_squeeze %dma_wait3A_1997 : memref<1x32xf32, #tpu.memory_space<vmem>> -> memref<32xf32, #tpu.memory_space<vmem>>
      %dma_wait3A_1999 = arith.constant 0 : i32
      %dma_wait3A_2000 = tpu.memref_slice %arg4[%dma_wait3A_1994, %dma_wait3A_1999] : memref<1000000x32xf32, #tpu.memory_space<hbm>> -> memref<1x32xf32, #tpu.memory_space<hbm>>
      %dma_wait3A_2001 = tpu.memref_squeeze %dma_wait3A_2000 : memref<1x32xf32, #tpu.memory_space<hbm>> -> memref<32xf32, #tpu.memory_space<hbm>>
      %dma_wait3A_2002 = arith.constant 0 : i32
      %dma_wait3A_2003 = tpu.memref_slice %arg9[%dma_wait3A_1995, %dma_wait3A_2002] : memref<16x32xf32, #tpu.memory_space<vmem>> -> memref<1x32xf32, #tpu.memory_space<vmem>>
      %dma_wait3A_2004 = tpu.memref_squeeze %dma_wait3A_2003 : memref<1x32xf32, #tpu.memory_space<vmem>> -> memref<32xf32, #tpu.memory_space<vmem>>
      %dma_wait3A_2005 = arith.constant 0 : i32
      %dma_wait3A_2006 = tpu.memref_slice %arg4[%dma_wait3A_1994, %dma_wait3A_2005] : memref<1000000x32xf32, #tpu.memory_space<hbm>> -> memref<1x32xf32, #tpu.memory_space<hbm>>
      %dma_wait3A_2007 = tpu.memref_squeeze %dma_wait3A_2006 : memref<1x32xf32, #tpu.memory_space<hbm>> -> memref<32xf32, #tpu.memory_space<hbm>>
      tpu.wait_dma2 semaphore(%arg14 : memref<!tpu.dma_semaphore, #tpu.memory_space<semaphore_mem>>) src(%dma_wait3A_2007 : memref<32xf32, #tpu.memory_space<hbm>>) dst(%dma_wait3A_2004 : memref<32xf32, #tpu.memory_space<vmem>>)
      %dma_wait3A_2008 = arith.constant 0 : i32
      %dma_wait3A_2009 = arith.constant 4 : i32
      %dma_wait3A_2010 = arith.constant 0 : i32
      %dma_wait3A_2011 = tpu.memref_slice %arg11[%dma_wait3A_2009, %dma_wait3A_2010] : memref<16x32xf32, #tpu.memory_space<vmem>> -> memref<1x32xf32, #tpu.memory_space<vmem>>
      %dma_wait3A_2012 = tpu.memref_squeeze %dma_wait3A_2011 : memref<1x32xf32, #tpu.memory_space<vmem>> -> memref<32xf32, #tpu.memory_space<vmem>>
      %dma_wait3A_2013 = arith.constant 0 : i32
      %dma_wait3A_2014 = tpu.memref_slice %arg5[%dma_wait3A_2008, %dma_wait3A_2013] : memref<1000000x32xf32, #tpu.memory_space<hbm>> -> memref<1x32xf32, #tpu.memory_space<hbm>>
      %dma_wait3A_2015 = tpu.memref_squeeze %dma_wait3A_2014 : memref<1x32xf32, #tpu.memory_space<hbm>> -> memref<32xf32, #tpu.memory_space<hbm>>
      %dma_wait3A_2016 = arith.constant 0 : i32
      %dma_wait3A_2017 = tpu.memref_slice %arg11[%dma_wait3A_2009, %dma_wait3A_2016] : memref<16x32xf32, #tpu.memory_space<vmem>> -> memref<1x32xf32, #tpu.memory_space<vmem>>
      %dma_wait3A_2018 = tpu.memref_squeeze %dma_wait3A_2017 : memref<1x32xf32, #tpu.memory_space<vmem>> -> memref<32xf32, #tpu.memory_space<vmem>>
      %dma_wait3A_2019 = arith.constant 0 : i32
      %dma_wait3A_2020 = tpu.memref_slice %arg5[%dma_wait3A_2008, %dma_wait3A_2019] : memref<1000000x32xf32, #tpu.memory_space<hbm>> -> memref<1x32xf32, #tpu.memory_space<hbm>>
      %dma_wait3A_2021 = tpu.memref_squeeze %dma_wait3A_2020 : memref<1x32xf32, #tpu.memory_space<hbm>> -> memref<32xf32, #tpu.memory_space<hbm>>
      tpu.wait_dma2 semaphore(%arg16 : memref<!tpu.dma_semaphore, #tpu.memory_space<semaphore_mem>>) src(%dma_wait3A_2021 : memref<32xf32, #tpu.memory_space<hbm>>) dst(%dma_wait3A_2018 : memref<32xf32, #tpu.memory_space<vmem>>)
      %dma_wait3A_2022 = arith.constant 0 : i32
      %dma_wait3A_2023 = arith.constant 5 : i32
      %dma_wait3A_2024 = arith.constant 0 : i32
      %dma_wait3A_2025 = tpu.memref_slice %arg9[%dma_wait3A_2023, %dma_wait3A_2024] : memref<16x32xf32, #tpu.memory_space<vmem>> -> memref<1x32xf32, #tpu.memory_space<vmem>>
      %dma_wait3A_2026 = tpu.memref_squeeze %dma_wait3A_2025 : memref<1x32xf32, #tpu.memory_space<vmem>> -> memref<32xf32, #tpu.memory_space<vmem>>
      %dma_wait3A_2027 = arith.constant 0 : i32
      %dma_wait3A_2028 = tpu.memref_slice %arg4[%dma_wait3A_2022, %dma_wait3A_2027] : memref<1000000x32xf32, #tpu.memory_space<hbm>> -> memref<1x32xf32, #tpu.memory_space<hbm>>
      %dma_wait3A_2029 = tpu.memref_squeeze %dma_wait3A_2028 : memref<1x32xf32, #tpu.memory_space<hbm>> -> memref<32xf32, #tpu.memory_space<hbm>>
      %dma_wait3A_2030 = arith.constant 0 : i32
      %dma_wait3A_2031 = tpu.memref_slice %arg9[%dma_wait3A_2023, %dma_wait3A_2030] : memref<16x32xf32, #tpu.memory_space<vmem>> -> memref<1x32xf32, #tpu.memory_space<vmem>>
      %dma_wait3A_2032 = tpu.memref_squeeze %dma_wait3A_2031 : memref<1x32xf32, #tpu.memory_space<vmem>> -> memref<32xf32, #tpu.memory_space<vmem>>
      %dma_wait3A_2033 = arith.constant 0 : i32
      %dma_wait3A_2034 = tpu.memref_slice %arg4[%dma_wait3A_2022, %dma_wait3A_2033] : memref<1000000x32xf32, #tpu.memory_space<hbm>> -> memref<1x32xf32, #tpu.memory_space<hbm>>
      %dma_wait3A_2035 = tpu.memref_squeeze %dma_wait3A_2034 : memref<1x32xf32, #tpu.memory_space<hbm>> -> memref<32xf32, #tpu.memory_space<hbm>>
      tpu.wait_dma2 semaphore(%arg14 : memref<!tpu.dma_semaphore, #tpu.memory_space<semaphore_mem>>) src(%dma_wait3A_2035 : memref<32xf32, #tpu.memory_space<hbm>>) dst(%dma_wait3A_2032 : memref<32xf32, #tpu.memory_space<vmem>>)
      %dma_wait3A_2036 = arith.constant 0 : i32
      %dma_wait3A_2037 = arith.constant 5 : i32
      %dma_wait3A_2038 = arith.constant 0 : i32
      %dma_wait3A_2039 = tpu.memref_slice %arg11[%dma_wait3A_2037, %dma_wait3A_2038] : memref<16x32xf32, #tpu.memory_space<vmem>> -> memref<1x32xf32, #tpu.memory_space<vmem>>
      %dma_wait3A_2040 = tpu.memref_squeeze %dma_wait3A_2039 : memref<1x32xf32, #tpu.memory_space<vmem>> -> memref<32xf32, #tpu.memory_space<vmem>>
      %dma_wait3A_2041 = arith.constant 0 : i32
      %dma_wait3A_2042 = tpu.memref_slice %arg5[%dma_wait3A_2036, %dma_wait3A_2041] : memref<1000000x32xf32, #tpu.memory_space<hbm>> -> memref<1x32xf32, #tpu.memory_space<hbm>>
      %dma_wait3A_2043 = tpu.memref_squeeze %dma_wait3A_2042 : memref<1x32xf32, #tpu.memory_space<hbm>> -> memref<32xf32, #tpu.memory_space<hbm>>
      %dma_wait3A_2044 = arith.constant 0 : i32
      %dma_wait3A_2045 = tpu.memref_slice %arg11[%dma_wait3A_2037, %dma_wait3A_2044] : memref<16x32xf32, #tpu.memory_space<vmem>> -> memref<1x32xf32, #tpu.memory_space<vmem>>
      %dma_wait3A_2046 = tpu.memref_squeeze %dma_wait3A_2045 : memref<1x32xf32, #tpu.memory_space<vmem>> -> memref<32xf32, #tpu.memory_space<vmem>>
      %dma_wait3A_2047 = arith.constant 0 : i32
      %dma_wait3A_2048 = tpu.memref_slice %arg5[%dma_wait3A_2036, %dma_wait3A_2047] : memref<1000000x32xf32, #tpu.memory_space<hbm>> -> memref<1x32xf32, #tpu.memory_space<hbm>>
      %dma_wait3A_2049 = tpu.memref_squeeze %dma_wait3A_2048 : memref<1x32xf32, #tpu.memory_space<hbm>> -> memref<32xf32, #tpu.memory_space<hbm>>
      tpu.wait_dma2 semaphore(%arg16 : memref<!tpu.dma_semaphore, #tpu.memory_space<semaphore_mem>>) src(%dma_wait3A_2049 : memref<32xf32, #tpu.memory_space<hbm>>) dst(%dma_wait3A_2046 : memref<32xf32, #tpu.memory_space<vmem>>)
      %dma_wait3A_2050 = arith.constant 0 : i32
      %dma_wait3A_2051 = arith.constant 6 : i32
      %dma_wait3A_2052 = arith.constant 0 : i32
      %dma_wait3A_2053 = tpu.memref_slice %arg9[%dma_wait3A_2051, %dma_wait3A_2052] : memref<16x32xf32, #tpu.memory_space<vmem>> -> memref<1x32xf32, #tpu.memory_space<vmem>>
      %dma_wait3A_2054 = tpu.memref_squeeze %dma_wait3A_2053 : memref<1x32xf32, #tpu.memory_space<vmem>> -> memref<32xf32, #tpu.memory_space<vmem>>
      %dma_wait3A_2055 = arith.constant 0 : i32
      %dma_wait3A_2056 = tpu.memref_slice %arg4[%dma_wait3A_2050, %dma_wait3A_2055] : memref<1000000x32xf32, #tpu.memory_space<hbm>> -> memref<1x32xf32, #tpu.memory_space<hbm>>
      %dma_wait3A_2057 = tpu.memref_squeeze %dma_wait3A_2056 : memref<1x32xf32, #tpu.memory_space<hbm>> -> memref<32xf32, #tpu.memory_space<hbm>>
      %dma_wait3A_2058 = arith.constant 0 : i32
      %dma_wait3A_2059 = tpu.memref_slice %arg9[%dma_wait3A_2051, %dma_wait3A_2058] : memref<16x32xf32, #tpu.memory_space<vmem>> -> memref<1x32xf32, #tpu.memory_space<vmem>>
      %dma_wait3A_2060 = tpu.memref_squeeze %dma_wait3A_2059 : memref<1x32xf32, #tpu.memory_space<vmem>> -> memref<32xf32, #tpu.memory_space<vmem>>
      %dma_wait3A_2061 = arith.constant 0 : i32
      %dma_wait3A_2062 = tpu.memref_slice %arg4[%dma_wait3A_2050, %dma_wait3A_2061] : memref<1000000x32xf32, #tpu.memory_space<hbm>> -> memref<1x32xf32, #tpu.memory_space<hbm>>
      %dma_wait3A_2063 = tpu.memref_squeeze %dma_wait3A_2062 : memref<1x32xf32, #tpu.memory_space<hbm>> -> memref<32xf32, #tpu.memory_space<hbm>>
      tpu.wait_dma2 semaphore(%arg14 : memref<!tpu.dma_semaphore, #tpu.memory_space<semaphore_mem>>) src(%dma_wait3A_2063 : memref<32xf32, #tpu.memory_space<hbm>>) dst(%dma_wait3A_2060 : memref<32xf32, #tpu.memory_space<vmem>>)
      %dma_wait3A_2064 = arith.constant 0 : i32
      %dma_wait3A_2065 = arith.constant 6 : i32
      %dma_wait3A_2066 = arith.constant 0 : i32
      %dma_wait3A_2067 = tpu.memref_slice %arg11[%dma_wait3A_2065, %dma_wait3A_2066] : memref<16x32xf32, #tpu.memory_space<vmem>> -> memref<1x32xf32, #tpu.memory_space<vmem>>
      %dma_wait3A_2068 = tpu.memref_squeeze %dma_wait3A_2067 : memref<1x32xf32, #tpu.memory_space<vmem>> -> memref<32xf32, #tpu.memory_space<vmem>>
      %dma_wait3A_2069 = arith.constant 0 : i32
      %dma_wait3A_2070 = tpu.memref_slice %arg5[%dma_wait3A_2064, %dma_wait3A_2069] : memref<1000000x32xf32, #tpu.memory_space<hbm>> -> memref<1x32xf32, #tpu.memory_space<hbm>>
      %dma_wait3A_2071 = tpu.memref_squeeze %dma_wait3A_2070 : memref<1x32xf32, #tpu.memory_space<hbm>> -> memref<32xf32, #tpu.memory_space<hbm>>
      %dma_wait3A_2072 = arith.constant 0 : i32
      %dma_wait3A_2073 = tpu.memref_slice %arg11[%dma_wait3A_2065, %dma_wait3A_2072] : memref<16x32xf32, #tpu.memory_space<vmem>> -> memref<1x32xf32, #tpu.memory_space<vmem>>
      %dma_wait3A_2074 = tpu.memref_squeeze %dma_wait3A_2073 : memref<1x32xf32, #tpu.memory_space<vmem>> -> memref<32xf32, #tpu.memory_space<vmem>>
      %dma_wait3A_2075 = arith.constant 0 : i32
      %dma_wait3A_2076 = tpu.memref_slice %arg5[%dma_wait3A_2064, %dma_wait3A_2075] : memref<1000000x32xf32, #tpu.memory_space<hbm>> -> memref<1x32xf32, #tpu.memory_space<hbm>>
      %dma_wait3A_2077 = tpu.memref_squeeze %dma_wait3A_2076 : memref<1x32xf32, #tpu.memory_space<hbm>> -> memref<32xf32, #tpu.memory_space<hbm>>
      tpu.wait_dma2 semaphore(%arg16 : memref<!tpu.dma_semaphore, #tpu.memory_space<semaphore_mem>>) src(%dma_wait3A_2077 : memref<32xf32, #tpu.memory_space<hbm>>) dst(%dma_wait3A_2074 : memref<32xf32, #tpu.memory_space<vmem>>)
      %dma_wait3A_2078 = arith.constant 0 : i32
      %dma_wait3A_2079 = arith.constant 7 : i32
      %dma_wait3A_2080 = arith.constant 0 : i32
      %dma_wait3A_2081 = tpu.memref_slice %arg9[%dma_wait3A_2079, %dma_wait3A_2080] : memref<16x32xf32, #tpu.memory_space<vmem>> -> memref<1x32xf32, #tpu.memory_space<vmem>>
      %dma_wait3A_2082 = tpu.memref_squeeze %dma_wait3A_2081 : memref<1x32xf32, #tpu.memory_space<vmem>> -> memref<32xf32, #tpu.memory_space<vmem>>
      %dma_wait3A_2083 = arith.constant 0 : i32
      %dma_wait3A_2084 = tpu.memref_slice %arg4[%dma_wait3A_2078, %dma_wait3A_2083] : memref<1000000x32xf32, #tpu.memory_space<hbm>> -> memref<1x32xf32, #tpu.memory_space<hbm>>
      %dma_wait3A_2085 = tpu.memref_squeeze %dma_wait3A_2084 : memref<1x32xf32, #tpu.memory_space<hbm>> -> memref<32xf32, #tpu.memory_space<hbm>>
      %dma_wait3A_2086 = arith.constant 0 : i32
      %dma_wait3A_2087 = tpu.memref_slice %arg9[%dma_wait3A_2079, %dma_wait3A_2086] : memref<16x32xf32, #tpu.memory_space<vmem>> -> memref<1x32xf32, #tpu.memory_space<vmem>>
      %dma_wait3A_2088 = tpu.memref_squeeze %dma_wait3A_2087 : memref<1x32xf32, #tpu.memory_space<vmem>> -> memref<32xf32, #tpu.memory_space<vmem>>
      %dma_wait3A_2089 = arith.constant 0 : i32
      %dma_wait3A_2090 = tpu.memref_slice %arg4[%dma_wait3A_2078, %dma_wait3A_2089] : memref<1000000x32xf32, #tpu.memory_space<hbm>> -> memref<1x32xf32, #tpu.memory_space<hbm>>
      %dma_wait3A_2091 = tpu.memref_squeeze %dma_wait3A_2090 : memref<1x32xf32, #tpu.memory_space<hbm>> -> memref<32xf32, #tpu.memory_space<hbm>>
      tpu.wait_dma2 semaphore(%arg14 : memref<!tpu.dma_semaphore, #tpu.memory_space<semaphore_mem>>) src(%dma_wait3A_2091 : memref<32xf32, #tpu.memory_space<hbm>>) dst(%dma_wait3A_2088 : memref<32xf32, #tpu.memory_space<vmem>>)
      %dma_wait3A_2092 = arith.constant 0 : i32
      %dma_wait3A_2093 = arith.constant 7 : i32
      %dma_wait3A_2094 = arith.constant 0 : i32
      %dma_wait3A_2095 = tpu.memref_slice %arg11[%dma_wait3A_2093, %dma_wait3A_2094] : memref<16x32xf32, #tpu.memory_space<vmem>> -> memref<1x32xf32, #tpu.memory_space<vmem>>
      %dma_wait3A_2096 = tpu.memref_squeeze %dma_wait3A_2095 : memref<1x32xf32, #tpu.memory_space<vmem>> -> memref<32xf32, #tpu.memory_space<vmem>>
      %dma_wait3A_2097 = arith.constant 0 : i32
      %dma_wait3A_2098 = tpu.memref_slice %arg5[%dma_wait3A_2092, %dma_wait3A_2097] : memref<1000000x32xf32, #tpu.memory_space<hbm>> -> memref<1x32xf32, #tpu.memory_space<hbm>>
      %dma_wait3A_2099 = tpu.memref_squeeze %dma_wait3A_2098 : memref<1x32xf32, #tpu.memory_space<hbm>> -> memref<32xf32, #tpu.memory_space<hbm>>
      %dma_wait3A_2100 = arith.constant 0 : i32
      %dma_wait3A_2101 = tpu.memref_slice %arg11[%dma_wait3A_2093, %dma_wait3A_2100] : memref<16x32xf32, #tpu.memory_space<vmem>> -> memref<1x32xf32, #tpu.memory_space<vmem>>
      %dma_wait3A_2102 = tpu.memref_squeeze %dma_wait3A_2101 : memref<1x32xf32, #tpu.memory_space<vmem>> -> memref<32xf32, #tpu.memory_space<vmem>>
      %dma_wait3A_2103 = arith.constant 0 : i32
      %dma_wait3A_2104 = tpu.memref_slice %arg5[%dma_wait3A_2092, %dma_wait3A_2103] : memref<1000000x32xf32, #tpu.memory_space<hbm>> -> memref<1x32xf32, #tpu.memory_space<hbm>>
      %dma_wait3A_2105 = tpu.memref_squeeze %dma_wait3A_2104 : memref<1x32xf32, #tpu.memory_space<hbm>> -> memref<32xf32, #tpu.memory_space<hbm>>
      tpu.wait_dma2 semaphore(%arg16 : memref<!tpu.dma_semaphore, #tpu.memory_space<semaphore_mem>>) src(%dma_wait3A_2105 : memref<32xf32, #tpu.memory_space<hbm>>) dst(%dma_wait3A_2102 : memref<32xf32, #tpu.memory_space<vmem>>)
      %dma_wait3A_2106 = arith.constant 0 : i32
      %dma_wait3A_2107 = arith.constant 8 : i32
      %dma_wait3A_2108 = arith.constant 0 : i32
      %dma_wait3A_2109 = tpu.memref_slice %arg9[%dma_wait3A_2107, %dma_wait3A_2108] : memref<16x32xf32, #tpu.memory_space<vmem>> -> memref<1x32xf32, #tpu.memory_space<vmem>>
      %dma_wait3A_2110 = tpu.memref_squeeze %dma_wait3A_2109 : memref<1x32xf32, #tpu.memory_space<vmem>> -> memref<32xf32, #tpu.memory_space<vmem>>
      %dma_wait3A_2111 = arith.constant 0 : i32
      %dma_wait3A_2112 = tpu.memref_slice %arg4[%dma_wait3A_2106, %dma_wait3A_2111] : memref<1000000x32xf32, #tpu.memory_space<hbm>> -> memref<1x32xf32, #tpu.memory_space<hbm>>
      %dma_wait3A_2113 = tpu.memref_squeeze %dma_wait3A_2112 : memref<1x32xf32, #tpu.memory_space<hbm>> -> memref<32xf32, #tpu.memory_space<hbm>>
      %dma_wait3A_2114 = arith.constant 0 : i32
      %dma_wait3A_2115 = tpu.memref_slice %arg9[%dma_wait3A_2107, %dma_wait3A_2114] : memref<16x32xf32, #tpu.memory_space<vmem>> -> memref<1x32xf32, #tpu.memory_space<vmem>>
      %dma_wait3A_2116 = tpu.memref_squeeze %dma_wait3A_2115 : memref<1x32xf32, #tpu.memory_space<vmem>> -> memref<32xf32, #tpu.memory_space<vmem>>
      %dma_wait3A_2117 = arith.constant 0 : i32
      %dma_wait3A_2118 = tpu.memref_slice %arg4[%dma_wait3A_2106, %dma_wait3A_2117] : memref<1000000x32xf32, #tpu.memory_space<hbm>> -> memref<1x32xf32, #tpu.memory_space<hbm>>
      %dma_wait3A_2119 = tpu.memref_squeeze %dma_wait3A_2118 : memref<1x32xf32, #tpu.memory_space<hbm>> -> memref<32xf32, #tpu.memory_space<hbm>>
      tpu.wait_dma2 semaphore(%arg14 : memref<!tpu.dma_semaphore, #tpu.memory_space<semaphore_mem>>) src(%dma_wait3A_2119 : memref<32xf32, #tpu.memory_space<hbm>>) dst(%dma_wait3A_2116 : memref<32xf32, #tpu.memory_space<vmem>>)
      %dma_wait3A_2120 = arith.constant 0 : i32
      %dma_wait3A_2121 = arith.constant 8 : i32
      %dma_wait3A_2122 = arith.constant 0 : i32
      %dma_wait3A_2123 = tpu.memref_slice %arg11[%dma_wait3A_2121, %dma_wait3A_2122] : memref<16x32xf32, #tpu.memory_space<vmem>> -> memref<1x32xf32, #tpu.memory_space<vmem>>
      %dma_wait3A_2124 = tpu.memref_squeeze %dma_wait3A_2123 : memref<1x32xf32, #tpu.memory_space<vmem>> -> memref<32xf32, #tpu.memory_space<vmem>>
      %dma_wait3A_2125 = arith.constant 0 : i32
      %dma_wait3A_2126 = tpu.memref_slice %arg5[%dma_wait3A_2120, %dma_wait3A_2125] : memref<1000000x32xf32, #tpu.memory_space<hbm>> -> memref<1x32xf32, #tpu.memory_space<hbm>>
      %dma_wait3A_2127 = tpu.memref_squeeze %dma_wait3A_2126 : memref<1x32xf32, #tpu.memory_space<hbm>> -> memref<32xf32, #tpu.memory_space<hbm>>
      %dma_wait3A_2128 = arith.constant 0 : i32
      %dma_wait3A_2129 = tpu.memref_slice %arg11[%dma_wait3A_2121, %dma_wait3A_2128] : memref<16x32xf32, #tpu.memory_space<vmem>> -> memref<1x32xf32, #tpu.memory_space<vmem>>
      %dma_wait3A_2130 = tpu.memref_squeeze %dma_wait3A_2129 : memref<1x32xf32, #tpu.memory_space<vmem>> -> memref<32xf32, #tpu.memory_space<vmem>>
      %dma_wait3A_2131 = arith.constant 0 : i32
      %dma_wait3A_2132 = tpu.memref_slice %arg5[%dma_wait3A_2120, %dma_wait3A_2131] : memref<1000000x32xf32, #tpu.memory_space<hbm>> -> memref<1x32xf32, #tpu.memory_space<hbm>>
      %dma_wait3A_2133 = tpu.memref_squeeze %dma_wait3A_2132 : memref<1x32xf32, #tpu.memory_space<hbm>> -> memref<32xf32, #tpu.memory_space<hbm>>
      tpu.wait_dma2 semaphore(%arg16 : memref<!tpu.dma_semaphore, #tpu.memory_space<semaphore_mem>>) src(%dma_wait3A_2133 : memref<32xf32, #tpu.memory_space<hbm>>) dst(%dma_wait3A_2130 : memref<32xf32, #tpu.memory_space<vmem>>)
      %dma_wait3A_2134 = arith.constant 0 : i32
      %dma_wait3A_2135 = arith.constant 9 : i32
      %dma_wait3A_2136 = arith.constant 0 : i32
      %dma_wait3A_2137 = tpu.memref_slice %arg9[%dma_wait3A_2135, %dma_wait3A_2136] : memref<16x32xf32, #tpu.memory_space<vmem>> -> memref<1x32xf32, #tpu.memory_space<vmem>>
      %dma_wait3A_2138 = tpu.memref_squeeze %dma_wait3A_2137 : memref<1x32xf32, #tpu.memory_space<vmem>> -> memref<32xf32, #tpu.memory_space<vmem>>
      %dma_wait3A_2139 = arith.constant 0 : i32
      %dma_wait3A_2140 = tpu.memref_slice %arg4[%dma_wait3A_2134, %dma_wait3A_2139] : memref<1000000x32xf32, #tpu.memory_space<hbm>> -> memref<1x32xf32, #tpu.memory_space<hbm>>
      %dma_wait3A_2141 = tpu.memref_squeeze %dma_wait3A_2140 : memref<1x32xf32, #tpu.memory_space<hbm>> -> memref<32xf32, #tpu.memory_space<hbm>>
      %dma_wait3A_2142 = arith.constant 0 : i32
      %dma_wait3A_2143 = tpu.memref_slice %arg9[%dma_wait3A_2135, %dma_wait3A_2142] : memref<16x32xf32, #tpu.memory_space<vmem>> -> memref<1x32xf32, #tpu.memory_space<vmem>>
      %dma_wait3A_2144 = tpu.memref_squeeze %dma_wait3A_2143 : memref<1x32xf32, #tpu.memory_space<vmem>> -> memref<32xf32, #tpu.memory_space<vmem>>
      %dma_wait3A_2145 = arith.constant 0 : i32
      %dma_wait3A_2146 = tpu.memref_slice %arg4[%dma_wait3A_2134, %dma_wait3A_2145] : memref<1000000x32xf32, #tpu.memory_space<hbm>> -> memref<1x32xf32, #tpu.memory_space<hbm>>
      %dma_wait3A_2147 = tpu.memref_squeeze %dma_wait3A_2146 : memref<1x32xf32, #tpu.memory_space<hbm>> -> memref<32xf32, #tpu.memory_space<hbm>>
      tpu.wait_dma2 semaphore(%arg14 : memref<!tpu.dma_semaphore, #tpu.memory_space<semaphore_mem>>) src(%dma_wait3A_2147 : memref<32xf32, #tpu.memory_space<hbm>>) dst(%dma_wait3A_2144 : memref<32xf32, #tpu.memory_space<vmem>>)
      %dma_wait3A_2148 = arith.constant 0 : i32
      %dma_wait3A_2149 = arith.constant 9 : i32
      %dma_wait3A_2150 = arith.constant 0 : i32
      %dma_wait3A_2151 = tpu.memref_slice %arg11[%dma_wait3A_2149, %dma_wait3A_2150] : memref<16x32xf32, #tpu.memory_space<vmem>> -> memref<1x32xf32, #tpu.memory_space<vmem>>
      %dma_wait3A_2152 = tpu.memref_squeeze %dma_wait3A_2151 : memref<1x32xf32, #tpu.memory_space<vmem>> -> memref<32xf32, #tpu.memory_space<vmem>>
      %dma_wait3A_2153 = arith.constant 0 : i32
      %dma_wait3A_2154 = tpu.memref_slice %arg5[%dma_wait3A_2148, %dma_wait3A_2153] : memref<1000000x32xf32, #tpu.memory_space<hbm>> -> memref<1x32xf32, #tpu.memory_space<hbm>>
      %dma_wait3A_2155 = tpu.memref_squeeze %dma_wait3A_2154 : memref<1x32xf32, #tpu.memory_space<hbm>> -> memref<32xf32, #tpu.memory_space<hbm>>
      %dma_wait3A_2156 = arith.constant 0 : i32
      %dma_wait3A_2157 = tpu.memref_slice %arg11[%dma_wait3A_2149, %dma_wait3A_2156] : memref<16x32xf32, #tpu.memory_space<vmem>> -> memref<1x32xf32, #tpu.memory_space<vmem>>
      %dma_wait3A_2158 = tpu.memref_squeeze %dma_wait3A_2157 : memref<1x32xf32, #tpu.memory_space<vmem>> -> memref<32xf32, #tpu.memory_space<vmem>>
      %dma_wait3A_2159 = arith.constant 0 : i32
      %dma_wait3A_2160 = tpu.memref_slice %arg5[%dma_wait3A_2148, %dma_wait3A_2159] : memref<1000000x32xf32, #tpu.memory_space<hbm>> -> memref<1x32xf32, #tpu.memory_space<hbm>>
      %dma_wait3A_2161 = tpu.memref_squeeze %dma_wait3A_2160 : memref<1x32xf32, #tpu.memory_space<hbm>> -> memref<32xf32, #tpu.memory_space<hbm>>
      tpu.wait_dma2 semaphore(%arg16 : memref<!tpu.dma_semaphore, #tpu.memory_space<semaphore_mem>>) src(%dma_wait3A_2161 : memref<32xf32, #tpu.memory_space<hbm>>) dst(%dma_wait3A_2158 : memref<32xf32, #tpu.memory_space<vmem>>)
      %dma_wait3A_2162 = arith.constant 0 : i32
      %dma_wait3A_2163 = arith.constant 10 : i32
      %dma_wait3A_2164 = arith.constant 0 : i32
      %dma_wait3A_2165 = tpu.memref_slice %arg9[%dma_wait3A_2163, %dma_wait3A_2164] : memref<16x32xf32, #tpu.memory_space<vmem>> -> memref<1x32xf32, #tpu.memory_space<vmem>>
      %dma_wait3A_2166 = tpu.memref_squeeze %dma_wait3A_2165 : memref<1x32xf32, #tpu.memory_space<vmem>> -> memref<32xf32, #tpu.memory_space<vmem>>
      %dma_wait3A_2167 = arith.constant 0 : i32
      %dma_wait3A_2168 = tpu.memref_slice %arg4[%dma_wait3A_2162, %dma_wait3A_2167] : memref<1000000x32xf32, #tpu.memory_space<hbm>> -> memref<1x32xf32, #tpu.memory_space<hbm>>
      %dma_wait3A_2169 = tpu.memref_squeeze %dma_wait3A_2168 : memref<1x32xf32, #tpu.memory_space<hbm>> -> memref<32xf32, #tpu.memory_space<hbm>>
      %dma_wait3A_2170 = arith.constant 0 : i32
      %dma_wait3A_2171 = tpu.memref_slice %arg9[%dma_wait3A_2163, %dma_wait3A_2170] : memref<16x32xf32, #tpu.memory_space<vmem>> -> memref<1x32xf32, #tpu.memory_space<vmem>>
      %dma_wait3A_2172 = tpu.memref_squeeze %dma_wait3A_2171 : memref<1x32xf32, #tpu.memory_space<vmem>> -> memref<32xf32, #tpu.memory_space<vmem>>
      %dma_wait3A_2173 = arith.constant 0 : i32
      %dma_wait3A_2174 = tpu.memref_slice %arg4[%dma_wait3A_2162, %dma_wait3A_2173] : memref<1000000x32xf32, #tpu.memory_space<hbm>> -> memref<1x32xf32, #tpu.memory_space<hbm>>
      %dma_wait3A_2175 = tpu.memref_squeeze %dma_wait3A_2174 : memref<1x32xf32, #tpu.memory_space<hbm>> -> memref<32xf32, #tpu.memory_space<hbm>>
      tpu.wait_dma2 semaphore(%arg14 : memref<!tpu.dma_semaphore, #tpu.memory_space<semaphore_mem>>) src(%dma_wait3A_2175 : memref<32xf32, #tpu.memory_space<hbm>>) dst(%dma_wait3A_2172 : memref<32xf32, #tpu.memory_space<vmem>>)
      %dma_wait3A_2176 = arith.constant 0 : i32
      %dma_wait3A_2177 = arith.constant 10 : i32
      %dma_wait3A_2178 = arith.constant 0 : i32
      %dma_wait3A_2179 = tpu.memref_slice %arg11[%dma_wait3A_2177, %dma_wait3A_2178] : memref<16x32xf32, #tpu.memory_space<vmem>> -> memref<1x32xf32, #tpu.memory_space<vmem>>
      %dma_wait3A_2180 = tpu.memref_squeeze %dma_wait3A_2179 : memref<1x32xf32, #tpu.memory_space<vmem>> -> memref<32xf32, #tpu.memory_space<vmem>>
      %dma_wait3A_2181 = arith.constant 0 : i32
      %dma_wait3A_2182 = tpu.memref_slice %arg5[%dma_wait3A_2176, %dma_wait3A_2181] : memref<1000000x32xf32, #tpu.memory_space<hbm>> -> memref<1x32xf32, #tpu.memory_space<hbm>>
      %dma_wait3A_2183 = tpu.memref_squeeze %dma_wait3A_2182 : memref<1x32xf32, #tpu.memory_space<hbm>> -> memref<32xf32, #tpu.memory_space<hbm>>
      %dma_wait3A_2184 = arith.constant 0 : i32
      %dma_wait3A_2185 = tpu.memref_slice %arg11[%dma_wait3A_2177, %dma_wait3A_2184] : memref<16x32xf32, #tpu.memory_space<vmem>> -> memref<1x32xf32, #tpu.memory_space<vmem>>
      %dma_wait3A_2186 = tpu.memref_squeeze %dma_wait3A_2185 : memref<1x32xf32, #tpu.memory_space<vmem>> -> memref<32xf32, #tpu.memory_space<vmem>>
      %dma_wait3A_2187 = arith.constant 0 : i32
      %dma_wait3A_2188 = tpu.memref_slice %arg5[%dma_wait3A_2176, %dma_wait3A_2187] : memref<1000000x32xf32, #tpu.memory_space<hbm>> -> memref<1x32xf32, #tpu.memory_space<hbm>>
      %dma_wait3A_2189 = tpu.memref_squeeze %dma_wait3A_2188 : memref<1x32xf32, #tpu.memory_space<hbm>> -> memref<32xf32, #tpu.memory_space<hbm>>
      tpu.wait_dma2 semaphore(%arg16 : memref<!tpu.dma_semaphore, #tpu.memory_space<semaphore_mem>>) src(%dma_wait3A_2189 : memref<32xf32, #tpu.memory_space<hbm>>) dst(%dma_wait3A_2186 : memref<32xf32, #tpu.memory_space<vmem>>)
      %dma_wait3A_2190 = arith.constant 0 : i32
      %dma_wait3A_2191 = arith.constant 11 : i32
      %dma_wait3A_2192 = arith.constant 0 : i32
      %dma_wait3A_2193 = tpu.memref_slice %arg9[%dma_wait3A_2191, %dma_wait3A_2192] : memref<16x32xf32, #tpu.memory_space<vmem>> -> memref<1x32xf32, #tpu.memory_space<vmem>>
      %dma_wait3A_2194 = tpu.memref_squeeze %dma_wait3A_2193 : memref<1x32xf32, #tpu.memory_space<vmem>> -> memref<32xf32, #tpu.memory_space<vmem>>
      %dma_wait3A_2195 = arith.constant 0 : i32
      %dma_wait3A_2196 = tpu.memref_slice %arg4[%dma_wait3A_2190, %dma_wait3A_2195] : memref<1000000x32xf32, #tpu.memory_space<hbm>> -> memref<1x32xf32, #tpu.memory_space<hbm>>
      %dma_wait3A_2197 = tpu.memref_squeeze %dma_wait3A_2196 : memref<1x32xf32, #tpu.memory_space<hbm>> -> memref<32xf32, #tpu.memory_space<hbm>>
      %dma_wait3A_2198 = arith.constant 0 : i32
      %dma_wait3A_2199 = tpu.memref_slice %arg9[%dma_wait3A_2191, %dma_wait3A_2198] : memref<16x32xf32, #tpu.memory_space<vmem>> -> memref<1x32xf32, #tpu.memory_space<vmem>>
      %dma_wait3A_2200 = tpu.memref_squeeze %dma_wait3A_2199 : memref<1x32xf32, #tpu.memory_space<vmem>> -> memref<32xf32, #tpu.memory_space<vmem>>
      %dma_wait3A_2201 = arith.constant 0 : i32
      %dma_wait3A_2202 = tpu.memref_slice %arg4[%dma_wait3A_2190, %dma_wait3A_2201] : memref<1000000x32xf32, #tpu.memory_space<hbm>> -> memref<1x32xf32, #tpu.memory_space<hbm>>
      %dma_wait3A_2203 = tpu.memref_squeeze %dma_wait3A_2202 : memref<1x32xf32, #tpu.memory_space<hbm>> -> memref<32xf32, #tpu.memory_space<hbm>>
      tpu.wait_dma2 semaphore(%arg14 : memref<!tpu.dma_semaphore, #tpu.memory_space<semaphore_mem>>) src(%dma_wait3A_2203 : memref<32xf32, #tpu.memory_space<hbm>>) dst(%dma_wait3A_2200 : memref<32xf32, #tpu.memory_space<vmem>>)
      %dma_wait3A_2204 = arith.constant 0 : i32
      %dma_wait3A_2205 = arith.constant 11 : i32
      %dma_wait3A_2206 = arith.constant 0 : i32
      %dma_wait3A_2207 = tpu.memref_slice %arg11[%dma_wait3A_2205, %dma_wait3A_2206] : memref<16x32xf32, #tpu.memory_space<vmem>> -> memref<1x32xf32, #tpu.memory_space<vmem>>
      %dma_wait3A_2208 = tpu.memref_squeeze %dma_wait3A_2207 : memref<1x32xf32, #tpu.memory_space<vmem>> -> memref<32xf32, #tpu.memory_space<vmem>>
      %dma_wait3A_2209 = arith.constant 0 : i32
      %dma_wait3A_2210 = tpu.memref_slice %arg5[%dma_wait3A_2204, %dma_wait3A_2209] : memref<1000000x32xf32, #tpu.memory_space<hbm>> -> memref<1x32xf32, #tpu.memory_space<hbm>>
      %dma_wait3A_2211 = tpu.memref_squeeze %dma_wait3A_2210 : memref<1x32xf32, #tpu.memory_space<hbm>> -> memref<32xf32, #tpu.memory_space<hbm>>
      %dma_wait3A_2212 = arith.constant 0 : i32
      %dma_wait3A_2213 = tpu.memref_slice %arg11[%dma_wait3A_2205, %dma_wait3A_2212] : memref<16x32xf32, #tpu.memory_space<vmem>> -> memref<1x32xf32, #tpu.memory_space<vmem>>
      %dma_wait3A_2214 = tpu.memref_squeeze %dma_wait3A_2213 : memref<1x32xf32, #tpu.memory_space<vmem>> -> memref<32xf32, #tpu.memory_space<vmem>>
      %dma_wait3A_2215 = arith.constant 0 : i32
      %dma_wait3A_2216 = tpu.memref_slice %arg5[%dma_wait3A_2204, %dma_wait3A_2215] : memref<1000000x32xf32, #tpu.memory_space<hbm>> -> memref<1x32xf32, #tpu.memory_space<hbm>>
      %dma_wait3A_2217 = tpu.memref_squeeze %dma_wait3A_2216 : memref<1x32xf32, #tpu.memory_space<hbm>> -> memref<32xf32, #tpu.memory_space<hbm>>
      tpu.wait_dma2 semaphore(%arg16 : memref<!tpu.dma_semaphore, #tpu.memory_space<semaphore_mem>>) src(%dma_wait3A_2217 : memref<32xf32, #tpu.memory_space<hbm>>) dst(%dma_wait3A_2214 : memref<32xf32, #tpu.memory_space<vmem>>)
      %dma_wait3A_2218 = arith.constant 0 : i32
      %dma_wait3A_2219 = arith.constant 12 : i32
      %dma_wait3A_2220 = arith.constant 0 : i32
      %dma_wait3A_2221 = tpu.memref_slice %arg9[%dma_wait3A_2219, %dma_wait3A_2220] : memref<16x32xf32, #tpu.memory_space<vmem>> -> memref<1x32xf32, #tpu.memory_space<vmem>>
      %dma_wait3A_2222 = tpu.memref_squeeze %dma_wait3A_2221 : memref<1x32xf32, #tpu.memory_space<vmem>> -> memref<32xf32, #tpu.memory_space<vmem>>
      %dma_wait3A_2223 = arith.constant 0 : i32
      %dma_wait3A_2224 = tpu.memref_slice %arg4[%dma_wait3A_2218, %dma_wait3A_2223] : memref<1000000x32xf32, #tpu.memory_space<hbm>> -> memref<1x32xf32, #tpu.memory_space<hbm>>
      %dma_wait3A_2225 = tpu.memref_squeeze %dma_wait3A_2224 : memref<1x32xf32, #tpu.memory_space<hbm>> -> memref<32xf32, #tpu.memory_space<hbm>>
      %dma_wait3A_2226 = arith.constant 0 : i32
      %dma_wait3A_2227 = tpu.memref_slice %arg9[%dma_wait3A_2219, %dma_wait3A_2226] : memref<16x32xf32, #tpu.memory_space<vmem>> -> memref<1x32xf32, #tpu.memory_space<vmem>>
      %dma_wait3A_2228 = tpu.memref_squeeze %dma_wait3A_2227 : memref<1x32xf32, #tpu.memory_space<vmem>> -> memref<32xf32, #tpu.memory_space<vmem>>
      %dma_wait3A_2229 = arith.constant 0 : i32
      %dma_wait3A_2230 = tpu.memref_slice %arg4[%dma_wait3A_2218, %dma_wait3A_2229] : memref<1000000x32xf32, #tpu.memory_space<hbm>> -> memref<1x32xf32, #tpu.memory_space<hbm>>
      %dma_wait3A_2231 = tpu.memref_squeeze %dma_wait3A_2230 : memref<1x32xf32, #tpu.memory_space<hbm>> -> memref<32xf32, #tpu.memory_space<hbm>>
      tpu.wait_dma2 semaphore(%arg14 : memref<!tpu.dma_semaphore, #tpu.memory_space<semaphore_mem>>) src(%dma_wait3A_2231 : memref<32xf32, #tpu.memory_space<hbm>>) dst(%dma_wait3A_2228 : memref<32xf32, #tpu.memory_space<vmem>>)
      %dma_wait3A_2232 = arith.constant 0 : i32
      %dma_wait3A_2233 = arith.constant 12 : i32
      %dma_wait3A_2234 = arith.constant 0 : i32
      %dma_wait3A_2235 = tpu.memref_slice %arg11[%dma_wait3A_2233, %dma_wait3A_2234] : memref<16x32xf32, #tpu.memory_space<vmem>> -> memref<1x32xf32, #tpu.memory_space<vmem>>
      %dma_wait3A_2236 = tpu.memref_squeeze %dma_wait3A_2235 : memref<1x32xf32, #tpu.memory_space<vmem>> -> memref<32xf32, #tpu.memory_space<vmem>>
      %dma_wait3A_2237 = arith.constant 0 : i32
      %dma_wait3A_2238 = tpu.memref_slice %arg5[%dma_wait3A_2232, %dma_wait3A_2237] : memref<1000000x32xf32, #tpu.memory_space<hbm>> -> memref<1x32xf32, #tpu.memory_space<hbm>>
      %dma_wait3A_2239 = tpu.memref_squeeze %dma_wait3A_2238 : memref<1x32xf32, #tpu.memory_space<hbm>> -> memref<32xf32, #tpu.memory_space<hbm>>
      %dma_wait3A_2240 = arith.constant 0 : i32
      %dma_wait3A_2241 = tpu.memref_slice %arg11[%dma_wait3A_2233, %dma_wait3A_2240] : memref<16x32xf32, #tpu.memory_space<vmem>> -> memref<1x32xf32, #tpu.memory_space<vmem>>
      %dma_wait3A_2242 = tpu.memref_squeeze %dma_wait3A_2241 : memref<1x32xf32, #tpu.memory_space<vmem>> -> memref<32xf32, #tpu.memory_space<vmem>>
      %dma_wait3A_2243 = arith.constant 0 : i32
      %dma_wait3A_2244 = tpu.memref_slice %arg5[%dma_wait3A_2232, %dma_wait3A_2243] : memref<1000000x32xf32, #tpu.memory_space<hbm>> -> memref<1x32xf32, #tpu.memory_space<hbm>>
      %dma_wait3A_2245 = tpu.memref_squeeze %dma_wait3A_2244 : memref<1x32xf32, #tpu.memory_space<hbm>> -> memref<32xf32, #tpu.memory_space<hbm>>
      tpu.wait_dma2 semaphore(%arg16 : memref<!tpu.dma_semaphore, #tpu.memory_space<semaphore_mem>>) src(%dma_wait3A_2245 : memref<32xf32, #tpu.memory_space<hbm>>) dst(%dma_wait3A_2242 : memref<32xf32, #tpu.memory_space<vmem>>)
      %dma_wait3A_2246 = arith.constant 0 : i32
      %dma_wait3A_2247 = arith.constant 13 : i32
      %dma_wait3A_2248 = arith.constant 0 : i32
      %dma_wait3A_2249 = tpu.memref_slice %arg9[%dma_wait3A_2247, %dma_wait3A_2248] : memref<16x32xf32, #tpu.memory_space<vmem>> -> memref<1x32xf32, #tpu.memory_space<vmem>>
      %dma_wait3A_2250 = tpu.memref_squeeze %dma_wait3A_2249 : memref<1x32xf32, #tpu.memory_space<vmem>> -> memref<32xf32, #tpu.memory_space<vmem>>
      %dma_wait3A_2251 = arith.constant 0 : i32
      %dma_wait3A_2252 = tpu.memref_slice %arg4[%dma_wait3A_2246, %dma_wait3A_2251] : memref<1000000x32xf32, #tpu.memory_space<hbm>> -> memref<1x32xf32, #tpu.memory_space<hbm>>
      %dma_wait3A_2253 = tpu.memref_squeeze %dma_wait3A_2252 : memref<1x32xf32, #tpu.memory_space<hbm>> -> memref<32xf32, #tpu.memory_space<hbm>>
      %dma_wait3A_2254 = arith.constant 0 : i32
      %dma_wait3A_2255 = tpu.memref_slice %arg9[%dma_wait3A_2247, %dma_wait3A_2254] : memref<16x32xf32, #tpu.memory_space<vmem>> -> memref<1x32xf32, #tpu.memory_space<vmem>>
      %dma_wait3A_2256 = tpu.memref_squeeze %dma_wait3A_2255 : memref<1x32xf32, #tpu.memory_space<vmem>> -> memref<32xf32, #tpu.memory_space<vmem>>
      %dma_wait3A_2257 = arith.constant 0 : i32
      %dma_wait3A_2258 = tpu.memref_slice %arg4[%dma_wait3A_2246, %dma_wait3A_2257] : memref<1000000x32xf32, #tpu.memory_space<hbm>> -> memref<1x32xf32, #tpu.memory_space<hbm>>
      %dma_wait3A_2259 = tpu.memref_squeeze %dma_wait3A_2258 : memref<1x32xf32, #tpu.memory_space<hbm>> -> memref<32xf32, #tpu.memory_space<hbm>>
      tpu.wait_dma2 semaphore(%arg14 : memref<!tpu.dma_semaphore, #tpu.memory_space<semaphore_mem>>) src(%dma_wait3A_2259 : memref<32xf32, #tpu.memory_space<hbm>>) dst(%dma_wait3A_2256 : memref<32xf32, #tpu.memory_space<vmem>>)
      %dma_wait3A_2260 = arith.constant 0 : i32
      %dma_wait3A_2261 = arith.constant 13 : i32
      %dma_wait3A_2262 = arith.constant 0 : i32
      %dma_wait3A_2263 = tpu.memref_slice %arg11[%dma_wait3A_2261, %dma_wait3A_2262] : memref<16x32xf32, #tpu.memory_space<vmem>> -> memref<1x32xf32, #tpu.memory_space<vmem>>
      %dma_wait3A_2264 = tpu.memref_squeeze %dma_wait3A_2263 : memref<1x32xf32, #tpu.memory_space<vmem>> -> memref<32xf32, #tpu.memory_space<vmem>>
      %dma_wait3A_2265 = arith.constant 0 : i32
      %dma_wait3A_2266 = tpu.memref_slice %arg5[%dma_wait3A_2260, %dma_wait3A_2265] : memref<1000000x32xf32, #tpu.memory_space<hbm>> -> memref<1x32xf32, #tpu.memory_space<hbm>>
      %dma_wait3A_2267 = tpu.memref_squeeze %dma_wait3A_2266 : memref<1x32xf32, #tpu.memory_space<hbm>> -> memref<32xf32, #tpu.memory_space<hbm>>
      %dma_wait3A_2268 = arith.constant 0 : i32
      %dma_wait3A_2269 = tpu.memref_slice %arg11[%dma_wait3A_2261, %dma_wait3A_2268] : memref<16x32xf32, #tpu.memory_space<vmem>> -> memref<1x32xf32, #tpu.memory_space<vmem>>
      %dma_wait3A_2270 = tpu.memref_squeeze %dma_wait3A_2269 : memref<1x32xf32, #tpu.memory_space<vmem>> -> memref<32xf32, #tpu.memory_space<vmem>>
      %dma_wait3A_2271 = arith.constant 0 : i32
      %dma_wait3A_2272 = tpu.memref_slice %arg5[%dma_wait3A_2260, %dma_wait3A_2271] : memref<1000000x32xf32, #tpu.memory_space<hbm>> -> memref<1x32xf32, #tpu.memory_space<hbm>>
      %dma_wait3A_2273 = tpu.memref_squeeze %dma_wait3A_2272 : memref<1x32xf32, #tpu.memory_space<hbm>> -> memref<32xf32, #tpu.memory_space<hbm>>
      tpu.wait_dma2 semaphore(%arg16 : memref<!tpu.dma_semaphore, #tpu.memory_space<semaphore_mem>>) src(%dma_wait3A_2273 : memref<32xf32, #tpu.memory_space<hbm>>) dst(%dma_wait3A_2270 : memref<32xf32, #tpu.memory_space<vmem>>)
      %dma_wait3A_2274 = arith.constant 0 : i32
      %dma_wait3A_2275 = arith.constant 14 : i32
      %dma_wait3A_2276 = arith.constant 0 : i32
      %dma_wait3A_2277 = tpu.memref_slice %arg9[%dma_wait3A_2275, %dma_wait3A_2276] : memref<16x32xf32, #tpu.memory_space<vmem>> -> memref<1x32xf32, #tpu.memory_space<vmem>>
      %dma_wait3A_2278 = tpu.memref_squeeze %dma_wait3A_2277 : memref<1x32xf32, #tpu.memory_space<vmem>> -> memref<32xf32, #tpu.memory_space<vmem>>
      %dma_wait3A_2279 = arith.constant 0 : i32
      %dma_wait3A_2280 = tpu.memref_slice %arg4[%dma_wait3A_2274, %dma_wait3A_2279] : memref<1000000x32xf32, #tpu.memory_space<hbm>> -> memref<1x32xf32, #tpu.memory_space<hbm>>
      %dma_wait3A_2281 = tpu.memref_squeeze %dma_wait3A_2280 : memref<1x32xf32, #tpu.memory_space<hbm>> -> memref<32xf32, #tpu.memory_space<hbm>>
      %dma_wait3A_2282 = arith.constant 0 : i32
      %dma_wait3A_2283 = tpu.memref_slice %arg9[%dma_wait3A_2275, %dma_wait3A_2282] : memref<16x32xf32, #tpu.memory_space<vmem>> -> memref<1x32xf32, #tpu.memory_space<vmem>>
      %dma_wait3A_2284 = tpu.memref_squeeze %dma_wait3A_2283 : memref<1x32xf32, #tpu.memory_space<vmem>> -> memref<32xf32, #tpu.memory_space<vmem>>
      %dma_wait3A_2285 = arith.constant 0 : i32
      %dma_wait3A_2286 = tpu.memref_slice %arg4[%dma_wait3A_2274, %dma_wait3A_2285] : memref<1000000x32xf32, #tpu.memory_space<hbm>> -> memref<1x32xf32, #tpu.memory_space<hbm>>
      %dma_wait3A_2287 = tpu.memref_squeeze %dma_wait3A_2286 : memref<1x32xf32, #tpu.memory_space<hbm>> -> memref<32xf32, #tpu.memory_space<hbm>>
      tpu.wait_dma2 semaphore(%arg14 : memref<!tpu.dma_semaphore, #tpu.memory_space<semaphore_mem>>) src(%dma_wait3A_2287 : memref<32xf32, #tpu.memory_space<hbm>>) dst(%dma_wait3A_2284 : memref<32xf32, #tpu.memory_space<vmem>>)
      %dma_wait3A_2288 = arith.constant 0 : i32
      %dma_wait3A_2289 = arith.constant 14 : i32
      %dma_wait3A_2290 = arith.constant 0 : i32
      %dma_wait3A_2291 = tpu.memref_slice %arg11[%dma_wait3A_2289, %dma_wait3A_2290] : memref<16x32xf32, #tpu.memory_space<vmem>> -> memref<1x32xf32, #tpu.memory_space<vmem>>
      %dma_wait3A_2292 = tpu.memref_squeeze %dma_wait3A_2291 : memref<1x32xf32, #tpu.memory_space<vmem>> -> memref<32xf32, #tpu.memory_space<vmem>>
      %dma_wait3A_2293 = arith.constant 0 : i32
      %dma_wait3A_2294 = tpu.memref_slice %arg5[%dma_wait3A_2288, %dma_wait3A_2293] : memref<1000000x32xf32, #tpu.memory_space<hbm>> -> memref<1x32xf32, #tpu.memory_space<hbm>>
      %dma_wait3A_2295 = tpu.memref_squeeze %dma_wait3A_2294 : memref<1x32xf32, #tpu.memory_space<hbm>> -> memref<32xf32, #tpu.memory_space<hbm>>
      %dma_wait3A_2296 = arith.constant 0 : i32
      %dma_wait3A_2297 = tpu.memref_slice %arg11[%dma_wait3A_2289, %dma_wait3A_2296] : memref<16x32xf32, #tpu.memory_space<vmem>> -> memref<1x32xf32, #tpu.memory_space<vmem>>
      %dma_wait3A_2298 = tpu.memref_squeeze %dma_wait3A_2297 : memref<1x32xf32, #tpu.memory_space<vmem>> -> memref<32xf32, #tpu.memory_space<vmem>>
      %dma_wait3A_2299 = arith.constant 0 : i32
      %dma_wait3A_2300 = tpu.memref_slice %arg5[%dma_wait3A_2288, %dma_wait3A_2299] : memref<1000000x32xf32, #tpu.memory_space<hbm>> -> memref<1x32xf32, #tpu.memory_space<hbm>>
      %dma_wait3A_2301 = tpu.memref_squeeze %dma_wait3A_2300 : memref<1x32xf32, #tpu.memory_space<hbm>> -> memref<32xf32, #tpu.memory_space<hbm>>
      tpu.wait_dma2 semaphore(%arg16 : memref<!tpu.dma_semaphore, #tpu.memory_space<semaphore_mem>>) src(%dma_wait3A_2301 : memref<32xf32, #tpu.memory_space<hbm>>) dst(%dma_wait3A_2298 : memref<32xf32, #tpu.memory_space<vmem>>)
      %dma_wait3A_2302 = arith.constant 0 : i32
      %dma_wait3A_2303 = arith.constant 15 : i32
      %dma_wait3A_2304 = arith.constant 0 : i32
      %dma_wait3A_2305 = tpu.memref_slice %arg9[%dma_wait3A_2303, %dma_wait3A_2304] : memref<16x32xf32, #tpu.memory_space<vmem>> -> memref<1x32xf32, #tpu.memory_space<vmem>>
      %dma_wait3A_2306 = tpu.memref_squeeze %dma_wait3A_2305 : memref<1x32xf32, #tpu.memory_space<vmem>> -> memref<32xf32, #tpu.memory_space<vmem>>
      %dma_wait3A_2307 = arith.constant 0 : i32
      %dma_wait3A_2308 = tpu.memref_slice %arg4[%dma_wait3A_2302, %dma_wait3A_2307] : memref<1000000x32xf32, #tpu.memory_space<hbm>> -> memref<1x32xf32, #tpu.memory_space<hbm>>
      %dma_wait3A_2309 = tpu.memref_squeeze %dma_wait3A_2308 : memref<1x32xf32, #tpu.memory_space<hbm>> -> memref<32xf32, #tpu.memory_space<hbm>>
      %dma_wait3A_2310 = arith.constant 0 : i32
      %dma_wait3A_2311 = tpu.memref_slice %arg9[%dma_wait3A_2303, %dma_wait3A_2310] : memref<16x32xf32, #tpu.memory_space<vmem>> -> memref<1x32xf32, #tpu.memory_space<vmem>>
      %dma_wait3A_2312 = tpu.memref_squeeze %dma_wait3A_2311 : memref<1x32xf32, #tpu.memory_space<vmem>> -> memref<32xf32, #tpu.memory_space<vmem>>
      %dma_wait3A_2313 = arith.constant 0 : i32
      %dma_wait3A_2314 = tpu.memref_slice %arg4[%dma_wait3A_2302, %dma_wait3A_2313] : memref<1000000x32xf32, #tpu.memory_space<hbm>> -> memref<1x32xf32, #tpu.memory_space<hbm>>
      %dma_wait3A_2315 = tpu.memref_squeeze %dma_wait3A_2314 : memref<1x32xf32, #tpu.memory_space<hbm>> -> memref<32xf32, #tpu.memory_space<hbm>>
      tpu.wait_dma2 semaphore(%arg14 : memref<!tpu.dma_semaphore, #tpu.memory_space<semaphore_mem>>) src(%dma_wait3A_2315 : memref<32xf32, #tpu.memory_space<hbm>>) dst(%dma_wait3A_2312 : memref<32xf32, #tpu.memory_space<vmem>>)
      %dma_wait3A_2316 = arith.constant 0 : i32
      %dma_wait3A_2317 = arith.constant 15 : i32
      %dma_wait3A_2318 = arith.constant 0 : i32
      %dma_wait3A_2319 = tpu.memref_slice %arg11[%dma_wait3A_2317, %dma_wait3A_2318] : memref<16x32xf32, #tpu.memory_space<vmem>> -> memref<1x32xf32, #tpu.memory_space<vmem>>
      %dma_wait3A_2320 = tpu.memref_squeeze %dma_wait3A_2319 : memref<1x32xf32, #tpu.memory_space<vmem>> -> memref<32xf32, #tpu.memory_space<vmem>>
      %dma_wait3A_2321 = arith.constant 0 : i32
      %dma_wait3A_2322 = tpu.memref_slice %arg5[%dma_wait3A_2316, %dma_wait3A_2321] : memref<1000000x32xf32, #tpu.memory_space<hbm>> -> memref<1x32xf32, #tpu.memory_space<hbm>>
      %dma_wait3A_2323 = tpu.memref_squeeze %dma_wait3A_2322 : memref<1x32xf32, #tpu.memory_space<hbm>> -> memref<32xf32, #tpu.memory_space<hbm>>
      %dma_wait3A_2324 = arith.constant 0 : i32
      %dma_wait3A_2325 = tpu.memref_slice %arg11[%dma_wait3A_2317, %dma_wait3A_2324] : memref<16x32xf32, #tpu.memory_space<vmem>> -> memref<1x32xf32, #tpu.memory_space<vmem>>
      %dma_wait3A_2326 = tpu.memref_squeeze %dma_wait3A_2325 : memref<1x32xf32, #tpu.memory_space<vmem>> -> memref<32xf32, #tpu.memory_space<vmem>>
      %dma_wait3A_2327 = arith.constant 0 : i32
      %dma_wait3A_2328 = tpu.memref_slice %arg5[%dma_wait3A_2316, %dma_wait3A_2327] : memref<1000000x32xf32, #tpu.memory_space<hbm>> -> memref<1x32xf32, #tpu.memory_space<hbm>>
      %dma_wait3A_2329 = tpu.memref_squeeze %dma_wait3A_2328 : memref<1x32xf32, #tpu.memory_space<hbm>> -> memref<32xf32, #tpu.memory_space<hbm>>
      tpu.wait_dma2 semaphore(%arg16 : memref<!tpu.dma_semaphore, #tpu.memory_space<semaphore_mem>>) src(%dma_wait3A_2329 : memref<32xf32, #tpu.memory_space<hbm>>) dst(%dma_wait3A_2326 : memref<32xf32, #tpu.memory_space<vmem>>)
      %broadcast_in_dim3A_2330 = arith.constant 0.000000e+00 : f32
      %broadcast_in_dim3A_2331 = vector.broadcast %broadcast_in_dim3A_2330 : f32 to vector<16xf32>
      %get3A_2332 = arith.constant 0 : i32
      %get3A_2333 = arith.index_cast %get3A_2332 : i32 to index
      %get3A_2334 = arith.constant 0 : index
      %get3A_2335 = tpu.vector_load %arg9[%get3A_2333, %get3A_2334] {strides = array<i32>} : memref<16x32xf32, #tpu.memory_space<vmem>>, vector<16xf32>,
      %get3A_2336 = arith.constant 0 : i32
      %get3A_2337 = arith.index_cast %get3A_2336 : i32 to index
      %get3A_2338 = arith.constant 16 : index
      %get3A_2339 = tpu.vector_load %arg9[%get3A_2337, %get3A_2338] {strides = array<i32>} : memref<16x32xf32, #tpu.memory_space<vmem>>, vector<16xf32>,
      %get3A_2340 = arith.constant 0 : i32
      %get3A_2341 = arith.index_cast %get3A_2340 : i32 to index
      %get3A_2342 = arith.constant 0 : index
      %get3A_2343 = tpu.vector_load %arg11[%get3A_2341, %get3A_2342] {strides = array<i32>} : memref<16x32xf32, #tpu.memory_space<vmem>>, vector<16xf32>,
      %get3A_2344 = arith.constant 0 : i32
      %get3A_2345 = arith.index_cast %get3A_2344 : i32 to index
      %get3A_2346 = arith.constant 16 : index
      %get3A_2347 = tpu.vector_load %arg11[%get3A_2345, %get3A_2346] {strides = array<i32>} : memref<16x32xf32, #tpu.memory_space<vmem>>, vector<16xf32>,
      %mul3A_2348 = arith.mulf %get3A_2335, %get3A_2343 : vector<16xf32>
      %mul3A_2349 = arith.mulf %get3A_2339, %get3A_2347 : vector<16xf32>
      %add3A_2350 = arith.addf %mul3A_2348, %mul3A_2349 : vector<16xf32>
      %reduce_sum3A_2351 = arith.constant true
      %reduce_sum3A_2352 = vector.broadcast %reduce_sum3A_2351 : i1 to vector<16xi1>
      %reduce_sum3A_2353 = tpu.scan <sum>, %add3A_2350 masked %reduce_sum3A_2352 : vector<16xf32>, vector<16xi1> -> vector<16xf32>
      %reduce_sum3A_2354 = vector.extract %reduce_sum3A_2353[15] : f32 from vector<16xf32>
      %eq3A_2355 = arith.constant 0 : i32
      %eq3A_2356 = vector.broadcast %eq3A_2355 : i32 to vector<16xi32>
      %eq3A_2357 = arith.cmpi eq, %iota3A, %eq3A_2356 : vector<16xi32>
      %broadcast_in_dim3A_2358 = vector.broadcast %reduce_sum3A_2354 : f32 to vector<16xf32>
      %select_n3A_2359 = arith.select %eq3A_2357, %broadcast_in_dim3A_2358, %broadcast_in_dim3A_2331 : vector<16xi1>, vector<16xf32>
      %get3A_2360 = arith.constant 1 : i32
      %get3A_2361 = arith.index_cast %get3A_2360 : i32 to index
      %get3A_2362 = arith.constant 0 : index
      %get3A_2363 = tpu.vector_load %arg9[%get3A_2361, %get3A_2362] {strides = array<i32>} : memref<16x32xf32, #tpu.memory_space<vmem>>, vector<16xf32>,
      %get3A_2364 = arith.constant 1 : i32
      %get3A_2365 = arith.index_cast %get3A_2364 : i32 to index
      %get3A_2366 = arith.constant 16 : index
      %get3A_2367 = tpu.vector_load %arg9[%get3A_2365, %get3A_2366] {strides = array<i32>} : memref<16x32xf32, #tpu.memory_space<vmem>>, vector<16xf32>,
      %get3A_2368 = arith.constant 1 : i32
      %get3A_2369 = arith.index_cast %get3A_2368 : i32 to index
      %get3A_2370 = arith.constant 0 : index
      %get3A_2371 = tpu.vector_load %arg11[%get3A_2369, %get3A_2370] {strides = array<i32>} : memref<16x32xf32, #tpu.memory_space<vmem>>, vector<16xf32>,
      %get3A_2372 = arith.constant 1 : i32
      %get3A_2373 = arith.index_cast %get3A_2372 : i32 to index
      %get3A_2374 = arith.constant 16 : index
      %get3A_2375 = tpu.vector_load %arg11[%get3A_2373, %get3A_2374] {strides = array<i32>} : memref<16x32xf32, #tpu.memory_space<vmem>>, vector<16xf32>,
      %mul3A_2376 = arith.mulf %get3A_2363, %get3A_2371 : vector<16xf32>
      %mul3A_2377 = arith.mulf %get3A_2367, %get3A_2375 : vector<16xf32>
      %add3A_2378 = arith.addf %mul3A_2376, %mul3A_2377 : vector<16xf32>
      %reduce_sum3A_2379 = arith.constant true
      %reduce_sum3A_2380 = vector.broadcast %reduce_sum3A_2379 : i1 to vector<16xi1>
      %reduce_sum3A_2381 = tpu.scan <sum>, %add3A_2378 masked %reduce_sum3A_2380 : vector<16xf32>, vector<16xi1> -> vector<16xf32>
      %reduce_sum3A_2382 = vector.extract %reduce_sum3A_2381[15] : f32 from vector<16xf32>
      %eq3A_2383 = arith.constant 1 : i32
      %eq3A_2384 = vector.broadcast %eq3A_2383 : i32 to vector<16xi32>
      %eq3A_2385 = arith.cmpi eq, %iota3A, %eq3A_2384 : vector<16xi32>
      %broadcast_in_dim3A_2386 = vector.broadcast %reduce_sum3A_2382 : f32 to vector<16xf32>
      %select_n3A_2387 = arith.select %eq3A_2385, %broadcast_in_dim3A_2386, %select_n3A_2359 : vector<16xi1>, vector<16xf32>
      %get3A_2388 = arith.constant 2 : i32
      %get3A_2389 = arith.index_cast %get3A_2388 : i32 to index
      %get3A_2390 = arith.constant 0 : index
      %get3A_2391 = tpu.vector_load %arg9[%get3A_2389, %get3A_2390] {strides = array<i32>} : memref<16x32xf32, #tpu.memory_space<vmem>>, vector<16xf32>,
      %get3A_2392 = arith.constant 2 : i32
      %get3A_2393 = arith.index_cast %get3A_2392 : i32 to index
      %get3A_2394 = arith.constant 16 : index
      %get3A_2395 = tpu.vector_load %arg9[%get3A_2393, %get3A_2394] {strides = array<i32>} : memref<16x32xf32, #tpu.memory_space<vmem>>, vector<16xf32>,
      %get3A_2396 = arith.constant 2 : i32
      %get3A_2397 = arith.index_cast %get3A_2396 : i32 to index
      %get3A_2398 = arith.constant 0 : index
      %get3A_2399 = tpu.vector_load %arg11[%get3A_2397, %get3A_2398] {strides = array<i32>} : memref<16x32xf32, #tpu.memory_space<vmem>>, vector<16xf32>,
      %get3A_2400 = arith.constant 2 : i32
      %get3A_2401 = arith.index_cast %get3A_2400 : i32 to index
      %get3A_2402 = arith.constant 16 : index
      %get3A_2403 = tpu.vector_load %arg11[%get3A_2401, %get3A_2402] {strides = array<i32>} : memref<16x32xf32, #tpu.memory_space<vmem>>, vector<16xf32>,
      %mul3A_2404 = arith.mulf %get3A_2391, %get3A_2399 : vector<16xf32>
      %mul3A_2405 = arith.mulf %get3A_2395, %get3A_2403 : vector<16xf32>
      %add3A_2406 = arith.addf %mul3A_2404, %mul3A_2405 : vector<16xf32>
      %reduce_sum3A_2407 = arith.constant true
      %reduce_sum3A_2408 = vector.broadcast %reduce_sum3A_2407 : i1 to vector<16xi1>
      %reduce_sum3A_2409 = tpu.scan <sum>, %add3A_2406 masked %reduce_sum3A_2408 : vector<16xf32>, vector<16xi1> -> vector<16xf32>
      %reduce_sum3A_2410 = vector.extract %reduce_sum3A_2409[15] : f32 from vector<16xf32>
      %eq3A_2411 = arith.constant 2 : i32
      %eq3A_2412 = vector.broadcast %eq3A_2411 : i32 to vector<16xi32>
      %eq3A_2413 = arith.cmpi eq, %iota3A, %eq3A_2412 : vector<16xi32>
      %broadcast_in_dim3A_2414 = vector.broadcast %reduce_sum3A_2410 : f32 to vector<16xf32>
      %select_n3A_2415 = arith.select %eq3A_2413, %broadcast_in_dim3A_2414, %select_n3A_2387 : vector<16xi1>, vector<16xf32>
      %get3A_2416 = arith.constant 3 : i32
      %get3A_2417 = arith.index_cast %get3A_2416 : i32 to index
      %get3A_2418 = arith.constant 0 : index
      %get3A_2419 = tpu.vector_load %arg9[%get3A_2417, %get3A_2418] {strides = array<i32>} : memref<16x32xf32, #tpu.memory_space<vmem>>, vector<16xf32>,
      %get3A_2420 = arith.constant 3 : i32
      %get3A_2421 = arith.index_cast %get3A_2420 : i32 to index
      %get3A_2422 = arith.constant 16 : index
      %get3A_2423 = tpu.vector_load %arg9[%get3A_2421, %get3A_2422] {strides = array<i32>} : memref<16x32xf32, #tpu.memory_space<vmem>>, vector<16xf32>,
      %get3A_2424 = arith.constant 3 : i32
      %get3A_2425 = arith.index_cast %get3A_2424 : i32 to index
      %get3A_2426 = arith.constant 0 : index
      %get3A_2427 = tpu.vector_load %arg11[%get3A_2425, %get3A_2426] {strides = array<i32>} : memref<16x32xf32, #tpu.memory_space<vmem>>, vector<16xf32>,
      %get3A_2428 = arith.constant 3 : i32
      %get3A_2429 = arith.index_cast %get3A_2428 : i32 to index
      %get3A_2430 = arith.constant 16 : index
      %get3A_2431 = tpu.vector_load %arg11[%get3A_2429, %get3A_2430] {strides = array<i32>} : memref<16x32xf32, #tpu.memory_space<vmem>>, vector<16xf32>,
      %mul3A_2432 = arith.mulf %get3A_2419, %get3A_2427 : vector<16xf32>
      %mul3A_2433 = arith.mulf %get3A_2423, %get3A_2431 : vector<16xf32>
      %add3A_2434 = arith.addf %mul3A_2432, %mul3A_2433 : vector<16xf32>
      %reduce_sum3A_2435 = arith.constant true
      %reduce_sum3A_2436 = vector.broadcast %reduce_sum3A_2435 : i1 to vector<16xi1>
      %reduce_sum3A_2437 = tpu.scan <sum>, %add3A_2434 masked %reduce_sum3A_2436 : vector<16xf32>, vector<16xi1> -> vector<16xf32>
      %reduce_sum3A_2438 = vector.extract %reduce_sum3A_2437[15] : f32 from vector<16xf32>
      %eq3A_2439 = arith.constant 3 : i32
      %eq3A_2440 = vector.broadcast %eq3A_2439 : i32 to vector<16xi32>
      %eq3A_2441 = arith.cmpi eq, %iota3A, %eq3A_2440 : vector<16xi32>
      %broadcast_in_dim3A_2442 = vector.broadcast %reduce_sum3A_2438 : f32 to vector<16xf32>
      %select_n3A_2443 = arith.select %eq3A_2441, %broadcast_in_dim3A_2442, %select_n3A_2415 : vector<16xi1>, vector<16xf32>
      %get3A_2444 = arith.constant 4 : i32
      %get3A_2445 = arith.index_cast %get3A_2444 : i32 to index
      %get3A_2446 = arith.constant 0 : index
      %get3A_2447 = tpu.vector_load %arg9[%get3A_2445, %get3A_2446] {strides = array<i32>} : memref<16x32xf32, #tpu.memory_space<vmem>>, vector<16xf32>,
      %get3A_2448 = arith.constant 4 : i32
      %get3A_2449 = arith.index_cast %get3A_2448 : i32 to index
      %get3A_2450 = arith.constant 16 : index
      %get3A_2451 = tpu.vector_load %arg9[%get3A_2449, %get3A_2450] {strides = array<i32>} : memref<16x32xf32, #tpu.memory_space<vmem>>, vector<16xf32>,
      %get3A_2452 = arith.constant 4 : i32
      %get3A_2453 = arith.index_cast %get3A_2452 : i32 to index
      %get3A_2454 = arith.constant 0 : index
      %get3A_2455 = tpu.vector_load %arg11[%get3A_2453, %get3A_2454] {strides = array<i32>} : memref<16x32xf32, #tpu.memory_space<vmem>>, vector<16xf32>,
      %get3A_2456 = arith.constant 4 : i32
      %get3A_2457 = arith.index_cast %get3A_2456 : i32 to index
      %get3A_2458 = arith.constant 16 : index
      %get3A_2459 = tpu.vector_load %arg11[%get3A_2457, %get3A_2458] {strides = array<i32>} : memref<16x32xf32, #tpu.memory_space<vmem>>, vector<16xf32>,
      %mul3A_2460 = arith.mulf %get3A_2447, %get3A_2455 : vector<16xf32>
      %mul3A_2461 = arith.mulf %get3A_2451, %get3A_2459 : vector<16xf32>
      %add3A_2462 = arith.addf %mul3A_2460, %mul3A_2461 : vector<16xf32>
      %reduce_sum3A_2463 = arith.constant true
      %reduce_sum3A_2464 = vector.broadcast %reduce_sum3A_2463 : i1 to vector<16xi1>
      %reduce_sum3A_2465 = tpu.scan <sum>, %add3A_2462 masked %reduce_sum3A_2464 : vector<16xf32>, vector<16xi1> -> vector<16xf32>
      %reduce_sum3A_2466 = vector.extract %reduce_sum3A_2465[15] : f32 from vector<16xf32>
      %eq3A_2467 = arith.constant 4 : i32
      %eq3A_2468 = vector.broadcast %eq3A_2467 : i32 to vector<16xi32>
      %eq3A_2469 = arith.cmpi eq, %iota3A, %eq3A_2468 : vector<16xi32>
      %broadcast_in_dim3A_2470 = vector.broadcast %reduce_sum3A_2466 : f32 to vector<16xf32>
      %select_n3A_2471 = arith.select %eq3A_2469, %broadcast_in_dim3A_2470, %select_n3A_2443 : vector<16xi1>, vector<16xf32>
      %get3A_2472 = arith.constant 5 : i32
      %get3A_2473 = arith.index_cast %get3A_2472 : i32 to index
      %get3A_2474 = arith.constant 0 : index
      %get3A_2475 = tpu.vector_load %arg9[%get3A_2473, %get3A_2474] {strides = array<i32>} : memref<16x32xf32, #tpu.memory_space<vmem>>, vector<16xf32>,
      %get3A_2476 = arith.constant 5 : i32
      %get3A_2477 = arith.index_cast %get3A_2476 : i32 to index
      %get3A_2478 = arith.constant 16 : index
      %get3A_2479 = tpu.vector_load %arg9[%get3A_2477, %get3A_2478] {strides = array<i32>} : memref<16x32xf32, #tpu.memory_space<vmem>>, vector<16xf32>,
      %get3A_2480 = arith.constant 5 : i32
      %get3A_2481 = arith.index_cast %get3A_2480 : i32 to index
      %get3A_2482 = arith.constant 0 : index
      %get3A_2483 = tpu.vector_load %arg11[%get3A_2481, %get3A_2482] {strides = array<i32>} : memref<16x32xf32, #tpu.memory_space<vmem>>, vector<16xf32>,
      %get3A_2484 = arith.constant 5 : i32
      %get3A_2485 = arith.index_cast %get3A_2484 : i32 to index
      %get3A_2486 = arith.constant 16 : index
      %get3A_2487 = tpu.vector_load %arg11[%get3A_2485, %get3A_2486] {strides = array<i32>} : memref<16x32xf32, #tpu.memory_space<vmem>>, vector<16xf32>,
      %mul3A_2488 = arith.mulf %get3A_2475, %get3A_2483 : vector<16xf32>
      %mul3A_2489 = arith.mulf %get3A_2479, %get3A_2487 : vector<16xf32>
      %add3A_2490 = arith.addf %mul3A_2488, %mul3A_2489 : vector<16xf32>
      %reduce_sum3A_2491 = arith.constant true
      %reduce_sum3A_2492 = vector.broadcast %reduce_sum3A_2491 : i1 to vector<16xi1>
      %reduce_sum3A_2493 = tpu.scan <sum>, %add3A_2490 masked %reduce_sum3A_2492 : vector<16xf32>, vector<16xi1> -> vector<16xf32>
      %reduce_sum3A_2494 = vector.extract %reduce_sum3A_2493[15] : f32 from vector<16xf32>
      %eq3A_2495 = arith.constant 5 : i32
      %eq3A_2496 = vector.broadcast %eq3A_2495 : i32 to vector<16xi32>
      %eq3A_2497 = arith.cmpi eq, %iota3A, %eq3A_2496 : vector<16xi32>
      %broadcast_in_dim3A_2498 = vector.broadcast %reduce_sum3A_2494 : f32 to vector<16xf32>
      %select_n3A_2499 = arith.select %eq3A_2497, %broadcast_in_dim3A_2498, %select_n3A_2471 : vector<16xi1>, vector<16xf32>
      %get3A_2500 = arith.constant 6 : i32
      %get3A_2501 = arith.index_cast %get3A_2500 : i32 to index
      %get3A_2502 = arith.constant 0 : index
      %get3A_2503 = tpu.vector_load %arg9[%get3A_2501, %get3A_2502] {strides = array<i32>} : memref<16x32xf32, #tpu.memory_space<vmem>>, vector<16xf32>,
      %get3A_2504 = arith.constant 6 : i32
      %get3A_2505 = arith.index_cast %get3A_2504 : i32 to index
      %get3A_2506 = arith.constant 16 : index
      %get3A_2507 = tpu.vector_load %arg9[%get3A_2505, %get3A_2506] {strides = array<i32>} : memref<16x32xf32, #tpu.memory_space<vmem>>, vector<16xf32>,
      %get3A_2508 = arith.constant 6 : i32
      %get3A_2509 = arith.index_cast %get3A_2508 : i32 to index
      %get3A_2510 = arith.constant 0 : index
      %get3A_2511 = tpu.vector_load %arg11[%get3A_2509, %get3A_2510] {strides = array<i32>} : memref<16x32xf32, #tpu.memory_space<vmem>>, vector<16xf32>,
      %get3A_2512 = arith.constant 6 : i32
      %get3A_2513 = arith.index_cast %get3A_2512 : i32 to index
      %get3A_2514 = arith.constant 16 : index
      %get3A_2515 = tpu.vector_load %arg11[%get3A_2513, %get3A_2514] {strides = array<i32>} : memref<16x32xf32, #tpu.memory_space<vmem>>, vector<16xf32>,
      %mul3A_2516 = arith.mulf %get3A_2503, %get3A_2511 : vector<16xf32>
      %mul3A_2517 = arith.mulf %get3A_2507, %get3A_2515 : vector<16xf32>
      %add3A_2518 = arith.addf %mul3A_2516, %mul3A_2517 : vector<16xf32>
      %reduce_sum3A_2519 = arith.constant true
      %reduce_sum3A_2520 = vector.broadcast %reduce_sum3A_2519 : i1 to vector<16xi1>
      %reduce_sum3A_2521 = tpu.scan <sum>, %add3A_2518 masked %reduce_sum3A_2520 : vector<16xf32>, vector<16xi1> -> vector<16xf32>
      %reduce_sum3A_2522 = vector.extract %reduce_sum3A_2521[15] : f32 from vector<16xf32>
      %eq3A_2523 = arith.constant 6 : i32
      %eq3A_2524 = vector.broadcast %eq3A_2523 : i32 to vector<16xi32>
      %eq3A_2525 = arith.cmpi eq, %iota3A, %eq3A_2524 : vector<16xi32>
      %broadcast_in_dim3A_2526 = vector.broadcast %reduce_sum3A_2522 : f32 to vector<16xf32>
      %select_n3A_2527 = arith.select %eq3A_2525, %broadcast_in_dim3A_2526, %select_n3A_2499 : vector<16xi1>, vector<16xf32>
      %get3A_2528 = arith.constant 7 : i32
      %get3A_2529 = arith.index_cast %get3A_2528 : i32 to index
      %get3A_2530 = arith.constant 0 : index
      %get3A_2531 = tpu.vector_load %arg9[%get3A_2529, %get3A_2530] {strides = array<i32>} : memref<16x32xf32, #tpu.memory_space<vmem>>, vector<16xf32>,
      %get3A_2532 = arith.constant 7 : i32
      %get3A_2533 = arith.index_cast %get3A_2532 : i32 to index
      %get3A_2534 = arith.constant 16 : index
      %get3A_2535 = tpu.vector_load %arg9[%get3A_2533, %get3A_2534] {strides = array<i32>} : memref<16x32xf32, #tpu.memory_space<vmem>>, vector<16xf32>,
      %get3A_2536 = arith.constant 7 : i32
      %get3A_2537 = arith.index_cast %get3A_2536 : i32 to index
      %get3A_2538 = arith.constant 0 : index
      %get3A_2539 = tpu.vector_load %arg11[%get3A_2537, %get3A_2538] {strides = array<i32>} : memref<16x32xf32, #tpu.memory_space<vmem>>, vector<16xf32>,
      %get3A_2540 = arith.constant 7 : i32
      %get3A_2541 = arith.index_cast %get3A_2540 : i32 to index
      %get3A_2542 = arith.constant 16 : index
      %get3A_2543 = tpu.vector_load %arg11[%get3A_2541, %get3A_2542] {strides = array<i32>} : memref<16x32xf32, #tpu.memory_space<vmem>>, vector<16xf32>,
      %mul3A_2544 = arith.mulf %get3A_2531, %get3A_2539 : vector<16xf32>
      %mul3A_2545 = arith.mulf %get3A_2535, %get3A_2543 : vector<16xf32>
      %add3A_2546 = arith.addf %mul3A_2544, %mul3A_2545 : vector<16xf32>
      %reduce_sum3A_2547 = arith.constant true
      %reduce_sum3A_2548 = vector.broadcast %reduce_sum3A_2547 : i1 to vector<16xi1>
      %reduce_sum3A_2549 = tpu.scan <sum>, %add3A_2546 masked %reduce_sum3A_2548 : vector<16xf32>, vector<16xi1> -> vector<16xf32>
      %reduce_sum3A_2550 = vector.extract %reduce_sum3A_2549[15] : f32 from vector<16xf32>
      %eq3A_2551 = arith.constant 7 : i32
      %eq3A_2552 = vector.broadcast %eq3A_2551 : i32 to vector<16xi32>
      %eq3A_2553 = arith.cmpi eq, %iota3A, %eq3A_2552 : vector<16xi32>
      %broadcast_in_dim3A_2554 = vector.broadcast %reduce_sum3A_2550 : f32 to vector<16xf32>
      %select_n3A_2555 = arith.select %eq3A_2553, %broadcast_in_dim3A_2554, %select_n3A_2527 : vector<16xi1>, vector<16xf32>
      %get3A_2556 = arith.constant 8 : i32
      %get3A_2557 = arith.index_cast %get3A_2556 : i32 to index
      %get3A_2558 = arith.constant 0 : index
      %get3A_2559 = tpu.vector_load %arg9[%get3A_2557, %get3A_2558] {strides = array<i32>} : memref<16x32xf32, #tpu.memory_space<vmem>>, vector<16xf32>,
      %get3A_2560 = arith.constant 8 : i32
      %get3A_2561 = arith.index_cast %get3A_2560 : i32 to index
      %get3A_2562 = arith.constant 16 : index
      %get3A_2563 = tpu.vector_load %arg9[%get3A_2561, %get3A_2562] {strides = array<i32>} : memref<16x32xf32, #tpu.memory_space<vmem>>, vector<16xf32>,
      %get3A_2564 = arith.constant 8 : i32
      %get3A_2565 = arith.index_cast %get3A_2564 : i32 to index
      %get3A_2566 = arith.constant 0 : index
      %get3A_2567 = tpu.vector_load %arg11[%get3A_2565, %get3A_2566] {strides = array<i32>} : memref<16x32xf32, #tpu.memory_space<vmem>>, vector<16xf32>,
      %get3A_2568 = arith.constant 8 : i32
      %get3A_2569 = arith.index_cast %get3A_2568 : i32 to index
      %get3A_2570 = arith.constant 16 : index
      %get3A_2571 = tpu.vector_load %arg11[%get3A_2569, %get3A_2570] {strides = array<i32>} : memref<16x32xf32, #tpu.memory_space<vmem>>, vector<16xf32>,
      %mul3A_2572 = arith.mulf %get3A_2559, %get3A_2567 : vector<16xf32>
      %mul3A_2573 = arith.mulf %get3A_2563, %get3A_2571 : vector<16xf32>
      %add3A_2574 = arith.addf %mul3A_2572, %mul3A_2573 : vector<16xf32>
      %reduce_sum3A_2575 = arith.constant true
      %reduce_sum3A_2576 = vector.broadcast %reduce_sum3A_2575 : i1 to vector<16xi1>
      %reduce_sum3A_2577 = tpu.scan <sum>, %add3A_2574 masked %reduce_sum3A_2576 : vector<16xf32>, vector<16xi1> -> vector<16xf32>
      %reduce_sum3A_2578 = vector.extract %reduce_sum3A_2577[15] : f32 from vector<16xf32>
      %eq3A_2579 = arith.constant 8 : i32
      %eq3A_2580 = vector.broadcast %eq3A_2579 : i32 to vector<16xi32>
      %eq3A_2581 = arith.cmpi eq, %iota3A, %eq3A_2580 : vector<16xi32>
      %broadcast_in_dim3A_2582 = vector.broadcast %reduce_sum3A_2578 : f32 to vector<16xf32>
      %select_n3A_2583 = arith.select %eq3A_2581, %broadcast_in_dim3A_2582, %select_n3A_2555 : vector<16xi1>, vector<16xf32>
      %get3A_2584 = arith.constant 9 : i32
      %get3A_2585 = arith.index_cast %get3A_2584 : i32 to index
      %get3A_2586 = arith.constant 0 : index
      %get3A_2587 = tpu.vector_load %arg9[%get3A_2585, %get3A_2586] {strides = array<i32>} : memref<16x32xf32, #tpu.memory_space<vmem>>, vector<16xf32>,
      %get3A_2588 = arith.constant 9 : i32
      %get3A_2589 = arith.index_cast %get3A_2588 : i32 to index
      %get3A_2590 = arith.constant 16 : index
      %get3A_2591 = tpu.vector_load %arg9[%get3A_2589, %get3A_2590] {strides = array<i32>} : memref<16x32xf32, #tpu.memory_space<vmem>>, vector<16xf32>,
      %get3A_2592 = arith.constant 9 : i32
      %get3A_2593 = arith.index_cast %get3A_2592 : i32 to index
      %get3A_2594 = arith.constant 0 : index
      %get3A_2595 = tpu.vector_load %arg11[%get3A_2593, %get3A_2594] {strides = array<i32>} : memref<16x32xf32, #tpu.memory_space<vmem>>, vector<16xf32>,
      %get3A_2596 = arith.constant 9 : i32
      %get3A_2597 = arith.index_cast %get3A_2596 : i32 to index
      %get3A_2598 = arith.constant 16 : index
      %get3A_2599 = tpu.vector_load %arg11[%get3A_2597, %get3A_2598] {strides = array<i32>} : memref<16x32xf32, #tpu.memory_space<vmem>>, vector<16xf32>,
      %mul3A_2600 = arith.mulf %get3A_2587, %get3A_2595 : vector<16xf32>
      %mul3A_2601 = arith.mulf %get3A_2591, %get3A_2599 : vector<16xf32>
      %add3A_2602 = arith.addf %mul3A_2600, %mul3A_2601 : vector<16xf32>
      %reduce_sum3A_2603 = arith.constant true
      %reduce_sum3A_2604 = vector.broadcast %reduce_sum3A_2603 : i1 to vector<16xi1>
      %reduce_sum3A_2605 = tpu.scan <sum>, %add3A_2602 masked %reduce_sum3A_2604 : vector<16xf32>, vector<16xi1> -> vector<16xf32>
      %reduce_sum3A_2606 = vector.extract %reduce_sum3A_2605[15] : f32 from vector<16xf32>
      %eq3A_2607 = arith.constant 9 : i32
      %eq3A_2608 = vector.broadcast %eq3A_2607 : i32 to vector<16xi32>
      %eq3A_2609 = arith.cmpi eq, %iota3A, %eq3A_2608 : vector<16xi32>
      %broadcast_in_dim3A_2610 = vector.broadcast %reduce_sum3A_2606 : f32 to vector<16xf32>
      %select_n3A_2611 = arith.select %eq3A_2609, %broadcast_in_dim3A_2610, %select_n3A_2583 : vector<16xi1>, vector<16xf32>
      %get3A_2612 = arith.constant 10 : i32
      %get3A_2613 = arith.index_cast %get3A_2612 : i32 to index
      %get3A_2614 = arith.constant 0 : index
      %get3A_2615 = tpu.vector_load %arg9[%get3A_2613, %get3A_2614] {strides = array<i32>} : memref<16x32xf32, #tpu.memory_space<vmem>>, vector<16xf32>,
      %get3A_2616 = arith.constant 10 : i32
      %get3A_2617 = arith.index_cast %get3A_2616 : i32 to index
      %get3A_2618 = arith.constant 16 : index
      %get3A_2619 = tpu.vector_load %arg9[%get3A_2617, %get3A_2618] {strides = array<i32>} : memref<16x32xf32, #tpu.memory_space<vmem>>, vector<16xf32>,
      %get3A_2620 = arith.constant 10 : i32
      %get3A_2621 = arith.index_cast %get3A_2620 : i32 to index
      %get3A_2622 = arith.constant 0 : index
      %get3A_2623 = tpu.vector_load %arg11[%get3A_2621, %get3A_2622] {strides = array<i32>} : memref<16x32xf32, #tpu.memory_space<vmem>>, vector<16xf32>,
      %get3A_2624 = arith.constant 10 : i32
      %get3A_2625 = arith.index_cast %get3A_2624 : i32 to index
      %get3A_2626 = arith.constant 16 : index
      %get3A_2627 = tpu.vector_load %arg11[%get3A_2625, %get3A_2626] {strides = array<i32>} : memref<16x32xf32, #tpu.memory_space<vmem>>, vector<16xf32>,
      %mul3A_2628 = arith.mulf %get3A_2615, %get3A_2623 : vector<16xf32>
      %mul3A_2629 = arith.mulf %get3A_2619, %get3A_2627 : vector<16xf32>
      %add3A_2630 = arith.addf %mul3A_2628, %mul3A_2629 : vector<16xf32>
      %reduce_sum3A_2631 = arith.constant true
      %reduce_sum3A_2632 = vector.broadcast %reduce_sum3A_2631 : i1 to vector<16xi1>
      %reduce_sum3A_2633 = tpu.scan <sum>, %add3A_2630 masked %reduce_sum3A_2632 : vector<16xf32>, vector<16xi1> -> vector<16xf32>
      %reduce_sum3A_2634 = vector.extract %reduce_sum3A_2633[15] : f32 from vector<16xf32>
      %eq3A_2635 = arith.constant 10 : i32
      %eq3A_2636 = vector.broadcast %eq3A_2635 : i32 to vector<16xi32>
      %eq3A_2637 = arith.cmpi eq, %iota3A, %eq3A_2636 : vector<16xi32>
      %broadcast_in_dim3A_2638 = vector.broadcast %reduce_sum3A_2634 : f32 to vector<16xf32>
      %select_n3A_2639 = arith.select %eq3A_2637, %broadcast_in_dim3A_2638, %select_n3A_2611 : vector<16xi1>, vector<16xf32>
      %get3A_2640 = arith.constant 11 : i32
      %get3A_2641 = arith.index_cast %get3A_2640 : i32 to index
      %get3A_2642 = arith.constant 0 : index
      %get3A_2643 = tpu.vector_load %arg9[%get3A_2641, %get3A_2642] {strides = array<i32>} : memref<16x32xf32, #tpu.memory_space<vmem>>, vector<16xf32>,
      %get3A_2644 = arith.constant 11 : i32
      %get3A_2645 = arith.index_cast %get3A_2644 : i32 to index
      %get3A_2646 = arith.constant 16 : index
      %get3A_2647 = tpu.vector_load %arg9[%get3A_2645, %get3A_2646] {strides = array<i32>} : memref<16x32xf32, #tpu.memory_space<vmem>>, vector<16xf32>,
      %get3A_2648 = arith.constant 11 : i32
      %get3A_2649 = arith.index_cast %get3A_2648 : i32 to index
      %get3A_2650 = arith.constant 0 : index
      %get3A_2651 = tpu.vector_load %arg11[%get3A_2649, %get3A_2650] {strides = array<i32>} : memref<16x32xf32, #tpu.memory_space<vmem>>, vector<16xf32>,
      %get3A_2652 = arith.constant 11 : i32
      %get3A_2653 = arith.index_cast %get3A_2652 : i32 to index
      %get3A_2654 = arith.constant 16 : index
      %get3A_2655 = tpu.vector_load %arg11[%get3A_2653, %get3A_2654] {strides = array<i32>} : memref<16x32xf32, #tpu.memory_space<vmem>>, vector<16xf32>,
      %mul3A_2656 = arith.mulf %get3A_2643, %get3A_2651 : vector<16xf32>
      %mul3A_2657 = arith.mulf %get3A_2647, %get3A_2655 : vector<16xf32>
      %add3A_2658 = arith.addf %mul3A_2656, %mul3A_2657 : vector<16xf32>
      %reduce_sum3A_2659 = arith.constant true
      %reduce_sum3A_2660 = vector.broadcast %reduce_sum3A_2659 : i1 to vector<16xi1>
      %reduce_sum3A_2661 = tpu.scan <sum>, %add3A_2658 masked %reduce_sum3A_2660 : vector<16xf32>, vector<16xi1> -> vector<16xf32>
      %reduce_sum3A_2662 = vector.extract %reduce_sum3A_2661[15] : f32 from vector<16xf32>
      %eq3A_2663 = arith.constant 11 : i32
      %eq3A_2664 = vector.broadcast %eq3A_2663 : i32 to vector<16xi32>
      %eq3A_2665 = arith.cmpi eq, %iota3A, %eq3A_2664 : vector<16xi32>
      %broadcast_in_dim3A_2666 = vector.broadcast %reduce_sum3A_2662 : f32 to vector<16xf32>
      %select_n3A_2667 = arith.select %eq3A_2665, %broadcast_in_dim3A_2666, %select_n3A_2639 : vector<16xi1>, vector<16xf32>
      %get3A_2668 = arith.constant 12 : i32
      %get3A_2669 = arith.index_cast %get3A_2668 : i32 to index
      %get3A_2670 = arith.constant 0 : index
      %get3A_2671 = tpu.vector_load %arg9[%get3A_2669, %get3A_2670] {strides = array<i32>} : memref<16x32xf32, #tpu.memory_space<vmem>>, vector<16xf32>,
      %get3A_2672 = arith.constant 12 : i32
      %get3A_2673 = arith.index_cast %get3A_2672 : i32 to index
      %get3A_2674 = arith.constant 16 : index
      %get3A_2675 = tpu.vector_load %arg9[%get3A_2673, %get3A_2674] {strides = array<i32>} : memref<16x32xf32, #tpu.memory_space<vmem>>, vector<16xf32>,
      %get3A_2676 = arith.constant 12 : i32
      %get3A_2677 = arith.index_cast %get3A_2676 : i32 to index
      %get3A_2678 = arith.constant 0 : index
      %get3A_2679 = tpu.vector_load %arg11[%get3A_2677, %get3A_2678] {strides = array<i32>} : memref<16x32xf32, #tpu.memory_space<vmem>>, vector<16xf32>,
      %get3A_2680 = arith.constant 12 : i32
      %get3A_2681 = arith.index_cast %get3A_2680 : i32 to index
      %get3A_2682 = arith.constant 16 : index
      %get3A_2683 = tpu.vector_load %arg11[%get3A_2681, %get3A_2682] {strides = array<i32>} : memref<16x32xf32, #tpu.memory_space<vmem>>, vector<16xf32>,
      %mul3A_2684 = arith.mulf %get3A_2671, %get3A_2679 : vector<16xf32>
      %mul3A_2685 = arith.mulf %get3A_2675, %get3A_2683 : vector<16xf32>
      %add3A_2686 = arith.addf %mul3A_2684, %mul3A_2685 : vector<16xf32>
      %reduce_sum3A_2687 = arith.constant true
      %reduce_sum3A_2688 = vector.broadcast %reduce_sum3A_2687 : i1 to vector<16xi1>
      %reduce_sum3A_2689 = tpu.scan <sum>, %add3A_2686 masked %reduce_sum3A_2688 : vector<16xf32>, vector<16xi1> -> vector<16xf32>
      %reduce_sum3A_2690 = vector.extract %reduce_sum3A_2689[15] : f32 from vector<16xf32>
      %eq3A_2691 = arith.constant 12 : i32
      %eq3A_2692 = vector.broadcast %eq3A_2691 : i32 to vector<16xi32>
      %eq3A_2693 = arith.cmpi eq, %iota3A, %eq3A_2692 : vector<16xi32>
      %broadcast_in_dim3A_2694 = vector.broadcast %reduce_sum3A_2690 : f32 to vector<16xf32>
      %select_n3A_2695 = arith.select %eq3A_2693, %broadcast_in_dim3A_2694, %select_n3A_2667 : vector<16xi1>, vector<16xf32>
      %get3A_2696 = arith.constant 13 : i32
      %get3A_2697 = arith.index_cast %get3A_2696 : i32 to index
      %get3A_2698 = arith.constant 0 : index
      %get3A_2699 = tpu.vector_load %arg9[%get3A_2697, %get3A_2698] {strides = array<i32>} : memref<16x32xf32, #tpu.memory_space<vmem>>, vector<16xf32>,
      %get3A_2700 = arith.constant 13 : i32
      %get3A_2701 = arith.index_cast %get3A_2700 : i32 to index
      %get3A_2702 = arith.constant 16 : index
      %get3A_2703 = tpu.vector_load %arg9[%get3A_2701, %get3A_2702] {strides = array<i32>} : memref<16x32xf32, #tpu.memory_space<vmem>>, vector<16xf32>,
      %get3A_2704 = arith.constant 13 : i32
      %get3A_2705 = arith.index_cast %get3A_2704 : i32 to index
      %get3A_2706 = arith.constant 0 : index
      %get3A_2707 = tpu.vector_load %arg11[%get3A_2705, %get3A_2706] {strides = array<i32>} : memref<16x32xf32, #tpu.memory_space<vmem>>, vector<16xf32>,
      %get3A_2708 = arith.constant 13 : i32
      %get3A_2709 = arith.index_cast %get3A_2708 : i32 to index
      %get3A_2710 = arith.constant 16 : index
      %get3A_2711 = tpu.vector_load %arg11[%get3A_2709, %get3A_2710] {strides = array<i32>} : memref<16x32xf32, #tpu.memory_space<vmem>>, vector<16xf32>,
      %mul3A_2712 = arith.mulf %get3A_2699, %get3A_2707 : vector<16xf32>
      %mul3A_2713 = arith.mulf %get3A_2703, %get3A_2711 : vector<16xf32>
      %add3A_2714 = arith.addf %mul3A_2712, %mul3A_2713 : vector<16xf32>
      %reduce_sum3A_2715 = arith.constant true
      %reduce_sum3A_2716 = vector.broadcast %reduce_sum3A_2715 : i1 to vector<16xi1>
      %reduce_sum3A_2717 = tpu.scan <sum>, %add3A_2714 masked %reduce_sum3A_2716 : vector<16xf32>, vector<16xi1> -> vector<16xf32>
      %reduce_sum3A_2718 = vector.extract %reduce_sum3A_2717[15] : f32 from vector<16xf32>
      %eq3A_2719 = arith.constant 13 : i32
      %eq3A_2720 = vector.broadcast %eq3A_2719 : i32 to vector<16xi32>
      %eq3A_2721 = arith.cmpi eq, %iota3A, %eq3A_2720 : vector<16xi32>
      %broadcast_in_dim3A_2722 = vector.broadcast %reduce_sum3A_2718 : f32 to vector<16xf32>
      %select_n3A_2723 = arith.select %eq3A_2721, %broadcast_in_dim3A_2722, %select_n3A_2695 : vector<16xi1>, vector<16xf32>
      %get3A_2724 = arith.constant 14 : i32
      %get3A_2725 = arith.index_cast %get3A_2724 : i32 to index
      %get3A_2726 = arith.constant 0 : index
      %get3A_2727 = tpu.vector_load %arg9[%get3A_2725, %get3A_2726] {strides = array<i32>} : memref<16x32xf32, #tpu.memory_space<vmem>>, vector<16xf32>,
      %get3A_2728 = arith.constant 14 : i32
      %get3A_2729 = arith.index_cast %get3A_2728 : i32 to index
      %get3A_2730 = arith.constant 16 : index
      %get3A_2731 = tpu.vector_load %arg9[%get3A_2729, %get3A_2730] {strides = array<i32>} : memref<16x32xf32, #tpu.memory_space<vmem>>, vector<16xf32>,
      %get3A_2732 = arith.constant 14 : i32
      %get3A_2733 = arith.index_cast %get3A_2732 : i32 to index
      %get3A_2734 = arith.constant 0 : index
      %get3A_2735 = tpu.vector_load %arg11[%get3A_2733, %get3A_2734] {strides = array<i32>} : memref<16x32xf32, #tpu.memory_space<vmem>>, vector<16xf32>,
      %get3A_2736 = arith.constant 14 : i32
      %get3A_2737 = arith.index_cast %get3A_2736 : i32 to index
      %get3A_2738 = arith.constant 16 : index
      %get3A_2739 = tpu.vector_load %arg11[%get3A_2737, %get3A_2738] {strides = array<i32>} : memref<16x32xf32, #tpu.memory_space<vmem>>, vector<16xf32>,
      %mul3A_2740 = arith.mulf %get3A_2727, %get3A_2735 : vector<16xf32>
      %mul3A_2741 = arith.mulf %get3A_2731, %get3A_2739 : vector<16xf32>
      %add3A_2742 = arith.addf %mul3A_2740, %mul3A_2741 : vector<16xf32>
      %reduce_sum3A_2743 = arith.constant true
      %reduce_sum3A_2744 = vector.broadcast %reduce_sum3A_2743 : i1 to vector<16xi1>
      %reduce_sum3A_2745 = tpu.scan <sum>, %add3A_2742 masked %reduce_sum3A_2744 : vector<16xf32>, vector<16xi1> -> vector<16xf32>
      %reduce_sum3A_2746 = vector.extract %reduce_sum3A_2745[15] : f32 from vector<16xf32>
      %eq3A_2747 = arith.constant 14 : i32
      %eq3A_2748 = vector.broadcast %eq3A_2747 : i32 to vector<16xi32>
      %eq3A_2749 = arith.cmpi eq, %iota3A, %eq3A_2748 : vector<16xi32>
      %broadcast_in_dim3A_2750 = vector.broadcast %reduce_sum3A_2746 : f32 to vector<16xf32>
      %select_n3A_2751 = arith.select %eq3A_2749, %broadcast_in_dim3A_2750, %select_n3A_2723 : vector<16xi1>, vector<16xf32>
      %get3A_2752 = arith.constant 15 : i32
      %get3A_2753 = arith.index_cast %get3A_2752 : i32 to index
      %get3A_2754 = arith.constant 0 : index
      %get3A_2755 = tpu.vector_load %arg9[%get3A_2753, %get3A_2754] {strides = array<i32>} : memref<16x32xf32, #tpu.memory_space<vmem>>, vector<16xf32>,
      %get3A_2756 = arith.constant 15 : i32
      %get3A_2757 = arith.index_cast %get3A_2756 : i32 to index
      %get3A_2758 = arith.constant 16 : index
      %get3A_2759 = tpu.vector_load %arg9[%get3A_2757, %get3A_2758] {strides = array<i32>} : memref<16x32xf32, #tpu.memory_space<vmem>>, vector<16xf32>,
      %get3A_2760 = arith.constant 15 : i32
      %get3A_2761 = arith.index_cast %get3A_2760 : i32 to index
      %get3A_2762 = arith.constant 0 : index
      %get3A_2763 = tpu.vector_load %arg11[%get3A_2761, %get3A_2762] {strides = array<i32>} : memref<16x32xf32, #tpu.memory_space<vmem>>, vector<16xf32>,
      %get3A_2764 = arith.constant 15 : i32
      %get3A_2765 = arith.index_cast %get3A_2764 : i32 to index
      %get3A_2766 = arith.constant 16 : index
      %get3A_2767 = tpu.vector_load %arg11[%get3A_2765, %get3A_2766] {strides = array<i32>} : memref<16x32xf32, #tpu.memory_space<vmem>>, vector<16xf32>,
      %mul3A_2768 = arith.mulf %get3A_2755, %get3A_2763 : vector<16xf32>
      %mul3A_2769 = arith.mulf %get3A_2759, %get3A_2767 : vector<16xf32>
      %add3A_2770 = arith.addf %mul3A_2768, %mul3A_2769 : vector<16xf32>
      %reduce_sum3A_2771 = arith.constant true
      %reduce_sum3A_2772 = vector.broadcast %reduce_sum3A_2771 : i1 to vector<16xi1>
      %reduce_sum3A_2773 = tpu.scan <sum>, %add3A_2770 masked %reduce_sum3A_2772 : vector<16xf32>, vector<16xi1> -> vector<16xf32>
      %reduce_sum3A_2774 = vector.extract %reduce_sum3A_2773[15] : f32 from vector<16xf32>
      %eq3A_2775 = arith.constant 15 : i32
      %eq3A_2776 = vector.broadcast %eq3A_2775 : i32 to vector<16xi32>
      %eq3A_2777 = arith.cmpi eq, %iota3A, %eq3A_2776 : vector<16xi32>
      %broadcast_in_dim3A_2778 = vector.broadcast %reduce_sum3A_2774 : f32 to vector<16xf32>
      %select_n3A_2779 = arith.select %eq3A_2777, %broadcast_in_dim3A_2778, %select_n3A_2751 : vector<16xi1>, vector<16xf32>
      %mul3A_2780 = arith.constant 16 : i32
      %mul3A_2781 = arith.muli %mul3A_904, %mul3A_2780 : i32
      %multiple_of3A_2782 = tpu.assume_multiple %mul3A_2781, 16 : i32
      %swap3A_2783 = arith.index_cast %multiple_of3A_2782 : i32 to index
      %swap3A_2784 = tpu.vector_load %arg13[%swap3A_2783] {strides = array<i32>} : memref<512xf32, #tpu.memory_space<vmem>>, vector<16xf32>,
      tpu.vector_store %arg13[%swap3A_2783], %select_n3A_2779 {strides = array<i32>} : memref<512xf32, #tpu.memory_space<vmem>>, vector<16xf32>,
    }
    %scan3A_7 = arith.constant 16 : i32
    %dma_wait3A = arith.constant 0 : i32
    %dma_wait3A_8 = arith.constant 0 : i32
    %dma_wait3A_9 = arith.constant 0 : i32
    %dma_wait3A_10 = tpu.memref_slice %arg10[%dma_wait3A_8, %dma_wait3A_9] : memref<16x32xf32, #tpu.memory_space<vmem>> -> memref<1x32xf32, #tpu.memory_space<vmem>>
    %dma_wait3A_11 = tpu.memref_squeeze %dma_wait3A_10 : memref<1x32xf32, #tpu.memory_space<vmem>> -> memref<32xf32, #tpu.memory_space<vmem>>
    %dma_wait3A_12 = arith.constant 0 : i32
    %dma_wait3A_13 = tpu.memref_slice %arg4[%dma_wait3A, %dma_wait3A_12] : memref<1000000x32xf32, #tpu.memory_space<hbm>> -> memref<1x32xf32, #tpu.memory_space<hbm>>
    %dma_wait3A_14 = tpu.memref_squeeze %dma_wait3A_13 : memref<1x32xf32, #tpu.memory_space<hbm>> -> memref<32xf32, #tpu.memory_space<hbm>>
    %dma_wait3A_15 = arith.constant 0 : i32
    %dma_wait3A_16 = tpu.memref_slice %arg10[%dma_wait3A_8, %dma_wait3A_15] : memref<16x32xf32, #tpu.memory_space<vmem>> -> memref<1x32xf32, #tpu.memory_space<vmem>>
    %dma_wait3A_17 = tpu.memref_squeeze %dma_wait3A_16 : memref<1x32xf32, #tpu.memory_space<vmem>> -> memref<32xf32, #tpu.memory_space<vmem>>
    %dma_wait3A_18 = arith.constant 0 : i32
    %dma_wait3A_19 = tpu.memref_slice %arg4[%dma_wait3A, %dma_wait3A_18] : memref<1000000x32xf32, #tpu.memory_space<hbm>> -> memref<1x32xf32, #tpu.memory_space<hbm>>
    %dma_wait3A_20 = tpu.memref_squeeze %dma_wait3A_19 : memref<1x32xf32, #tpu.memory_space<hbm>> -> memref<32xf32, #tpu.memory_space<hbm>>
    tpu.wait_dma2 semaphore(%arg15 : memref<!tpu.dma_semaphore, #tpu.memory_space<semaphore_mem>>) src(%dma_wait3A_20 : memref<32xf32, #tpu.memory_space<hbm>>) dst(%dma_wait3A_17 : memref<32xf32, #tpu.memory_space<vmem>>)
    %dma_wait3A_21 = arith.constant 0 : i32
    %dma_wait3A_22 = arith.constant 0 : i32
    %dma_wait3A_23 = arith.constant 0 : i32
    %dma_wait3A_24 = tpu.memref_slice %arg12[%dma_wait3A_22, %dma_wait3A_23] : memref<16x32xf32, #tpu.memory_space<vmem>> -> memref<1x32xf32, #tpu.memory_space<vmem>>
    %dma_wait3A_25 = tpu.memref_squeeze %dma_wait3A_24 : memref<1x32xf32, #tpu.memory_space<vmem>> -> memref<32xf32, #tpu.memory_space<vmem>>
    %dma_wait3A_26 = arith.constant 0 : i32
    %dma_wait3A_27 = tpu.memref_slice %arg5[%dma_wait3A_21, %dma_wait3A_26] : memref<1000000x32xf32, #tpu.memory_space<hbm>> -> memref<1x32xf32, #tpu.memory_space<hbm>>
    %dma_wait3A_28 = tpu.memref_squeeze %dma_wait3A_27 : memref<1x32xf32, #tpu.memory_space<hbm>> -> memref<32xf32, #tpu.memory_space<hbm>>
    %dma_wait3A_29 = arith.constant 0 : i32
    %dma_wait3A_30 = tpu.memref_slice %arg12[%dma_wait3A_22, %dma_wait3A_29] : memref<16x32xf32, #tpu.memory_space<vmem>> -> memref<1x32xf32, #tpu.memory_space<vmem>>
    %dma_wait3A_31 = tpu.memref_squeeze %dma_wait3A_30 : memref<1x32xf32, #tpu.memory_space<vmem>> -> memref<32xf32, #tpu.memory_space<vmem>>
    %dma_wait3A_32 = arith.constant 0 : i32
    %dma_wait3A_33 = tpu.memref_slice %arg5[%dma_wait3A_21, %dma_wait3A_32] : memref<1000000x32xf32, #tpu.memory_space<hbm>> -> memref<1x32xf32, #tpu.memory_space<hbm>>
    %dma_wait3A_34 = tpu.memref_squeeze %dma_wait3A_33 : memref<1x32xf32, #tpu.memory_space<hbm>> -> memref<32xf32, #tpu.memory_space<hbm>>
    tpu.wait_dma2 semaphore(%arg17 : memref<!tpu.dma_semaphore, #tpu.memory_space<semaphore_mem>>) src(%dma_wait3A_34 : memref<32xf32, #tpu.memory_space<hbm>>) dst(%dma_wait3A_31 : memref<32xf32, #tpu.memory_space<vmem>>)
    %dma_wait3A_35 = arith.constant 0 : i32
    %dma_wait3A_36 = arith.constant 1 : i32
    %dma_wait3A_37 = arith.constant 0 : i32
    %dma_wait3A_38 = tpu.memref_slice %arg10[%dma_wait3A_36, %dma_wait3A_37] : memref<16x32xf32, #tpu.memory_space<vmem>> -> memref<1x32xf32, #tpu.memory_space<vmem>>
    %dma_wait3A_39 = tpu.memref_squeeze %dma_wait3A_38 : memref<1x32xf32, #tpu.memory_space<vmem>> -> memref<32xf32, #tpu.memory_space<vmem>>
    %dma_wait3A_40 = arith.constant 0 : i32
    %dma_wait3A_41 = tpu.memref_slice %arg4[%dma_wait3A_35, %dma_wait3A_40] : memref<1000000x32xf32, #tpu.memory_space<hbm>> -> memref<1x32xf32, #tpu.memory_space<hbm>>
    %dma_wait3A_42 = tpu.memref_squeeze %dma_wait3A_41 : memref<1x32xf32, #tpu.memory_space<hbm>> -> memref<32xf32, #tpu.memory_space<hbm>>
    %dma_wait3A_43 = arith.constant 0 : i32
    %dma_wait3A_44 = tpu.memref_slice %arg10[%dma_wait3A_36, %dma_wait3A_43] : memref<16x32xf32, #tpu.memory_space<vmem>> -> memref<1x32xf32, #tpu.memory_space<vmem>>
    %dma_wait3A_45 = tpu.memref_squeeze %dma_wait3A_44 : memref<1x32xf32, #tpu.memory_space<vmem>> -> memref<32xf32, #tpu.memory_space<vmem>>
    %dma_wait3A_46 = arith.constant 0 : i32
    %dma_wait3A_47 = tpu.memref_slice %arg4[%dma_wait3A_35, %dma_wait3A_46] : memref<1000000x32xf32, #tpu.memory_space<hbm>> -> memref<1x32xf32, #tpu.memory_space<hbm>>
    %dma_wait3A_48 = tpu.memref_squeeze %dma_wait3A_47 : memref<1x32xf32, #tpu.memory_space<hbm>> -> memref<32xf32, #tpu.memory_space<hbm>>
    tpu.wait_dma2 semaphore(%arg15 : memref<!tpu.dma_semaphore, #tpu.memory_space<semaphore_mem>>) src(%dma_wait3A_48 : memref<32xf32, #tpu.memory_space<hbm>>) dst(%dma_wait3A_45 : memref<32xf32, #tpu.memory_space<vmem>>)
    %dma_wait3A_49 = arith.constant 0 : i32
    %dma_wait3A_50 = arith.constant 1 : i32
    %dma_wait3A_51 = arith.constant 0 : i32
    %dma_wait3A_52 = tpu.memref_slice %arg12[%dma_wait3A_50, %dma_wait3A_51] : memref<16x32xf32, #tpu.memory_space<vmem>> -> memref<1x32xf32, #tpu.memory_space<vmem>>
    %dma_wait3A_53 = tpu.memref_squeeze %dma_wait3A_52 : memref<1x32xf32, #tpu.memory_space<vmem>> -> memref<32xf32, #tpu.memory_space<vmem>>
    %dma_wait3A_54 = arith.constant 0 : i32
    %dma_wait3A_55 = tpu.memref_slice %arg5[%dma_wait3A_49, %dma_wait3A_54] : memref<1000000x32xf32, #tpu.memory_space<hbm>> -> memref<1x32xf32, #tpu.memory_space<hbm>>
    %dma_wait3A_56 = tpu.memref_squeeze %dma_wait3A_55 : memref<1x32xf32, #tpu.memory_space<hbm>> -> memref<32xf32, #tpu.memory_space<hbm>>
    %dma_wait3A_57 = arith.constant 0 : i32
    %dma_wait3A_58 = tpu.memref_slice %arg12[%dma_wait3A_50, %dma_wait3A_57] : memref<16x32xf32, #tpu.memory_space<vmem>> -> memref<1x32xf32, #tpu.memory_space<vmem>>
    %dma_wait3A_59 = tpu.memref_squeeze %dma_wait3A_58 : memref<1x32xf32, #tpu.memory_space<vmem>> -> memref<32xf32, #tpu.memory_space<vmem>>
    %dma_wait3A_60 = arith.constant 0 : i32
    %dma_wait3A_61 = tpu.memref_slice %arg5[%dma_wait3A_49, %dma_wait3A_60] : memref<1000000x32xf32, #tpu.memory_space<hbm>> -> memref<1x32xf32, #tpu.memory_space<hbm>>
    %dma_wait3A_62 = tpu.memref_squeeze %dma_wait3A_61 : memref<1x32xf32, #tpu.memory_space<hbm>> -> memref<32xf32, #tpu.memory_space<hbm>>
    tpu.wait_dma2 semaphore(%arg17 : memref<!tpu.dma_semaphore, #tpu.memory_space<semaphore_mem>>) src(%dma_wait3A_62 : memref<32xf32, #tpu.memory_space<hbm>>) dst(%dma_wait3A_59 : memref<32xf32, #tpu.memory_space<vmem>>)
    %dma_wait3A_63 = arith.constant 0 : i32
    %dma_wait3A_64 = arith.constant 2 : i32
    %dma_wait3A_65 = arith.constant 0 : i32
    %dma_wait3A_66 = tpu.memref_slice %arg10[%dma_wait3A_64, %dma_wait3A_65] : memref<16x32xf32, #tpu.memory_space<vmem>> -> memref<1x32xf32, #tpu.memory_space<vmem>>
    %dma_wait3A_67 = tpu.memref_squeeze %dma_wait3A_66 : memref<1x32xf32, #tpu.memory_space<vmem>> -> memref<32xf32, #tpu.memory_space<vmem>>
    %dma_wait3A_68 = arith.constant 0 : i32
    %dma_wait3A_69 = tpu.memref_slice %arg4[%dma_wait3A_63, %dma_wait3A_68] : memref<1000000x32xf32, #tpu.memory_space<hbm>> -> memref<1x32xf32, #tpu.memory_space<hbm>>
    %dma_wait3A_70 = tpu.memref_squeeze %dma_wait3A_69 : memref<1x32xf32, #tpu.memory_space<hbm>> -> memref<32xf32, #tpu.memory_space<hbm>>
    %dma_wait3A_71 = arith.constant 0 : i32
    %dma_wait3A_72 = tpu.memref_slice %arg10[%dma_wait3A_64, %dma_wait3A_71] : memref<16x32xf32, #tpu.memory_space<vmem>> -> memref<1x32xf32, #tpu.memory_space<vmem>>
    %dma_wait3A_73 = tpu.memref_squeeze %dma_wait3A_72 : memref<1x32xf32, #tpu.memory_space<vmem>> -> memref<32xf32, #tpu.memory_space<vmem>>
    %dma_wait3A_74 = arith.constant 0 : i32
    %dma_wait3A_75 = tpu.memref_slice %arg4[%dma_wait3A_63, %dma_wait3A_74] : memref<1000000x32xf32, #tpu.memory_space<hbm>> -> memref<1x32xf32, #tpu.memory_space<hbm>>
    %dma_wait3A_76 = tpu.memref_squeeze %dma_wait3A_75 : memref<1x32xf32, #tpu.memory_space<hbm>> -> memref<32xf32, #tpu.memory_space<hbm>>
    tpu.wait_dma2 semaphore(%arg15 : memref<!tpu.dma_semaphore, #tpu.memory_space<semaphore_mem>>) src(%dma_wait3A_76 : memref<32xf32, #tpu.memory_space<hbm>>) dst(%dma_wait3A_73 : memref<32xf32, #tpu.memory_space<vmem>>)
    %dma_wait3A_77 = arith.constant 0 : i32
    %dma_wait3A_78 = arith.constant 2 : i32
    %dma_wait3A_79 = arith.constant 0 : i32
    %dma_wait3A_80 = tpu.memref_slice %arg12[%dma_wait3A_78, %dma_wait3A_79] : memref<16x32xf32, #tpu.memory_space<vmem>> -> memref<1x32xf32, #tpu.memory_space<vmem>>
    %dma_wait3A_81 = tpu.memref_squeeze %dma_wait3A_80 : memref<1x32xf32, #tpu.memory_space<vmem>> -> memref<32xf32, #tpu.memory_space<vmem>>
    %dma_wait3A_82 = arith.constant 0 : i32
    %dma_wait3A_83 = tpu.memref_slice %arg5[%dma_wait3A_77, %dma_wait3A_82] : memref<1000000x32xf32, #tpu.memory_space<hbm>> -> memref<1x32xf32, #tpu.memory_space<hbm>>
    %dma_wait3A_84 = tpu.memref_squeeze %dma_wait3A_83 : memref<1x32xf32, #tpu.memory_space<hbm>> -> memref<32xf32, #tpu.memory_space<hbm>>
    %dma_wait3A_85 = arith.constant 0 : i32
    %dma_wait3A_86 = tpu.memref_slice %arg12[%dma_wait3A_78, %dma_wait3A_85] : memref<16x32xf32, #tpu.memory_space<vmem>> -> memref<1x32xf32, #tpu.memory_space<vmem>>
    %dma_wait3A_87 = tpu.memref_squeeze %dma_wait3A_86 : memref<1x32xf32, #tpu.memory_space<vmem>> -> memref<32xf32, #tpu.memory_space<vmem>>
    %dma_wait3A_88 = arith.constant 0 : i32
    %dma_wait3A_89 = tpu.memref_slice %arg5[%dma_wait3A_77, %dma_wait3A_88] : memref<1000000x32xf32, #tpu.memory_space<hbm>> -> memref<1x32xf32, #tpu.memory_space<hbm>>
    %dma_wait3A_90 = tpu.memref_squeeze %dma_wait3A_89 : memref<1x32xf32, #tpu.memory_space<hbm>> -> memref<32xf32, #tpu.memory_space<hbm>>
    tpu.wait_dma2 semaphore(%arg17 : memref<!tpu.dma_semaphore, #tpu.memory_space<semaphore_mem>>) src(%dma_wait3A_90 : memref<32xf32, #tpu.memory_space<hbm>>) dst(%dma_wait3A_87 : memref<32xf32, #tpu.memory_space<vmem>>)
    %dma_wait3A_91 = arith.constant 0 : i32
    %dma_wait3A_92 = arith.constant 3 : i32
    %dma_wait3A_93 = arith.constant 0 : i32
    %dma_wait3A_94 = tpu.memref_slice %arg10[%dma_wait3A_92, %dma_wait3A_93] : memref<16x32xf32, #tpu.memory_space<vmem>> -> memref<1x32xf32, #tpu.memory_space<vmem>>
    %dma_wait3A_95 = tpu.memref_squeeze %dma_wait3A_94 : memref<1x32xf32, #tpu.memory_space<vmem>> -> memref<32xf32, #tpu.memory_space<vmem>>
    %dma_wait3A_96 = arith.constant 0 : i32
    %dma_wait3A_97 = tpu.memref_slice %arg4[%dma_wait3A_91, %dma_wait3A_96] : memref<1000000x32xf32, #tpu.memory_space<hbm>> -> memref<1x32xf32, #tpu.memory_space<hbm>>
    %dma_wait3A_98 = tpu.memref_squeeze %dma_wait3A_97 : memref<1x32xf32, #tpu.memory_space<hbm>> -> memref<32xf32, #tpu.memory_space<hbm>>
    %dma_wait3A_99 = arith.constant 0 : i32
    %dma_wait3A_100 = tpu.memref_slice %arg10[%dma_wait3A_92, %dma_wait3A_99] : memref<16x32xf32, #tpu.memory_space<vmem>> -> memref<1x32xf32, #tpu.memory_space<vmem>>
    %dma_wait3A_101 = tpu.memref_squeeze %dma_wait3A_100 : memref<1x32xf32, #tpu.memory_space<vmem>> -> memref<32xf32, #tpu.memory_space<vmem>>
    %dma_wait3A_102 = arith.constant 0 : i32
    %dma_wait3A_103 = tpu.memref_slice %arg4[%dma_wait3A_91, %dma_wait3A_102] : memref<1000000x32xf32, #tpu.memory_space<hbm>> -> memref<1x32xf32, #tpu.memory_space<hbm>>
    %dma_wait3A_104 = tpu.memref_squeeze %dma_wait3A_103 : memref<1x32xf32, #tpu.memory_space<hbm>> -> memref<32xf32, #tpu.memory_space<hbm>>
    tpu.wait_dma2 semaphore(%arg15 : memref<!tpu.dma_semaphore, #tpu.memory_space<semaphore_mem>>) src(%dma_wait3A_104 : memref<32xf32, #tpu.memory_space<hbm>>) dst(%dma_wait3A_101 : memref<32xf32, #tpu.memory_space<vmem>>)
    %dma_wait3A_105 = arith.constant 0 : i32
    %dma_wait3A_106 = arith.constant 3 : i32
    %dma_wait3A_107 = arith.constant 0 : i32
    %dma_wait3A_108 = tpu.memref_slice %arg12[%dma_wait3A_106, %dma_wait3A_107] : memref<16x32xf32, #tpu.memory_space<vmem>> -> memref<1x32xf32, #tpu.memory_space<vmem>>
    %dma_wait3A_109 = tpu.memref_squeeze %dma_wait3A_108 : memref<1x32xf32, #tpu.memory_space<vmem>> -> memref<32xf32, #tpu.memory_space<vmem>>
    %dma_wait3A_110 = arith.constant 0 : i32
    %dma_wait3A_111 = tpu.memref_slice %arg5[%dma_wait3A_105, %dma_wait3A_110] : memref<1000000x32xf32, #tpu.memory_space<hbm>> -> memref<1x32xf32, #tpu.memory_space<hbm>>
    %dma_wait3A_112 = tpu.memref_squeeze %dma_wait3A_111 : memref<1x32xf32, #tpu.memory_space<hbm>> -> memref<32xf32, #tpu.memory_space<hbm>>
    %dma_wait3A_113 = arith.constant 0 : i32
    %dma_wait3A_114 = tpu.memref_slice %arg12[%dma_wait3A_106, %dma_wait3A_113] : memref<16x32xf32, #tpu.memory_space<vmem>> -> memref<1x32xf32, #tpu.memory_space<vmem>>
    %dma_wait3A_115 = tpu.memref_squeeze %dma_wait3A_114 : memref<1x32xf32, #tpu.memory_space<vmem>> -> memref<32xf32, #tpu.memory_space<vmem>>
    %dma_wait3A_116 = arith.constant 0 : i32
    %dma_wait3A_117 = tpu.memref_slice %arg5[%dma_wait3A_105, %dma_wait3A_116] : memref<1000000x32xf32, #tpu.memory_space<hbm>> -> memref<1x32xf32, #tpu.memory_space<hbm>>
    %dma_wait3A_118 = tpu.memref_squeeze %dma_wait3A_117 : memref<1x32xf32, #tpu.memory_space<hbm>> -> memref<32xf32, #tpu.memory_space<hbm>>
    tpu.wait_dma2 semaphore(%arg17 : memref<!tpu.dma_semaphore, #tpu.memory_space<semaphore_mem>>) src(%dma_wait3A_118 : memref<32xf32, #tpu.memory_space<hbm>>) dst(%dma_wait3A_115 : memref<32xf32, #tpu.memory_space<vmem>>)
    %dma_wait3A_119 = arith.constant 0 : i32
    %dma_wait3A_120 = arith.constant 4 : i32
    %dma_wait3A_121 = arith.constant 0 : i32
    %dma_wait3A_122 = tpu.memref_slice %arg10[%dma_wait3A_120, %dma_wait3A_121] : memref<16x32xf32, #tpu.memory_space<vmem>> -> memref<1x32xf32, #tpu.memory_space<vmem>>
    %dma_wait3A_123 = tpu.memref_squeeze %dma_wait3A_122 : memref<1x32xf32, #tpu.memory_space<vmem>> -> memref<32xf32, #tpu.memory_space<vmem>>
    %dma_wait3A_124 = arith.constant 0 : i32
    %dma_wait3A_125 = tpu.memref_slice %arg4[%dma_wait3A_119, %dma_wait3A_124] : memref<1000000x32xf32, #tpu.memory_space<hbm>> -> memref<1x32xf32, #tpu.memory_space<hbm>>
    %dma_wait3A_126 = tpu.memref_squeeze %dma_wait3A_125 : memref<1x32xf32, #tpu.memory_space<hbm>> -> memref<32xf32, #tpu.memory_space<hbm>>
    %dma_wait3A_127 = arith.constant 0 : i32
    %dma_wait3A_128 = tpu.memref_slice %arg10[%dma_wait3A_120, %dma_wait3A_127] : memref<16x32xf32, #tpu.memory_space<vmem>> -> memref<1x32xf32, #tpu.memory_space<vmem>>
    %dma_wait3A_129 = tpu.memref_squeeze %dma_wait3A_128 : memref<1x32xf32, #tpu.memory_space<vmem>> -> memref<32xf32, #tpu.memory_space<vmem>>
    %dma_wait3A_130 = arith.constant 0 : i32
    %dma_wait3A_131 = tpu.memref_slice %arg4[%dma_wait3A_119, %dma_wait3A_130] : memref<1000000x32xf32, #tpu.memory_space<hbm>> -> memref<1x32xf32, #tpu.memory_space<hbm>>
    %dma_wait3A_132 = tpu.memref_squeeze %dma_wait3A_131 : memref<1x32xf32, #tpu.memory_space<hbm>> -> memref<32xf32, #tpu.memory_space<hbm>>
    tpu.wait_dma2 semaphore(%arg15 : memref<!tpu.dma_semaphore, #tpu.memory_space<semaphore_mem>>) src(%dma_wait3A_132 : memref<32xf32, #tpu.memory_space<hbm>>) dst(%dma_wait3A_129 : memref<32xf32, #tpu.memory_space<vmem>>)
    %dma_wait3A_133 = arith.constant 0 : i32
    %dma_wait3A_134 = arith.constant 4 : i32
    %dma_wait3A_135 = arith.constant 0 : i32
    %dma_wait3A_136 = tpu.memref_slice %arg12[%dma_wait3A_134, %dma_wait3A_135] : memref<16x32xf32, #tpu.memory_space<vmem>> -> memref<1x32xf32, #tpu.memory_space<vmem>>
    %dma_wait3A_137 = tpu.memref_squeeze %dma_wait3A_136 : memref<1x32xf32, #tpu.memory_space<vmem>> -> memref<32xf32, #tpu.memory_space<vmem>>
    %dma_wait3A_138 = arith.constant 0 : i32
    %dma_wait3A_139 = tpu.memref_slice %arg5[%dma_wait3A_133, %dma_wait3A_138] : memref<1000000x32xf32, #tpu.memory_space<hbm>> -> memref<1x32xf32, #tpu.memory_space<hbm>>
    %dma_wait3A_140 = tpu.memref_squeeze %dma_wait3A_139 : memref<1x32xf32, #tpu.memory_space<hbm>> -> memref<32xf32, #tpu.memory_space<hbm>>
    %dma_wait3A_141 = arith.constant 0 : i32
    %dma_wait3A_142 = tpu.memref_slice %arg12[%dma_wait3A_134, %dma_wait3A_141] : memref<16x32xf32, #tpu.memory_space<vmem>> -> memref<1x32xf32, #tpu.memory_space<vmem>>
    %dma_wait3A_143 = tpu.memref_squeeze %dma_wait3A_142 : memref<1x32xf32, #tpu.memory_space<vmem>> -> memref<32xf32, #tpu.memory_space<vmem>>
    %dma_wait3A_144 = arith.constant 0 : i32
    %dma_wait3A_145 = tpu.memref_slice %arg5[%dma_wait3A_133, %dma_wait3A_144] : memref<1000000x32xf32, #tpu.memory_space<hbm>> -> memref<1x32xf32, #tpu.memory_space<hbm>>
    %dma_wait3A_146 = tpu.memref_squeeze %dma_wait3A_145 : memref<1x32xf32, #tpu.memory_space<hbm>> -> memref<32xf32, #tpu.memory_space<hbm>>
    tpu.wait_dma2 semaphore(%arg17 : memref<!tpu.dma_semaphore, #tpu.memory_space<semaphore_mem>>) src(%dma_wait3A_146 : memref<32xf32, #tpu.memory_space<hbm>>) dst(%dma_wait3A_143 : memref<32xf32, #tpu.memory_space<vmem>>)
    %dma_wait3A_147 = arith.constant 0 : i32
    %dma_wait3A_148 = arith.constant 5 : i32
    %dma_wait3A_149 = arith.constant 0 : i32
    %dma_wait3A_150 = tpu.memref_slice %arg10[%dma_wait3A_148, %dma_wait3A_149] : memref<16x32xf32, #tpu.memory_space<vmem>> -> memref<1x32xf32, #tpu.memory_space<vmem>>
    %dma_wait3A_151 = tpu.memref_squeeze %dma_wait3A_150 : memref<1x32xf32, #tpu.memory_space<vmem>> -> memref<32xf32, #tpu.memory_space<vmem>>
    %dma_wait3A_152 = arith.constant 0 : i32
    %dma_wait3A_153 = tpu.memref_slice %arg4[%dma_wait3A_147, %dma_wait3A_152] : memref<1000000x32xf32, #tpu.memory_space<hbm>> -> memref<1x32xf32, #tpu.memory_space<hbm>>
    %dma_wait3A_154 = tpu.memref_squeeze %dma_wait3A_153 : memref<1x32xf32, #tpu.memory_space<hbm>> -> memref<32xf32, #tpu.memory_space<hbm>>
    %dma_wait3A_155 = arith.constant 0 : i32
    %dma_wait3A_156 = tpu.memref_slice %arg10[%dma_wait3A_148, %dma_wait3A_155] : memref<16x32xf32, #tpu.memory_space<vmem>> -> memref<1x32xf32, #tpu.memory_space<vmem>>
    %dma_wait3A_157 = tpu.memref_squeeze %dma_wait3A_156 : memref<1x32xf32, #tpu.memory_space<vmem>> -> memref<32xf32, #tpu.memory_space<vmem>>
    %dma_wait3A_158 = arith.constant 0 : i32
    %dma_wait3A_159 = tpu.memref_slice %arg4[%dma_wait3A_147, %dma_wait3A_158] : memref<1000000x32xf32, #tpu.memory_space<hbm>> -> memref<1x32xf32, #tpu.memory_space<hbm>>
    %dma_wait3A_160 = tpu.memref_squeeze %dma_wait3A_159 : memref<1x32xf32, #tpu.memory_space<hbm>> -> memref<32xf32, #tpu.memory_space<hbm>>
    tpu.wait_dma2 semaphore(%arg15 : memref<!tpu.dma_semaphore, #tpu.memory_space<semaphore_mem>>) src(%dma_wait3A_160 : memref<32xf32, #tpu.memory_space<hbm>>) dst(%dma_wait3A_157 : memref<32xf32, #tpu.memory_space<vmem>>)
    %dma_wait3A_161 = arith.constant 0 : i32
    %dma_wait3A_162 = arith.constant 5 : i32
    %dma_wait3A_163 = arith.constant 0 : i32
    %dma_wait3A_164 = tpu.memref_slice %arg12[%dma_wait3A_162, %dma_wait3A_163] : memref<16x32xf32, #tpu.memory_space<vmem>> -> memref<1x32xf32, #tpu.memory_space<vmem>>
    %dma_wait3A_165 = tpu.memref_squeeze %dma_wait3A_164 : memref<1x32xf32, #tpu.memory_space<vmem>> -> memref<32xf32, #tpu.memory_space<vmem>>
    %dma_wait3A_166 = arith.constant 0 : i32
    %dma_wait3A_167 = tpu.memref_slice %arg5[%dma_wait3A_161, %dma_wait3A_166] : memref<1000000x32xf32, #tpu.memory_space<hbm>> -> memref<1x32xf32, #tpu.memory_space<hbm>>
    %dma_wait3A_168 = tpu.memref_squeeze %dma_wait3A_167 : memref<1x32xf32, #tpu.memory_space<hbm>> -> memref<32xf32, #tpu.memory_space<hbm>>
    %dma_wait3A_169 = arith.constant 0 : i32
    %dma_wait3A_170 = tpu.memref_slice %arg12[%dma_wait3A_162, %dma_wait3A_169] : memref<16x32xf32, #tpu.memory_space<vmem>> -> memref<1x32xf32, #tpu.memory_space<vmem>>
    %dma_wait3A_171 = tpu.memref_squeeze %dma_wait3A_170 : memref<1x32xf32, #tpu.memory_space<vmem>> -> memref<32xf32, #tpu.memory_space<vmem>>
    %dma_wait3A_172 = arith.constant 0 : i32
    %dma_wait3A_173 = tpu.memref_slice %arg5[%dma_wait3A_161, %dma_wait3A_172] : memref<1000000x32xf32, #tpu.memory_space<hbm>> -> memref<1x32xf32, #tpu.memory_space<hbm>>
    %dma_wait3A_174 = tpu.memref_squeeze %dma_wait3A_173 : memref<1x32xf32, #tpu.memory_space<hbm>> -> memref<32xf32, #tpu.memory_space<hbm>>
    tpu.wait_dma2 semaphore(%arg17 : memref<!tpu.dma_semaphore, #tpu.memory_space<semaphore_mem>>) src(%dma_wait3A_174 : memref<32xf32, #tpu.memory_space<hbm>>) dst(%dma_wait3A_171 : memref<32xf32, #tpu.memory_space<vmem>>)
    %dma_wait3A_175 = arith.constant 0 : i32
    %dma_wait3A_176 = arith.constant 6 : i32
    %dma_wait3A_177 = arith.constant 0 : i32
    %dma_wait3A_178 = tpu.memref_slice %arg10[%dma_wait3A_176, %dma_wait3A_177] : memref<16x32xf32, #tpu.memory_space<vmem>> -> memref<1x32xf32, #tpu.memory_space<vmem>>
    %dma_wait3A_179 = tpu.memref_squeeze %dma_wait3A_178 : memref<1x32xf32, #tpu.memory_space<vmem>> -> memref<32xf32, #tpu.memory_space<vmem>>
    %dma_wait3A_180 = arith.constant 0 : i32
    %dma_wait3A_181 = tpu.memref_slice %arg4[%dma_wait3A_175, %dma_wait3A_180] : memref<1000000x32xf32, #tpu.memory_space<hbm>> -> memref<1x32xf32, #tpu.memory_space<hbm>>
    %dma_wait3A_182 = tpu.memref_squeeze %dma_wait3A_181 : memref<1x32xf32, #tpu.memory_space<hbm>> -> memref<32xf32, #tpu.memory_space<hbm>>
    %dma_wait3A_183 = arith.constant 0 : i32
    %dma_wait3A_184 = tpu.memref_slice %arg10[%dma_wait3A_176, %dma_wait3A_183] : memref<16x32xf32, #tpu.memory_space<vmem>> -> memref<1x32xf32, #tpu.memory_space<vmem>>
    %dma_wait3A_185 = tpu.memref_squeeze %dma_wait3A_184 : memref<1x32xf32, #tpu.memory_space<vmem>> -> memref<32xf32, #tpu.memory_space<vmem>>
    %dma_wait3A_186 = arith.constant 0 : i32
    %dma_wait3A_187 = tpu.memref_slice %arg4[%dma_wait3A_175, %dma_wait3A_186] : memref<1000000x32xf32, #tpu.memory_space<hbm>> -> memref<1x32xf32, #tpu.memory_space<hbm>>
    %dma_wait3A_188 = tpu.memref_squeeze %dma_wait3A_187 : memref<1x32xf32, #tpu.memory_space<hbm>> -> memref<32xf32, #tpu.memory_space<hbm>>
    tpu.wait_dma2 semaphore(%arg15 : memref<!tpu.dma_semaphore, #tpu.memory_space<semaphore_mem>>) src(%dma_wait3A_188 : memref<32xf32, #tpu.memory_space<hbm>>) dst(%dma_wait3A_185 : memref<32xf32, #tpu.memory_space<vmem>>)
    %dma_wait3A_189 = arith.constant 0 : i32
    %dma_wait3A_190 = arith.constant 6 : i32
    %dma_wait3A_191 = arith.constant 0 : i32
    %dma_wait3A_192 = tpu.memref_slice %arg12[%dma_wait3A_190, %dma_wait3A_191] : memref<16x32xf32, #tpu.memory_space<vmem>> -> memref<1x32xf32, #tpu.memory_space<vmem>>
    %dma_wait3A_193 = tpu.memref_squeeze %dma_wait3A_192 : memref<1x32xf32, #tpu.memory_space<vmem>> -> memref<32xf32, #tpu.memory_space<vmem>>
    %dma_wait3A_194 = arith.constant 0 : i32
    %dma_wait3A_195 = tpu.memref_slice %arg5[%dma_wait3A_189, %dma_wait3A_194] : memref<1000000x32xf32, #tpu.memory_space<hbm>> -> memref<1x32xf32, #tpu.memory_space<hbm>>
    %dma_wait3A_196 = tpu.memref_squeeze %dma_wait3A_195 : memref<1x32xf32, #tpu.memory_space<hbm>> -> memref<32xf32, #tpu.memory_space<hbm>>
    %dma_wait3A_197 = arith.constant 0 : i32
    %dma_wait3A_198 = tpu.memref_slice %arg12[%dma_wait3A_190, %dma_wait3A_197] : memref<16x32xf32, #tpu.memory_space<vmem>> -> memref<1x32xf32, #tpu.memory_space<vmem>>
    %dma_wait3A_199 = tpu.memref_squeeze %dma_wait3A_198 : memref<1x32xf32, #tpu.memory_space<vmem>> -> memref<32xf32, #tpu.memory_space<vmem>>
    %dma_wait3A_200 = arith.constant 0 : i32
    %dma_wait3A_201 = tpu.memref_slice %arg5[%dma_wait3A_189, %dma_wait3A_200] : memref<1000000x32xf32, #tpu.memory_space<hbm>> -> memref<1x32xf32, #tpu.memory_space<hbm>>
    %dma_wait3A_202 = tpu.memref_squeeze %dma_wait3A_201 : memref<1x32xf32, #tpu.memory_space<hbm>> -> memref<32xf32, #tpu.memory_space<hbm>>
    tpu.wait_dma2 semaphore(%arg17 : memref<!tpu.dma_semaphore, #tpu.memory_space<semaphore_mem>>) src(%dma_wait3A_202 : memref<32xf32, #tpu.memory_space<hbm>>) dst(%dma_wait3A_199 : memref<32xf32, #tpu.memory_space<vmem>>)
    %dma_wait3A_203 = arith.constant 0 : i32
    %dma_wait3A_204 = arith.constant 7 : i32
    %dma_wait3A_205 = arith.constant 0 : i32
    %dma_wait3A_206 = tpu.memref_slice %arg10[%dma_wait3A_204, %dma_wait3A_205] : memref<16x32xf32, #tpu.memory_space<vmem>> -> memref<1x32xf32, #tpu.memory_space<vmem>>
    %dma_wait3A_207 = tpu.memref_squeeze %dma_wait3A_206 : memref<1x32xf32, #tpu.memory_space<vmem>> -> memref<32xf32, #tpu.memory_space<vmem>>
    %dma_wait3A_208 = arith.constant 0 : i32
    %dma_wait3A_209 = tpu.memref_slice %arg4[%dma_wait3A_203, %dma_wait3A_208] : memref<1000000x32xf32, #tpu.memory_space<hbm>> -> memref<1x32xf32, #tpu.memory_space<hbm>>
    %dma_wait3A_210 = tpu.memref_squeeze %dma_wait3A_209 : memref<1x32xf32, #tpu.memory_space<hbm>> -> memref<32xf32, #tpu.memory_space<hbm>>
    %dma_wait3A_211 = arith.constant 0 : i32
    %dma_wait3A_212 = tpu.memref_slice %arg10[%dma_wait3A_204, %dma_wait3A_211] : memref<16x32xf32, #tpu.memory_space<vmem>> -> memref<1x32xf32, #tpu.memory_space<vmem>>
    %dma_wait3A_213 = tpu.memref_squeeze %dma_wait3A_212 : memref<1x32xf32, #tpu.memory_space<vmem>> -> memref<32xf32, #tpu.memory_space<vmem>>
    %dma_wait3A_214 = arith.constant 0 : i32
    %dma_wait3A_215 = tpu.memref_slice %arg4[%dma_wait3A_203, %dma_wait3A_214] : memref<1000000x32xf32, #tpu.memory_space<hbm>> -> memref<1x32xf32, #tpu.memory_space<hbm>>
    %dma_wait3A_216 = tpu.memref_squeeze %dma_wait3A_215 : memref<1x32xf32, #tpu.memory_space<hbm>> -> memref<32xf32, #tpu.memory_space<hbm>>
    tpu.wait_dma2 semaphore(%arg15 : memref<!tpu.dma_semaphore, #tpu.memory_space<semaphore_mem>>) src(%dma_wait3A_216 : memref<32xf32, #tpu.memory_space<hbm>>) dst(%dma_wait3A_213 : memref<32xf32, #tpu.memory_space<vmem>>)
    %dma_wait3A_217 = arith.constant 0 : i32
    %dma_wait3A_218 = arith.constant 7 : i32
    %dma_wait3A_219 = arith.constant 0 : i32
    %dma_wait3A_220 = tpu.memref_slice %arg12[%dma_wait3A_218, %dma_wait3A_219] : memref<16x32xf32, #tpu.memory_space<vmem>> -> memref<1x32xf32, #tpu.memory_space<vmem>>
    %dma_wait3A_221 = tpu.memref_squeeze %dma_wait3A_220 : memref<1x32xf32, #tpu.memory_space<vmem>> -> memref<32xf32, #tpu.memory_space<vmem>>
    %dma_wait3A_222 = arith.constant 0 : i32
    %dma_wait3A_223 = tpu.memref_slice %arg5[%dma_wait3A_217, %dma_wait3A_222] : memref<1000000x32xf32, #tpu.memory_space<hbm>> -> memref<1x32xf32, #tpu.memory_space<hbm>>
    %dma_wait3A_224 = tpu.memref_squeeze %dma_wait3A_223 : memref<1x32xf32, #tpu.memory_space<hbm>> -> memref<32xf32, #tpu.memory_space<hbm>>
    %dma_wait3A_225 = arith.constant 0 : i32
    %dma_wait3A_226 = tpu.memref_slice %arg12[%dma_wait3A_218, %dma_wait3A_225] : memref<16x32xf32, #tpu.memory_space<vmem>> -> memref<1x32xf32, #tpu.memory_space<vmem>>
    %dma_wait3A_227 = tpu.memref_squeeze %dma_wait3A_226 : memref<1x32xf32, #tpu.memory_space<vmem>> -> memref<32xf32, #tpu.memory_space<vmem>>
    %dma_wait3A_228 = arith.constant 0 : i32
    %dma_wait3A_229 = tpu.memref_slice %arg5[%dma_wait3A_217, %dma_wait3A_228] : memref<1000000x32xf32, #tpu.memory_space<hbm>> -> memref<1x32xf32, #tpu.memory_space<hbm>>
    %dma_wait3A_230 = tpu.memref_squeeze %dma_wait3A_229 : memref<1x32xf32, #tpu.memory_space<hbm>> -> memref<32xf32, #tpu.memory_space<hbm>>
    tpu.wait_dma2 semaphore(%arg17 : memref<!tpu.dma_semaphore, #tpu.memory_space<semaphore_mem>>) src(%dma_wait3A_230 : memref<32xf32, #tpu.memory_space<hbm>>) dst(%dma_wait3A_227 : memref<32xf32, #tpu.memory_space<vmem>>)
    %dma_wait3A_231 = arith.constant 0 : i32
    %dma_wait3A_232 = arith.constant 8 : i32
    %dma_wait3A_233 = arith.constant 0 : i32
    %dma_wait3A_234 = tpu.memref_slice %arg10[%dma_wait3A_232, %dma_wait3A_233] : memref<16x32xf32, #tpu.memory_space<vmem>> -> memref<1x32xf32, #tpu.memory_space<vmem>>
    %dma_wait3A_235 = tpu.memref_squeeze %dma_wait3A_234 : memref<1x32xf32, #tpu.memory_space<vmem>> -> memref<32xf32, #tpu.memory_space<vmem>>
    %dma_wait3A_236 = arith.constant 0 : i32
    %dma_wait3A_237 = tpu.memref_slice %arg4[%dma_wait3A_231, %dma_wait3A_236] : memref<1000000x32xf32, #tpu.memory_space<hbm>> -> memref<1x32xf32, #tpu.memory_space<hbm>>
    %dma_wait3A_238 = tpu.memref_squeeze %dma_wait3A_237 : memref<1x32xf32, #tpu.memory_space<hbm>> -> memref<32xf32, #tpu.memory_space<hbm>>
    %dma_wait3A_239 = arith.constant 0 : i32
    %dma_wait3A_240 = tpu.memref_slice %arg10[%dma_wait3A_232, %dma_wait3A_239] : memref<16x32xf32, #tpu.memory_space<vmem>> -> memref<1x32xf32, #tpu.memory_space<vmem>>
    %dma_wait3A_241 = tpu.memref_squeeze %dma_wait3A_240 : memref<1x32xf32, #tpu.memory_space<vmem>> -> memref<32xf32, #tpu.memory_space<vmem>>
    %dma_wait3A_242 = arith.constant 0 : i32
    %dma_wait3A_243 = tpu.memref_slice %arg4[%dma_wait3A_231, %dma_wait3A_242] : memref<1000000x32xf32, #tpu.memory_space<hbm>> -> memref<1x32xf32, #tpu.memory_space<hbm>>
    %dma_wait3A_244 = tpu.memref_squeeze %dma_wait3A_243 : memref<1x32xf32, #tpu.memory_space<hbm>> -> memref<32xf32, #tpu.memory_space<hbm>>
    tpu.wait_dma2 semaphore(%arg15 : memref<!tpu.dma_semaphore, #tpu.memory_space<semaphore_mem>>) src(%dma_wait3A_244 : memref<32xf32, #tpu.memory_space<hbm>>) dst(%dma_wait3A_241 : memref<32xf32, #tpu.memory_space<vmem>>)
    %dma_wait3A_245 = arith.constant 0 : i32
    %dma_wait3A_246 = arith.constant 8 : i32
    %dma_wait3A_247 = arith.constant 0 : i32
    %dma_wait3A_248 = tpu.memref_slice %arg12[%dma_wait3A_246, %dma_wait3A_247] : memref<16x32xf32, #tpu.memory_space<vmem>> -> memref<1x32xf32, #tpu.memory_space<vmem>>
    %dma_wait3A_249 = tpu.memref_squeeze %dma_wait3A_248 : memref<1x32xf32, #tpu.memory_space<vmem>> -> memref<32xf32, #tpu.memory_space<vmem>>
    %dma_wait3A_250 = arith.constant 0 : i32
    %dma_wait3A_251 = tpu.memref_slice %arg5[%dma_wait3A_245, %dma_wait3A_250] : memref<1000000x32xf32, #tpu.memory_space<hbm>> -> memref<1x32xf32, #tpu.memory_space<hbm>>
    %dma_wait3A_252 = tpu.memref_squeeze %dma_wait3A_251 : memref<1x32xf32, #tpu.memory_space<hbm>> -> memref<32xf32, #tpu.memory_space<hbm>>
    %dma_wait3A_253 = arith.constant 0 : i32
    %dma_wait3A_254 = tpu.memref_slice %arg12[%dma_wait3A_246, %dma_wait3A_253] : memref<16x32xf32, #tpu.memory_space<vmem>> -> memref<1x32xf32, #tpu.memory_space<vmem>>
    %dma_wait3A_255 = tpu.memref_squeeze %dma_wait3A_254 : memref<1x32xf32, #tpu.memory_space<vmem>> -> memref<32xf32, #tpu.memory_space<vmem>>
    %dma_wait3A_256 = arith.constant 0 : i32
    %dma_wait3A_257 = tpu.memref_slice %arg5[%dma_wait3A_245, %dma_wait3A_256] : memref<1000000x32xf32, #tpu.memory_space<hbm>> -> memref<1x32xf32, #tpu.memory_space<hbm>>
    %dma_wait3A_258 = tpu.memref_squeeze %dma_wait3A_257 : memref<1x32xf32, #tpu.memory_space<hbm>> -> memref<32xf32, #tpu.memory_space<hbm>>
    tpu.wait_dma2 semaphore(%arg17 : memref<!tpu.dma_semaphore, #tpu.memory_space<semaphore_mem>>) src(%dma_wait3A_258 : memref<32xf32, #tpu.memory_space<hbm>>) dst(%dma_wait3A_255 : memref<32xf32, #tpu.memory_space<vmem>>)
    %dma_wait3A_259 = arith.constant 0 : i32
    %dma_wait3A_260 = arith.constant 9 : i32
    %dma_wait3A_261 = arith.constant 0 : i32
    %dma_wait3A_262 = tpu.memref_slice %arg10[%dma_wait3A_260, %dma_wait3A_261] : memref<16x32xf32, #tpu.memory_space<vmem>> -> memref<1x32xf32, #tpu.memory_space<vmem>>
    %dma_wait3A_263 = tpu.memref_squeeze %dma_wait3A_262 : memref<1x32xf32, #tpu.memory_space<vmem>> -> memref<32xf32, #tpu.memory_space<vmem>>
    %dma_wait3A_264 = arith.constant 0 : i32
    %dma_wait3A_265 = tpu.memref_slice %arg4[%dma_wait3A_259, %dma_wait3A_264] : memref<1000000x32xf32, #tpu.memory_space<hbm>> -> memref<1x32xf32, #tpu.memory_space<hbm>>
    %dma_wait3A_266 = tpu.memref_squeeze %dma_wait3A_265 : memref<1x32xf32, #tpu.memory_space<hbm>> -> memref<32xf32, #tpu.memory_space<hbm>>
    %dma_wait3A_267 = arith.constant 0 : i32
    %dma_wait3A_268 = tpu.memref_slice %arg10[%dma_wait3A_260, %dma_wait3A_267] : memref<16x32xf32, #tpu.memory_space<vmem>> -> memref<1x32xf32, #tpu.memory_space<vmem>>
    %dma_wait3A_269 = tpu.memref_squeeze %dma_wait3A_268 : memref<1x32xf32, #tpu.memory_space<vmem>> -> memref<32xf32, #tpu.memory_space<vmem>>
    %dma_wait3A_270 = arith.constant 0 : i32
    %dma_wait3A_271 = tpu.memref_slice %arg4[%dma_wait3A_259, %dma_wait3A_270] : memref<1000000x32xf32, #tpu.memory_space<hbm>> -> memref<1x32xf32, #tpu.memory_space<hbm>>
    %dma_wait3A_272 = tpu.memref_squeeze %dma_wait3A_271 : memref<1x32xf32, #tpu.memory_space<hbm>> -> memref<32xf32, #tpu.memory_space<hbm>>
    tpu.wait_dma2 semaphore(%arg15 : memref<!tpu.dma_semaphore, #tpu.memory_space<semaphore_mem>>) src(%dma_wait3A_272 : memref<32xf32, #tpu.memory_space<hbm>>) dst(%dma_wait3A_269 : memref<32xf32, #tpu.memory_space<vmem>>)
    %dma_wait3A_273 = arith.constant 0 : i32
    %dma_wait3A_274 = arith.constant 9 : i32
    %dma_wait3A_275 = arith.constant 0 : i32
    %dma_wait3A_276 = tpu.memref_slice %arg12[%dma_wait3A_274, %dma_wait3A_275] : memref<16x32xf32, #tpu.memory_space<vmem>> -> memref<1x32xf32, #tpu.memory_space<vmem>>
    %dma_wait3A_277 = tpu.memref_squeeze %dma_wait3A_276 : memref<1x32xf32, #tpu.memory_space<vmem>> -> memref<32xf32, #tpu.memory_space<vmem>>
    %dma_wait3A_278 = arith.constant 0 : i32
    %dma_wait3A_279 = tpu.memref_slice %arg5[%dma_wait3A_273, %dma_wait3A_278] : memref<1000000x32xf32, #tpu.memory_space<hbm>> -> memref<1x32xf32, #tpu.memory_space<hbm>>
    %dma_wait3A_280 = tpu.memref_squeeze %dma_wait3A_279 : memref<1x32xf32, #tpu.memory_space<hbm>> -> memref<32xf32, #tpu.memory_space<hbm>>
    %dma_wait3A_281 = arith.constant 0 : i32
    %dma_wait3A_282 = tpu.memref_slice %arg12[%dma_wait3A_274, %dma_wait3A_281] : memref<16x32xf32, #tpu.memory_space<vmem>> -> memref<1x32xf32, #tpu.memory_space<vmem>>
    %dma_wait3A_283 = tpu.memref_squeeze %dma_wait3A_282 : memref<1x32xf32, #tpu.memory_space<vmem>> -> memref<32xf32, #tpu.memory_space<vmem>>
    %dma_wait3A_284 = arith.constant 0 : i32
    %dma_wait3A_285 = tpu.memref_slice %arg5[%dma_wait3A_273, %dma_wait3A_284] : memref<1000000x32xf32, #tpu.memory_space<hbm>> -> memref<1x32xf32, #tpu.memory_space<hbm>>
    %dma_wait3A_286 = tpu.memref_squeeze %dma_wait3A_285 : memref<1x32xf32, #tpu.memory_space<hbm>> -> memref<32xf32, #tpu.memory_space<hbm>>
    tpu.wait_dma2 semaphore(%arg17 : memref<!tpu.dma_semaphore, #tpu.memory_space<semaphore_mem>>) src(%dma_wait3A_286 : memref<32xf32, #tpu.memory_space<hbm>>) dst(%dma_wait3A_283 : memref<32xf32, #tpu.memory_space<vmem>>)
    %dma_wait3A_287 = arith.constant 0 : i32
    %dma_wait3A_288 = arith.constant 10 : i32
    %dma_wait3A_289 = arith.constant 0 : i32
    %dma_wait3A_290 = tpu.memref_slice %arg10[%dma_wait3A_288, %dma_wait3A_289] : memref<16x32xf32, #tpu.memory_space<vmem>> -> memref<1x32xf32, #tpu.memory_space<vmem>>
    %dma_wait3A_291 = tpu.memref_squeeze %dma_wait3A_290 : memref<1x32xf32, #tpu.memory_space<vmem>> -> memref<32xf32, #tpu.memory_space<vmem>>
    %dma_wait3A_292 = arith.constant 0 : i32
    %dma_wait3A_293 = tpu.memref_slice %arg4[%dma_wait3A_287, %dma_wait3A_292] : memref<1000000x32xf32, #tpu.memory_space<hbm>> -> memref<1x32xf32, #tpu.memory_space<hbm>>
    %dma_wait3A_294 = tpu.memref_squeeze %dma_wait3A_293 : memref<1x32xf32, #tpu.memory_space<hbm>> -> memref<32xf32, #tpu.memory_space<hbm>>
    %dma_wait3A_295 = arith.constant 0 : i32
    %dma_wait3A_296 = tpu.memref_slice %arg10[%dma_wait3A_288, %dma_wait3A_295] : memref<16x32xf32, #tpu.memory_space<vmem>> -> memref<1x32xf32, #tpu.memory_space<vmem>>
    %dma_wait3A_297 = tpu.memref_squeeze %dma_wait3A_296 : memref<1x32xf32, #tpu.memory_space<vmem>> -> memref<32xf32, #tpu.memory_space<vmem>>
    %dma_wait3A_298 = arith.constant 0 : i32
    %dma_wait3A_299 = tpu.memref_slice %arg4[%dma_wait3A_287, %dma_wait3A_298] : memref<1000000x32xf32, #tpu.memory_space<hbm>> -> memref<1x32xf32, #tpu.memory_space<hbm>>
    %dma_wait3A_300 = tpu.memref_squeeze %dma_wait3A_299 : memref<1x32xf32, #tpu.memory_space<hbm>> -> memref<32xf32, #tpu.memory_space<hbm>>
    tpu.wait_dma2 semaphore(%arg15 : memref<!tpu.dma_semaphore, #tpu.memory_space<semaphore_mem>>) src(%dma_wait3A_300 : memref<32xf32, #tpu.memory_space<hbm>>) dst(%dma_wait3A_297 : memref<32xf32, #tpu.memory_space<vmem>>)
    %dma_wait3A_301 = arith.constant 0 : i32
    %dma_wait3A_302 = arith.constant 10 : i32
    %dma_wait3A_303 = arith.constant 0 : i32
    %dma_wait3A_304 = tpu.memref_slice %arg12[%dma_wait3A_302, %dma_wait3A_303] : memref<16x32xf32, #tpu.memory_space<vmem>> -> memref<1x32xf32, #tpu.memory_space<vmem>>
    %dma_wait3A_305 = tpu.memref_squeeze %dma_wait3A_304 : memref<1x32xf32, #tpu.memory_space<vmem>> -> memref<32xf32, #tpu.memory_space<vmem>>
    %dma_wait3A_306 = arith.constant 0 : i32
    %dma_wait3A_307 = tpu.memref_slice %arg5[%dma_wait3A_301, %dma_wait3A_306] : memref<1000000x32xf32, #tpu.memory_space<hbm>> -> memref<1x32xf32, #tpu.memory_space<hbm>>
    %dma_wait3A_308 = tpu.memref_squeeze %dma_wait3A_307 : memref<1x32xf32, #tpu.memory_space<hbm>> -> memref<32xf32, #tpu.memory_space<hbm>>
    %dma_wait3A_309 = arith.constant 0 : i32
    %dma_wait3A_310 = tpu.memref_slice %arg12[%dma_wait3A_302, %dma_wait3A_309] : memref<16x32xf32, #tpu.memory_space<vmem>> -> memref<1x32xf32, #tpu.memory_space<vmem>>
    %dma_wait3A_311 = tpu.memref_squeeze %dma_wait3A_310 : memref<1x32xf32, #tpu.memory_space<vmem>> -> memref<32xf32, #tpu.memory_space<vmem>>
    %dma_wait3A_312 = arith.constant 0 : i32
    %dma_wait3A_313 = tpu.memref_slice %arg5[%dma_wait3A_301, %dma_wait3A_312] : memref<1000000x32xf32, #tpu.memory_space<hbm>> -> memref<1x32xf32, #tpu.memory_space<hbm>>
    %dma_wait3A_314 = tpu.memref_squeeze %dma_wait3A_313 : memref<1x32xf32, #tpu.memory_space<hbm>> -> memref<32xf32, #tpu.memory_space<hbm>>
    tpu.wait_dma2 semaphore(%arg17 : memref<!tpu.dma_semaphore, #tpu.memory_space<semaphore_mem>>) src(%dma_wait3A_314 : memref<32xf32, #tpu.memory_space<hbm>>) dst(%dma_wait3A_311 : memref<32xf32, #tpu.memory_space<vmem>>)
    %dma_wait3A_315 = arith.constant 0 : i32
    %dma_wait3A_316 = arith.constant 11 : i32
    %dma_wait3A_317 = arith.constant 0 : i32
    %dma_wait3A_318 = tpu.memref_slice %arg10[%dma_wait3A_316, %dma_wait3A_317] : memref<16x32xf32, #tpu.memory_space<vmem>> -> memref<1x32xf32, #tpu.memory_space<vmem>>
    %dma_wait3A_319 = tpu.memref_squeeze %dma_wait3A_318 : memref<1x32xf32, #tpu.memory_space<vmem>> -> memref<32xf32, #tpu.memory_space<vmem>>
    %dma_wait3A_320 = arith.constant 0 : i32
    %dma_wait3A_321 = tpu.memref_slice %arg4[%dma_wait3A_315, %dma_wait3A_320] : memref<1000000x32xf32, #tpu.memory_space<hbm>> -> memref<1x32xf32, #tpu.memory_space<hbm>>
    %dma_wait3A_322 = tpu.memref_squeeze %dma_wait3A_321 : memref<1x32xf32, #tpu.memory_space<hbm>> -> memref<32xf32, #tpu.memory_space<hbm>>
    %dma_wait3A_323 = arith.constant 0 : i32
    %dma_wait3A_324 = tpu.memref_slice %arg10[%dma_wait3A_316, %dma_wait3A_323] : memref<16x32xf32, #tpu.memory_space<vmem>> -> memref<1x32xf32, #tpu.memory_space<vmem>>
    %dma_wait3A_325 = tpu.memref_squeeze %dma_wait3A_324 : memref<1x32xf32, #tpu.memory_space<vmem>> -> memref<32xf32, #tpu.memory_space<vmem>>
    %dma_wait3A_326 = arith.constant 0 : i32
    %dma_wait3A_327 = tpu.memref_slice %arg4[%dma_wait3A_315, %dma_wait3A_326] : memref<1000000x32xf32, #tpu.memory_space<hbm>> -> memref<1x32xf32, #tpu.memory_space<hbm>>
    %dma_wait3A_328 = tpu.memref_squeeze %dma_wait3A_327 : memref<1x32xf32, #tpu.memory_space<hbm>> -> memref<32xf32, #tpu.memory_space<hbm>>
    tpu.wait_dma2 semaphore(%arg15 : memref<!tpu.dma_semaphore, #tpu.memory_space<semaphore_mem>>) src(%dma_wait3A_328 : memref<32xf32, #tpu.memory_space<hbm>>) dst(%dma_wait3A_325 : memref<32xf32, #tpu.memory_space<vmem>>)
    %dma_wait3A_329 = arith.constant 0 : i32
    %dma_wait3A_330 = arith.constant 11 : i32
    %dma_wait3A_331 = arith.constant 0 : i32
    %dma_wait3A_332 = tpu.memref_slice %arg12[%dma_wait3A_330, %dma_wait3A_331] : memref<16x32xf32, #tpu.memory_space<vmem>> -> memref<1x32xf32, #tpu.memory_space<vmem>>
    %dma_wait3A_333 = tpu.memref_squeeze %dma_wait3A_332 : memref<1x32xf32, #tpu.memory_space<vmem>> -> memref<32xf32, #tpu.memory_space<vmem>>
    %dma_wait3A_334 = arith.constant 0 : i32
    %dma_wait3A_335 = tpu.memref_slice %arg5[%dma_wait3A_329, %dma_wait3A_334] : memref<1000000x32xf32, #tpu.memory_space<hbm>> -> memref<1x32xf32, #tpu.memory_space<hbm>>
    %dma_wait3A_336 = tpu.memref_squeeze %dma_wait3A_335 : memref<1x32xf32, #tpu.memory_space<hbm>> -> memref<32xf32, #tpu.memory_space<hbm>>
    %dma_wait3A_337 = arith.constant 0 : i32
    %dma_wait3A_338 = tpu.memref_slice %arg12[%dma_wait3A_330, %dma_wait3A_337] : memref<16x32xf32, #tpu.memory_space<vmem>> -> memref<1x32xf32, #tpu.memory_space<vmem>>
    %dma_wait3A_339 = tpu.memref_squeeze %dma_wait3A_338 : memref<1x32xf32, #tpu.memory_space<vmem>> -> memref<32xf32, #tpu.memory_space<vmem>>
    %dma_wait3A_340 = arith.constant 0 : i32
    %dma_wait3A_341 = tpu.memref_slice %arg5[%dma_wait3A_329, %dma_wait3A_340] : memref<1000000x32xf32, #tpu.memory_space<hbm>> -> memref<1x32xf32, #tpu.memory_space<hbm>>
    %dma_wait3A_342 = tpu.memref_squeeze %dma_wait3A_341 : memref<1x32xf32, #tpu.memory_space<hbm>> -> memref<32xf32, #tpu.memory_space<hbm>>
    tpu.wait_dma2 semaphore(%arg17 : memref<!tpu.dma_semaphore, #tpu.memory_space<semaphore_mem>>) src(%dma_wait3A_342 : memref<32xf32, #tpu.memory_space<hbm>>) dst(%dma_wait3A_339 : memref<32xf32, #tpu.memory_space<vmem>>)
    %dma_wait3A_343 = arith.constant 0 : i32
    %dma_wait3A_344 = arith.constant 12 : i32
    %dma_wait3A_345 = arith.constant 0 : i32
    %dma_wait3A_346 = tpu.memref_slice %arg10[%dma_wait3A_344, %dma_wait3A_345] : memref<16x32xf32, #tpu.memory_space<vmem>> -> memref<1x32xf32, #tpu.memory_space<vmem>>
    %dma_wait3A_347 = tpu.memref_squeeze %dma_wait3A_346 : memref<1x32xf32, #tpu.memory_space<vmem>> -> memref<32xf32, #tpu.memory_space<vmem>>
    %dma_wait3A_348 = arith.constant 0 : i32
    %dma_wait3A_349 = tpu.memref_slice %arg4[%dma_wait3A_343, %dma_wait3A_348] : memref<1000000x32xf32, #tpu.memory_space<hbm>> -> memref<1x32xf32, #tpu.memory_space<hbm>>
    %dma_wait3A_350 = tpu.memref_squeeze %dma_wait3A_349 : memref<1x32xf32, #tpu.memory_space<hbm>> -> memref<32xf32, #tpu.memory_space<hbm>>
    %dma_wait3A_351 = arith.constant 0 : i32
    %dma_wait3A_352 = tpu.memref_slice %arg10[%dma_wait3A_344, %dma_wait3A_351] : memref<16x32xf32, #tpu.memory_space<vmem>> -> memref<1x32xf32, #tpu.memory_space<vmem>>
    %dma_wait3A_353 = tpu.memref_squeeze %dma_wait3A_352 : memref<1x32xf32, #tpu.memory_space<vmem>> -> memref<32xf32, #tpu.memory_space<vmem>>
    %dma_wait3A_354 = arith.constant 0 : i32
    %dma_wait3A_355 = tpu.memref_slice %arg4[%dma_wait3A_343, %dma_wait3A_354] : memref<1000000x32xf32, #tpu.memory_space<hbm>> -> memref<1x32xf32, #tpu.memory_space<hbm>>
    %dma_wait3A_356 = tpu.memref_squeeze %dma_wait3A_355 : memref<1x32xf32, #tpu.memory_space<hbm>> -> memref<32xf32, #tpu.memory_space<hbm>>
    tpu.wait_dma2 semaphore(%arg15 : memref<!tpu.dma_semaphore, #tpu.memory_space<semaphore_mem>>) src(%dma_wait3A_356 : memref<32xf32, #tpu.memory_space<hbm>>) dst(%dma_wait3A_353 : memref<32xf32, #tpu.memory_space<vmem>>)
    %dma_wait3A_357 = arith.constant 0 : i32
    %dma_wait3A_358 = arith.constant 12 : i32
    %dma_wait3A_359 = arith.constant 0 : i32
    %dma_wait3A_360 = tpu.memref_slice %arg12[%dma_wait3A_358, %dma_wait3A_359] : memref<16x32xf32, #tpu.memory_space<vmem>> -> memref<1x32xf32, #tpu.memory_space<vmem>>
    %dma_wait3A_361 = tpu.memref_squeeze %dma_wait3A_360 : memref<1x32xf32, #tpu.memory_space<vmem>> -> memref<32xf32, #tpu.memory_space<vmem>>
    %dma_wait3A_362 = arith.constant 0 : i32
    %dma_wait3A_363 = tpu.memref_slice %arg5[%dma_wait3A_357, %dma_wait3A_362] : memref<1000000x32xf32, #tpu.memory_space<hbm>> -> memref<1x32xf32, #tpu.memory_space<hbm>>
    %dma_wait3A_364 = tpu.memref_squeeze %dma_wait3A_363 : memref<1x32xf32, #tpu.memory_space<hbm>> -> memref<32xf32, #tpu.memory_space<hbm>>
    %dma_wait3A_365 = arith.constant 0 : i32
    %dma_wait3A_366 = tpu.memref_slice %arg12[%dma_wait3A_358, %dma_wait3A_365] : memref<16x32xf32, #tpu.memory_space<vmem>> -> memref<1x32xf32, #tpu.memory_space<vmem>>
    %dma_wait3A_367 = tpu.memref_squeeze %dma_wait3A_366 : memref<1x32xf32, #tpu.memory_space<vmem>> -> memref<32xf32, #tpu.memory_space<vmem>>
    %dma_wait3A_368 = arith.constant 0 : i32
    %dma_wait3A_369 = tpu.memref_slice %arg5[%dma_wait3A_357, %dma_wait3A_368] : memref<1000000x32xf32, #tpu.memory_space<hbm>> -> memref<1x32xf32, #tpu.memory_space<hbm>>
    %dma_wait3A_370 = tpu.memref_squeeze %dma_wait3A_369 : memref<1x32xf32, #tpu.memory_space<hbm>> -> memref<32xf32, #tpu.memory_space<hbm>>
    tpu.wait_dma2 semaphore(%arg17 : memref<!tpu.dma_semaphore, #tpu.memory_space<semaphore_mem>>) src(%dma_wait3A_370 : memref<32xf32, #tpu.memory_space<hbm>>) dst(%dma_wait3A_367 : memref<32xf32, #tpu.memory_space<vmem>>)
    %dma_wait3A_371 = arith.constant 0 : i32
    %dma_wait3A_372 = arith.constant 13 : i32
    %dma_wait3A_373 = arith.constant 0 : i32
    %dma_wait3A_374 = tpu.memref_slice %arg10[%dma_wait3A_372, %dma_wait3A_373] : memref<16x32xf32, #tpu.memory_space<vmem>> -> memref<1x32xf32, #tpu.memory_space<vmem>>
    %dma_wait3A_375 = tpu.memref_squeeze %dma_wait3A_374 : memref<1x32xf32, #tpu.memory_space<vmem>> -> memref<32xf32, #tpu.memory_space<vmem>>
    %dma_wait3A_376 = arith.constant 0 : i32
    %dma_wait3A_377 = tpu.memref_slice %arg4[%dma_wait3A_371, %dma_wait3A_376] : memref<1000000x32xf32, #tpu.memory_space<hbm>> -> memref<1x32xf32, #tpu.memory_space<hbm>>
    %dma_wait3A_378 = tpu.memref_squeeze %dma_wait3A_377 : memref<1x32xf32, #tpu.memory_space<hbm>> -> memref<32xf32, #tpu.memory_space<hbm>>
    %dma_wait3A_379 = arith.constant 0 : i32
    %dma_wait3A_380 = tpu.memref_slice %arg10[%dma_wait3A_372, %dma_wait3A_379] : memref<16x32xf32, #tpu.memory_space<vmem>> -> memref<1x32xf32, #tpu.memory_space<vmem>>
    %dma_wait3A_381 = tpu.memref_squeeze %dma_wait3A_380 : memref<1x32xf32, #tpu.memory_space<vmem>> -> memref<32xf32, #tpu.memory_space<vmem>>
    %dma_wait3A_382 = arith.constant 0 : i32
    %dma_wait3A_383 = tpu.memref_slice %arg4[%dma_wait3A_371, %dma_wait3A_382] : memref<1000000x32xf32, #tpu.memory_space<hbm>> -> memref<1x32xf32, #tpu.memory_space<hbm>>
    %dma_wait3A_384 = tpu.memref_squeeze %dma_wait3A_383 : memref<1x32xf32, #tpu.memory_space<hbm>> -> memref<32xf32, #tpu.memory_space<hbm>>
    tpu.wait_dma2 semaphore(%arg15 : memref<!tpu.dma_semaphore, #tpu.memory_space<semaphore_mem>>) src(%dma_wait3A_384 : memref<32xf32, #tpu.memory_space<hbm>>) dst(%dma_wait3A_381 : memref<32xf32, #tpu.memory_space<vmem>>)
    %dma_wait3A_385 = arith.constant 0 : i32
    %dma_wait3A_386 = arith.constant 13 : i32
    %dma_wait3A_387 = arith.constant 0 : i32
    %dma_wait3A_388 = tpu.memref_slice %arg12[%dma_wait3A_386, %dma_wait3A_387] : memref<16x32xf32, #tpu.memory_space<vmem>> -> memref<1x32xf32, #tpu.memory_space<vmem>>
    %dma_wait3A_389 = tpu.memref_squeeze %dma_wait3A_388 : memref<1x32xf32, #tpu.memory_space<vmem>> -> memref<32xf32, #tpu.memory_space<vmem>>
    %dma_wait3A_390 = arith.constant 0 : i32
    %dma_wait3A_391 = tpu.memref_slice %arg5[%dma_wait3A_385, %dma_wait3A_390] : memref<1000000x32xf32, #tpu.memory_space<hbm>> -> memref<1x32xf32, #tpu.memory_space<hbm>>
    %dma_wait3A_392 = tpu.memref_squeeze %dma_wait3A_391 : memref<1x32xf32, #tpu.memory_space<hbm>> -> memref<32xf32, #tpu.memory_space<hbm>>
    %dma_wait3A_393 = arith.constant 0 : i32
    %dma_wait3A_394 = tpu.memref_slice %arg12[%dma_wait3A_386, %dma_wait3A_393] : memref<16x32xf32, #tpu.memory_space<vmem>> -> memref<1x32xf32, #tpu.memory_space<vmem>>
    %dma_wait3A_395 = tpu.memref_squeeze %dma_wait3A_394 : memref<1x32xf32, #tpu.memory_space<vmem>> -> memref<32xf32, #tpu.memory_space<vmem>>
    %dma_wait3A_396 = arith.constant 0 : i32
    %dma_wait3A_397 = tpu.memref_slice %arg5[%dma_wait3A_385, %dma_wait3A_396] : memref<1000000x32xf32, #tpu.memory_space<hbm>> -> memref<1x32xf32, #tpu.memory_space<hbm>>
    %dma_wait3A_398 = tpu.memref_squeeze %dma_wait3A_397 : memref<1x32xf32, #tpu.memory_space<hbm>> -> memref<32xf32, #tpu.memory_space<hbm>>
    tpu.wait_dma2 semaphore(%arg17 : memref<!tpu.dma_semaphore, #tpu.memory_space<semaphore_mem>>) src(%dma_wait3A_398 : memref<32xf32, #tpu.memory_space<hbm>>) dst(%dma_wait3A_395 : memref<32xf32, #tpu.memory_space<vmem>>)
    %dma_wait3A_399 = arith.constant 0 : i32
    %dma_wait3A_400 = arith.constant 14 : i32
    %dma_wait3A_401 = arith.constant 0 : i32
    %dma_wait3A_402 = tpu.memref_slice %arg10[%dma_wait3A_400, %dma_wait3A_401] : memref<16x32xf32, #tpu.memory_space<vmem>> -> memref<1x32xf32, #tpu.memory_space<vmem>>
    %dma_wait3A_403 = tpu.memref_squeeze %dma_wait3A_402 : memref<1x32xf32, #tpu.memory_space<vmem>> -> memref<32xf32, #tpu.memory_space<vmem>>
    %dma_wait3A_404 = arith.constant 0 : i32
    %dma_wait3A_405 = tpu.memref_slice %arg4[%dma_wait3A_399, %dma_wait3A_404] : memref<1000000x32xf32, #tpu.memory_space<hbm>> -> memref<1x32xf32, #tpu.memory_space<hbm>>
    %dma_wait3A_406 = tpu.memref_squeeze %dma_wait3A_405 : memref<1x32xf32, #tpu.memory_space<hbm>> -> memref<32xf32, #tpu.memory_space<hbm>>
    %dma_wait3A_407 = arith.constant 0 : i32
    %dma_wait3A_408 = tpu.memref_slice %arg10[%dma_wait3A_400, %dma_wait3A_407] : memref<16x32xf32, #tpu.memory_space<vmem>> -> memref<1x32xf32, #tpu.memory_space<vmem>>
    %dma_wait3A_409 = tpu.memref_squeeze %dma_wait3A_408 : memref<1x32xf32, #tpu.memory_space<vmem>> -> memref<32xf32, #tpu.memory_space<vmem>>
    %dma_wait3A_410 = arith.constant 0 : i32
    %dma_wait3A_411 = tpu.memref_slice %arg4[%dma_wait3A_399, %dma_wait3A_410] : memref<1000000x32xf32, #tpu.memory_space<hbm>> -> memref<1x32xf32, #tpu.memory_space<hbm>>
    %dma_wait3A_412 = tpu.memref_squeeze %dma_wait3A_411 : memref<1x32xf32, #tpu.memory_space<hbm>> -> memref<32xf32, #tpu.memory_space<hbm>>
    tpu.wait_dma2 semaphore(%arg15 : memref<!tpu.dma_semaphore, #tpu.memory_space<semaphore_mem>>) src(%dma_wait3A_412 : memref<32xf32, #tpu.memory_space<hbm>>) dst(%dma_wait3A_409 : memref<32xf32, #tpu.memory_space<vmem>>)
    %dma_wait3A_413 = arith.constant 0 : i32
    %dma_wait3A_414 = arith.constant 14 : i32
    %dma_wait3A_415 = arith.constant 0 : i32
    %dma_wait3A_416 = tpu.memref_slice %arg12[%dma_wait3A_414, %dma_wait3A_415] : memref<16x32xf32, #tpu.memory_space<vmem>> -> memref<1x32xf32, #tpu.memory_space<vmem>>
    %dma_wait3A_417 = tpu.memref_squeeze %dma_wait3A_416 : memref<1x32xf32, #tpu.memory_space<vmem>> -> memref<32xf32, #tpu.memory_space<vmem>>
    %dma_wait3A_418 = arith.constant 0 : i32
    %dma_wait3A_419 = tpu.memref_slice %arg5[%dma_wait3A_413, %dma_wait3A_418] : memref<1000000x32xf32, #tpu.memory_space<hbm>> -> memref<1x32xf32, #tpu.memory_space<hbm>>
    %dma_wait3A_420 = tpu.memref_squeeze %dma_wait3A_419 : memref<1x32xf32, #tpu.memory_space<hbm>> -> memref<32xf32, #tpu.memory_space<hbm>>
    %dma_wait3A_421 = arith.constant 0 : i32
    %dma_wait3A_422 = tpu.memref_slice %arg12[%dma_wait3A_414, %dma_wait3A_421] : memref<16x32xf32, #tpu.memory_space<vmem>> -> memref<1x32xf32, #tpu.memory_space<vmem>>
    %dma_wait3A_423 = tpu.memref_squeeze %dma_wait3A_422 : memref<1x32xf32, #tpu.memory_space<vmem>> -> memref<32xf32, #tpu.memory_space<vmem>>
    %dma_wait3A_424 = arith.constant 0 : i32
    %dma_wait3A_425 = tpu.memref_slice %arg5[%dma_wait3A_413, %dma_wait3A_424] : memref<1000000x32xf32, #tpu.memory_space<hbm>> -> memref<1x32xf32, #tpu.memory_space<hbm>>
    %dma_wait3A_426 = tpu.memref_squeeze %dma_wait3A_425 : memref<1x32xf32, #tpu.memory_space<hbm>> -> memref<32xf32, #tpu.memory_space<hbm>>
    tpu.wait_dma2 semaphore(%arg17 : memref<!tpu.dma_semaphore, #tpu.memory_space<semaphore_mem>>) src(%dma_wait3A_426 : memref<32xf32, #tpu.memory_space<hbm>>) dst(%dma_wait3A_423 : memref<32xf32, #tpu.memory_space<vmem>>)
    %dma_wait3A_427 = arith.constant 0 : i32
    %dma_wait3A_428 = arith.constant 15 : i32
    %dma_wait3A_429 = arith.constant 0 : i32
    %dma_wait3A_430 = tpu.memref_slice %arg10[%dma_wait3A_428, %dma_wait3A_429] : memref<16x32xf32, #tpu.memory_space<vmem>> -> memref<1x32xf32, #tpu.memory_space<vmem>>
    %dma_wait3A_431 = tpu.memref_squeeze %dma_wait3A_430 : memref<1x32xf32, #tpu.memory_space<vmem>> -> memref<32xf32, #tpu.memory_space<vmem>>
    %dma_wait3A_432 = arith.constant 0 : i32
    %dma_wait3A_433 = tpu.memref_slice %arg4[%dma_wait3A_427, %dma_wait3A_432] : memref<1000000x32xf32, #tpu.memory_space<hbm>> -> memref<1x32xf32, #tpu.memory_space<hbm>>
    %dma_wait3A_434 = tpu.memref_squeeze %dma_wait3A_433 : memref<1x32xf32, #tpu.memory_space<hbm>> -> memref<32xf32, #tpu.memory_space<hbm>>
    %dma_wait3A_435 = arith.constant 0 : i32
    %dma_wait3A_436 = tpu.memref_slice %arg10[%dma_wait3A_428, %dma_wait3A_435] : memref<16x32xf32, #tpu.memory_space<vmem>> -> memref<1x32xf32, #tpu.memory_space<vmem>>
    %dma_wait3A_437 = tpu.memref_squeeze %dma_wait3A_436 : memref<1x32xf32, #tpu.memory_space<vmem>> -> memref<32xf32, #tpu.memory_space<vmem>>
    %dma_wait3A_438 = arith.constant 0 : i32
    %dma_wait3A_439 = tpu.memref_slice %arg4[%dma_wait3A_427, %dma_wait3A_438] : memref<1000000x32xf32, #tpu.memory_space<hbm>> -> memref<1x32xf32, #tpu.memory_space<hbm>>
    %dma_wait3A_440 = tpu.memref_squeeze %dma_wait3A_439 : memref<1x32xf32, #tpu.memory_space<hbm>> -> memref<32xf32, #tpu.memory_space<hbm>>
    tpu.wait_dma2 semaphore(%arg15 : memref<!tpu.dma_semaphore, #tpu.memory_space<semaphore_mem>>) src(%dma_wait3A_440 : memref<32xf32, #tpu.memory_space<hbm>>) dst(%dma_wait3A_437 : memref<32xf32, #tpu.memory_space<vmem>>)
    %dma_wait3A_441 = arith.constant 0 : i32
    %dma_wait3A_442 = arith.constant 15 : i32
    %dma_wait3A_443 = arith.constant 0 : i32
    %dma_wait3A_444 = tpu.memref_slice %arg12[%dma_wait3A_442, %dma_wait3A_443] : memref<16x32xf32, #tpu.memory_space<vmem>> -> memref<1x32xf32, #tpu.memory_space<vmem>>
    %dma_wait3A_445 = tpu.memref_squeeze %dma_wait3A_444 : memref<1x32xf32, #tpu.memory_space<vmem>> -> memref<32xf32, #tpu.memory_space<vmem>>
    %dma_wait3A_446 = arith.constant 0 : i32
    %dma_wait3A_447 = tpu.memref_slice %arg5[%dma_wait3A_441, %dma_wait3A_446] : memref<1000000x32xf32, #tpu.memory_space<hbm>> -> memref<1x32xf32, #tpu.memory_space<hbm>>
    %dma_wait3A_448 = tpu.memref_squeeze %dma_wait3A_447 : memref<1x32xf32, #tpu.memory_space<hbm>> -> memref<32xf32, #tpu.memory_space<hbm>>
    %dma_wait3A_449 = arith.constant 0 : i32
    %dma_wait3A_450 = tpu.memref_slice %arg12[%dma_wait3A_442, %dma_wait3A_449] : memref<16x32xf32, #tpu.memory_space<vmem>> -> memref<1x32xf32, #tpu.memory_space<vmem>>
    %dma_wait3A_451 = tpu.memref_squeeze %dma_wait3A_450 : memref<1x32xf32, #tpu.memory_space<vmem>> -> memref<32xf32, #tpu.memory_space<vmem>>
    %dma_wait3A_452 = arith.constant 0 : i32
    %dma_wait3A_453 = tpu.memref_slice %arg5[%dma_wait3A_441, %dma_wait3A_452] : memref<1000000x32xf32, #tpu.memory_space<hbm>> -> memref<1x32xf32, #tpu.memory_space<hbm>>
    %dma_wait3A_454 = tpu.memref_squeeze %dma_wait3A_453 : memref<1x32xf32, #tpu.memory_space<hbm>> -> memref<32xf32, #tpu.memory_space<hbm>>
    tpu.wait_dma2 semaphore(%arg17 : memref<!tpu.dma_semaphore, #tpu.memory_space<semaphore_mem>>) src(%dma_wait3A_454 : memref<32xf32, #tpu.memory_space<hbm>>) dst(%dma_wait3A_451 : memref<32xf32, #tpu.memory_space<vmem>>)
    %broadcast_in_dim3A = arith.constant 0.000000e+00 : f32
    %broadcast_in_dim3A_455 = vector.broadcast %broadcast_in_dim3A : f32 to vector<16xf32>
    %get3A = arith.constant 0 : i32
    %get3A_456 = arith.index_cast %get3A : i32 to index
    %get3A_457 = arith.constant 0 : index
    %get3A_458 = tpu.vector_load %arg10[%get3A_456, %get3A_457] {strides = array<i32>} : memref<16x32xf32, #tpu.memory_space<vmem>>, vector<16xf32>,
    %get3A_459 = arith.constant 0 : i32
    %get3A_460 = arith.index_cast %get3A_459 : i32 to index
    %get3A_461 = arith.constant 16 : index
    %get3A_462 = tpu.vector_load %arg10[%get3A_460, %get3A_461] {strides = array<i32>} : memref<16x32xf32, #tpu.memory_space<vmem>>, vector<16xf32>,
    %get3A_463 = arith.constant 0 : i32
    %get3A_464 = arith.index_cast %get3A_463 : i32 to index
    %get3A_465 = arith.constant 0 : index
    %get3A_466 = tpu.vector_load %arg12[%get3A_464, %get3A_465] {strides = array<i32>} : memref<16x32xf32, #tpu.memory_space<vmem>>, vector<16xf32>,
    %get3A_467 = arith.constant 0 : i32
    %get3A_468 = arith.index_cast %get3A_467 : i32 to index
    %get3A_469 = arith.constant 16 : index
    %get3A_470 = tpu.vector_load %arg12[%get3A_468, %get3A_469] {strides = array<i32>} : memref<16x32xf32, #tpu.memory_space<vmem>>, vector<16xf32>,
    %mul3A_471 = arith.mulf %get3A_458, %get3A_466 : vector<16xf32>
    %mul3A_472 = arith.mulf %get3A_462, %get3A_470 : vector<16xf32>
    %add3A_473 = arith.addf %mul3A_471, %mul3A_472 : vector<16xf32>
    %reduce_sum3A = arith.constant true
    %reduce_sum3A_474 = vector.broadcast %reduce_sum3A : i1 to vector<16xi1>
    %reduce_sum3A_475 = tpu.scan <sum>, %add3A_473 masked %reduce_sum3A_474 : vector<16xf32>, vector<16xi1> -> vector<16xf32>
    %reduce_sum3A_476 = vector.extract %reduce_sum3A_475[15] : f32 from vector<16xf32>
    %eq3A = arith.constant 0 : i32
    %eq3A_477 = vector.broadcast %eq3A : i32 to vector<16xi32>
    %eq3A_478 = arith.cmpi eq, %iota3A, %eq3A_477 : vector<16xi32>
    %broadcast_in_dim3A_479 = vector.broadcast %reduce_sum3A_476 : f32 to vector<16xf32>
    %select_n3A = arith.select %eq3A_478, %broadcast_in_dim3A_479, %broadcast_in_dim3A_455 : vector<16xi1>, vector<16xf32>
    %get3A_480 = arith.constant 1 : i32
    %get3A_481 = arith.index_cast %get3A_480 : i32 to index
    %get3A_482 = arith.constant 0 : index
    %get3A_483 = tpu.vector_load %arg10[%get3A_481, %get3A_482] {strides = array<i32>} : memref<16x32xf32, #tpu.memory_space<vmem>>, vector<16xf32>,
    %get3A_484 = arith.constant 1 : i32
    %get3A_485 = arith.index_cast %get3A_484 : i32 to index
    %get3A_486 = arith.constant 16 : index
    %get3A_487 = tpu.vector_load %arg10[%get3A_485, %get3A_486] {strides = array<i32>} : memref<16x32xf32, #tpu.memory_space<vmem>>, vector<16xf32>,
    %get3A_488 = arith.constant 1 : i32
    %get3A_489 = arith.index_cast %get3A_488 : i32 to index
    %get3A_490 = arith.constant 0 : index
    %get3A_491 = tpu.vector_load %arg12[%get3A_489, %get3A_490] {strides = array<i32>} : memref<16x32xf32, #tpu.memory_space<vmem>>, vector<16xf32>,
    %get3A_492 = arith.constant 1 : i32
    %get3A_493 = arith.index_cast %get3A_492 : i32 to index
    %get3A_494 = arith.constant 16 : index
    %get3A_495 = tpu.vector_load %arg12[%get3A_493, %get3A_494] {strides = array<i32>} : memref<16x32xf32, #tpu.memory_space<vmem>>, vector<16xf32>,
    %mul3A_496 = arith.mulf %get3A_483, %get3A_491 : vector<16xf32>
    %mul3A_497 = arith.mulf %get3A_487, %get3A_495 : vector<16xf32>
    %add3A_498 = arith.addf %mul3A_496, %mul3A_497 : vector<16xf32>
    %reduce_sum3A_499 = arith.constant true
    %reduce_sum3A_500 = vector.broadcast %reduce_sum3A_499 : i1 to vector<16xi1>
    %reduce_sum3A_501 = tpu.scan <sum>, %add3A_498 masked %reduce_sum3A_500 : vector<16xf32>, vector<16xi1> -> vector<16xf32>
    %reduce_sum3A_502 = vector.extract %reduce_sum3A_501[15] : f32 from vector<16xf32>
    %eq3A_503 = arith.constant 1 : i32
    %eq3A_504 = vector.broadcast %eq3A_503 : i32 to vector<16xi32>
    %eq3A_505 = arith.cmpi eq, %iota3A, %eq3A_504 : vector<16xi32>
    %broadcast_in_dim3A_506 = vector.broadcast %reduce_sum3A_502 : f32 to vector<16xf32>
    %select_n3A_507 = arith.select %eq3A_505, %broadcast_in_dim3A_506, %select_n3A : vector<16xi1>, vector<16xf32>
    %get3A_508 = arith.constant 2 : i32
    %get3A_509 = arith.index_cast %get3A_508 : i32 to index
    %get3A_510 = arith.constant 0 : index
    %get3A_511 = tpu.vector_load %arg10[%get3A_509, %get3A_510] {strides = array<i32>} : memref<16x32xf32, #tpu.memory_space<vmem>>, vector<16xf32>,
    %get3A_512 = arith.constant 2 : i32
    %get3A_513 = arith.index_cast %get3A_512 : i32 to index
    %get3A_514 = arith.constant 16 : index
    %get3A_515 = tpu.vector_load %arg10[%get3A_513, %get3A_514] {strides = array<i32>} : memref<16x32xf32, #tpu.memory_space<vmem>>, vector<16xf32>,
    %get3A_516 = arith.constant 2 : i32
    %get3A_517 = arith.index_cast %get3A_516 : i32 to index
    %get3A_518 = arith.constant 0 : index
    %get3A_519 = tpu.vector_load %arg12[%get3A_517, %get3A_518] {strides = array<i32>} : memref<16x32xf32, #tpu.memory_space<vmem>>, vector<16xf32>,
    %get3A_520 = arith.constant 2 : i32
    %get3A_521 = arith.index_cast %get3A_520 : i32 to index
    %get3A_522 = arith.constant 16 : index
    %get3A_523 = tpu.vector_load %arg12[%get3A_521, %get3A_522] {strides = array<i32>} : memref<16x32xf32, #tpu.memory_space<vmem>>, vector<16xf32>,
    %mul3A_524 = arith.mulf %get3A_511, %get3A_519 : vector<16xf32>
    %mul3A_525 = arith.mulf %get3A_515, %get3A_523 : vector<16xf32>
    %add3A_526 = arith.addf %mul3A_524, %mul3A_525 : vector<16xf32>
    %reduce_sum3A_527 = arith.constant true
    %reduce_sum3A_528 = vector.broadcast %reduce_sum3A_527 : i1 to vector<16xi1>
    %reduce_sum3A_529 = tpu.scan <sum>, %add3A_526 masked %reduce_sum3A_528 : vector<16xf32>, vector<16xi1> -> vector<16xf32>
    %reduce_sum3A_530 = vector.extract %reduce_sum3A_529[15] : f32 from vector<16xf32>
    %eq3A_531 = arith.constant 2 : i32
    %eq3A_532 = vector.broadcast %eq3A_531 : i32 to vector<16xi32>
    %eq3A_533 = arith.cmpi eq, %iota3A, %eq3A_532 : vector<16xi32>
    %broadcast_in_dim3A_534 = vector.broadcast %reduce_sum3A_530 : f32 to vector<16xf32>
    %select_n3A_535 = arith.select %eq3A_533, %broadcast_in_dim3A_534, %select_n3A_507 : vector<16xi1>, vector<16xf32>
    %get3A_536 = arith.constant 3 : i32
    %get3A_537 = arith.index_cast %get3A_536 : i32 to index
    %get3A_538 = arith.constant 0 : index
    %get3A_539 = tpu.vector_load %arg10[%get3A_537, %get3A_538] {strides = array<i32>} : memref<16x32xf32, #tpu.memory_space<vmem>>, vector<16xf32>,
    %get3A_540 = arith.constant 3 : i32
    %get3A_541 = arith.index_cast %get3A_540 : i32 to index
    %get3A_542 = arith.constant 16 : index
    %get3A_543 = tpu.vector_load %arg10[%get3A_541, %get3A_542] {strides = array<i32>} : memref<16x32xf32, #tpu.memory_space<vmem>>, vector<16xf32>,
    %get3A_544 = arith.constant 3 : i32
    %get3A_545 = arith.index_cast %get3A_544 : i32 to index
    %get3A_546 = arith.constant 0 : index
    %get3A_547 = tpu.vector_load %arg12[%get3A_545, %get3A_546] {strides = array<i32>} : memref<16x32xf32, #tpu.memory_space<vmem>>, vector<16xf32>,
    %get3A_548 = arith.constant 3 : i32
    %get3A_549 = arith.index_cast %get3A_548 : i32 to index
    %get3A_550 = arith.constant 16 : index
    %get3A_551 = tpu.vector_load %arg12[%get3A_549, %get3A_550] {strides = array<i32>} : memref<16x32xf32, #tpu.memory_space<vmem>>, vector<16xf32>,
    %mul3A_552 = arith.mulf %get3A_539, %get3A_547 : vector<16xf32>
    %mul3A_553 = arith.mulf %get3A_543, %get3A_551 : vector<16xf32>
    %add3A_554 = arith.addf %mul3A_552, %mul3A_553 : vector<16xf32>
    %reduce_sum3A_555 = arith.constant true
    %reduce_sum3A_556 = vector.broadcast %reduce_sum3A_555 : i1 to vector<16xi1>
    %reduce_sum3A_557 = tpu.scan <sum>, %add3A_554 masked %reduce_sum3A_556 : vector<16xf32>, vector<16xi1> -> vector<16xf32>
    %reduce_sum3A_558 = vector.extract %reduce_sum3A_557[15] : f32 from vector<16xf32>
    %eq3A_559 = arith.constant 3 : i32
    %eq3A_560 = vector.broadcast %eq3A_559 : i32 to vector<16xi32>
    %eq3A_561 = arith.cmpi eq, %iota3A, %eq3A_560 : vector<16xi32>
    %broadcast_in_dim3A_562 = vector.broadcast %reduce_sum3A_558 : f32 to vector<16xf32>
    %select_n3A_563 = arith.select %eq3A_561, %broadcast_in_dim3A_562, %select_n3A_535 : vector<16xi1>, vector<16xf32>
    %get3A_564 = arith.constant 4 : i32
    %get3A_565 = arith.index_cast %get3A_564 : i32 to index
    %get3A_566 = arith.constant 0 : index
    %get3A_567 = tpu.vector_load %arg10[%get3A_565, %get3A_566] {strides = array<i32>} : memref<16x32xf32, #tpu.memory_space<vmem>>, vector<16xf32>,
    %get3A_568 = arith.constant 4 : i32
    %get3A_569 = arith.index_cast %get3A_568 : i32 to index
    %get3A_570 = arith.constant 16 : index
    %get3A_571 = tpu.vector_load %arg10[%get3A_569, %get3A_570] {strides = array<i32>} : memref<16x32xf32, #tpu.memory_space<vmem>>, vector<16xf32>,
    %get3A_572 = arith.constant 4 : i32
    %get3A_573 = arith.index_cast %get3A_572 : i32 to index
    %get3A_574 = arith.constant 0 : index
    %get3A_575 = tpu.vector_load %arg12[%get3A_573, %get3A_574] {strides = array<i32>} : memref<16x32xf32, #tpu.memory_space<vmem>>, vector<16xf32>,
    %get3A_576 = arith.constant 4 : i32
    %get3A_577 = arith.index_cast %get3A_576 : i32 to index
    %get3A_578 = arith.constant 16 : index
    %get3A_579 = tpu.vector_load %arg12[%get3A_577, %get3A_578] {strides = array<i32>} : memref<16x32xf32, #tpu.memory_space<vmem>>, vector<16xf32>,
    %mul3A_580 = arith.mulf %get3A_567, %get3A_575 : vector<16xf32>
    %mul3A_581 = arith.mulf %get3A_571, %get3A_579 : vector<16xf32>
    %add3A_582 = arith.addf %mul3A_580, %mul3A_581 : vector<16xf32>
    %reduce_sum3A_583 = arith.constant true
    %reduce_sum3A_584 = vector.broadcast %reduce_sum3A_583 : i1 to vector<16xi1>
    %reduce_sum3A_585 = tpu.scan <sum>, %add3A_582 masked %reduce_sum3A_584 : vector<16xf32>, vector<16xi1> -> vector<16xf32>
    %reduce_sum3A_586 = vector.extract %reduce_sum3A_585[15] : f32 from vector<16xf32>
    %eq3A_587 = arith.constant 4 : i32
    %eq3A_588 = vector.broadcast %eq3A_587 : i32 to vector<16xi32>
    %eq3A_589 = arith.cmpi eq, %iota3A, %eq3A_588 : vector<16xi32>
    %broadcast_in_dim3A_590 = vector.broadcast %reduce_sum3A_586 : f32 to vector<16xf32>
    %select_n3A_591 = arith.select %eq3A_589, %broadcast_in_dim3A_590, %select_n3A_563 : vector<16xi1>, vector<16xf32>
    %get3A_592 = arith.constant 5 : i32
    %get3A_593 = arith.index_cast %get3A_592 : i32 to index
    %get3A_594 = arith.constant 0 : index
    %get3A_595 = tpu.vector_load %arg10[%get3A_593, %get3A_594] {strides = array<i32>} : memref<16x32xf32, #tpu.memory_space<vmem>>, vector<16xf32>,
    %get3A_596 = arith.constant 5 : i32
    %get3A_597 = arith.index_cast %get3A_596 : i32 to index
    %get3A_598 = arith.constant 16 : index
    %get3A_599 = tpu.vector_load %arg10[%get3A_597, %get3A_598] {strides = array<i32>} : memref<16x32xf32, #tpu.memory_space<vmem>>, vector<16xf32>,
    %get3A_600 = arith.constant 5 : i32
    %get3A_601 = arith.index_cast %get3A_600 : i32 to index
    %get3A_602 = arith.constant 0 : index
    %get3A_603 = tpu.vector_load %arg12[%get3A_601, %get3A_602] {strides = array<i32>} : memref<16x32xf32, #tpu.memory_space<vmem>>, vector<16xf32>,
    %get3A_604 = arith.constant 5 : i32
    %get3A_605 = arith.index_cast %get3A_604 : i32 to index
    %get3A_606 = arith.constant 16 : index
    %get3A_607 = tpu.vector_load %arg12[%get3A_605, %get3A_606] {strides = array<i32>} : memref<16x32xf32, #tpu.memory_space<vmem>>, vector<16xf32>,
    %mul3A_608 = arith.mulf %get3A_595, %get3A_603 : vector<16xf32>
    %mul3A_609 = arith.mulf %get3A_599, %get3A_607 : vector<16xf32>
    %add3A_610 = arith.addf %mul3A_608, %mul3A_609 : vector<16xf32>
    %reduce_sum3A_611 = arith.constant true
    %reduce_sum3A_612 = vector.broadcast %reduce_sum3A_611 : i1 to vector<16xi1>
    %reduce_sum3A_613 = tpu.scan <sum>, %add3A_610 masked %reduce_sum3A_612 : vector<16xf32>, vector<16xi1> -> vector<16xf32>
    %reduce_sum3A_614 = vector.extract %reduce_sum3A_613[15] : f32 from vector<16xf32>
    %eq3A_615 = arith.constant 5 : i32
    %eq3A_616 = vector.broadcast %eq3A_615 : i32 to vector<16xi32>
    %eq3A_617 = arith.cmpi eq, %iota3A, %eq3A_616 : vector<16xi32>
    %broadcast_in_dim3A_618 = vector.broadcast %reduce_sum3A_614 : f32 to vector<16xf32>
    %select_n3A_619 = arith.select %eq3A_617, %broadcast_in_dim3A_618, %select_n3A_591 : vector<16xi1>, vector<16xf32>
    %get3A_620 = arith.constant 6 : i32
    %get3A_621 = arith.index_cast %get3A_620 : i32 to index
    %get3A_622 = arith.constant 0 : index
    %get3A_623 = tpu.vector_load %arg10[%get3A_621, %get3A_622] {strides = array<i32>} : memref<16x32xf32, #tpu.memory_space<vmem>>, vector<16xf32>,
    %get3A_624 = arith.constant 6 : i32
    %get3A_625 = arith.index_cast %get3A_624 : i32 to index
    %get3A_626 = arith.constant 16 : index
    %get3A_627 = tpu.vector_load %arg10[%get3A_625, %get3A_626] {strides = array<i32>} : memref<16x32xf32, #tpu.memory_space<vmem>>, vector<16xf32>,
    %get3A_628 = arith.constant 6 : i32
    %get3A_629 = arith.index_cast %get3A_628 : i32 to index
    %get3A_630 = arith.constant 0 : index
    %get3A_631 = tpu.vector_load %arg12[%get3A_629, %get3A_630] {strides = array<i32>} : memref<16x32xf32, #tpu.memory_space<vmem>>, vector<16xf32>,
    %get3A_632 = arith.constant 6 : i32
    %get3A_633 = arith.index_cast %get3A_632 : i32 to index
    %get3A_634 = arith.constant 16 : index
    %get3A_635 = tpu.vector_load %arg12[%get3A_633, %get3A_634] {strides = array<i32>} : memref<16x32xf32, #tpu.memory_space<vmem>>, vector<16xf32>,
    %mul3A_636 = arith.mulf %get3A_623, %get3A_631 : vector<16xf32>
    %mul3A_637 = arith.mulf %get3A_627, %get3A_635 : vector<16xf32>
    %add3A_638 = arith.addf %mul3A_636, %mul3A_637 : vector<16xf32>
    %reduce_sum3A_639 = arith.constant true
    %reduce_sum3A_640 = vector.broadcast %reduce_sum3A_639 : i1 to vector<16xi1>
    %reduce_sum3A_641 = tpu.scan <sum>, %add3A_638 masked %reduce_sum3A_640 : vector<16xf32>, vector<16xi1> -> vector<16xf32>
    %reduce_sum3A_642 = vector.extract %reduce_sum3A_641[15] : f32 from vector<16xf32>
    %eq3A_643 = arith.constant 6 : i32
    %eq3A_644 = vector.broadcast %eq3A_643 : i32 to vector<16xi32>
    %eq3A_645 = arith.cmpi eq, %iota3A, %eq3A_644 : vector<16xi32>
    %broadcast_in_dim3A_646 = vector.broadcast %reduce_sum3A_642 : f32 to vector<16xf32>
    %select_n3A_647 = arith.select %eq3A_645, %broadcast_in_dim3A_646, %select_n3A_619 : vector<16xi1>, vector<16xf32>
    %get3A_648 = arith.constant 7 : i32
    %get3A_649 = arith.index_cast %get3A_648 : i32 to index
    %get3A_650 = arith.constant 0 : index
    %get3A_651 = tpu.vector_load %arg10[%get3A_649, %get3A_650] {strides = array<i32>} : memref<16x32xf32, #tpu.memory_space<vmem>>, vector<16xf32>,
    %get3A_652 = arith.constant 7 : i32
    %get3A_653 = arith.index_cast %get3A_652 : i32 to index
    %get3A_654 = arith.constant 16 : index
    %get3A_655 = tpu.vector_load %arg10[%get3A_653, %get3A_654] {strides = array<i32>} : memref<16x32xf32, #tpu.memory_space<vmem>>, vector<16xf32>,
    %get3A_656 = arith.constant 7 : i32
    %get3A_657 = arith.index_cast %get3A_656 : i32 to index
    %get3A_658 = arith.constant 0 : index
    %get3A_659 = tpu.vector_load %arg12[%get3A_657, %get3A_658] {strides = array<i32>} : memref<16x32xf32, #tpu.memory_space<vmem>>, vector<16xf32>,
    %get3A_660 = arith.constant 7 : i32
    %get3A_661 = arith.index_cast %get3A_660 : i32 to index
    %get3A_662 = arith.constant 16 : index
    %get3A_663 = tpu.vector_load %arg12[%get3A_661, %get3A_662] {strides = array<i32>} : memref<16x32xf32, #tpu.memory_space<vmem>>, vector<16xf32>,
    %mul3A_664 = arith.mulf %get3A_651, %get3A_659 : vector<16xf32>
    %mul3A_665 = arith.mulf %get3A_655, %get3A_663 : vector<16xf32>
    %add3A_666 = arith.addf %mul3A_664, %mul3A_665 : vector<16xf32>
    %reduce_sum3A_667 = arith.constant true
    %reduce_sum3A_668 = vector.broadcast %reduce_sum3A_667 : i1 to vector<16xi1>
    %reduce_sum3A_669 = tpu.scan <sum>, %add3A_666 masked %reduce_sum3A_668 : vector<16xf32>, vector<16xi1> -> vector<16xf32>
    %reduce_sum3A_670 = vector.extract %reduce_sum3A_669[15] : f32 from vector<16xf32>
    %eq3A_671 = arith.constant 7 : i32
    %eq3A_672 = vector.broadcast %eq3A_671 : i32 to vector<16xi32>
    %eq3A_673 = arith.cmpi eq, %iota3A, %eq3A_672 : vector<16xi32>
    %broadcast_in_dim3A_674 = vector.broadcast %reduce_sum3A_670 : f32 to vector<16xf32>
    %select_n3A_675 = arith.select %eq3A_673, %broadcast_in_dim3A_674, %select_n3A_647 : vector<16xi1>, vector<16xf32>
    %get3A_676 = arith.constant 8 : i32
    %get3A_677 = arith.index_cast %get3A_676 : i32 to index
    %get3A_678 = arith.constant 0 : index
    %get3A_679 = tpu.vector_load %arg10[%get3A_677, %get3A_678] {strides = array<i32>} : memref<16x32xf32, #tpu.memory_space<vmem>>, vector<16xf32>,
    %get3A_680 = arith.constant 8 : i32
    %get3A_681 = arith.index_cast %get3A_680 : i32 to index
    %get3A_682 = arith.constant 16 : index
    %get3A_683 = tpu.vector_load %arg10[%get3A_681, %get3A_682] {strides = array<i32>} : memref<16x32xf32, #tpu.memory_space<vmem>>, vector<16xf32>,
    %get3A_684 = arith.constant 8 : i32
    %get3A_685 = arith.index_cast %get3A_684 : i32 to index
    %get3A_686 = arith.constant 0 : index
    %get3A_687 = tpu.vector_load %arg12[%get3A_685, %get3A_686] {strides = array<i32>} : memref<16x32xf32, #tpu.memory_space<vmem>>, vector<16xf32>,
    %get3A_688 = arith.constant 8 : i32
    %get3A_689 = arith.index_cast %get3A_688 : i32 to index
    %get3A_690 = arith.constant 16 : index
    %get3A_691 = tpu.vector_load %arg12[%get3A_689, %get3A_690] {strides = array<i32>} : memref<16x32xf32, #tpu.memory_space<vmem>>, vector<16xf32>,
    %mul3A_692 = arith.mulf %get3A_679, %get3A_687 : vector<16xf32>
    %mul3A_693 = arith.mulf %get3A_683, %get3A_691 : vector<16xf32>
    %add3A_694 = arith.addf %mul3A_692, %mul3A_693 : vector<16xf32>
    %reduce_sum3A_695 = arith.constant true
    %reduce_sum3A_696 = vector.broadcast %reduce_sum3A_695 : i1 to vector<16xi1>
    %reduce_sum3A_697 = tpu.scan <sum>, %add3A_694 masked %reduce_sum3A_696 : vector<16xf32>, vector<16xi1> -> vector<16xf32>
    %reduce_sum3A_698 = vector.extract %reduce_sum3A_697[15] : f32 from vector<16xf32>
    %eq3A_699 = arith.constant 8 : i32
    %eq3A_700 = vector.broadcast %eq3A_699 : i32 to vector<16xi32>
    %eq3A_701 = arith.cmpi eq, %iota3A, %eq3A_700 : vector<16xi32>
    %broadcast_in_dim3A_702 = vector.broadcast %reduce_sum3A_698 : f32 to vector<16xf32>
    %select_n3A_703 = arith.select %eq3A_701, %broadcast_in_dim3A_702, %select_n3A_675 : vector<16xi1>, vector<16xf32>
    %get3A_704 = arith.constant 9 : i32
    %get3A_705 = arith.index_cast %get3A_704 : i32 to index
    %get3A_706 = arith.constant 0 : index
    %get3A_707 = tpu.vector_load %arg10[%get3A_705, %get3A_706] {strides = array<i32>} : memref<16x32xf32, #tpu.memory_space<vmem>>, vector<16xf32>,
    %get3A_708 = arith.constant 9 : i32
    %get3A_709 = arith.index_cast %get3A_708 : i32 to index
    %get3A_710 = arith.constant 16 : index
    %get3A_711 = tpu.vector_load %arg10[%get3A_709, %get3A_710] {strides = array<i32>} : memref<16x32xf32, #tpu.memory_space<vmem>>, vector<16xf32>,
    %get3A_712 = arith.constant 9 : i32
    %get3A_713 = arith.index_cast %get3A_712 : i32 to index
    %get3A_714 = arith.constant 0 : index
    %get3A_715 = tpu.vector_load %arg12[%get3A_713, %get3A_714] {strides = array<i32>} : memref<16x32xf32, #tpu.memory_space<vmem>>, vector<16xf32>,
    %get3A_716 = arith.constant 9 : i32
    %get3A_717 = arith.index_cast %get3A_716 : i32 to index
    %get3A_718 = arith.constant 16 : index
    %get3A_719 = tpu.vector_load %arg12[%get3A_717, %get3A_718] {strides = array<i32>} : memref<16x32xf32, #tpu.memory_space<vmem>>, vector<16xf32>,
    %mul3A_720 = arith.mulf %get3A_707, %get3A_715 : vector<16xf32>
    %mul3A_721 = arith.mulf %get3A_711, %get3A_719 : vector<16xf32>
    %add3A_722 = arith.addf %mul3A_720, %mul3A_721 : vector<16xf32>
    %reduce_sum3A_723 = arith.constant true
    %reduce_sum3A_724 = vector.broadcast %reduce_sum3A_723 : i1 to vector<16xi1>
    %reduce_sum3A_725 = tpu.scan <sum>, %add3A_722 masked %reduce_sum3A_724 : vector<16xf32>, vector<16xi1> -> vector<16xf32>
    %reduce_sum3A_726 = vector.extract %reduce_sum3A_725[15] : f32 from vector<16xf32>
    %eq3A_727 = arith.constant 9 : i32
    %eq3A_728 = vector.broadcast %eq3A_727 : i32 to vector<16xi32>
    %eq3A_729 = arith.cmpi eq, %iota3A, %eq3A_728 : vector<16xi32>
    %broadcast_in_dim3A_730 = vector.broadcast %reduce_sum3A_726 : f32 to vector<16xf32>
    %select_n3A_731 = arith.select %eq3A_729, %broadcast_in_dim3A_730, %select_n3A_703 : vector<16xi1>, vector<16xf32>
    %get3A_732 = arith.constant 10 : i32
    %get3A_733 = arith.index_cast %get3A_732 : i32 to index
    %get3A_734 = arith.constant 0 : index
    %get3A_735 = tpu.vector_load %arg10[%get3A_733, %get3A_734] {strides = array<i32>} : memref<16x32xf32, #tpu.memory_space<vmem>>, vector<16xf32>,
    %get3A_736 = arith.constant 10 : i32
    %get3A_737 = arith.index_cast %get3A_736 : i32 to index
    %get3A_738 = arith.constant 16 : index
    %get3A_739 = tpu.vector_load %arg10[%get3A_737, %get3A_738] {strides = array<i32>} : memref<16x32xf32, #tpu.memory_space<vmem>>, vector<16xf32>,
    %get3A_740 = arith.constant 10 : i32
    %get3A_741 = arith.index_cast %get3A_740 : i32 to index
    %get3A_742 = arith.constant 0 : index
    %get3A_743 = tpu.vector_load %arg12[%get3A_741, %get3A_742] {strides = array<i32>} : memref<16x32xf32, #tpu.memory_space<vmem>>, vector<16xf32>,
    %get3A_744 = arith.constant 10 : i32
    %get3A_745 = arith.index_cast %get3A_744 : i32 to index
    %get3A_746 = arith.constant 16 : index
    %get3A_747 = tpu.vector_load %arg12[%get3A_745, %get3A_746] {strides = array<i32>} : memref<16x32xf32, #tpu.memory_space<vmem>>, vector<16xf32>,
    %mul3A_748 = arith.mulf %get3A_735, %get3A_743 : vector<16xf32>
    %mul3A_749 = arith.mulf %get3A_739, %get3A_747 : vector<16xf32>
    %add3A_750 = arith.addf %mul3A_748, %mul3A_749 : vector<16xf32>
    %reduce_sum3A_751 = arith.constant true
    %reduce_sum3A_752 = vector.broadcast %reduce_sum3A_751 : i1 to vector<16xi1>
    %reduce_sum3A_753 = tpu.scan <sum>, %add3A_750 masked %reduce_sum3A_752 : vector<16xf32>, vector<16xi1> -> vector<16xf32>
    %reduce_sum3A_754 = vector.extract %reduce_sum3A_753[15] : f32 from vector<16xf32>
    %eq3A_755 = arith.constant 10 : i32
    %eq3A_756 = vector.broadcast %eq3A_755 : i32 to vector<16xi32>
    %eq3A_757 = arith.cmpi eq, %iota3A, %eq3A_756 : vector<16xi32>
    %broadcast_in_dim3A_758 = vector.broadcast %reduce_sum3A_754 : f32 to vector<16xf32>
    %select_n3A_759 = arith.select %eq3A_757, %broadcast_in_dim3A_758, %select_n3A_731 : vector<16xi1>, vector<16xf32>
    %get3A_760 = arith.constant 11 : i32
    %get3A_761 = arith.index_cast %get3A_760 : i32 to index
    %get3A_762 = arith.constant 0 : index
    %get3A_763 = tpu.vector_load %arg10[%get3A_761, %get3A_762] {strides = array<i32>} : memref<16x32xf32, #tpu.memory_space<vmem>>, vector<16xf32>,
    %get3A_764 = arith.constant 11 : i32
    %get3A_765 = arith.index_cast %get3A_764 : i32 to index
    %get3A_766 = arith.constant 16 : index
    %get3A_767 = tpu.vector_load %arg10[%get3A_765, %get3A_766] {strides = array<i32>} : memref<16x32xf32, #tpu.memory_space<vmem>>, vector<16xf32>,
    %get3A_768 = arith.constant 11 : i32
    %get3A_769 = arith.index_cast %get3A_768 : i32 to index
    %get3A_770 = arith.constant 0 : index
    %get3A_771 = tpu.vector_load %arg12[%get3A_769, %get3A_770] {strides = array<i32>} : memref<16x32xf32, #tpu.memory_space<vmem>>, vector<16xf32>,
    %get3A_772 = arith.constant 11 : i32
    %get3A_773 = arith.index_cast %get3A_772 : i32 to index
    %get3A_774 = arith.constant 16 : index
    %get3A_775 = tpu.vector_load %arg12[%get3A_773, %get3A_774] {strides = array<i32>} : memref<16x32xf32, #tpu.memory_space<vmem>>, vector<16xf32>,
    %mul3A_776 = arith.mulf %get3A_763, %get3A_771 : vector<16xf32>
    %mul3A_777 = arith.mulf %get3A_767, %get3A_775 : vector<16xf32>
    %add3A_778 = arith.addf %mul3A_776, %mul3A_777 : vector<16xf32>
    %reduce_sum3A_779 = arith.constant true
    %reduce_sum3A_780 = vector.broadcast %reduce_sum3A_779 : i1 to vector<16xi1>
    %reduce_sum3A_781 = tpu.scan <sum>, %add3A_778 masked %reduce_sum3A_780 : vector<16xf32>, vector<16xi1> -> vector<16xf32>
    %reduce_sum3A_782 = vector.extract %reduce_sum3A_781[15] : f32 from vector<16xf32>
    %eq3A_783 = arith.constant 11 : i32
    %eq3A_784 = vector.broadcast %eq3A_783 : i32 to vector<16xi32>
    %eq3A_785 = arith.cmpi eq, %iota3A, %eq3A_784 : vector<16xi32>
    %broadcast_in_dim3A_786 = vector.broadcast %reduce_sum3A_782 : f32 to vector<16xf32>
    %select_n3A_787 = arith.select %eq3A_785, %broadcast_in_dim3A_786, %select_n3A_759 : vector<16xi1>, vector<16xf32>
    %get3A_788 = arith.constant 12 : i32
    %get3A_789 = arith.index_cast %get3A_788 : i32 to index
    %get3A_790 = arith.constant 0 : index
    %get3A_791 = tpu.vector_load %arg10[%get3A_789, %get3A_790] {strides = array<i32>} : memref<16x32xf32, #tpu.memory_space<vmem>>, vector<16xf32>,
    %get3A_792 = arith.constant 12 : i32
    %get3A_793 = arith.index_cast %get3A_792 : i32 to index
    %get3A_794 = arith.constant 16 : index
    %get3A_795 = tpu.vector_load %arg10[%get3A_793, %get3A_794] {strides = array<i32>} : memref<16x32xf32, #tpu.memory_space<vmem>>, vector<16xf32>,
    %get3A_796 = arith.constant 12 : i32
    %get3A_797 = arith.index_cast %get3A_796 : i32 to index
    %get3A_798 = arith.constant 0 : index
    %get3A_799 = tpu.vector_load %arg12[%get3A_797, %get3A_798] {strides = array<i32>} : memref<16x32xf32, #tpu.memory_space<vmem>>, vector<16xf32>,
    %get3A_800 = arith.constant 12 : i32
    %get3A_801 = arith.index_cast %get3A_800 : i32 to index
    %get3A_802 = arith.constant 16 : index
    %get3A_803 = tpu.vector_load %arg12[%get3A_801, %get3A_802] {strides = array<i32>} : memref<16x32xf32, #tpu.memory_space<vmem>>, vector<16xf32>,
    %mul3A_804 = arith.mulf %get3A_791, %get3A_799 : vector<16xf32>
    %mul3A_805 = arith.mulf %get3A_795, %get3A_803 : vector<16xf32>
    %add3A_806 = arith.addf %mul3A_804, %mul3A_805 : vector<16xf32>
    %reduce_sum3A_807 = arith.constant true
    %reduce_sum3A_808 = vector.broadcast %reduce_sum3A_807 : i1 to vector<16xi1>
    %reduce_sum3A_809 = tpu.scan <sum>, %add3A_806 masked %reduce_sum3A_808 : vector<16xf32>, vector<16xi1> -> vector<16xf32>
    %reduce_sum3A_810 = vector.extract %reduce_sum3A_809[15] : f32 from vector<16xf32>
    %eq3A_811 = arith.constant 12 : i32
    %eq3A_812 = vector.broadcast %eq3A_811 : i32 to vector<16xi32>
    %eq3A_813 = arith.cmpi eq, %iota3A, %eq3A_812 : vector<16xi32>
    %broadcast_in_dim3A_814 = vector.broadcast %reduce_sum3A_810 : f32 to vector<16xf32>
    %select_n3A_815 = arith.select %eq3A_813, %broadcast_in_dim3A_814, %select_n3A_787 : vector<16xi1>, vector<16xf32>
    %get3A_816 = arith.constant 13 : i32
    %get3A_817 = arith.index_cast %get3A_816 : i32 to index
    %get3A_818 = arith.constant 0 : index
    %get3A_819 = tpu.vector_load %arg10[%get3A_817, %get3A_818] {strides = array<i32>} : memref<16x32xf32, #tpu.memory_space<vmem>>, vector<16xf32>,
    %get3A_820 = arith.constant 13 : i32
    %get3A_821 = arith.index_cast %get3A_820 : i32 to index
    %get3A_822 = arith.constant 16 : index
    %get3A_823 = tpu.vector_load %arg10[%get3A_821, %get3A_822] {strides = array<i32>} : memref<16x32xf32, #tpu.memory_space<vmem>>, vector<16xf32>,
    %get3A_824 = arith.constant 13 : i32
    %get3A_825 = arith.index_cast %get3A_824 : i32 to index
    %get3A_826 = arith.constant 0 : index
    %get3A_827 = tpu.vector_load %arg12[%get3A_825, %get3A_826] {strides = array<i32>} : memref<16x32xf32, #tpu.memory_space<vmem>>, vector<16xf32>,
    %get3A_828 = arith.constant 13 : i32
    %get3A_829 = arith.index_cast %get3A_828 : i32 to index
    %get3A_830 = arith.constant 16 : index
    %get3A_831 = tpu.vector_load %arg12[%get3A_829, %get3A_830] {strides = array<i32>} : memref<16x32xf32, #tpu.memory_space<vmem>>, vector<16xf32>,
    %mul3A_832 = arith.mulf %get3A_819, %get3A_827 : vector<16xf32>
    %mul3A_833 = arith.mulf %get3A_823, %get3A_831 : vector<16xf32>
    %add3A_834 = arith.addf %mul3A_832, %mul3A_833 : vector<16xf32>
    %reduce_sum3A_835 = arith.constant true
    %reduce_sum3A_836 = vector.broadcast %reduce_sum3A_835 : i1 to vector<16xi1>
    %reduce_sum3A_837 = tpu.scan <sum>, %add3A_834 masked %reduce_sum3A_836 : vector<16xf32>, vector<16xi1> -> vector<16xf32>
    %reduce_sum3A_838 = vector.extract %reduce_sum3A_837[15] : f32 from vector<16xf32>
    %eq3A_839 = arith.constant 13 : i32
    %eq3A_840 = vector.broadcast %eq3A_839 : i32 to vector<16xi32>
    %eq3A_841 = arith.cmpi eq, %iota3A, %eq3A_840 : vector<16xi32>
    %broadcast_in_dim3A_842 = vector.broadcast %reduce_sum3A_838 : f32 to vector<16xf32>
    %select_n3A_843 = arith.select %eq3A_841, %broadcast_in_dim3A_842, %select_n3A_815 : vector<16xi1>, vector<16xf32>
    %get3A_844 = arith.constant 14 : i32
    %get3A_845 = arith.index_cast %get3A_844 : i32 to index
    %get3A_846 = arith.constant 0 : index
    %get3A_847 = tpu.vector_load %arg10[%get3A_845, %get3A_846] {strides = array<i32>} : memref<16x32xf32, #tpu.memory_space<vmem>>, vector<16xf32>,
    %get3A_848 = arith.constant 14 : i32
    %get3A_849 = arith.index_cast %get3A_848 : i32 to index
    %get3A_850 = arith.constant 16 : index
    %get3A_851 = tpu.vector_load %arg10[%get3A_849, %get3A_850] {strides = array<i32>} : memref<16x32xf32, #tpu.memory_space<vmem>>, vector<16xf32>,
    %get3A_852 = arith.constant 14 : i32
    %get3A_853 = arith.index_cast %get3A_852 : i32 to index
    %get3A_854 = arith.constant 0 : index
    %get3A_855 = tpu.vector_load %arg12[%get3A_853, %get3A_854] {strides = array<i32>} : memref<16x32xf32, #tpu.memory_space<vmem>>, vector<16xf32>,
    %get3A_856 = arith.constant 14 : i32
    %get3A_857 = arith.index_cast %get3A_856 : i32 to index
    %get3A_858 = arith.constant 16 : index
    %get3A_859 = tpu.vector_load %arg12[%get3A_857, %get3A_858] {strides = array<i32>} : memref<16x32xf32, #tpu.memory_space<vmem>>, vector<16xf32>,
    %mul3A_860 = arith.mulf %get3A_847, %get3A_855 : vector<16xf32>
    %mul3A_861 = arith.mulf %get3A_851, %get3A_859 : vector<16xf32>
    %add3A_862 = arith.addf %mul3A_860, %mul3A_861 : vector<16xf32>
    %reduce_sum3A_863 = arith.constant true
    %reduce_sum3A_864 = vector.broadcast %reduce_sum3A_863 : i1 to vector<16xi1>
    %reduce_sum3A_865 = tpu.scan <sum>, %add3A_862 masked %reduce_sum3A_864 : vector<16xf32>, vector<16xi1> -> vector<16xf32>
    %reduce_sum3A_866 = vector.extract %reduce_sum3A_865[15] : f32 from vector<16xf32>
    %eq3A_867 = arith.constant 14 : i32
    %eq3A_868 = vector.broadcast %eq3A_867 : i32 to vector<16xi32>
    %eq3A_869 = arith.cmpi eq, %iota3A, %eq3A_868 : vector<16xi32>
    %broadcast_in_dim3A_870 = vector.broadcast %reduce_sum3A_866 : f32 to vector<16xf32>
    %select_n3A_871 = arith.select %eq3A_869, %broadcast_in_dim3A_870, %select_n3A_843 : vector<16xi1>, vector<16xf32>
    %get3A_872 = arith.constant 15 : i32
    %get3A_873 = arith.index_cast %get3A_872 : i32 to index
    %get3A_874 = arith.constant 0 : index
    %get3A_875 = tpu.vector_load %arg10[%get3A_873, %get3A_874] {strides = array<i32>} : memref<16x32xf32, #tpu.memory_space<vmem>>, vector<16xf32>,
    %get3A_876 = arith.constant 15 : i32
    %get3A_877 = arith.index_cast %get3A_876 : i32 to index
    %get3A_878 = arith.constant 16 : index
    %get3A_879 = tpu.vector_load %arg10[%get3A_877, %get3A_878] {strides = array<i32>} : memref<16x32xf32, #tpu.memory_space<vmem>>, vector<16xf32>,
    %get3A_880 = arith.constant 15 : i32
    %get3A_881 = arith.index_cast %get3A_880 : i32 to index
    %get3A_882 = arith.constant 0 : index
    %get3A_883 = tpu.vector_load %arg12[%get3A_881, %get3A_882] {strides = array<i32>} : memref<16x32xf32, #tpu.memory_space<vmem>>, vector<16xf32>,
    %get3A_884 = arith.constant 15 : i32
    %get3A_885 = arith.index_cast %get3A_884 : i32 to index
    %get3A_886 = arith.constant 16 : index
    %get3A_887 = tpu.vector_load %arg12[%get3A_885, %get3A_886] {strides = array<i32>} : memref<16x32xf32, #tpu.memory_space<vmem>>, vector<16xf32>,
    %mul3A_888 = arith.mulf %get3A_875, %get3A_883 : vector<16xf32>
    %mul3A_889 = arith.mulf %get3A_879, %get3A_887 : vector<16xf32>
    %add3A_890 = arith.addf %mul3A_888, %mul3A_889 : vector<16xf32>
    %reduce_sum3A_891 = arith.constant true
    %reduce_sum3A_892 = vector.broadcast %reduce_sum3A_891 : i1 to vector<16xi1>
    %reduce_sum3A_893 = tpu.scan <sum>, %add3A_890 masked %reduce_sum3A_892 : vector<16xf32>, vector<16xi1> -> vector<16xf32>
    %reduce_sum3A_894 = vector.extract %reduce_sum3A_893[15] : f32 from vector<16xf32>
    %eq3A_895 = arith.constant 15 : i32
    %eq3A_896 = vector.broadcast %eq3A_895 : i32 to vector<16xi32>
    %eq3A_897 = arith.cmpi eq, %iota3A, %eq3A_896 : vector<16xi32>
    %broadcast_in_dim3A_898 = vector.broadcast %reduce_sum3A_894 : f32 to vector<16xf32>
    %select_n3A_899 = arith.select %eq3A_897, %broadcast_in_dim3A_898, %select_n3A_871 : vector<16xi1>, vector<16xf32>
    %multiple_of3A = arith.constant 496 : i32
    %multiple_of3A_900 = tpu.assume_multiple %multiple_of3A, 16 : i32
    %swap3A = arith.index_cast %multiple_of3A_900 : i32 to index
    %swap3A_901 = tpu.vector_load %arg13[%swap3A] {strides = array<i32>} : memref<512xf32, #tpu.memory_space<vmem>>, vector<16xf32>,
    tpu.vector_store %arg13[%swap3A], %select_n3A_899 {strides = array<i32>} : memref<512xf32, #tpu.memory_space<vmem>>, vector<16xf32>,
    "tpu.region"() ({
      %run_scoped3A = tpu.sem_alloc : memref<!tpu.dma_semaphore, #tpu.memory_space<semaphore_mem>>
      %dma_start3A = tpu.memref_slice %arg6[%mul3A_2] : memref<16384xf32, #tpu.memory_space<hbm>> -> memref<512xf32, #tpu.memory_space<hbm>>
      %dma_start3A_902 = tpu.memref_slice %arg6[%mul3A_2] : memref<16384xf32, #tpu.memory_space<hbm>> -> memref<512xf32, #tpu.memory_space<hbm>>
      tpu.enqueue_dma source(%arg13 : memref<512xf32, #tpu.memory_space<vmem>>) target(%dma_start3A_902 : memref<512xf32, #tpu.memory_space<hbm>>) target_semaphore(%run_scoped3A : memref<!tpu.dma_semaphore, #tpu.memory_space<semaphore_mem>>)
      %dma_wait3A_903 = tpu.memref_slice %arg6[%mul3A_2] : memref<16384xf32, #tpu.memory_space<hbm>> -> memref<512xf32, #tpu.memory_space<hbm>>
      %dma_wait3A_904 = tpu.memref_slice %arg6[%mul3A_2] : memref<16384xf32, #tpu.memory_space<hbm>> -> memref<512xf32, #tpu.memory_space<hbm>>
      tpu.wait_dma2 semaphore(%run_scoped3A : memref<!tpu.dma_semaphore, #tpu.memory_space<semaphore_mem>>) src(%arg13 : memref<512xf32, #tpu.memory_space<vmem>>) dst(%dma_wait3A_904 : memref<512xf32, #tpu.memory_space<hbm>>)
      tpu.yield
    }) : () -> ()
    return
  }
}

</mosaic_0001>

<sc_bundles>
// kernel: kernel.3.cloned.1.call-start
scs
__scs_entry_jumppad:
0x0: {  	(pc) =	sbr.rel $0x88, $3  }
0x1: {  	(tag) =	ssettag $0x0;
	lr =	simm.s32 $0x1  }
0x2: {  	[smem:$0x3F9E] =	sst lr;
	_ =	strace $0xD0000000  }
0x3: {  	_ = 	snop  }
0x4: {  	_ = 	snop  }
0x5: {  	_ = 	snop  }
0x6: {  	_ = 	snop  }
0x7: {  	_ = 	snop  }
__scs_overlays_trampoline_lowered:
0x8: {  	[smem:$0x3FAD] =	sst s0  }
0x9: {  	[smem:$0x3FAE] =	sst s1  }
0xa: {  	[smem:$0x3FAF] =	sst s2  }
0xb: {  	[smem:$0x3FB0] =	sst s3  }
0xc: {  	[smem:$0x3FB1] =	sst s4  }
0xd: {  	[smem:$0x3FB2] =	sst s5  }
0xe: {  	[smem:$0x3FB3] =	sst s6  }
0xf: {  	[smem:$0x3FB4] =	sst s7  }
0x10: {  	[smem:$0x3FB5] =	sst s8  }
0x11: {  	[smem:$0x3FB6] =	sst s9;
	s0 =	simm.s32 @!p0 $0x0  }
0x12: {  	s1 =	sld [smem:$0x3F9C];
	s0 =	simm.s32 @p0 $0x1  }
0x13: {  	[smem:$0x3FB7] =	sst s0;
	s0 =	simm.s32 @!p1 $0x0  }
0x14: {  	s2 =	sld [smem:$0x3F9B];
	s0 =	simm.s32 @p1 $0x1  }
0x15: {  	[smem:$0x3FB8] =	sst s0;
	s0 =	simm.s32 @!p2 $0x0  }
0x16: {  	s3 =	sld [smem:$0x3FDB];
	s0 =	simm.s32 @p2 $0x1  }
0x17: {  	s4 =	simm.s32 $0x1BF5;
	[smem:$0x3FBA] =	sst s0  }
0x18: {  	s0 =	sld [smem:$0x3F9D];
	_ =	swait.ge [sflag:s4], $0x0  }
0x19: {  	s7 =	sld [smem:$0x3F9E]  }
0x1a: {  	s8 =	sadd.s32 $0xFFFFE003, lr  }
0x1b: {  	s9 =	sadd.s32 $0xFFFFFEF7, lr;
	s5 =	simm.s32 $0xFFFFFFFF;
	p2 =	slt.u32 s8, $0xFFFFF086  }
0x1c: {  	p1 =	slt.u32 s9, $0xF7A;
	s5 =	simm.s32 @!p2 $0x0  }
0x1d: {  	s5 =	simm.s32 @p1 $0x1;
	p0 =	seq.s32 s7, s2  }
0x1e: {  	s7 =	smul.u32 @!p0 $0xF7A, s2;
	p2 =	seq.s32 @!p0 s5, $0x0  }
0x1f: {  	s9 =	smul.u32 $0xF7A, s1;
	s8 =	simm.s32 @!p0 $0x1BF5;
	p2 =	por !p2, p0  }
0x20: {  	[sflag:s8] =	ssyncset.s32 @!p0 $0xFFFFF086;
	s6 =	sadd.s32 @!p0 s3, s7;
	s7 =	simm.s32 @!p0 $0x108  }
0x21: {  	s3 =	sadd.s32 s3, s9;
	s6 =	sadd.s32 @!p0 $0x88, s6;
	s7 =	simm.s32 @p2 $0x1082  }
0x22: {  	[simem:s7], [sflag:s8] =	dma.local @!p0 [hbm:s6], $0xF7A  }
0x23: {  	s9 =	sor.u32 $0xD0000000, s2;
	s6 =	simm.s32 $0x108;
	_ =	swait.ge @!p0 [sflag:s8], $0x0  }
0x24: {  	s3 =	sadd.s32 $0x88, s3;
	s6 =	simm.s32 @!p1 $0x1082;
	[sflag:s4] =	ssyncset.s32 $0xFFFFF086  }
0x25: {  	[simem:s6], [sflag:s4] =	dma.local [hbm:s3], $0xF7A  }
0x26: {  	[smem:$0x3F9E] =	sst s1;
	(tag) =	ssettag s2;
	_ =	strace s9  }
0x27: {  	s1 =	sld [smem:$0x3FAE]  }
0x28: {  	s2 =	sld [smem:$0x3FAF]  }
0x29: {  	s4 =	sld [smem:$0x3FB1]  }
0x2a: {  	p0 =	seq.s32 s5, $0x0;
	s5 =	sld [smem:$0x3FB2]  }
0x2b: {  	s6 =	sld [smem:$0x3FB3]  }
0x2c: {  	s7 =	sld [smem:$0x3FB4]  }
0x2d: {  	s3 =	simm.s32 $0x108;
	s8 =	sld [smem:$0x3FB5]  }
0x2e: {  	s3 =	simm.s32 @!p0 $0x1082;
	s9 =	sld [smem:$0x3FB6]  }
0x2f: {  	lr =	sadd.s32 s0, s3;
	s0 =	sld [smem:$0x3FAD]  }
0x30: {  	s3 =	sld [smem:$0x3FB0]  }
0x31: {  	[smem:$0x3FB9] =	sst s10  }
0x32: {  	s10 =	sld [smem:$0x3FB7];
	_ =	sdelay $0x3  }
0x33: {  	p0 =	seq.s32 s10, $0x1;
	s10 =	sld [smem:$0x3FB9];
	_ =	sdelay $0x3  }
0x34: {  	[smem:$0x3FB9] =	sst s10  }
0x35: {  	s10 =	sld [smem:$0x3FB8];
	_ =	sdelay $0x3  }
0x36: {  	p1 =	seq.s32 s10, $0x1;
	s10 =	sld [smem:$0x3FB9];
	_ =	sdelay $0x3  }
0x37: {  	[smem:$0x3FB9] =	sst s10  }
0x38: {  	s10 =	sld [smem:$0x3FBA]  }
0x39: {  	_ = 	snop;
	(pc) =	sbr.ind lr, $3  }
0x3a: {  	_ = 	snop  }
0x3b: {  	_ = 	snop  }
0x3c: {  	p2 =	seq.s32 s10, $0x1;
	s10 =	sld [smem:$0x3FB9]  }
0x3d: {  	_ =	shalt  }
0x3e: {  	_ =	shalt  }
0x3f: {  	_ =	shalt  }
0x40: {  	_ =	shalt  }
0x41: {  	_ =	shalt  }
0x42: {  	_ =	shalt  }
0x43: {  	_ =	shalt  }
0x44: {  	_ =	shalt  }
0x45: {  	_ =	shalt  }
0x46: {  	_ =	shalt  }
0x47: {  	_ =	shalt  }
0x48: {  	_ =	shalt  }
0x49: {  	_ =	shalt  }
0x4a: {  	_ =	shalt  }
0x4b: {  	_ =	shalt  }
0x4c: {  	_ =	shalt  }
0x4d: {  	_ =	shalt  }
0x4e: {  	_ =	shalt  }
0x4f: {  	_ =	shalt  }
0x50: {  	_ =	shalt  }
0x51: {  	_ =	shalt  }
0x52: {  	_ =	shalt  }
0x53: {  	_ =	shalt  }
0x54: {  	_ =	shalt  }
0x55: {  	_ =	shalt  }
0x56: {  	_ =	shalt  }
0x57: {  	_ =	shalt  }
0x58: {  	_ =	shalt  }
0x59: {  	_ =	shalt  }
0x5a: {  	_ =	shalt  }
0x5b: {  	_ =	shalt  }
0x5c: {  	_ =	shalt  }
0x5d: {  	_ =	shalt  }
0x5e: {  	_ =	shalt  }
0x5f: {  	_ =	shalt  }
0x60: {  	_ =	shalt  }
0x61: {  	_ =	shalt  }
0x62: {  	_ =	shalt  }
0x63: {  	_ =	shalt  }
0x64: {  	_ =	shalt  }
0x65: {  	_ =	shalt  }
0x66: {  	_ =	shalt  }
0x67: {  	_ =	shalt  }
0x68: {  	_ =	shalt  }
0x69: {  	_ =	shalt  }
0x6a: {  	_ =	shalt  }
0x6b: {  	_ =	shalt  }
0x6c: {  	_ =	shalt  }
0x6d: {  	_ =	shalt  }
0x6e: {  	_ =	shalt  }
0x6f: {  	_ =	shalt  }
0x70: {  	_ =	shalt  }
0x71: {  	_ =	shalt  }
0x72: {  	_ =	shalt  }
0x73: {  	_ =	shalt  }
0x74: {  	_ =	shalt  }
0x75: {  	_ =	shalt  }
0x76: {  	_ =	shalt  }
0x77: {  	_ =	shalt  }
0x78: {  	_ =	shalt  }
0x79: {  	_ =	shalt  }
0x7a: {  	_ =	shalt  }
0x7b: {  	_ =	shalt  }
0x7c: {  	_ =	shalt  }
0x7d: {  	_ =	shalt  }
0x7e: {  	_ =	shalt  }
0x7f: {  	_ =	shalt  }
0x80: {  	_ =	shalt  }
0x81: {  	_ =	shalt  }
0x82: {  	_ =	shalt  }
0x83: {  	_ =	shalt  }
0x84: {  	_ =	shalt  }
0x85: {  	_ =	shalt  }
0x86: {  	_ =	shalt  }
0x87: {  	_ =	shalt  }
.Lfunc_end0:
.L_simem_size_0:
called_computation_lowered:
.L_overlay_start_0:
0x88: {  	s2 =	sld [smem:$0x3FD9]  }
0x89: {  	s3 =	sld [smem:$0x3FFE];
	_ =	sdelay $0x1  }
0x8a: {  	s1 =	srdreg.scid  }
0x8b: {  	s0 =	sand.u32 $0x1, s1  }
0x8c: {  	s17 =	sshll.u32 s0, $0xA;
	s2 =	sadd.s32 s3, s2  }
0x8d: {  	s2 =	sadd.s32 s2, s17  }
0x8e: {  	[smem:$0x3FC5] =	sst s2  }
0x8f: {  	_ = 	snop  }
0x90: {  	s2 =	sld [smem:$0x3FD0];
	(tm) =	ssettm $0x1  }
0x91: {  	s18 =	sld [smem:$0x3FFB];
	_ =	sdelay $0x3  }
0x92: {  	_ =	strace s18  }
0x93: {  	s3 =	sld [smem:$0x3FFC];
	_ =	sdelay $0x3  }
0x94: {  	_ =	strace s3  }
0x95: {  	s3 =	sld [smem:$0x3FFD];
	_ =	sdelay $0x3  }
0x96: {  	_ =	strace s3  }
0x97: {  	_ =	strace $0x8FFFFFFF  }
0x98: {  	s19 =	sld [smem:$0x3FDB];
	_ =	sdelay $0x1  }
0x99: {  	s4 =	simm.s32 $_scs_section_size  }
0x9a: {  	s5 =	simm.s32 $_size__tile_overlayer_lowered;
	s6 =	simm.s32 $_tile_overlayer_lowered  }
0x9b: {  	s22 =	simm.s32 $0x1BFF;
	s21 =	sshll.u32 s6, $0x1;
	s3 =	sadd.s32 s4, s19  }
0x9c: {  	s7 =	simm.s32 $0x0;
	s20 =	sshll.u32 s5, $0x1;
	s5 =	sadd.s32 s21, s3  }
0x9d: {  	[timem:s7], [sflag:s22] =	dma.local [hbm:s5], s20  }
0x9e: {  	_ =	swait.ge [sflag:s22], s20  }
0x9f: {  	s4 =	ssub.s32 $0x0, s20;
	[sflag:s22] =	ssyncset.done $0x0  }
0xa0: {  	[sflag:s22] =	ssyncadd.s32 s4;
	_ =	sdelay $0x1  }
0xa1: {  	s23 =	simm.s32 $0x1B8B  }
0xa2: {  	_ =	swait.ge [sflag:s23], $0x1  }
0xa3: {  	[sflag:s23] =	ssyncset.done $0x0  }
0xa4: {  	s25 =	simm.s32 $0x1B8E;
	s24 =	sld [smem:$0x3FFE];
	[sflag:s23] =	ssyncadd.s32 $0xFFFFFFFF  }
0xa5: {  	s26 =	simm.s32 $execute0_lowered;
	[smem:$0x3FD2] =	sst s25  }
0xa6: {  	s5 =	sshll.u32 s26, $0x1;
	_ =	strace $0x80000046;
	[dreg:$0x1] =	wrdreg $0xFFFFFFFF  }
0xa7: {  	s28 =	simm.s32 $_size_execute0_lowered;
	s3 =	sadd.s32 s3, s5;
	[dreg:$0x0] =	wrdreg $0x0  }
0xa8: {  	s5 =	sshll.u32 s28, $0x1;
	[dreg:$0x2] =	wrdreg s3  }
0xa9: {  	[dreg:$0x3] =	wrdreg s5  }
0xaa: {  	[dreg:$0x4] =	wrdreg $0xC0  }
0xab: {  	_ =	task [dreg:s7], $0x5FFFF  }
0xac: {  	[dreg:$0x1] =	wrdreg $0xFFFFFFFF  }
0xad: {  	[dreg:$0x0] =	wrdreg $0x60  }
0xae: {  	[dreg:$0x2] =	wrdreg s24  }
0xaf: {  	[dreg:$0x3] =	wrdreg s2  }
0xb0: {  	[dreg:$0x4] =	wrdreg $0x9  }
0xb1: {  	_ =	task.clear_ibuf [dreg:s7], $0x5FFFF;
	_ =	strace $0x90000046  }
0xb2: {  	s29 =	simm.s32 $0x9;
	_ =	strace $0x80000048  }
0xb3: {  	_ =	swait.ge [sflag:s29], $0x1  }
0xb4: {  	[sflag:s29] =	ssyncadd.s32 $0xFFFFFFFF  }
0xb5: {  	_ =	strace $0x90000048  }
0xb6: {  	_ =	sfence  }
0xb7: {  	s30 =	sld [smem:$0x0];
	_ =	sdelay $0x2  }
0xb8: {  	s31 =	sshll.u32 s1, $0xD;
	s1 =	sshrl.u32 s1, $0x2  }
0xb9: {  	s3 =	sand.u32 $0x4000, s31;
	s1 =	sadd.s32 s1, s30  }
0xba: {  	s0 =	sor.u32 s3, s0;
	s1 =	sshll.u32 s1, $0x11  }
0xbb: {  	s0 =	sor.u32 s1, s0  }
0xbc: {  	s0 =	sadd.s32 $0x8F2B, s0  }
0xbd: {  	[sflag:s0] =	ssyncadd.remote.s32 $0x1  }
0xbe: {  	_ =	sfence.sel $0xFFFF  }
0xbf: {  	[dreg:$0x0] =	wrdreg $0xFFFFFFFF;
	(pc) =	sbr.abs _section_cstart, $3  }
0xc0: {  	[dreg:$0x1] =	wrdreg $0xFFFFFFFF  }
0xc1: {  	_ =	task.clear_ibuf [dreg:s7], $0x2FFFF;
	_ =	strace $0x9FFFFFFF  }
0xc2: {  	(tm) =	ssettm $0x7FFFFFFF  }
0xc3: {  	_ =	shalt  }
tec
execute0_lowered:
.L_overlay_start_1:
0x0: {  	(tag) =	ssettag $0x1  }
0x1: {  	s0 =	rddreg [dreg:$0x0]  }
0x2: {  	s1 =	srdreg.scid;
	s4 =	stileid.u32  }
0x3: {  	s5 =	rddreg [dreg:$0x1];
	s2 =	simm.s32 $0x0;
	s10 =	simm.s32 $0x400  }
0x4: {  	s29 =	simm.s32 $0x5;
	s12 =	simm.s32 $0x1000;
	s9 =	simm.s32 $0x2000  }
0x5: {  	s11 =	simm.s32 $0x1180;
	s13 =	simm.s32 $0x2180;
	s14 =	simm.s32 $0x1200  }
0x6: {  	s15 =	simm.s32 $0x2200;
	s16 =	simm.s32 $0x1280;
	s17 =	simm.s32 $0x2280  }
0x7: {  	s18 =	simm.s32 $0x1300;
	s19 =	simm.s32 $0x2300;
	s20 =	simm.s32 $0x1380  }
0x8: {  	s21 =	simm.s32 $0x2380;
	s22 =	simm.s32 $0x1;
	s23 =	simm.s32 $0x3  }
0x9: {  	s28 =	simm.s32 $0x0;
	s1 =	sand.u32 $0x1, s1;
	s3 =	sshll.u32 s4, $0x1  }
0xa: {  	[smem:$0x7FF] =	sst s2;
	s24 =	sshll.u32 s4, $0x7;
	s6 =	sor.u32 s1, s3  }
0xb: {  	_ =	strace $0x80000047;
	s3 =	sadd.s32 $0x1000, s0;
	s1 =	ssub.s32 $0x2, s1  }
0xc: {  	s25 =	sshll.u32 s6, $0x4;
	s8 =	sshrl.u32 s1, $0x1;
	s31 =	sshll.u32 s6, $0x6  }
0xd: {  	s6 =	simm.s32 $0x1080;
	s4 =	sor.u32 s24, s25;
	s26 =	ssub.s32 s1, s8  }
0xe: {  	s1 =	sadd.s32 s5, s31;
	s8 =	simm.s32 $0x1100;
	s5 =	simm.s32 $0x2100  }
.Ltmp0:
0xf: {  	vm0 =	vmmov $0x1;
	vm1 =	vmmov $0x3;
	vm2 =	vmmov $0x7;
	s24 =	simm.s32 $0x2;
	s7 =	sand.u32 $0x670, s4;
	(pc) =	sbr.rel .LBB2_1-.Ltmp0, $4  }
0x10: {  	vm3 =	vmmov $0xf;
	vm4 =	vmmov $0x1f;
	vm5 =	vmmov $0x3f;
	s25 =	simm.s32 $0x4;
	[dreg:$0x5] =	wrdreg s1;
	s7 =	sadd.s32 s0, s7  }
0x11: {  	vm6 =	vmmov $0x7f;
	vm7 =	vmmov $0xff;
	vm8 =	vmmov $0x1ff;
	s4 =	sadd.s32 $0xF43400, s0;
	s0 =	smax.u32 s26, $0x1;
	[dreg:$0x3] =	wrdreg s7  }
0x12: {  	vm9 =	vmmov $0x3ff;
	vm10 =	vmmov $0x7ff;
	vm11 =	vmmov $0xfff;
	s1 =	simm.s32 $0xF80;
	s30 =	sadd.s32 $0x800, s7;
	[dreg:$0x6] =	wrdreg s0  }
0x13: {  	vm12 =	vmmov $0x1fff;
	vm13 =	vmmov $0x3fff;
	vm14 =	vmmov $0x7fff;
	s0 =	simm.s32 $0x1F80;
	s7 =	simm.s32 $0x2080;
	[dreg:$0x4] =	wrdreg s30  }
.LBB2_5:
0x14: {  	_ =	swait.ge [sflag:s24], $0x80  }
0x15: {  	[sflag:s24] =	ssyncset.done $0x0  }
0x16: {  	[sflag:s24] =	ssyncadd.s32 $0xFFFFFF80  }
0x17: {  	_ =	swait.ge [sflag:s25], $0x80  }
0x18: {  	[sflag:s25] =	ssyncset.done $0x0  }
0x19: {  	[sflag:s25] =	ssyncadd.s32 $0xFFFFFF80  }
0x1a: {  	_ =	swait.ge [sflag:s24], $0x80  }
0x1b: {  	[sflag:s24] =	ssyncset.done $0x0  }
0x1c: {  	[sflag:s24] =	ssyncadd.s32 $0xFFFFFF80  }
0x1d: {  	_ =	swait.ge [sflag:s25], $0x80  }
0x1e: {  	[sflag:s25] =	ssyncset.done $0x0  }
0x1f: {  	[sflag:s25] =	ssyncadd.s32 $0xFFFFFF80  }
0x20: {  	_ =	swait.ge [sflag:s24], $0x80  }
0x21: {  	[sflag:s24] =	ssyncset.done $0x0  }
0x22: {  	[sflag:s24] =	ssyncadd.s32 $0xFFFFFF80  }
0x23: {  	_ =	swait.ge [sflag:s25], $0x80  }
0x24: {  	[sflag:s25] =	ssyncset.done $0x0  }
0x25: {  	[sflag:s25] =	ssyncadd.s32 $0xFFFFFF80  }
0x26: {  	_ =	swait.ge [sflag:s24], $0x80  }
0x27: {  	[sflag:s24] =	ssyncset.done $0x0  }
0x28: {  	[sflag:s24] =	ssyncadd.s32 $0xFFFFFF80  }
0x29: {  	_ =	swait.ge [sflag:s25], $0x80  }
0x2a: {  	[sflag:s25] =	ssyncset.done $0x0  }
0x2b: {  	[sflag:s25] =	ssyncadd.s32 $0xFFFFFF80  }
0x2c: {  	_ =	swait.ge [sflag:s24], $0x80  }
0x2d: {  	[sflag:s24] =	ssyncset.done $0x0  }
0x2e: {  	[sflag:s24] =	ssyncadd.s32 $0xFFFFFF80  }
0x2f: {  	_ =	swait.ge [sflag:s25], $0x80  }
0x30: {  	[sflag:s25] =	ssyncset.done $0x0  }
0x31: {  	[sflag:s25] =	ssyncadd.s32 $0xFFFFFF80  }
0x32: {  	_ =	swait.ge [sflag:s24], $0x80  }
0x33: {  	[sflag:s24] =	ssyncset.done $0x0  }
0x34: {  	[sflag:s24] =	ssyncadd.s32 $0xFFFFFF80  }
0x35: {  	_ =	swait.ge [sflag:s25], $0x80  }
0x36: {  	[sflag:s25] =	ssyncset.done $0x0  }
0x37: {  	[sflag:s25] =	ssyncadd.s32 $0xFFFFFF80  }
0x38: {  	_ =	swait.ge [sflag:s24], $0x80  }
0x39: {  	[sflag:s24] =	ssyncset.done $0x0  }
0x3a: {  	[sflag:s24] =	ssyncadd.s32 $0xFFFFFF80  }
0x3b: {  	_ =	swait.ge [sflag:s25], $0x80  }
0x3c: {  	[sflag:s25] =	ssyncset.done $0x0  }
0x3d: {  	[sflag:s25] =	ssyncadd.s32 $0xFFFFFF80  }
0x3e: {  	_ =	swait.ge [sflag:s24], $0x80  }
0x3f: {  	[sflag:s24] =	ssyncset.done $0x0  }
0x40: {  	[sflag:s24] =	ssyncadd.s32 $0xFFFFFF80  }
0x41: {  	_ =	swait.ge [sflag:s25], $0x80  }
0x42: {  	[sflag:s25] =	ssyncset.done $0x0  }
0x43: {  	[sflag:s25] =	ssyncadd.s32 $0xFFFFFF80  }
0x44: {  	_ =	swait.ge [sflag:s24], $0x80  }
0x45: {  	[sflag:s24] =	ssyncset.done $0x0  }
0x46: {  	[sflag:s24] =	ssyncadd.s32 $0xFFFFFF80  }
0x47: {  	_ =	swait.ge [sflag:s25], $0x80  }
0x48: {  	[sflag:s25] =	ssyncset.done $0x0  }
0x49: {  	[sflag:s25] =	ssyncadd.s32 $0xFFFFFF80  }
0x4a: {  	_ =	swait.ge [sflag:s24], $0x80  }
0x4b: {  	[sflag:s24] =	ssyncset.done $0x0  }
0x4c: {  	[sflag:s24] =	ssyncadd.s32 $0xFFFFFF80  }
0x4d: {  	_ =	swait.ge [sflag:s25], $0x80  }
0x4e: {  	[sflag:s25] =	ssyncset.done $0x0  }
0x4f: {  	[sflag:s25] =	ssyncadd.s32 $0xFFFFFF80  }
0x50: {  	_ =	swait.ge [sflag:s24], $0x80  }
0x51: {  	[sflag:s24] =	ssyncset.done $0x0  }
0x52: {  	[sflag:s24] =	ssyncadd.s32 $0xFFFFFF80  }
0x53: {  	_ =	swait.ge [sflag:s25], $0x80  }
0x54: {  	[sflag:s25] =	ssyncset.done $0x0  }
0x55: {  	[sflag:s25] =	ssyncadd.s32 $0xFFFFFF80  }
0x56: {  	_ =	swait.ge [sflag:s24], $0x80  }
0x57: {  	[sflag:s24] =	ssyncset.done $0x0  }
0x58: {  	[sflag:s24] =	ssyncadd.s32 $0xFFFFFF80  }
0x59: {  	_ =	swait.ge [sflag:s25], $0x80  }
0x5a: {  	[sflag:s25] =	ssyncset.done $0x0  }
0x5b: {  	[sflag:s25] =	ssyncadd.s32 $0xFFFFFF80  }
0x5c: {  	_ =	swait.ge [sflag:s24], $0x80  }
0x5d: {  	[sflag:s24] =	ssyncset.done $0x0  }
0x5e: {  	[sflag:s24] =	ssyncadd.s32 $0xFFFFFF80  }
0x5f: {  	_ =	swait.ge [sflag:s25], $0x80  }
0x60: {  	[sflag:s25] =	ssyncset.done $0x0  }
0x61: {  	[sflag:s25] =	ssyncadd.s32 $0xFFFFFF80  }
0x62: {  	_ =	swait.ge [sflag:s24], $0x80  }
0x63: {  	[sflag:s24] =	ssyncset.done $0x0  }
0x64: {  	[sflag:s24] =	ssyncadd.s32 $0xFFFFFF80  }
0x65: {  	_ =	swait.ge [sflag:s25], $0x80  }
0x66: {  	[sflag:s25] =	ssyncset.done $0x0  }
0x67: {  	[sflag:s25] =	ssyncadd.s32 $0xFFFFFF80  }
0x68: {  	_ =	swait.ge [sflag:s24], $0x80  }
0x69: {  	[sflag:s24] =	ssyncset.done $0x0  }
0x6a: {  	[sflag:s24] =	ssyncadd.s32 $0xFFFFFF80  }
0x6b: {  	_ =	swait.ge [sflag:s25], $0x80  }
0x6c: {  	[sflag:s25] =	ssyncset.done $0x0  }
0x6d: {  	[sflag:s25] =	ssyncadd.s32 $0xFFFFFF80  }
0x6e: {  	_ =	swait.ge [sflag:s24], $0x80  }
0x6f: {  	[sflag:s24] =	ssyncset.done $0x0  }
0x70: {  	[sflag:s24] =	ssyncadd.s32 $0xFFFFFF80  }
0x71: {  	_ =	swait.ge [sflag:s25], $0x80  }
0x72: {  	[sflag:s25] =	ssyncset.done $0x0  }
0x73: {  	[sflag:s25] =	ssyncadd.s32 $0xFFFFFF80  }
0x74: {  	v0 =	vld [tilespmem:$0xC00]  }
0x75: {  	v1 =	vld [tilespmem:$0xC10]  }
0x76: {  	v2 =	vld [tilespmem:$0x1C00]  }
0x77: {  	v3 =	vld [tilespmem:$0x1C10]  }
0x78: {  	v4 =	vld [tilespmem:$0xC80]  }
0x79: {  	v5 =	vld [tilespmem:$0xC90]  }
0x7a: {  	v6 =	vld [tilespmem:$0x1C80]  }
0x7b: {  	v7 =	vld [tilespmem:$0x1C90]  }
0x7c: {  	v8 =	vld [tilespmem:$0xD00]  }
0x7d: {  	v9 =	vld [tilespmem:$0xD10]  }
0x7e: {  	v10 =	vld [tilespmem:$0x1D00]  }
0x7f: {  	v11 =	vld [tilespmem:$0x1D10]  }
0x80: {  	v12 =	vld [tilespmem:$0xD80]  }
0x81: {  	v13 =	vld [tilespmem:$0xD90]  }
0x82: {  	v14 =	vld [tilespmem:$0x1D80]  }
0x83: {  	v15 =	vld [tilespmem:$0x1D90]  }
0x84: {  	v16 =	vld [tilespmem:$0xE00]  }
0x85: {  	v17 =	vld [tilespmem:$0xE10]  }
0x86: {  	v18 =	vld [tilespmem:$0x1E00]  }
0x87: {  	v19 =	vld [tilespmem:$0x1E10]  }
0x88: {  	v20 =	vld [tilespmem:$0xE80]  }
0x89: {  	v21 =	vld [tilespmem:$0xE90]  }
0x8a: {  	v22 =	vld [tilespmem:$0x1E80]  }
0x8b: {  	v23 =	vld [tilespmem:$0x1E90]  }
0x8c: {  	v24 =	vld [tilespmem:$0xF00]  }
0x8d: {  	v25 =	vld [tilespmem:$0xF10]  }
0x8e: {  	v26 =	vld [tilespmem:$0x1F00]  }
0x8f: {  	v27 =	vld [tilespmem:$0x1F10]  }
0x90: {  	v28 =	vld [tilespmem:$0xF80]  }
0x91: {  	v29 =	vld [tilespmem:$0xF90]  }
0x92: {  	v30 =	vld [tilespmem:$0x1F80]  }
0x93: {  	v31 =	vld [tilespmem:$0x1F90]  }
0x94: {  	v32 =	vld [tilespmem:$0x1000]  }
0x95: {  	v33 =	vld [tilespmem:$0x1010]  }
0x96: {  	v34 =	vld [tilespmem:$0x2000]  }
0x97: {  	v35 =	vld [tilespmem:$0x2010]  }
0x98: {  	v36 =	vld [tilespmem:$0x1080]  }
0x99: {  	v37 =	vld [tilespmem:$0x1090]  }
0x9a: {  	v38 =	vld [tilespmem:$0x2080]  }
0x9b: {  	v39 =	vld [tilespmem:$0x2090]  }
0x9c: {  	v40 =	vld [tilespmem:$0x1100]  }
0x9d: {  	v41 =	vld [tilespmem:$0x1110]  }
0x9e: {  	v42 =	vld [tilespmem:$0x2100]  }
0x9f: {  	v43 =	vld [tilespmem:$0x2110]  }
0xa0: {  	v44 =	vld [tilespmem:$0x1180]  }
0xa1: {  	v45 =	vld [tilespmem:$0x1190]  }
0xa2: {  	v46 =	vld [tilespmem:$0x2180]  }
0xa3: {  	v47 =	vld [tilespmem:$0x2190]  }
0xa4: {  	v48 =	vld [tilespmem:$0x1200]  }
0xa5: {  	v49 =	vld [tilespmem:$0x1210]  }
0xa6: {  	v50 =	vld [tilespmem:$0x2200]  }
0xa7: {  	v51 =	vld [tilespmem:$0x2300];
	v0 =	vmul.f32 v2, v0;
	v1 =	vmul.f32 v3, v1  }
0xa8: {  	v55 =	vld [tilespmem:$0x2310];
	v60 =	vmul.f32 v6, v4;
	v61 =	vmul.f32 v7, v5  }
0xa9: {  	v2 =	vld [tilespmem:$0x2210];
	v62 =	vmul.f32 v10, v8;
	v63 =	vmul.f32 v11, v9;
	v0 =	vadd.f32 v1, v0  }
0xaa: {  	v5 =	vld [tilespmem:$0x1280];
	v12 =	vmul.f32 v14, v12;
	v14 =	vmul.f32 v15, v13;
	v3 =	vadd.f32 v61, v60  }
0xab: {  	v7 =	vld [tilespmem:$0x1290];
	v16 =	vmul.f32 v18, v16;
	v18 =	vmul.f32 v19, v17;
	v15 =	vadd.f32 v63, v62;
	(xrf2) =	vadd.scan.msk.f32 $0xffff, v0  }
0xac: {  	v9 =	vld [tilespmem:$0x2280];
	v20 =	vmul.f32 v22, v20;
	v22 =	vmul.f32 v23, v21;
	v19 =	vadd.f32 v14, v12;
	(xrf2) =	vadd.scan.msk.f32 $0xffff, v3  }
0xad: {  	v10 =	vld [tilespmem:$0x2290];
	v24 =	vmul.f32 v26, v24;
	v26 =	vmul.f32 v27, v25;
	v23 =	vadd.f32 v18, v16;
	(xrf2) =	vadd.scan.msk.f32 $0xffff, v15  }
0xae: {  	v11 =	vld [tilespmem:$0x1300];
	v30 =	vmul.f32 v30, v28;
	v31 =	vmul.f32 v31, v29;
	v27 =	vadd.f32 v22, v20;
	(xrf2) =	vadd.scan.msk.f32 $0xffff, v19  }
0xaf: {  	v53 =	vmul.f32 v34, v32;
	v54 =	vmul.f32 v35, v33;
	v12 =	vld [tilespmem:$0x1310];
	v52 =	vadd.f32 v26, v24;
	(xrf2) =	vadd.scan.msk.f32 $0xffff, v23  }
0xb0: {  	v57 =	vmul.f32 v38, v36;
	v58 =	vmul.f32 v39, v37;
	v56 =	vadd.f32 v31, v30;
	v63 =	vld [tilespmem:$0x1390];
	(xrf2) =	vadd.scan.msk.f32 $0xffff, v27  }
0xb1: {  	v60 =	vadd.f32 v54, v53;
	v61 =	vmul.f32 v42, v40;
	v62 =	vmul.f32 v43, v41;
	v26 =	vld [tilespmem:$0x2390];
	(xrf2) =	vadd.scan.msk.f32 $0xffff, v52  }
0xb2: {  	v59 =	vld [tilespmem:$0x1380];
	v21 =	vmul.f32 v46, v44;
	v20 =	vadd.f32 v58, v57;
	v22 =	vmul.f32 v47, v45;
	(xrf2) =	vadd.scan.msk.f32 $0xffff, v56  }
0xb3: {  	v25 =	vmul.f32 v50, v48;
	v24 =	vadd.f32 v62, v61;
	v2 =	vmul.f32 v2, v49;
	v23 =	vld [tilespmem:$0x2380];
	(xrf2) =	vadd.scan.msk.f32 $0xffff, v60  }
0xb4: {  	v28 =	vmul.f32 v9, v5;
	v29 =	vmul.f32 v10, v7;
	v27 =	vadd.f32 v22, v21;
	(xrf2) =	vadd.scan.msk.f32 $0xffff, v20  }
0xb5: {  	v32 =	vmul.f32 v51, v11;
	v31 =	vadd.f32 v2, v25;
	v33 =	vmul.f32 v55, v12;
	v30, _, _ =	vpop (xrf2);
	(xrf2) =	vadd.scan.msk.f32 $0xffff, v24  }
0xb6: {  	v4 =	vadd.f32 v29, v28;
	v41 =	vmul.f32 v26, v63;
	v34, _, _ =	vpop (xrf2);
	(xrf2) =	vadd.scan.msk.f32 $0xffff, v27  }
0xb7: {  	v37 =	vadd.f32 v33, v32;
	v35 =	vbroadcast v30, $0xF;
	v36, _, _ =	vpop (xrf2);
	(xrf2) =	vadd.scan.msk.f32 $0xffff, v31;
	v38 =	vbroadcast v34, $0xF  }
0xb8: {  	v39 =	vmul.f32 v23, v59;
	v40, _, _ =	vpop (xrf2);
	(xrf2) =	vadd.scan.msk.f32 $0xffff, v4;
	v5 =	vbroadcast v36, $0xF  }
0xb9: {  	v1 =	vsel vm0, v35, v38;
	v42 =	vbroadcast v40, $0xF;
	v43, _, _ =	vpop (xrf2);
	(xrf2) =	vadd.scan.msk.f32 $0xffff, v37  }
0xba: {  	v2 =	vadd.f32 v41, v39;
	v44, _, _ =	vpop (xrf2);
	v1 =	vsel vm1, v1, v5;
	v45 =	vbroadcast v43, $0xF  }
0xbb: {  	v46, _, _ =	vpop (xrf2);
	v1 =	vsel vm2, v1, v42;
	v0 =	vbroadcast v44, $0xF  }
0xbc: {  	(xrf2) =	vadd.scan.msk.f32 $0xffff, v2;
	v1 =	vsel vm3, v1, v45;
	v47 =	vbroadcast v46, $0xF;
	v48, _, _ =	vpop (xrf2)  }
0xbd: {  	v49, _, _ =	vpop (xrf2);
	v0 =	vsel vm4, v1, v0;
	v50 =	vbroadcast v48, $0xF  }
0xbe: {  	v51, _, _ =	vpop (xrf2);
	v0 =	vsel vm5, v0, v47;
	v2 =	vbroadcast v49, $0xF  }
0xbf: {  	v52, _, _ =	vpop (xrf2);
	v0 =	vsel vm6, v0, v50;
	v53 =	vbroadcast v51, $0xF  }
0xc0: {  	v54, _, _ =	vpop (xrf2);
	v0 =	vsel vm7, v0, v2;
	v55 =	vbroadcast v52, $0xF  }
0xc1: {  	v56, _, _ =	vpop (xrf2);
	v0 =	vsel vm8, v0, v53;
	v57 =	vbroadcast v54, $0xF  }
0xc2: {  	v58, _, _ =	vpop (xrf2);
	v0 =	vsel vm9, v0, v55;
	v59 =	vbroadcast v56, $0xF  }
0xc3: {  	v60, _, _ =	vpop (xrf2);
	v0 =	vsel vm10, v0, v57;
	v61 =	vbroadcast v58, $0xF  }
0xc4: {  	v0 =	vsel vm11, v0, v59;
	v62 =	vbroadcast v60, $0xF  }
0xc5: {  	v0 =	vsel vm12, v0, v61  }
0xc6: {  	v63, _, _ =	vpop (xrf2);
	v0 =	vsel vm13, v0, v62  }
0xc7: {  	v0 =	vsel vm14, v0, v63  }
0xc8: {  	s28 =	simm.s32 $0x2400;
	s29 =	simm.s32 $0x5;
	s26 =	rddreg [dreg:$0x5];
	[tilespmem:$0x25F0] =	vst v0  }
0xc9: {  	[hbm4b:s26+s2] =	stream.linear.scatter [tilespmem:s28], [sflag:$0x5], $0x200, $0x38;
	[tilespmem:$0x2600] =	vst v63  }
0xca: {  	_ =	swait.ge [sflag:s29], $0x200  }
0xcb: {  	s28 =	rddreg [dreg:$0x7]  }
0xcc: {  	s31 =	rddreg [dreg:$0x6];
	s28 =	sadd.s32 $0x1, s28  }
0xcd: {  	p0 =	sne.s32 s28, s31  }
.Ltmp1:
0xce: {  	_ = 	snop;
	(pc) =	sbr.rel @!p0 .LBB2_6-.Ltmp1, $3  }
0xcf: {  	_ =	sdelay $0x1  }
0xd0: {  	[sflag:s29] =	ssyncset.done $0x0  }
0xd1: {  	[sflag:s29] =	ssyncadd.s32 $0xFFFFFE00  }
.LBB2_1:
0xd2: {  	[dreg:$0x7] =	wrdreg s28  }
0xd3: {  	s26 =	rddreg [dreg:$0x4];
	s28 =	simm.s32 $0x80  }
0xd4: {  	[tilespmem:s2], [sflag:$0x5] =	stream.strided.gather [hbm4b:s26+s28], $0x200, s10, s28, $0x38;
	[tilespmem:$0x2600] =	vst v63  }
0xd5: {  	_ =	swait.ge [sflag:s29], $0x200  }
0xd6: {  	s30 =	simm.s32 $0x200;
	[sflag:s29] =	ssyncset.done $0x0  }
.Ltmp2:
0xd7: {  	s31 =	rddreg [dreg:$0x3];
	[sflag:s29] =	ssyncadd.s32 $0xFFFFFE00;
	(pc) =	sbr.rel .LBB2_2-.Ltmp2, $4  }
0xd8: {  	[tilespmem:s30], [sflag:$0x5] =	stream.strided.gather [hbm4b:s31+s28], $0x200, s10, s28, $0x38;
	[tilespmem:$0x2600] =	vst v63  }
0xd9: {  	_ =	swait.ge [sflag:s29], $0x200  }
0xda: {  	[sflag:s29] =	ssyncset.done $0x0  }
0xdb: {  	s26 =	simm.s32 $0x0;
	s30 =	simm.s32 $0x1400;
	[sflag:s29] =	ssyncadd.s32 $0xFFFFFE00  }
.LBB2_4:
0xdc: {  	v0 =	vld [tilespmem:s28+$0x10];
	_ =	sdelay $0x3  }
0xdd: {  	v2 =	vld [tilespmem:s28+$0x210]  }
0xde: {  	v1 =	vshll.u32 v0, $0x4  }
0xdf: {  	(v2sf) =	vpush v1, $0x0;
	_ =	sdelay $0x2  }
0xe0: {  	v56 =	vshll.u32 v2, $0x4  }
0xe1: {  	(v2sf) =	vpush v56, $0x0;
	_ =	sdelay $0x3  }
0xe2: {  	(v2sf) =	vpush v1, $0x1;
	_ =	sdelay $0x3  }
0xe3: {  	(v2sf) =	vpush v56, $0x1;
	_ =	sdelay $0x2  }
0xe4: {  	s29 =	spop (v2sf)  }
0xe5: {  	(v2sf) =	vpush v1, $0x2;
	s29 =	sand.u32 $0x1FFFFFF0, s29  }
0xe6: {  	s31 =	simm.s32 $0xC00;
	s29 =	sadd.s32 s3, s29  }
0xe7: {  	[tilespmem:s31], [sflag:$0x2] =	stream.linear.gather [hbm4b:s29+s2], $0x80, $0x38;
	[tilespmem:$0x2600] =	vst v63  }
0xe8: {  	s31 =	spop (v2sf)  }
0xe9: {  	(v2sf) =	vpush v56, $0x2;
	s29 =	sand.u32 $0x1FFFFFF0, s31  }
0xea: {  	s31 =	simm.s32 $0x1C00;
	s29 =	sadd.s32 s4, s29  }
0xeb: {  	[tilespmem:s31], [sflag:$0x4] =	stream.linear.gather [hbm4b:s29+s2], $0x80, $0x38;
	[tilespmem:$0x2600] =	vst v63  }
0xec: {  	s31 =	spop (v2sf)  }
0xed: {  	(v2sf) =	vpush v1, $0x3;
	s29 =	sand.u32 $0x1FFFFFF0, s31  }
0xee: {  	s31 =	simm.s32 $0xC80;
	s29 =	sadd.s32 s3, s29  }
0xef: {  	[tilespmem:s31], [sflag:$0x2] =	stream.linear.gather [hbm4b:s29+s2], $0x80, $0x38;
	[tilespmem:$0x2600] =	vst v63  }
0xf0: {  	s31 =	spop (v2sf)  }
0xf1: {  	(v2sf) =	vpush v56, $0x3;
	s29 =	sand.u32 $0x1FFFFFF0, s31  }
0xf2: {  	s31 =	simm.s32 $0x1C80;
	s29 =	sadd.s32 s4, s29  }
0xf3: {  	[tilespmem:s31], [sflag:$0x4] =	stream.linear.gather [hbm4b:s29+s2], $0x80, $0x38;
	[tilespmem:$0x2600] =	vst v63  }
0xf4: {  	s31 =	spop (v2sf)  }
0xf5: {  	(v2sf) =	vpush v1, $0x4;
	s29 =	sand.u32 $0x1FFFFFF0, s31  }
0xf6: {  	s31 =	simm.s32 $0xD00;
	s29 =	sadd.s32 s3, s29  }
0xf7: {  	[tilespmem:s31], [sflag:$0x2] =	stream.linear.gather [hbm4b:s29+s2], $0x80, $0x38;
	[tilespmem:$0x2600] =	vst v63  }
0xf8: {  	s31 =	spop (v2sf)  }
0xf9: {  	(v2sf) =	vpush v56, $0x4;
	s29 =	sand.u32 $0x1FFFFFF0, s31  }
0xfa: {  	s31 =	simm.s32 $0x1D00;
	s29 =	sadd.s32 s4, s29  }
0xfb: {  	[tilespmem:s31], [sflag:$0x4] =	stream.linear.gather [hbm4b:s29+s2], $0x80, $0x38;
	[tilespmem:$0x2600] =	vst v63  }
0xfc: {  	s31 =	spop (v2sf)  }
0xfd: {  	(v2sf) =	vpush v1, $0x5;
	s29 =	sand.u32 $0x1FFFFFF0, s31  }
0xfe: {  	s31 =	simm.s32 $0xD80;
	s29 =	sadd.s32 s3, s29  }
0xff: {  	[tilespmem:s31], [sflag:$0x2] =	stream.linear.gather [hbm4b:s29+s2], $0x80, $0x38;
	[tilespmem:$0x2600] =	vst v63  }
0x100: {  	s31 =	spop (v2sf)  }
0x101: {  	(v2sf) =	vpush v56, $0x5;
	s29 =	sand.u32 $0x1FFFFFF0, s31  }
0x102: {  	s31 =	simm.s32 $0x1D80;
	s29 =	sadd.s32 s4, s29  }
0x103: {  	[tilespmem:s31], [sflag:$0x4] =	stream.linear.gather [hbm4b:s29+s2], $0x80, $0x38;
	[tilespmem:$0x2600] =	vst v63  }
0x104: {  	s31 =	spop (v2sf)  }
0x105: {  	(v2sf) =	vpush v1, $0x6;
	s29 =	sand.u32 $0x1FFFFFF0, s31  }
0x106: {  	s31 =	simm.s32 $0xE00;
	s29 =	sadd.s32 s3, s29  }
0x107: {  	[tilespmem:s31], [sflag:$0x2] =	stream.linear.gather [hbm4b:s29+s2], $0x80, $0x38;
	[tilespmem:$0x2600] =	vst v63  }
0x108: {  	s31 =	spop (v2sf)  }
0x109: {  	(v2sf) =	vpush v56, $0x6;
	s29 =	sand.u32 $0x1FFFFFF0, s31  }
0x10a: {  	s31 =	simm.s32 $0x1E00;
	s29 =	sadd.s32 s4, s29  }
0x10b: {  	[tilespmem:s31], [sflag:$0x4] =	stream.linear.gather [hbm4b:s29+s2], $0x80, $0x38;
	[tilespmem:$0x2600] =	vst v63  }
0x10c: {  	s31 =	spop (v2sf)  }
0x10d: {  	(v2sf) =	vpush v1, $0x7;
	s29 =	sand.u32 $0x1FFFFFF0, s31  }
0x10e: {  	s31 =	simm.s32 $0xE80;
	s29 =	sadd.s32 s3, s29  }
0x10f: {  	[tilespmem:s31], [sflag:$0x2] =	stream.linear.gather [hbm4b:s29+s2], $0x80, $0x38;
	[tilespmem:$0x2600] =	vst v63  }
0x110: {  	s31 =	spop (v2sf)  }
0x111: {  	(v2sf) =	vpush v56, $0x7;
	s29 =	sand.u32 $0x1FFFFFF0, s31  }
0x112: {  	s31 =	simm.s32 $0x1E80;
	s29 =	sadd.s32 s4, s29  }
0x113: {  	[tilespmem:s31], [sflag:$0x4] =	stream.linear.gather [hbm4b:s29+s2], $0x80, $0x38;
	[tilespmem:$0x2600] =	vst v63  }
0x114: {  	s31 =	spop (v2sf)  }
0x115: {  	(v2sf) =	vpush v1, $0x8;
	s29 =	sand.u32 $0x1FFFFFF0, s31  }
0x116: {  	s31 =	simm.s32 $0xF00;
	s29 =	sadd.s32 s3, s29  }
0x117: {  	[tilespmem:s31], [sflag:$0x2] =	stream.linear.gather [hbm4b:s29+s2], $0x80, $0x38;
	[tilespmem:$0x2600] =	vst v63  }
0x118: {  	s31 =	spop (v2sf)  }
0x119: {  	(v2sf) =	vpush v56, $0x8;
	s29 =	sand.u32 $0x1FFFFFF0, s31  }
0x11a: {  	s31 =	simm.s32 $0x1F00;
	s29 =	sadd.s32 s4, s29  }
0x11b: {  	[tilespmem:s31], [sflag:$0x4] =	stream.linear.gather [hbm4b:s29+s2], $0x80, $0x38;
	[tilespmem:$0x2600] =	vst v63  }
0x11c: {  	s31 =	spop (v2sf)  }
0x11d: {  	(v2sf) =	vpush v1, $0x9;
	s29 =	sand.u32 $0x1FFFFFF0, s31  }
0x11e: {  	s29 =	sadd.s32 s3, s29  }
0x11f: {  	[tilespmem:s1], [sflag:$0x2] =	stream.linear.gather [hbm4b:s29+s2], $0x80, $0x38;
	[tilespmem:$0x2600] =	vst v63  }
0x120: {  	s31 =	spop (v2sf)  }
0x121: {  	(v2sf) =	vpush v56, $0x9;
	s29 =	sand.u32 $0x1FFFFFF0, s31  }
0x122: {  	s29 =	sadd.s32 s4, s29  }
0x123: {  	[tilespmem:s0], [sflag:$0x4] =	stream.linear.gather [hbm4b:s29+s2], $0x80, $0x38;
	[tilespmem:$0x2600] =	vst v63  }
0x124: {  	s31 =	spop (v2sf)  }
0x125: {  	(v2sf) =	vpush v1, $0xA;
	s29 =	sand.u32 $0x1FFFFFF0, s31  }
0x126: {  	s29 =	sadd.s32 s3, s29  }
0x127: {  	[tilespmem:s12], [sflag:$0x2] =	stream.linear.gather [hbm4b:s29+s2], $0x80, $0x38;
	[tilespmem:$0x2600] =	vst v63  }
0x128: {  	s31 =	spop (v2sf)  }
0x129: {  	(v2sf) =	vpush v56, $0xA;
	s29 =	sand.u32 $0x1FFFFFF0, s31  }
0x12a: {  	s29 =	sadd.s32 s4, s29  }
0x12b: {  	[tilespmem:s9], [sflag:$0x4] =	stream.linear.gather [hbm4b:s29+s2], $0x80, $0x38;
	[tilespmem:$0x2600] =	vst v63  }
0x12c: {  	s31 =	spop (v2sf)  }
0x12d: {  	(v2sf) =	vpush v1, $0xB;
	s29 =	sand.u32 $0x1FFFFFF0, s31  }
0x12e: {  	s29 =	sadd.s32 s3, s29  }
0x12f: {  	[tilespmem:s6], [sflag:$0x2] =	stream.linear.gather [hbm4b:s29+s2], $0x80, $0x38;
	[tilespmem:$0x2600] =	vst v63  }
0x130: {  	s31 =	spop (v2sf)  }
0x131: {  	(v2sf) =	vpush v56, $0xB;
	s29 =	sand.u32 $0x1FFFFFF0, s31  }
0x132: {  	s29 =	sadd.s32 s4, s29  }
0x133: {  	[tilespmem:s7], [sflag:$0x4] =	stream.linear.gather [hbm4b:s29+s2], $0x80, $0x38;
	[tilespmem:$0x2600] =	vst v63  }
0x134: {  	s31 =	spop (v2sf)  }
0x135: {  	(v2sf) =	vpush v1, $0xC;
	s29 =	sand.u32 $0x1FFFFFF0, s31  }
0x136: {  	s29 =	sadd.s32 s3, s29  }
0x137: {  	[tilespmem:s8], [sflag:$0x2] =	stream.linear.gather [hbm4b:s29+s2], $0x80, $0x38;
	[tilespmem:$0x2600] =	vst v63  }
0x138: {  	s31 =	spop (v2sf)  }
0x139: {  	(v2sf) =	vpush v56, $0xC;
	s29 =	sand.u32 $0x1FFFFFF0, s31  }
0x13a: {  	s29 =	sadd.s32 s4, s29  }
0x13b: {  	[tilespmem:s5], [sflag:$0x4] =	stream.linear.gather [hbm4b:s29+s2], $0x80, $0x38;
	[tilespmem:$0x2600] =	vst v63  }
0x13c: {  	s31 =	spop (v2sf)  }
0x13d: {  	(v2sf) =	vpush v1, $0xD;
	s29 =	sand.u32 $0x1FFFFFF0, s31  }
0x13e: {  	s29 =	sadd.s32 s3, s29  }
0x13f: {  	[tilespmem:s11], [sflag:$0x2] =	stream.linear.gather [hbm4b:s29+s2], $0x80, $0x38;
	[tilespmem:$0x2600] =	vst v63  }
0x140: {  	s31 =	spop (v2sf)  }
0x141: {  	(v2sf) =	vpush v56, $0xD;
	s29 =	sand.u32 $0x1FFFFFF0, s31  }
0x142: {  	s29 =	sadd.s32 s4, s29  }
0x143: {  	[tilespmem:s13], [sflag:$0x4] =	stream.linear.gather [hbm4b:s29+s2], $0x80, $0x38;
	[tilespmem:$0x2600] =	vst v63  }
0x144: {  	s31 =	spop (v2sf)  }
0x145: {  	(v2sf) =	vpush v1, $0xE;
	s29 =	sand.u32 $0x1FFFFFF0, s31  }
0x146: {  	s29 =	sadd.s32 s3, s29  }
0x147: {  	[tilespmem:s14], [sflag:$0x2] =	stream.linear.gather [hbm4b:s29+s2], $0x80, $0x38;
	[tilespmem:$0x2600] =	vst v63  }
0x148: {  	s31 =	spop (v2sf)  }
0x149: {  	(v2sf) =	vpush v56, $0xE;
	s29 =	sand.u32 $0x1FFFFFF0, s31  }
0x14a: {  	s29 =	sadd.s32 s4, s29  }
0x14b: {  	[tilespmem:s15], [sflag:$0x4] =	stream.linear.gather [hbm4b:s29+s2], $0x80, $0x38;
	[tilespmem:$0x2600] =	vst v63  }
0x14c: {  	s31 =	spop (v2sf)  }
0x14d: {  	(v2sf) =	vpush v1, $0xF;
	s29 =	sand.u32 $0x1FFFFFF0, s31  }
0x14e: {  	s29 =	sadd.s32 s3, s29  }
0x14f: {  	[tilespmem:s16], [sflag:$0x2] =	stream.linear.gather [hbm4b:s29+s2], $0x80, $0x38;
	[tilespmem:$0x2600] =	vst v63  }
0x150: {  	s31 =	spop (v2sf)  }
0x151: {  	(v2sf) =	vpush v56, $0xF;
	s29 =	sand.u32 $0x1FFFFFF0, s31  }
0x152: {  	s29 =	sadd.s32 s4, s29  }
0x153: {  	[tilespmem:s17], [sflag:$0x4] =	stream.linear.gather [hbm4b:s29+s2], $0x80, $0x38;
	[tilespmem:$0x2600] =	vst v63  }
0x154: {  	s31 =	spop (v2sf)  }
0x155: {  	s29 =	sand.u32 $0x1FFFFFF0, s31  }
0x156: {  	s29 =	sadd.s32 s3, s29  }
0x157: {  	[tilespmem:s18], [sflag:$0x2] =	stream.linear.gather [hbm4b:s29+s2], $0x80, $0x38;
	[tilespmem:$0x2600] =	vst v63  }
0x158: {  	s31 =	spop (v2sf)  }
0x159: {  	s29 =	sand.u32 $0x1FFFFFF0, s31  }
0x15a: {  	s29 =	sadd.s32 s4, s29  }
0x15b: {  	[tilespmem:s19], [sflag:$0x4] =	stream.linear.gather [hbm4b:s29+s2], $0x80, $0x38;
	[tilespmem:$0x2600] =	vst v63  }
0x15c: {  	s31 =	spop (v2sf)  }
0x15d: {  	s29 =	sand.u32 $0x1FFFFFF0, s31  }
0x15e: {  	s29 =	sadd.s32 s3, s29  }
0x15f: {  	[tilespmem:s20], [sflag:$0x2] =	stream.linear.gather [hbm4b:s29+s2], $0x80, $0x38;
	[tilespmem:$0x2600] =	vst v63  }
0x160: {  	s31 =	spop (v2sf)  }
0x161: {  	s29 =	sand.u32 $0x1FFFFFF0, s31  }
0x162: {  	s29 =	sadd.s32 s4, s29  }
0x163: {  	[tilespmem:s21], [sflag:$0x4] =	stream.linear.gather [hbm4b:s29+s2], $0x80, $0x38;
	[tilespmem:$0x2600] =	vst v63  }
0x164: {  	_ =	swait.ge [sflag:s22], $0x80  }
0x165: {  	[sflag:s22] =	ssyncset.done $0x0  }
0x166: {  	[sflag:s22] =	ssyncadd.s32 $0xFFFFFF80  }
0x167: {  	_ =	swait.ge [sflag:s23], $0x80  }
0x168: {  	[sflag:s23] =	ssyncset.done $0x0  }
0x169: {  	[sflag:s23] =	ssyncadd.s32 $0xFFFFFF80  }
0x16a: {  	_ =	swait.ge [sflag:s22], $0x80  }
0x16b: {  	[sflag:s22] =	ssyncset.done $0x0  }
0x16c: {  	[sflag:s22] =	ssyncadd.s32 $0xFFFFFF80  }
0x16d: {  	_ =	swait.ge [sflag:s23], $0x80  }
0x16e: {  	[sflag:s23] =	ssyncset.done $0x0  }
0x16f: {  	[sflag:s23] =	ssyncadd.s32 $0xFFFFFF80  }
0x170: {  	_ =	swait.ge [sflag:s22], $0x80  }
0x171: {  	[sflag:s22] =	ssyncset.done $0x0  }
0x172: {  	[sflag:s22] =	ssyncadd.s32 $0xFFFFFF80  }
0x173: {  	_ =	swait.ge [sflag:s23], $0x80  }
0x174: {  	[sflag:s23] =	ssyncset.done $0x0  }
0x175: {  	[sflag:s23] =	ssyncadd.s32 $0xFFFFFF80  }
0x176: {  	_ =	swait.ge [sflag:s22], $0x80  }
0x177: {  	[sflag:s22] =	ssyncset.done $0x0  }
0x178: {  	[sflag:s22] =	ssyncadd.s32 $0xFFFFFF80  }
0x179: {  	_ =	swait.ge [sflag:s23], $0x80  }
0x17a: {  	[sflag:s23] =	ssyncset.done $0x0  }
0x17b: {  	[sflag:s23] =	ssyncadd.s32 $0xFFFFFF80  }
0x17c: {  	_ =	swait.ge [sflag:s22], $0x80  }
0x17d: {  	[sflag:s22] =	ssyncset.done $0x0  }
0x17e: {  	[sflag:s22] =	ssyncadd.s32 $0xFFFFFF80  }
0x17f: {  	_ =	swait.ge [sflag:s23], $0x80  }
0x180: {  	[sflag:s23] =	ssyncset.done $0x0  }
0x181: {  	[sflag:s23] =	ssyncadd.s32 $0xFFFFFF80  }
0x182: {  	_ =	swait.ge [sflag:s22], $0x80  }
0x183: {  	[sflag:s22] =	ssyncset.done $0x0  }
0x184: {  	[sflag:s22] =	ssyncadd.s32 $0xFFFFFF80  }
0x185: {  	_ =	swait.ge [sflag:s23], $0x80  }
0x186: {  	[sflag:s23] =	ssyncset.done $0x0  }
0x187: {  	[sflag:s23] =	ssyncadd.s32 $0xFFFFFF80  }
0x188: {  	_ =	swait.ge [sflag:s22], $0x80  }
0x189: {  	[sflag:s22] =	ssyncset.done $0x0  }
0x18a: {  	[sflag:s22] =	ssyncadd.s32 $0xFFFFFF80  }
0x18b: {  	_ =	swait.ge [sflag:s23], $0x80  }
0x18c: {  	[sflag:s23] =	ssyncset.done $0x0  }
0x18d: {  	[sflag:s23] =	ssyncadd.s32 $0xFFFFFF80  }
0x18e: {  	_ =	swait.ge [sflag:s22], $0x80  }
0x18f: {  	[sflag:s22] =	ssyncset.done $0x0  }
0x190: {  	[sflag:s22] =	ssyncadd.s32 $0xFFFFFF80  }
0x191: {  	_ =	swait.ge [sflag:s23], $0x80  }
0x192: {  	[sflag:s23] =	ssyncset.done $0x0  }
0x193: {  	[sflag:s23] =	ssyncadd.s32 $0xFFFFFF80  }
0x194: {  	_ =	swait.ge [sflag:s22], $0x80  }
0x195: {  	[sflag:s22] =	ssyncset.done $0x0  }
0x196: {  	[sflag:s22] =	ssyncadd.s32 $0xFFFFFF80  }
0x197: {  	_ =	swait.ge [sflag:s23], $0x80  }
0x198: {  	[sflag:s23] =	ssyncset.done $0x0  }
0x199: {  	[sflag:s23] =	ssyncadd.s32 $0xFFFFFF80  }
0x19a: {  	_ =	swait.ge [sflag:s22], $0x80  }
0x19b: {  	[sflag:s22] =	ssyncset.done $0x0  }
0x19c: {  	[sflag:s22] =	ssyncadd.s32 $0xFFFFFF80  }
0x19d: {  	_ =	swait.ge [sflag:s23], $0x80  }
0x19e: {  	[sflag:s23] =	ssyncset.done $0x0  }
0x19f: {  	[sflag:s23] =	ssyncadd.s32 $0xFFFFFF80  }
0x1a0: {  	_ =	swait.ge [sflag:s22], $0x80  }
0x1a1: {  	[sflag:s22] =	ssyncset.done $0x0  }
0x1a2: {  	[sflag:s22] =	ssyncadd.s32 $0xFFFFFF80  }
0x1a3: {  	_ =	swait.ge [sflag:s23], $0x80  }
0x1a4: {  	[sflag:s23] =	ssyncset.done $0x0  }
0x1a5: {  	[sflag:s23] =	ssyncadd.s32 $0xFFFFFF80  }
0x1a6: {  	_ =	swait.ge [sflag:s22], $0x80  }
0x1a7: {  	[sflag:s22] =	ssyncset.done $0x0  }
0x1a8: {  	[sflag:s22] =	ssyncadd.s32 $0xFFFFFF80  }
0x1a9: {  	_ =	swait.ge [sflag:s23], $0x80  }
0x1aa: {  	[sflag:s23] =	ssyncset.done $0x0  }
0x1ab: {  	[sflag:s23] =	ssyncadd.s32 $0xFFFFFF80  }
0x1ac: {  	_ =	swait.ge [sflag:s22], $0x80  }
0x1ad: {  	[sflag:s22] =	ssyncset.done $0x0  }
0x1ae: {  	[sflag:s22] =	ssyncadd.s32 $0xFFFFFF80  }
0x1af: {  	_ =	swait.ge [sflag:s23], $0x80  }
0x1b0: {  	[sflag:s23] =	ssyncset.done $0x0  }
0x1b1: {  	[sflag:s23] =	ssyncadd.s32 $0xFFFFFF80  }
0x1b2: {  	_ =	swait.ge [sflag:s22], $0x80  }
0x1b3: {  	[sflag:s22] =	ssyncset.done $0x0  }
0x1b4: {  	[sflag:s22] =	ssyncadd.s32 $0xFFFFFF80  }
0x1b5: {  	_ =	swait.ge [sflag:s23], $0x80  }
0x1b6: {  	[sflag:s23] =	ssyncset.done $0x0  }
0x1b7: {  	[sflag:s23] =	ssyncadd.s32 $0xFFFFFF80  }
0x1b8: {  	_ =	swait.ge [sflag:s22], $0x80  }
0x1b9: {  	[sflag:s22] =	ssyncset.done $0x0  }
0x1ba: {  	[sflag:s22] =	ssyncadd.s32 $0xFFFFFF80  }
0x1bb: {  	_ =	swait.ge [sflag:s23], $0x80  }
0x1bc: {  	[sflag:s23] =	ssyncset.done $0x0  }
0x1bd: {  	[sflag:s23] =	ssyncadd.s32 $0xFFFFFF80  }
0x1be: {  	_ =	swait.ge [sflag:s22], $0x80  }
0x1bf: {  	[sflag:s22] =	ssyncset.done $0x0  }
0x1c0: {  	[sflag:s22] =	ssyncadd.s32 $0xFFFFFF80  }
0x1c1: {  	_ =	swait.ge [sflag:s23], $0x80  }
0x1c2: {  	[sflag:s23] =	ssyncset.done $0x0  }
0x1c3: {  	[sflag:s23] =	ssyncadd.s32 $0xFFFFFF80  }
0x1c4: {  	v57 =	vld [tilespmem:$0x400]  }
0x1c5: {  	v58 =	vld [tilespmem:$0x410]  }
0x1c6: {  	v59 =	vld [tilespmem:$0x1400]  }
0x1c7: {  	v3 =	vld [tilespmem:$0x1410]  }
0x1c8: {  	v4 =	vld [tilespmem:$0x480]  }
0x1c9: {  	v5 =	vld [tilespmem:$0x490]  }
0x1ca: {  	v6 =	vld [tilespmem:$0x1480]  }
0x1cb: {  	v7 =	vld [tilespmem:$0x1490]  }
0x1cc: {  	v8 =	vld [tilespmem:$0x500]  }
0x1cd: {  	v9 =	vld [tilespmem:$0x510]  }
0x1ce: {  	v10 =	vld [tilespmem:$0x1500]  }
0x1cf: {  	v11 =	vld [tilespmem:$0x1510]  }
0x1d0: {  	v12 =	vld [tilespmem:$0x580]  }
0x1d1: {  	v13 =	vld [tilespmem:$0x590]  }
0x1d2: {  	v14 =	vld [tilespmem:$0x1580]  }
0x1d3: {  	v15 =	vld [tilespmem:$0x1590]  }
0x1d4: {  	v16 =	vld [tilespmem:$0x600]  }
0x1d5: {  	v17 =	vld [tilespmem:$0x610]  }
0x1d6: {  	v18 =	vld [tilespmem:$0x1600]  }
0x1d7: {  	v19 =	vld [tilespmem:$0x1610]  }
0x1d8: {  	v20 =	vld [tilespmem:$0x680]  }
0x1d9: {  	v21 =	vld [tilespmem:$0x690]  }
0x1da: {  	v22 =	vld [tilespmem:$0x1680]  }
0x1db: {  	v23 =	vld [tilespmem:$0x1690]  }
0x1dc: {  	v24 =	vld [tilespmem:$0x700]  }
0x1dd: {  	v25 =	vld [tilespmem:$0x710]  }
0x1de: {  	v26 =	vld [tilespmem:$0x1700]  }
0x1df: {  	v27 =	vld [tilespmem:$0x1710]  }
0x1e0: {  	v28 =	vld [tilespmem:$0x780]  }
0x1e1: {  	v29 =	vld [tilespmem:$0x790]  }
0x1e2: {  	v30 =	vld [tilespmem:$0x1780]  }
0x1e3: {  	v31 =	vld [tilespmem:$0x1790]  }
0x1e4: {  	v32 =	vld [tilespmem:$0x800]  }
0x1e5: {  	v33 =	vld [tilespmem:$0x810]  }
0x1e6: {  	v34 =	vld [tilespmem:$0x1800]  }
0x1e7: {  	v35 =	vld [tilespmem:$0x1810]  }
0x1e8: {  	v36 =	vld [tilespmem:$0x880]  }
0x1e9: {  	v37 =	vld [tilespmem:$0x890]  }
0x1ea: {  	v38 =	vld [tilespmem:$0x1880]  }
0x1eb: {  	v39 =	vld [tilespmem:$0x1890]  }
0x1ec: {  	v40 =	vld [tilespmem:$0x900]  }
0x1ed: {  	v41 =	vld [tilespmem:$0x910]  }
0x1ee: {  	v42 =	vld [tilespmem:$0x1900]  }
0x1ef: {  	v43 =	vld [tilespmem:$0x1910]  }
0x1f0: {  	v44 =	vld [tilespmem:$0x980]  }
0x1f1: {  	v45 =	vld [tilespmem:$0x990]  }
0x1f2: {  	v46 =	vld [tilespmem:$0x1980]  }
0x1f3: {  	v47 =	vld [tilespmem:$0x1990]  }
0x1f4: {  	v48 =	vld [tilespmem:$0xA00]  }
0x1f5: {  	v49 =	vld [tilespmem:$0xA10]  }
0x1f6: {  	v50 =	vld [tilespmem:$0x1A00]  }
0x1f7: {  	v2 =	vld [tilespmem:$0x1A10];
	v0 =	vmul.f32 v59, v57;
	v1 =	vmul.f32 v3, v58  }
0x1f8: {  	v51 =	vld [tilespmem:$0x1B00];
	v60 =	vmul.f32 v6, v4;
	v61 =	vmul.f32 v7, v5  }
0x1f9: {  	v55 =	vld [tilespmem:$0x1B10];
	v62 =	vmul.f32 v10, v8;
	v63 =	vmul.f32 v11, v9;
	v0 =	vadd.f32 v1, v0  }
0x1fa: {  	v5 =	vld [tilespmem:$0xA80];
	v12 =	vmul.f32 v14, v12;
	v14 =	vmul.f32 v15, v13;
	v3 =	vadd.f32 v61, v60  }
0x1fb: {  	v7 =	vld [tilespmem:$0xA90];
	v16 =	vmul.f32 v18, v16;
	v18 =	vmul.f32 v19, v17;
	v15 =	vadd.f32 v63, v62;
	(xrf2) =	vadd.scan.msk.f32 $0xffff, v0  }
0x1fc: {  	v9 =	vld [tilespmem:$0x1A80];
	v20 =	vmul.f32 v22, v20;
	v22 =	vmul.f32 v23, v21;
	v19 =	vadd.f32 v14, v12;
	(xrf2) =	vadd.scan.msk.f32 $0xffff, v3  }
0x1fd: {  	v10 =	vld [tilespmem:$0x1A90];
	v24 =	vmul.f32 v26, v24;
	v26 =	vmul.f32 v27, v25;
	v23 =	vadd.f32 v18, v16;
	(xrf2) =	vadd.scan.msk.f32 $0xffff, v15  }
0x1fe: {  	v11 =	vld [tilespmem:$0xB00];
	v30 =	vmul.f32 v30, v28;
	v31 =	vmul.f32 v31, v29;
	v27 =	vadd.f32 v22, v20;
	(xrf2) =	vadd.scan.msk.f32 $0xffff, v19  }
0x1ff: {  	v53 =	vmul.f32 v34, v32;
	v54 =	vmul.f32 v35, v33;
	v12 =	vld [tilespmem:$0xB10];
	v52 =	vadd.f32 v26, v24;
	(xrf2) =	vadd.scan.msk.f32 $0xffff, v23  }
0x200: {  	v57 =	vmul.f32 v38, v36;
	v58 =	vmul.f32 v39, v37;
	v56 =	vadd.f32 v31, v30;
	v63 =	vld [tilespmem:$0xB90];
	(xrf2) =	vadd.scan.msk.f32 $0xffff, v27  }
0x201: {  	v60 =	vadd.f32 v54, v53;
	v61 =	vmul.f32 v42, v40;
	v62 =	vmul.f32 v43, v41;
	v26 =	vld [tilespmem:$0x1B90];
	(xrf2) =	vadd.scan.msk.f32 $0xffff, v52  }
0x202: {  	v59 =	vld [tilespmem:$0xB80];
	v21 =	vmul.f32 v46, v44;
	v20 =	vadd.f32 v58, v57;
	v22 =	vmul.f32 v47, v45;
	(xrf2) =	vadd.scan.msk.f32 $0xffff, v56  }
0x203: {  	v25 =	vmul.f32 v50, v48;
	v2 =	vmul.f32 v2, v49;
	v24 =	vadd.f32 v62, v61;
	v23 =	vld [tilespmem:$0x1B80];
	(xrf2) =	vadd.scan.msk.f32 $0xffff, v60  }
0x204: {  	v28 =	vmul.f32 v9, v5;
	v29 =	vmul.f32 v10, v7;
	v27 =	vadd.f32 v22, v21;
	(xrf2) =	vadd.scan.msk.f32 $0xffff, v20  }
0x205: {  	v31 =	vadd.f32 v2, v25;
	v32 =	vmul.f32 v51, v11;
	v33 =	vmul.f32 v55, v12;
	v30, _, _ =	vpop (xrf2);
	(xrf2) =	vadd.scan.msk.f32 $0xffff, v24  }
0x206: {  	v4 =	vadd.f32 v29, v28;
	v41 =	vmul.f32 v26, v63;
	v34, _, _ =	vpop (xrf2);
	(xrf2) =	vadd.scan.msk.f32 $0xffff, v27  }
0x207: {  	v37 =	vadd.f32 v33, v32;
	v35 =	vbroadcast v30, $0xF;
	v36, _, _ =	vpop (xrf2);
	(xrf2) =	vadd.scan.msk.f32 $0xffff, v31;
	v38 =	vbroadcast v34, $0xF  }
0x208: {  	v39 =	vmul.f32 v23, v59;
	v40, _, _ =	vpop (xrf2);
	(xrf2) =	vadd.scan.msk.f32 $0xffff, v4;
	v5 =	vbroadcast v36, $0xF  }
0x209: {  	v1 =	vsel vm0, v35, v38;
	v42 =	vbroadcast v40, $0xF;
	v43, _, _ =	vpop (xrf2);
	(xrf2) =	vadd.scan.msk.f32 $0xffff, v37  }
0x20a: {  	v2 =	vadd.f32 v41, v39;
	v44, _, _ =	vpop (xrf2);
	v1 =	vsel vm1, v1, v5;
	v45 =	vbroadcast v43, $0xF  }
0x20b: {  	v46, _, _ =	vpop (xrf2);
	v1 =	vsel vm2, v1, v42;
	v0 =	vbroadcast v44, $0xF  }
0x20c: {  	(xrf2) =	vadd.scan.msk.f32 $0xffff, v2;
	v1 =	vsel vm3, v1, v45;
	v47 =	vbroadcast v46, $0xF;
	v48, _, _ =	vpop (xrf2)  }
0x20d: {  	v49, _, _ =	vpop (xrf2);
	v0 =	vsel vm4, v1, v0;
	v50 =	vbroadcast v48, $0xF  }
0x20e: {  	v51, _, _ =	vpop (xrf2);
	v0 =	vsel vm5, v0, v47;
	v2 =	vbroadcast v49, $0xF  }
0x20f: {  	v52, _, _ =	vpop (xrf2);
	v0 =	vsel vm6, v0, v50;
	v53 =	vbroadcast v51, $0xF  }
0x210: {  	v54, _, _ =	vpop (xrf2);
	v0 =	vsel vm7, v0, v2;
	v55 =	vbroadcast v52, $0xF  }
0x211: {  	v56, _, _ =	vpop (xrf2);
	v0 =	vsel vm8, v0, v53;
	v57 =	vbroadcast v54, $0xF  }
0x212: {  	s26 =	sadd.s32 $0x80, s26;
	v58, _, _ =	vpop (xrf2);
	v0 =	vsel vm9, v0, v55;
	v59 =	vbroadcast v56, $0xF  }
0x213: {  	p0 =	sne.s32 s26, $0x800;
	v60, _, _ =	vpop (xrf2);
	v0 =	vsel vm10, v0, v57;
	v61 =	vbroadcast v58, $0xF  }
.Ltmp3:
0x214: {  	v0 =	vsel vm11, v0, v59;
	v62 =	vbroadcast v60, $0xF;
	(pc) =	sbr.rel @!p0 .LBB2_5-.Ltmp3, $4  }
0x215: {  	v0 =	vsel vm12, v0, v61  }
0x216: {  	v63, _, _ =	vpop (xrf2);
	v0 =	vsel vm13, v0, v62  }
0x217: {  	v0 =	vsel vm14, v0, v63  }
0x218: {  	[tilespmem:s28+$0x2400] =	vst v0  }
.LBB2_2:
0x219: {  	s28 =	sshra.s32 s26, $0x2  }
0x21a: {  	v0 =	vld [tilespmem:s28+$0x0];
	_ =	sdelay $0x2  }
0x21b: {  	v2 =	vld [tilespmem:s28+$0x200];
	_ =	sdelay $0x1  }
0x21c: {  	v1 =	vshll.u32 v0, $0x4  }
0x21d: {  	(v2sf) =	vpush v1, $0x0;
	_ =	sdelay $0x1  }
0x21e: {  	v63 =	vshll.u32 v2, $0x4  }
0x21f: {  	(v2sf) =	vpush v63, $0x0;
	_ =	sdelay $0x2  }
0x220: {  	(v2sf) =	vpush v1, $0x1;
	_ =	sdelay $0x4  }
0x221: {  	(v2sf) =	vpush v63, $0x1;
	_ =	sdelay $0x3  }
0x222: {  	s29 =	spop (v2sf);
	(v2sf) =	vpush v1, $0x2;
	_ =	sdelay $0x1  }
0x223: {  	s29 =	sand.u32 $0x1FFFFFF0, s29  }
0x224: {  	s31 =	spop (v2sf);
	s29 =	sadd.s32 s3, s29  }
0x225: {  	(v2sf) =	vpush v63, $0x2;
	[tilespmem:s10], [sflag:$0x1] =	stream.linear.gather [hbm4b:s29+s2], $0x80, $0x38;
	[tilespmem:$0x2600] =	vst v63  }
0x226: {  	s29 =	sand.u32 $0x1FFFFFF0, s31  }
0x227: {  	s31 =	spop (v2sf);
	s29 =	sadd.s32 s4, s29  }
0x228: {  	[tilespmem:s30], [sflag:$0x3] =	stream.linear.gather [hbm4b:s29+s2], $0x80, $0x38;
	[tilespmem:$0x2600] =	vst v63  }
0x229: {  	(v2sf) =	vpush v1, $0x3;
	s29 =	sand.u32 $0x1FFFFFF0, s31  }
0x22a: {  	s31 =	simm.s32 $0x480;
	s29 =	sadd.s32 s3, s29  }
0x22b: {  	[tilespmem:s31], [sflag:$0x1] =	stream.linear.gather [hbm4b:s29+s2], $0x80, $0x38;
	[tilespmem:$0x2600] =	vst v63  }
0x22c: {  	s31 =	spop (v2sf)  }
0x22d: {  	(v2sf) =	vpush v63, $0x3;
	s29 =	sand.u32 $0x1FFFFFF0, s31  }
0x22e: {  	s31 =	simm.s32 $0x1480;
	s29 =	sadd.s32 s4, s29  }
0x22f: {  	[tilespmem:s31], [sflag:$0x3] =	stream.linear.gather [hbm4b:s29+s2], $0x80, $0x38;
	[tilespmem:$0x2600] =	vst v63  }
0x230: {  	s31 =	spop (v2sf)  }
0x231: {  	(v2sf) =	vpush v1, $0x4;
	s29 =	sand.u32 $0x1FFFFFF0, s31  }
0x232: {  	s31 =	simm.s32 $0x500;
	s29 =	sadd.s32 s3, s29  }
0x233: {  	[tilespmem:s31], [sflag:$0x1] =	stream.linear.gather [hbm4b:s29+s2], $0x80, $0x38;
	[tilespmem:$0x2600] =	vst v63  }
0x234: {  	s31 =	spop (v2sf)  }
0x235: {  	(v2sf) =	vpush v63, $0x4;
	s29 =	sand.u32 $0x1FFFFFF0, s31  }
0x236: {  	s31 =	simm.s32 $0x1500;
	s29 =	sadd.s32 s4, s29  }
0x237: {  	[tilespmem:s31], [sflag:$0x3] =	stream.linear.gather [hbm4b:s29+s2], $0x80, $0x38;
	[tilespmem:$0x2600] =	vst v63  }
0x238: {  	s31 =	spop (v2sf)  }
0x239: {  	(v2sf) =	vpush v1, $0x5;
	s29 =	sand.u32 $0x1FFFFFF0, s31  }
0x23a: {  	s31 =	simm.s32 $0x580;
	s29 =	sadd.s32 s3, s29  }
0x23b: {  	[tilespmem:s31], [sflag:$0x1] =	stream.linear.gather [hbm4b:s29+s2], $0x80, $0x38;
	[tilespmem:$0x2600] =	vst v63  }
0x23c: {  	s31 =	spop (v2sf)  }
0x23d: {  	(v2sf) =	vpush v63, $0x5;
	s29 =	sand.u32 $0x1FFFFFF0, s31  }
0x23e: {  	s31 =	simm.s32 $0x1580;
	s29 =	sadd.s32 s4, s29  }
0x23f: {  	[tilespmem:s31], [sflag:$0x3] =	stream.linear.gather [hbm4b:s29+s2], $0x80, $0x38;
	[tilespmem:$0x2600] =	vst v63  }
0x240: {  	s31 =	spop (v2sf)  }
0x241: {  	(v2sf) =	vpush v1, $0x6;
	s29 =	sand.u32 $0x1FFFFFF0, s31  }
0x242: {  	s31 =	simm.s32 $0x600;
	s29 =	sadd.s32 s3, s29  }
0x243: {  	[tilespmem:s31], [sflag:$0x1] =	stream.linear.gather [hbm4b:s29+s2], $0x80, $0x38;
	[tilespmem:$0x2600] =	vst v63  }
0x244: {  	s31 =	spop (v2sf)  }
0x245: {  	(v2sf) =	vpush v63, $0x6;
	s29 =	sand.u32 $0x1FFFFFF0, s31  }
0x246: {  	s31 =	simm.s32 $0x1600;
	s29 =	sadd.s32 s4, s29  }
0x247: {  	[tilespmem:s31], [sflag:$0x3] =	stream.linear.gather [hbm4b:s29+s2], $0x80, $0x38;
	[tilespmem:$0x2600] =	vst v63  }
0x248: {  	s31 =	spop (v2sf)  }
0x249: {  	(v2sf) =	vpush v1, $0x7;
	s29 =	sand.u32 $0x1FFFFFF0, s31  }
0x24a: {  	s31 =	simm.s32 $0x680;
	s29 =	sadd.s32 s3, s29  }
0x24b: {  	[tilespmem:s31], [sflag:$0x1] =	stream.linear.gather [hbm4b:s29+s2], $0x80, $0x38;
	[tilespmem:$0x2600] =	vst v63  }
0x24c: {  	s31 =	spop (v2sf)  }
0x24d: {  	(v2sf) =	vpush v63, $0x7;
	s29 =	sand.u32 $0x1FFFFFF0, s31  }
0x24e: {  	s31 =	simm.s32 $0x1680;
	s29 =	sadd.s32 s4, s29  }
0x24f: {  	[tilespmem:s31], [sflag:$0x3] =	stream.linear.gather [hbm4b:s29+s2], $0x80, $0x38;
	[tilespmem:$0x2600] =	vst v63  }
0x250: {  	s31 =	spop (v2sf)  }
0x251: {  	(v2sf) =	vpush v1, $0x8;
	s29 =	sand.u32 $0x1FFFFFF0, s31  }
0x252: {  	s31 =	simm.s32 $0x700;
	s29 =	sadd.s32 s3, s29  }
0x253: {  	[tilespmem:s31], [sflag:$0x1] =	stream.linear.gather [hbm4b:s29+s2], $0x80, $0x38;
	[tilespmem:$0x2600] =	vst v63  }
0x254: {  	s31 =	spop (v2sf)  }
0x255: {  	(v2sf) =	vpush v63, $0x8;
	s29 =	sand.u32 $0x1FFFFFF0, s31  }
0x256: {  	s31 =	simm.s32 $0x1700;
	s29 =	sadd.s32 s4, s29  }
0x257: {  	[tilespmem:s31], [sflag:$0x3] =	stream.linear.gather [hbm4b:s29+s2], $0x80, $0x38;
	[tilespmem:$0x2600] =	vst v63  }
0x258: {  	s31 =	spop (v2sf)  }
0x259: {  	(v2sf) =	vpush v1, $0x9;
	s29 =	sand.u32 $0x1FFFFFF0, s31  }
0x25a: {  	s31 =	simm.s32 $0x780;
	s29 =	sadd.s32 s3, s29  }
0x25b: {  	[tilespmem:s31], [sflag:$0x1] =	stream.linear.gather [hbm4b:s29+s2], $0x80, $0x38;
	[tilespmem:$0x2600] =	vst v63  }
0x25c: {  	s31 =	spop (v2sf)  }
0x25d: {  	(v2sf) =	vpush v63, $0x9;
	s29 =	sand.u32 $0x1FFFFFF0, s31  }
0x25e: {  	s31 =	simm.s32 $0x1780;
	s29 =	sadd.s32 s4, s29  }
0x25f: {  	[tilespmem:s31], [sflag:$0x3] =	stream.linear.gather [hbm4b:s29+s2], $0x80, $0x38;
	[tilespmem:$0x2600] =	vst v63  }
0x260: {  	s31 =	spop (v2sf)  }
0x261: {  	(v2sf) =	vpush v1, $0xA;
	s29 =	sand.u32 $0x1FFFFFF0, s31  }
0x262: {  	s31 =	simm.s32 $0x800;
	s29 =	sadd.s32 s3, s29  }
0x263: {  	[tilespmem:s31], [sflag:$0x1] =	stream.linear.gather [hbm4b:s29+s2], $0x80, $0x38;
	[tilespmem:$0x2600] =	vst v63  }
0x264: {  	s31 =	spop (v2sf)  }
0x265: {  	(v2sf) =	vpush v63, $0xA;
	s29 =	sand.u32 $0x1FFFFFF0, s31  }
0x266: {  	s31 =	simm.s32 $0x1800;
	s29 =	sadd.s32 s4, s29  }
0x267: {  	[tilespmem:s31], [sflag:$0x3] =	stream.linear.gather [hbm4b:s29+s2], $0x80, $0x38;
	[tilespmem:$0x2600] =	vst v63  }
0x268: {  	s31 =	spop (v2sf)  }
0x269: {  	(v2sf) =	vpush v1, $0xB;
	s29 =	sand.u32 $0x1FFFFFF0, s31  }
0x26a: {  	s31 =	simm.s32 $0x880;
	s29 =	sadd.s32 s3, s29  }
0x26b: {  	[tilespmem:s31], [sflag:$0x1] =	stream.linear.gather [hbm4b:s29+s2], $0x80, $0x38;
	[tilespmem:$0x2600] =	vst v63  }
0x26c: {  	s31 =	spop (v2sf)  }
0x26d: {  	(v2sf) =	vpush v63, $0xB;
	s29 =	sand.u32 $0x1FFFFFF0, s31  }
0x26e: {  	s31 =	simm.s32 $0x1880;
	s29 =	sadd.s32 s4, s29  }
0x26f: {  	[tilespmem:s31], [sflag:$0x3] =	stream.linear.gather [hbm4b:s29+s2], $0x80, $0x38;
	[tilespmem:$0x2600] =	vst v63  }
0x270: {  	s31 =	spop (v2sf)  }
0x271: {  	(v2sf) =	vpush v1, $0xC;
	s29 =	sand.u32 $0x1FFFFFF0, s31  }
0x272: {  	s31 =	simm.s32 $0x900;
	s29 =	sadd.s32 s3, s29  }
0x273: {  	[tilespmem:s31], [sflag:$0x1] =	stream.linear.gather [hbm4b:s29+s2], $0x80, $0x38;
	[tilespmem:$0x2600] =	vst v63  }
0x274: {  	s31 =	spop (v2sf)  }
0x275: {  	(v2sf) =	vpush v63, $0xC;
	s29 =	sand.u32 $0x1FFFFFF0, s31  }
0x276: {  	s31 =	simm.s32 $0x1900;
	s29 =	sadd.s32 s4, s29  }
0x277: {  	[tilespmem:s31], [sflag:$0x3] =	stream.linear.gather [hbm4b:s29+s2], $0x80, $0x38;
	[tilespmem:$0x2600] =	vst v63  }
0x278: {  	s31 =	spop (v2sf)  }
0x279: {  	(v2sf) =	vpush v1, $0xD;
	s29 =	sand.u32 $0x1FFFFFF0, s31  }
0x27a: {  	s31 =	simm.s32 $0x980;
	s29 =	sadd.s32 s3, s29  }
0x27b: {  	[tilespmem:s31], [sflag:$0x1] =	stream.linear.gather [hbm4b:s29+s2], $0x80, $0x38;
	[tilespmem:$0x2600] =	vst v63  }
0x27c: {  	s31 =	spop (v2sf)  }
0x27d: {  	(v2sf) =	vpush v63, $0xD;
	s29 =	sand.u32 $0x1FFFFFF0, s31  }
0x27e: {  	s31 =	simm.s32 $0x1980;
	s29 =	sadd.s32 s4, s29  }
0x27f: {  	[tilespmem:s31], [sflag:$0x3] =	stream.linear.gather [hbm4b:s29+s2], $0x80, $0x38;
	[tilespmem:$0x2600] =	vst v63  }
0x280: {  	s31 =	spop (v2sf)  }
0x281: {  	(v2sf) =	vpush v1, $0xE;
	s29 =	sand.u32 $0x1FFFFFF0, s31  }
0x282: {  	s31 =	simm.s32 $0xA00;
	s29 =	sadd.s32 s3, s29  }
0x283: {  	[tilespmem:s31], [sflag:$0x1] =	stream.linear.gather [hbm4b:s29+s2], $0x80, $0x38;
	[tilespmem:$0x2600] =	vst v63  }
0x284: {  	s31 =	spop (v2sf)  }
0x285: {  	(v2sf) =	vpush v63, $0xE;
	s29 =	sand.u32 $0x1FFFFFF0, s31  }
0x286: {  	s31 =	simm.s32 $0x1A00;
	s29 =	sadd.s32 s4, s29  }
0x287: {  	[tilespmem:s31], [sflag:$0x3] =	stream.linear.gather [hbm4b:s29+s2], $0x80, $0x38;
	[tilespmem:$0x2600] =	vst v63  }
0x288: {  	s31 =	spop (v2sf)  }
0x289: {  	(v2sf) =	vpush v1, $0xF;
	s29 =	sand.u32 $0x1FFFFFF0, s31  }
0x28a: {  	s31 =	simm.s32 $0xA80;
	s29 =	sadd.s32 s3, s29  }
0x28b: {  	[tilespmem:s31], [sflag:$0x1] =	stream.linear.gather [hbm4b:s29+s2], $0x80, $0x38;
	[tilespmem:$0x2600] =	vst v63  }
0x28c: {  	s31 =	spop (v2sf)  }
0x28d: {  	s29 =	sand.u32 $0x1FFFFFF0, s31  }
0x28e: {  	(v2sf) =	vpush v63, $0xF;
	s31 =	simm.s32 $0x1A80;
	s29 =	sadd.s32 s4, s29  }
0x28f: {  	[tilespmem:s31], [sflag:$0x3] =	stream.linear.gather [hbm4b:s29+s2], $0x80, $0x38;
	[tilespmem:$0x2600] =	vst v63  }
0x290: {  	s31 =	spop (v2sf)  }
0x291: {  	s29 =	sand.u32 $0x1FFFFFF0, s31  }
0x292: {  	s31 =	simm.s32 $0xB00;
	s29 =	sadd.s32 s3, s29  }
0x293: {  	[tilespmem:s31], [sflag:$0x1] =	stream.linear.gather [hbm4b:s29+s2], $0x80, $0x38;
	[tilespmem:$0x2600] =	vst v63  }
0x294: {  	s31 =	spop (v2sf)  }
0x295: {  	s29 =	sand.u32 $0x1FFFFFF0, s31  }
0x296: {  	s31 =	simm.s32 $0x1B00;
	s29 =	sadd.s32 s4, s29  }
0x297: {  	[tilespmem:s31], [sflag:$0x3] =	stream.linear.gather [hbm4b:s29+s2], $0x80, $0x38;
	[tilespmem:$0x2600] =	vst v63  }
0x298: {  	s31 =	spop (v2sf)  }
0x299: {  	s29 =	sand.u32 $0x1FFFFFF0, s31  }
0x29a: {  	p0 =	seq.s32 s26, $0x0;
	s31 =	simm.s32 $0xB80;
	s29 =	sadd.s32 s3, s29  }
0x29b: {  	[tilespmem:s31], [sflag:$0x1] =	stream.linear.gather [hbm4b:s29+s2], $0x80, $0x38;
	[tilespmem:$0x2600] =	vst v63  }
.Ltmp4:
0x29c: {  	_ = 	snop;
	(pc) =	sbr.rel @p0 .LBB2_4-.Ltmp4, $4  }
0x29d: {  	s31 =	spop (v2sf)  }
0x29e: {  	s29 =	sand.u32 $0x1FFFFFF0, s31  }
0x29f: {  	s31 =	simm.s32 $0x1B80;
	s29 =	sadd.s32 s4, s29  }
0x2a0: {  	[tilespmem:s31], [sflag:$0x3] =	stream.linear.gather [hbm4b:s29+s2], $0x80, $0x38;
	[tilespmem:$0x2600] =	vst v63  }
0x2a1: {  	_ =	swait.ge [sflag:s24], $0x80  }
0x2a2: {  	[sflag:s24] =	ssyncset.done $0x0  }
0x2a3: {  	[sflag:s24] =	ssyncadd.s32 $0xFFFFFF80  }
0x2a4: {  	_ =	swait.ge [sflag:s25], $0x80  }
0x2a5: {  	[sflag:s25] =	ssyncset.done $0x0  }
0x2a6: {  	[sflag:s25] =	ssyncadd.s32 $0xFFFFFF80  }
0x2a7: {  	_ =	swait.ge [sflag:s24], $0x80  }
0x2a8: {  	[sflag:s24] =	ssyncset.done $0x0  }
0x2a9: {  	[sflag:s24] =	ssyncadd.s32 $0xFFFFFF80  }
0x2aa: {  	_ =	swait.ge [sflag:s25], $0x80  }
0x2ab: {  	[sflag:s25] =	ssyncset.done $0x0  }
0x2ac: {  	[sflag:s25] =	ssyncadd.s32 $0xFFFFFF80  }
0x2ad: {  	_ =	swait.ge [sflag:s24], $0x80  }
0x2ae: {  	[sflag:s24] =	ssyncset.done $0x0  }
0x2af: {  	[sflag:s24] =	ssyncadd.s32 $0xFFFFFF80  }
0x2b0: {  	_ =	swait.ge [sflag:s25], $0x80  }
0x2b1: {  	[sflag:s25] =	ssyncset.done $0x0  }
0x2b2: {  	[sflag:s25] =	ssyncadd.s32 $0xFFFFFF80  }
0x2b3: {  	_ =	swait.ge [sflag:s24], $0x80  }
0x2b4: {  	[sflag:s24] =	ssyncset.done $0x0  }
0x2b5: {  	[sflag:s24] =	ssyncadd.s32 $0xFFFFFF80  }
0x2b6: {  	_ =	swait.ge [sflag:s25], $0x80  }
0x2b7: {  	[sflag:s25] =	ssyncset.done $0x0  }
0x2b8: {  	[sflag:s25] =	ssyncadd.s32 $0xFFFFFF80  }
0x2b9: {  	_ =	swait.ge [sflag:s24], $0x80  }
0x2ba: {  	[sflag:s24] =	ssyncset.done $0x0  }
0x2bb: {  	[sflag:s24] =	ssyncadd.s32 $0xFFFFFF80  }
0x2bc: {  	_ =	swait.ge [sflag:s25], $0x80  }
0x2bd: {  	[sflag:s25] =	ssyncset.done $0x0  }
0x2be: {  	[sflag:s25] =	ssyncadd.s32 $0xFFFFFF80  }
0x2bf: {  	_ =	swait.ge [sflag:s24], $0x80  }
0x2c0: {  	[sflag:s24] =	ssyncset.done $0x0  }
0x2c1: {  	[sflag:s24] =	ssyncadd.s32 $0xFFFFFF80  }
0x2c2: {  	_ =	swait.ge [sflag:s25], $0x80  }
0x2c3: {  	[sflag:s25] =	ssyncset.done $0x0  }
0x2c4: {  	[sflag:s25] =	ssyncadd.s32 $0xFFFFFF80  }
0x2c5: {  	_ =	swait.ge [sflag:s24], $0x80  }
0x2c6: {  	[sflag:s24] =	ssyncset.done $0x0  }
0x2c7: {  	[sflag:s24] =	ssyncadd.s32 $0xFFFFFF80  }
0x2c8: {  	_ =	swait.ge [sflag:s25], $0x80  }
0x2c9: {  	[sflag:s25] =	ssyncset.done $0x0  }
0x2ca: {  	[sflag:s25] =	ssyncadd.s32 $0xFFFFFF80  }
0x2cb: {  	_ =	swait.ge [sflag:s24], $0x80  }
0x2cc: {  	[sflag:s24] =	ssyncset.done $0x0  }
0x2cd: {  	[sflag:s24] =	ssyncadd.s32 $0xFFFFFF80  }
0x2ce: {  	_ =	swait.ge [sflag:s25], $0x80  }
0x2cf: {  	[sflag:s25] =	ssyncset.done $0x0  }
0x2d0: {  	[sflag:s25] =	ssyncadd.s32 $0xFFFFFF80  }
0x2d1: {  	_ =	swait.ge [sflag:s24], $0x80  }
0x2d2: {  	[sflag:s24] =	ssyncset.done $0x0  }
0x2d3: {  	[sflag:s24] =	ssyncadd.s32 $0xFFFFFF80  }
0x2d4: {  	_ =	swait.ge [sflag:s25], $0x80  }
0x2d5: {  	[sflag:s25] =	ssyncset.done $0x0  }
0x2d6: {  	[sflag:s25] =	ssyncadd.s32 $0xFFFFFF80  }
0x2d7: {  	_ =	swait.ge [sflag:s24], $0x80  }
0x2d8: {  	[sflag:s24] =	ssyncset.done $0x0  }
0x2d9: {  	[sflag:s24] =	ssyncadd.s32 $0xFFFFFF80  }
0x2da: {  	_ =	swait.ge [sflag:s25], $0x80  }
0x2db: {  	[sflag:s25] =	ssyncset.done $0x0  }
0x2dc: {  	[sflag:s25] =	ssyncadd.s32 $0xFFFFFF80  }
0x2dd: {  	_ =	swait.ge [sflag:s24], $0x80  }
0x2de: {  	[sflag:s24] =	ssyncset.done $0x0  }
0x2df: {  	[sflag:s24] =	ssyncadd.s32 $0xFFFFFF80  }
0x2e0: {  	_ =	swait.ge [sflag:s25], $0x80  }
0x2e1: {  	[sflag:s25] =	ssyncset.done $0x0  }
0x2e2: {  	[sflag:s25] =	ssyncadd.s32 $0xFFFFFF80  }
0x2e3: {  	_ =	swait.ge [sflag:s24], $0x80  }
0x2e4: {  	[sflag:s24] =	ssyncset.done $0x0  }
0x2e5: {  	[sflag:s24] =	ssyncadd.s32 $0xFFFFFF80  }
0x2e6: {  	_ =	swait.ge [sflag:s25], $0x80  }
0x2e7: {  	[sflag:s25] =	ssyncset.done $0x0  }
0x2e8: {  	[sflag:s25] =	ssyncadd.s32 $0xFFFFFF80  }
0x2e9: {  	_ =	swait.ge [sflag:s24], $0x80  }
0x2ea: {  	[sflag:s24] =	ssyncset.done $0x0  }
0x2eb: {  	[sflag:s24] =	ssyncadd.s32 $0xFFFFFF80  }
0x2ec: {  	_ =	swait.ge [sflag:s25], $0x80  }
0x2ed: {  	[sflag:s25] =	ssyncset.done $0x0  }
0x2ee: {  	[sflag:s25] =	ssyncadd.s32 $0xFFFFFF80  }
0x2ef: {  	_ =	swait.ge [sflag:s24], $0x80  }
0x2f0: {  	[sflag:s24] =	ssyncset.done $0x0  }
0x2f1: {  	[sflag:s24] =	ssyncadd.s32 $0xFFFFFF80  }
0x2f2: {  	_ =	swait.ge [sflag:s25], $0x80  }
0x2f3: {  	[sflag:s25] =	ssyncset.done $0x0  }
0x2f4: {  	[sflag:s25] =	ssyncadd.s32 $0xFFFFFF80  }
0x2f5: {  	_ =	swait.ge [sflag:s24], $0x80  }
0x2f6: {  	[sflag:s24] =	ssyncset.done $0x0  }
0x2f7: {  	[sflag:s24] =	ssyncadd.s32 $0xFFFFFF80  }
0x2f8: {  	_ =	swait.ge [sflag:s25], $0x80  }
0x2f9: {  	[sflag:s25] =	ssyncset.done $0x0  }
0x2fa: {  	[sflag:s25] =	ssyncadd.s32 $0xFFFFFF80  }
0x2fb: {  	_ =	swait.ge [sflag:s24], $0x80  }
0x2fc: {  	[sflag:s24] =	ssyncset.done $0x0  }
0x2fd: {  	[sflag:s24] =	ssyncadd.s32 $0xFFFFFF80  }
0x2fe: {  	_ =	swait.ge [sflag:s25], $0x80  }
0x2ff: {  	[sflag:s25] =	ssyncset.done $0x0  }
0x300: {  	[sflag:s25] =	ssyncadd.s32 $0xFFFFFF80  }
0x301: {  	v0 =	vld [tilespmem:$0xC00]  }
0x302: {  	v1 =	vld [tilespmem:$0xC10]  }
0x303: {  	v2 =	vld [tilespmem:$0x1C00]  }
0x304: {  	v3 =	vld [tilespmem:$0x1C10]  }
0x305: {  	v4 =	vld [tilespmem:$0xC80]  }
0x306: {  	v5 =	vld [tilespmem:$0xC90]  }
0x307: {  	v6 =	vld [tilespmem:$0x1C80]  }
0x308: {  	v7 =	vld [tilespmem:$0x1C90]  }
0x309: {  	v8 =	vld [tilespmem:$0xD00]  }
0x30a: {  	v9 =	vld [tilespmem:$0xD10]  }
0x30b: {  	v10 =	vld [tilespmem:$0x1D00]  }
0x30c: {  	v11 =	vld [tilespmem:$0x1D10]  }
0x30d: {  	v12 =	vld [tilespmem:$0xD80]  }
0x30e: {  	v13 =	vld [tilespmem:$0xD90]  }
0x30f: {  	v14 =	vld [tilespmem:$0x1D80]  }
0x310: {  	v15 =	vld [tilespmem:$0x1D90]  }
0x311: {  	v16 =	vld [tilespmem:$0xE00]  }
0x312: {  	v17 =	vld [tilespmem:$0xE10]  }
0x313: {  	v18 =	vld [tilespmem:$0x1E00]  }
0x314: {  	v19 =	vld [tilespmem:$0x1E10]  }
0x315: {  	v20 =	vld [tilespmem:$0xE80]  }
0x316: {  	v21 =	vld [tilespmem:$0xE90]  }
0x317: {  	v22 =	vld [tilespmem:$0x1E80]  }
0x318: {  	v23 =	vld [tilespmem:$0x1E90]  }
0x319: {  	v24 =	vld [tilespmem:$0xF00]  }
0x31a: {  	v25 =	vld [tilespmem:$0xF10]  }
0x31b: {  	v26 =	vld [tilespmem:$0x1F00]  }
0x31c: {  	v27 =	vld [tilespmem:$0x1F10]  }
0x31d: {  	v28 =	vld [tilespmem:$0xF80]  }
0x31e: {  	v29 =	vld [tilespmem:$0xF90]  }
0x31f: {  	v30 =	vld [tilespmem:$0x1F80]  }
0x320: {  	v31 =	vld [tilespmem:$0x1F90]  }
0x321: {  	v32 =	vld [tilespmem:$0x1000]  }
0x322: {  	v33 =	vld [tilespmem:$0x1010]  }
0x323: {  	v34 =	vld [tilespmem:$0x2000]  }
0x324: {  	v35 =	vld [tilespmem:$0x2010]  }
0x325: {  	v36 =	vld [tilespmem:$0x1080]  }
0x326: {  	v37 =	vld [tilespmem:$0x1090]  }
0x327: {  	v38 =	vld [tilespmem:$0x2080]  }
0x328: {  	v39 =	vld [tilespmem:$0x2090]  }
0x329: {  	v40 =	vld [tilespmem:$0x1100]  }
0x32a: {  	v41 =	vld [tilespmem:$0x1110]  }
0x32b: {  	v42 =	vld [tilespmem:$0x2100]  }
0x32c: {  	v43 =	vld [tilespmem:$0x2110]  }
0x32d: {  	v44 =	vld [tilespmem:$0x1180]  }
0x32e: {  	v45 =	vld [tilespmem:$0x1190]  }
0x32f: {  	v46 =	vld [tilespmem:$0x2180]  }
0x330: {  	v47 =	vld [tilespmem:$0x2190]  }
0x331: {  	v48 =	vld [tilespmem:$0x1200]  }
0x332: {  	v49 =	vld [tilespmem:$0x1210]  }
0x333: {  	v50 =	vld [tilespmem:$0x2200]  }
0x334: {  	v51 =	vld [tilespmem:$0x2300];
	v0 =	vmul.f32 v2, v0;
	v1 =	vmul.f32 v3, v1  }
0x335: {  	v55 =	vld [tilespmem:$0x2310];
	v60 =	vmul.f32 v6, v4;
	v61 =	vmul.f32 v7, v5  }
0x336: {  	v2 =	vld [tilespmem:$0x2210];
	v62 =	vmul.f32 v10, v8;
	v63 =	vmul.f32 v11, v9;
	v0 =	vadd.f32 v1, v0  }
0x337: {  	v5 =	vld [tilespmem:$0x1280];
	v12 =	vmul.f32 v14, v12;
	v14 =	vmul.f32 v15, v13;
	v3 =	vadd.f32 v61, v60  }
0x338: {  	v7 =	vld [tilespmem:$0x1290];
	v16 =	vmul.f32 v18, v16;
	v18 =	vmul.f32 v19, v17;
	v15 =	vadd.f32 v63, v62;
	(xrf2) =	vadd.scan.msk.f32 $0xffff, v0  }
0x339: {  	v9 =	vld [tilespmem:$0x2280];
	v20 =	vmul.f32 v22, v20;
	v22 =	vmul.f32 v23, v21;
	v19 =	vadd.f32 v14, v12;
	(xrf2) =	vadd.scan.msk.f32 $0xffff, v3  }
0x33a: {  	v10 =	vld [tilespmem:$0x2290];
	v24 =	vmul.f32 v26, v24;
	v26 =	vmul.f32 v27, v25;
	v23 =	vadd.f32 v18, v16;
	(xrf2) =	vadd.scan.msk.f32 $0xffff, v15  }
0x33b: {  	v11 =	vld [tilespmem:$0x1300];
	v30 =	vmul.f32 v30, v28;
	v31 =	vmul.f32 v31, v29;
	v27 =	vadd.f32 v22, v20;
	(xrf2) =	vadd.scan.msk.f32 $0xffff, v19  }
0x33c: {  	v53 =	vmul.f32 v34, v32;
	v54 =	vmul.f32 v35, v33;
	v12 =	vld [tilespmem:$0x1310];
	v52 =	vadd.f32 v26, v24;
	(xrf2) =	vadd.scan.msk.f32 $0xffff, v23  }
0x33d: {  	v57 =	vmul.f32 v38, v36;
	v58 =	vmul.f32 v39, v37;
	v56 =	vadd.f32 v31, v30;
	v63 =	vld [tilespmem:$0x1390];
	(xrf2) =	vadd.scan.msk.f32 $0xffff, v27  }
0x33e: {  	v60 =	vadd.f32 v54, v53;
	v61 =	vmul.f32 v42, v40;
	v62 =	vmul.f32 v43, v41;
	v26 =	vld [tilespmem:$0x2390];
	(xrf2) =	vadd.scan.msk.f32 $0xffff, v52  }
0x33f: {  	v59 =	vld [tilespmem:$0x1380];
	v21 =	vmul.f32 v46, v44;
	v20 =	vadd.f32 v58, v57;
	v22 =	vmul.f32 v47, v45;
	(xrf2) =	vadd.scan.msk.f32 $0xffff, v56  }
0x340: {  	v25 =	vmul.f32 v50, v48;
	v24 =	vadd.f32 v62, v61;
	v2 =	vmul.f32 v2, v49;
	v23 =	vld [tilespmem:$0x2380];
	(xrf2) =	vadd.scan.msk.f32 $0xffff, v60  }
0x341: {  	v28 =	vmul.f32 v9, v5;
	v29 =	vmul.f32 v10, v7;
	v27 =	vadd.f32 v22, v21;
	(xrf2) =	vadd.scan.msk.f32 $0xffff, v20  }
0x342: {  	v32 =	vmul.f32 v51, v11;
	v31 =	vadd.f32 v2, v25;
	v33 =	vmul.f32 v55, v12;
	v30, _, _ =	vpop (xrf2);
	(xrf2) =	vadd.scan.msk.f32 $0xffff, v24  }
0x343: {  	v4 =	vadd.f32 v29, v28;
	v41 =	vmul.f32 v26, v63;
	v34, _, _ =	vpop (xrf2);
	(xrf2) =	vadd.scan.msk.f32 $0xffff, v27  }
0x344: {  	v37 =	vadd.f32 v33, v32;
	v35 =	vbroadcast v30, $0xF;
	v36, _, _ =	vpop (xrf2);
	(xrf2) =	vadd.scan.msk.f32 $0xffff, v31;
	v38 =	vbroadcast v34, $0xF  }
0x345: {  	v39 =	vmul.f32 v23, v59;
	v40, _, _ =	vpop (xrf2);
	(xrf2) =	vadd.scan.msk.f32 $0xffff, v4;
	v5 =	vbroadcast v36, $0xF  }
0x346: {  	v1 =	vsel vm0, v35, v38;
	v42 =	vbroadcast v40, $0xF;
	v43, _, _ =	vpop (xrf2);
	(xrf2) =	vadd.scan.msk.f32 $0xffff, v37  }
0x347: {  	v2 =	vadd.f32 v41, v39;
	v44, _, _ =	vpop (xrf2);
	v1 =	vsel vm1, v1, v5;
	v45 =	vbroadcast v43, $0xF  }
0x348: {  	v46, _, _ =	vpop (xrf2);
	v1 =	vsel vm2, v1, v42;
	v0 =	vbroadcast v44, $0xF  }
0x349: {  	(xrf2) =	vadd.scan.msk.f32 $0xffff, v2;
	v1 =	vsel vm3, v1, v45;
	v47 =	vbroadcast v46, $0xF;
	v48, _, _ =	vpop (xrf2)  }
0x34a: {  	v49, _, _ =	vpop (xrf2);
	v0 =	vsel vm4, v1, v0;
	v50 =	vbroadcast v48, $0xF  }
0x34b: {  	v51, _, _ =	vpop (xrf2);
	v0 =	vsel vm5, v0, v47;
	v2 =	vbroadcast v49, $0xF  }
0x34c: {  	v52, _, _ =	vpop (xrf2);
	v0 =	vsel vm6, v0, v50;
	v53 =	vbroadcast v51, $0xF  }
0x34d: {  	v54, _, _ =	vpop (xrf2);
	v0 =	vsel vm7, v0, v2;
	v55 =	vbroadcast v52, $0xF  }
0x34e: {  	v56, _, _ =	vpop (xrf2);
	v0 =	vsel vm8, v0, v53;
	v57 =	vbroadcast v54, $0xF  }
0x34f: {  	v58, _, _ =	vpop (xrf2);
	v0 =	vsel vm9, v0, v55;
	v59 =	vbroadcast v56, $0xF  }
0x350: {  	v60, _, _ =	vpop (xrf2);
	v0 =	vsel vm10, v0, v57;
	v61 =	vbroadcast v58, $0xF  }
.Ltmp5:
0x351: {  	v0 =	vsel vm11, v0, v59;
	v62 =	vbroadcast v60, $0xF;
	(pc) =	sbr.rel .LBB2_4-.Ltmp5, $4  }
0x352: {  	v0 =	vsel vm12, v0, v61  }
0x353: {  	v63, _, _ =	vpop (xrf2);
	v0 =	vsel vm13, v0, v62  }
0x354: {  	v0 =	vsel vm14, v0, v63  }
0x355: {  	[tilespmem:s28+$0x23F0] =	vst v0  }
.LBB2_6:
0x356: {  	_ =	sfence.sel $0x180000  }
0x357: {  	[bflag:$0x0] =	sbarrier.arrive $0xFFFF  }
0x358: {  	_ =	strace $0x90000047  }
0x359: {  	s0 =	stileid.u32;
	[bflag:$0x2] =	sbarrier.arrive $0xFFFF  }
0x35a: {  	p0 =	sne.s32 s0, $0x0;
	s0 =	rddreg [dreg:$0x2]  }
0x35b: {  	s0 =	sadd.s32 @!p0 $0x100000, s0  }
0x35c: {  	[sflag:s0] =	ssyncadd.tile.s32 @!p0 $0x1;
	_ =	shalt  }
.Lfunc_end2:
_tile_overlayer_lowered:
.L_overlay_start_2:
0x35d: {  	(tag) =	ssettag $0x2  }
0x35e: {  	s0 =	rddreg [dreg:$0x0];
	s2 =	stileid.u32  }
0x35f: {  	s1 =	rddreg [dreg:$0x1];
	p0 =	sne.s32 s2, $0x0  }
0x360: {  	s3 =	rddreg [dreg:$0x2];
	[bflag:$0x3] =	sbarrier.arrive $0xFFFF;
	s2 =	simm.s32 @!p0 $0x1C05  }
0x361: {  	[timem:s3], [sflag:s2] =	dma.local @!p0 [hbm:s0], s1  }
0x362: {  	s0 =	simm.s32 @!p0 $0x5  }
0x363: {  	_ =	swait.ge @!p0 [sflag:s0], s1  }
0x364: {  	s1 =	ssub.s32 @!p0 $0x0, s1;
	[sflag:s0] =	ssyncset.done @!p0 $0x0  }
0x365: {  	[sflag:s0] =	ssyncadd.s32 @!p0 s1  }
0x366: {  	[bflag:$0x3] =	sbarrier.arrive $0xFFFF  }
0x367: {  	_ =	shalt  }

</sc_bundles>
